<compile_context>
chip_gen: v7x
topology: tpu7x:2x2x1
jax: 0.10.2.dev20260603
libtpu: 0.0.44.dev20260713+nightly
codegen_flags: <defaults>
</compile_context>

<pallas_src>
import dataclasses
import functools

import jax
import jax.numpy as jnp
from jax import lax
from jax.experimental import pallas as pl
from jax.experimental.pallas import tpu as pltpu
from jax.experimental.pallas import tpu_sc as plsc

N = 10000
E = 320000
D = 128
NC = 2
NS = 16
NW = NC * NS
EPW = E // NW
NB = 128
NFULL = EPW // NB
REM = EPW - NFULL * NB
NPAD = 10240
RPT = NPAD // NS
ZROWS = 128
ROWS = 80
ER = NW * ROWS
EPAD = ER * NB
NRING = 4

_mesh = plsc.VectorSubcoreMesh(core_axis_name="c", subcore_axis_name="s")

_sc_params = pltpu.CompilerParams()
if "needs_layout_passes" in pltpu.CompilerParams.__dataclass_fields__:
    _sc_params = dataclasses.replace(_sc_params, needs_layout_passes=False)


@functools.partial(
    pl.kernel,
    out_type=jax.ShapeDtypeStruct((NC * NPAD, D), jnp.float32),
    mesh=_mesh,
    compiler_params=_sc_params,
    scratch_types=[
        pltpu.VMEM((NB,), jnp.int32),
        pltpu.VMEM((NB,), jnp.int32),
        pltpu.VMEM((NB, D), jnp.float32),
        pltpu.VMEM_SHARED((NPAD, D), jnp.float32),
        pltpu.VMEM((16,), jnp.int32),
        pltpu.SemaphoreType.DMA,
    ],
)
def _sc_agg(y_hbm, src_hbm, dst_hbm, flag_hbm, agg_out,
            sidx, didx, rows, agg_sp, flag_s, sem):
    c = lax.axis_index("c")
    s = lax.axis_index("s")
    wid = s * NC + c

    pltpu.sync_copy(flag_hbm, flag_s)
    skip_gather = jnp.max(flag_s[...]) == 1

    zv = jnp.zeros((16,), jnp.float32)

    @pl.loop(0, NB)
    def _(i):
        @pl.loop(0, D, step=16)
        def _(j):
            rows[i, pl.ds(j, 16)] = zv

    row0 = s * RPT

    @pl.loop(0, RPT // NB)
    def _(k):
        pltpu.sync_copy(rows, agg_sp.at[pl.ds(row0 + k * NB, NB)])

    @pl.when(skip_gather)
    def _():
        ov = jnp.ones((16,), jnp.float32)

        @pl.loop(0, NB)
        def _(i):
            @pl.loop(0, D, step=16)
            def _(j):
                rows[i, pl.ds(j, 16)] = ov

    plsc.subcore_barrier()

    e0 = wid * ROWS * NB

    @pl.loop(0, ROWS)
    def _(j):
        off = e0 + j * NB
        pltpu.sync_copy(dst_hbm.at[pl.ds(off, NB)], didx)

        @pl.when(jnp.logical_not(skip_gather))
        def _():
            pltpu.sync_copy(src_hbm.at[pl.ds(off, NB)], sidx)
            pltpu.async_copy(y_hbm.at[sidx], rows, sem).wait()

        pltpu.sync_copy(rows, agg_sp.at[didx], add=True)

    plsc.subcore_barrier()
    out0 = c * NPAD + row0

    @pl.loop(0, RPT // NB)
    def _(k):
        pltpu.sync_copy(agg_sp.at[pl.ds(row0 + k * NB, NB)], rows)
        pltpu.sync_copy(rows, agg_out.at[pl.ds(out0 + k * NB, NB)])


BM = 1024
GRID = NPAD // BM


def _prep_body(x_ref, dgs0, dgs1, dgd0, dgd1, w_ref, y_ref, on_ref, inn_ref):
    on = lax.rsqrt(jnp.maximum(dgs0[0] + dgs1[0], 1.0))
    inn = lax.rsqrt(jnp.maximum(dgd0[0] + dgd1[0], 1.0))
    on_ref[...] = on
    inn_ref[...] = inn
    y_ref[...] = jnp.dot(x_ref[...] * on, w_ref[...],
                         preferred_element_type=jnp.float32)


_prep_call = pl.pallas_call(
    _prep_body,
    grid=(GRID,),
    in_specs=[
        pl.BlockSpec((BM, D), lambda m: (m, 0)),
        pl.BlockSpec((1, BM, D), lambda m: (0, m, 0)),
        pl.BlockSpec((1, BM, D), lambda m: (1, m, 0)),
        pl.BlockSpec((1, BM, D), lambda m: (0, m, 0)),
        pl.BlockSpec((1, BM, D), lambda m: (1, m, 0)),
        pl.BlockSpec((D, D), lambda m: (0, 0)),
    ],
    out_specs=[
        pl.BlockSpec((BM, D), lambda m: (m, 0)),
        pl.BlockSpec((BM, D), lambda m: (m, 0)),
        pl.BlockSpec((BM, D), lambda m: (m, 0)),
    ],
    out_shape=[
        jax.ShapeDtypeStruct((NPAD, D), jnp.float32),
        jax.ShapeDtypeStruct((NPAD, D), jnp.float32),
        jax.ShapeDtypeStruct((NPAD, D), jnp.float32),
    ],
)


def _layer_body(a0, a1, inn, b, on, w, y_ref):
    h = (a0[0] + a1[0]) * inn[...] + b[...]
    h = jnp.maximum(h, 0.0)
    y_ref[...] = jnp.dot(h * on[...], w[...],
                         preferred_element_type=jnp.float32)


_layer_call = pl.pallas_call(
    _layer_body,
    grid=(GRID,),
    in_specs=[
        pl.BlockSpec((1, BM, D), lambda m: (0, m, 0)),
        pl.BlockSpec((1, BM, D), lambda m: (1, m, 0)),
        pl.BlockSpec((BM, D), lambda m: (m, 0)),
        pl.BlockSpec((1, D), lambda m: (0, 0)),
        pl.BlockSpec((BM, D), lambda m: (m, 0)),
        pl.BlockSpec((D, D), lambda m: (0, 0)),
    ],
    out_specs=pl.BlockSpec((BM, D), lambda m: (m, 0)),
    out_shape=jax.ShapeDtypeStruct((NPAD, D), jnp.float32),
)


FW = 8


def _final_body(a0, a1, inn, b, wl, bl, out_ref):
    h = (a0[0] + a1[0]) * inn[...] + b[...]
    out_ref[...] = jnp.dot(h, wl[...],
                           preferred_element_type=jnp.float32) + bl[...]


_final_call = pl.pallas_call(
    _final_body,
    grid=(GRID,),
    in_specs=[
        pl.BlockSpec((1, BM, D), lambda m: (0, m, 0)),
        pl.BlockSpec((1, BM, D), lambda m: (1, m, 0)),
        pl.BlockSpec((BM, D), lambda m: (m, 0)),
        pl.BlockSpec((1, D), lambda m: (0, 0)),
        pl.BlockSpec((D, FW), lambda m: (0, 0)),
        pl.BlockSpec((1, FW), lambda m: (0, 0)),
    ],
    out_specs=pl.BlockSpec((BM, FW), lambda m: (m, 0)),
    out_shape=jax.ShapeDtypeStruct((NPAD, FW), jnp.float32),
)


def kernel(features, edge_index, W1, b1, W2, b2, W3, b3, W4, b4, W5, b5,
           W6, b6, Wl, bl):
    pad = jnp.full((2, EPAD - E), NPAD - 1, jnp.int32)
    e2 = jnp.concatenate([edge_index, pad], axis=1)
    src1 = e2[0]
    dst1 = e2[1]
    fl0 = jnp.zeros((16,), jnp.int32)
    fl1 = jnp.ones((16,), jnp.int32)

    ones_tab = jnp.ones((NPAD, D), jnp.float32)
    deg_s = _sc_agg(ones_tab, src1, src1, fl1).reshape(NC, NPAD, D)
    deg_d = _sc_agg(ones_tab, dst1, dst1, fl1).reshape(NC, NPAD, D)

    x_pad = jnp.concatenate(
        [features, jnp.zeros((NPAD - N, D), jnp.float32)], axis=0)
    y, on, inn = _prep_call(x_pad, deg_s, deg_s, deg_d, deg_d, W1)

    Ws = [W2, W3, W4, W5, W6]
    bs = [b1, b2, b3, b4, b5]
    for i in range(5):
        agg = _sc_agg(y, src1, dst1, fl0).reshape(NC, NPAD, D)
        y = _layer_call(agg, agg, inn, bs[i].reshape(1, D), on, Ws[i])

    agg = _sc_agg(y, src1, dst1, fl0).reshape(NC, NPAD, D)
    wl_p = jnp.concatenate([Wl, jnp.zeros((D, FW - 1), jnp.float32)], axis=1)
    bl_p = jnp.concatenate([bl, jnp.zeros((FW - 1,), jnp.float32)]).reshape(1, FW)
    out8 = _final_call(agg, agg, inn, b6.reshape(1, D), wl_p, bl_p)
    return out8[:N, :1]

# --- scband reference (transcript-rebuilt; emitter-appended) ---
"""Pipeline reference for scband-gcnregression-79139067396492 (READ-ONLY COPY).

The authoritative reference and input builder live on the scoring server;
editing this copy changes nothing except your own understanding.
"""

import jax, jax.numpy as jnp
import numpy as np

N = 10000
E = 320000
D = 128


def _gconv(x, src, dst, W, b, act):
    # DGL GraphConv with norm='both':
    # h = D_in^{-1/2} * A^T * (D_out^{-1/2} * x) @ W + b
    n = x.shape[0]
    ones = jnp.ones(src.shape[0], dtype=x.dtype)
    out_deg = jnp.zeros((n,), x.dtype).at[src].add(ones)
    in_deg = jnp.zeros((n,), x.dtype).at[dst].add(ones)
    out_norm = jnp.power(jnp.clip(out_deg, 1.0), -0.5)
    in_norm = jnp.power(jnp.clip(in_deg, 1.0), -0.5)
    h = (x * out_norm[:, None]) @ W
    msgs = jnp.take(h, src, axis=0)
    agg = jnp.zeros((n, h.shape[1]), h.dtype).at[dst].add(msgs)
    h = agg * in_norm[:, None] + b
    if act:
        h = jax.nn.relu(h)
    return h


def setup_inputs(seed: int = 0):
    key = jax.random.key(seed)
    ks = jax.random.split(key, 16)
    inp = {}
    inp["features"] = jax.random.normal(ks[0], (N, D), jnp.float32)
    inp["edge_index"] = jax.random.randint(ks[1], (2, E), 0, N)
    s = 1.0 / float(np.sqrt(D))
    for i in range(6):
        inp[f"W{i+1}"] = jax.random.uniform(ks[2 + i], (D, D), jnp.float32, -s, s)
        inp[f"b{i+1}"] = jnp.zeros((D,), jnp.float32)
    inp["Wl"] = jax.random.uniform(ks[8], (D, 1), jnp.float32, -s, s)
    inp["bl"] = jnp.zeros((1,), jnp.float32)
    return inp


def reference(features, edge_index, W1, b1, W2, b2, W3, b3, W4, b4, W5, b5, W6, b6, Wl, bl):
    src, dst = edge_index[0], edge_index[1]
    Ws = [W1, W2, W3, W4, W5, W6]
    bs = [b1, b2, b3, b4, b5, b6]
    h = features
    for i in range(6):
        h = _gconv(h, src, dst, Ws[i], bs[i], act=(i < 5))
    out = h @ Wl + bl
    return out

if __name__ == "__main__":
    import jax
    _d = setup_inputs()
    print(jax.jit(kernel)(*tuple(_d.values())))

</pallas_src>

<mosaic_0001>
#map = affine_map<(d0, d1) -> (0, 0)>
#map1 = affine_map<(d0, d1) -> (0)>
module attributes {stable_mosaic.version = 14 : i64} {
  func.func @_sc_agg(%arg0: i32, %arg1: i32, %arg2: memref<10240x128xf32, #tpu.memory_space<hbm>>, %arg3: memref<327680xi32, #tpu.memory_space<hbm>>, %arg4: memref<327680xi32, #tpu.memory_space<hbm>>, %arg5: memref<16xi32, #tpu.memory_space<hbm>>, %arg6: memref<20480x128xf32, #tpu.memory_space<hbm>>, %arg7: memref<128xi32, #tpu.memory_space<vmem>>, %arg8: memref<128xi32, #tpu.memory_space<vmem>>, %arg9: memref<128x128xf32, #tpu.memory_space<vmem>>, %arg10: memref<10240x128xf32, #tpu.memory_space<vmem_shared>>, %arg11: memref<16xi32, #tpu.memory_space<vmem>>, %arg12: memref<!tpu.dma_semaphore, #tpu.memory_space<semaphore_mem>>) attributes {dimension_semantics = [#tpu.dimension_semantics<core_parallel>, #tpu.dimension_semantics<subcore_parallel>], iteration_bounds = array<i64: 2, 16>, scalar_prefetch = 0 : i64, scratch_operands = 6 : i64, tpu.core_type = #tpu.core_type<sc_vector_subcore>, window_params = [{transform_indices = #map}, {transform_indices = #map1}, {transform_indices = #map1}, {transform_indices = #map1}, {transform_indices = #map}]} {
    %mul3A = arith.constant 2 : i32
    %mul3A_0 = arith.muli %arg1, %mul3A : i32
    %add3A = arith.addi %mul3A_0, %arg0 : i32
    "tpu.region"() ({
      %run_scoped3A = tpu.sem_alloc : memref<!tpu.dma_semaphore, #tpu.memory_space<semaphore_mem>>
      tpu.enqueue_dma source(%arg5 : memref<16xi32, #tpu.memory_space<hbm>>) target(%arg11 : memref<16xi32, #tpu.memory_space<vmem>>) target_semaphore(%run_scoped3A : memref<!tpu.dma_semaphore, #tpu.memory_space<semaphore_mem>>)
      tpu.wait_dma2 semaphore(%run_scoped3A : memref<!tpu.dma_semaphore, #tpu.memory_space<semaphore_mem>>) src(%arg5 : memref<16xi32, #tpu.memory_space<hbm>>) dst(%arg11 : memref<16xi32, #tpu.memory_space<vmem>>)
      tpu.yield
    }) : () -> ()
    %get3A = arith.constant 0 : index
    %get3A_1 = tpu.vector_load %arg11[%get3A] {strides = array<i32>} : memref<16xi32, #tpu.memory_space<vmem>>, vector<16xi32>,
    %reduce_max3A = arith.constant true
    %reduce_max3A_2 = vector.broadcast %reduce_max3A : i1 to vector<16xi1>
    %reduce_max3A_3 = arith.constant -2147483648 : i32
    %reduce_max3A_4 = vector.broadcast %reduce_max3A_3 : i32 to vector<16xi32>
    %reduce_max3A_5 = arith.xori %get3A_1, %reduce_max3A_4 : vector<16xi32>
    %reduce_max3A_6 = tpu.scan <max>, %reduce_max3A_5 masked %reduce_max3A_2 : vector<16xi32>, vector<16xi1> -> vector<16xi32>
    %reduce_max3A_7 = arith.xori %reduce_max3A_6, %reduce_max3A_4 : vector<16xi32>
    %reduce_max3A_8 = vector.extract %reduce_max3A_7[15] : i32 from vector<16xi32>
    %eq3A = arith.constant 1 : i32
    %eq3A_9 = arith.cmpi eq, %reduce_max3A_8, %eq3A : i32
    %broadcast_in_dim3A = arith.constant 0.000000e+00 : f32
    %broadcast_in_dim3A_10 = vector.broadcast %broadcast_in_dim3A : f32 to vector<16xf32>
    %scan3A = arith.constant 0 : i32
    %scan3A_11 = arith.constant 128 : i32
    %scan3A_12 = arith.addi %scan3A, %scan3A_11 : i32
    %scan3A_13 = arith.constant 1 : i32
    scf.for %scan3A_41 = %scan3A to %scan3A_12 step %scan3A_13  : i32 {
      %mul3A_42 = arith.constant 1 : i32
      %mul3A_43 = arith.muli %scan3A_41, %mul3A_42 : i32
      %add3A_44 = arith.constant 0 : i32
      %add3A_45 = arith.addi %add3A_44, %mul3A_43 : i32
      %scan3A_46 = arith.constant 0 : i32
      %scan3A_47 = arith.constant 8 : i32
      %scan3A_48 = arith.addi %scan3A_46, %scan3A_47 : i32
      %scan3A_49 = arith.constant 1 : i32
      scf.for %scan3A_51 = %scan3A_46 to %scan3A_48 step %scan3A_49  : i32 {
        %mul3A_52 = arith.constant 16 : i32
        %mul3A_53 = arith.muli %scan3A_51, %mul3A_52 : i32
        %add3A_54 = arith.constant 0 : i32
        %add3A_55 = arith.addi %add3A_54, %mul3A_53 : i32
        %swap3A = arith.index_cast %add3A_45 : i32 to index
        %swap3A_56 = arith.index_cast %add3A_55 : i32 to index
        %swap3A_57 = tpu.vector_load %arg9[%swap3A, %swap3A_56] {strides = array<i32>} : memref<128x128xf32, #tpu.memory_space<vmem>>, vector<16xf32>,
        tpu.vector_store %arg9[%swap3A, %swap3A_56], %broadcast_in_dim3A_10 {strides = array<i32>} : memref<128x128xf32, #tpu.memory_space<vmem>>, vector<16xf32>,
      }
      %scan3A_50 = arith.constant 8 : i32
    }
    %scan3A_14 = arith.constant 128 : i32
    %mul3A_15 = arith.constant 640 : i32
    %mul3A_16 = arith.muli %arg1, %mul3A_15 : i32
    %scan3A_17 = arith.constant 0 : i32
    %scan3A_18 = arith.constant 5 : i32
    %scan3A_19 = arith.addi %scan3A_17, %scan3A_18 : i32
    %scan3A_20 = arith.constant 1 : i32
    scf.for %scan3A_41 = %scan3A_17 to %scan3A_19 step %scan3A_20  : i32 {
      %mul3A_42 = arith.constant 1 : i32
      %mul3A_43 = arith.muli %scan3A_41, %mul3A_42 : i32
      %add3A_44 = arith.constant 0 : i32
      %add3A_45 = arith.addi %add3A_44, %mul3A_43 : i32
      %mul3A_46 = arith.constant 128 : i32
      %mul3A_47 = arith.muli %add3A_45, %mul3A_46 : i32
      %add3A_48 = arith.addi %mul3A_16, %mul3A_47 : i32
      "tpu.region"() ({
        %run_scoped3A = tpu.sem_alloc : memref<!tpu.dma_semaphore, #tpu.memory_space<semaphore_mem>>
        %dma_start3A = arith.constant 0 : i32
        %dma_start3A_49 = tpu.memref_slice %arg10[%add3A_48, %dma_start3A] : memref<10240x128xf32, #tpu.memory_space<vmem_shared>> -> memref<128x128xf32, #tpu.memory_space<vmem_shared>>
        %dma_start3A_50 = arith.constant 0 : i32
        %dma_start3A_51 = tpu.memref_slice %arg10[%add3A_48, %dma_start3A_50] : memref<10240x128xf32, #tpu.memory_space<vmem_shared>> -> memref<128x128xf32, #tpu.memory_space<vmem_shared>>
        tpu.enqueue_dma source(%arg9 : memref<128x128xf32, #tpu.memory_space<vmem>>) target(%dma_start3A_51 : memref<128x128xf32, #tpu.memory_space<vmem_shared>>) target_semaphore(%run_scoped3A : memref<!tpu.dma_semaphore, #tpu.memory_space<semaphore_mem>>)
        %dma_wait3A = arith.constant 0 : i32
        %dma_wait3A_52 = tpu.memref_slice %arg10[%add3A_48, %dma_wait3A] : memref<10240x128xf32, #tpu.memory_space<vmem_shared>> -> memref<128x128xf32, #tpu.memory_space<vmem_shared>>
        %dma_wait3A_53 = arith.constant 0 : i32
        %dma_wait3A_54 = tpu.memref_slice %arg10[%add3A_48, %dma_wait3A_53] : memref<10240x128xf32, #tpu.memory_space<vmem_shared>> -> memref<128x128xf32, #tpu.memory_space<vmem_shared>>
        tpu.wait_dma2 semaphore(%run_scoped3A : memref<!tpu.dma_semaphore, #tpu.memory_space<semaphore_mem>>) src(%arg9 : memref<128x128xf32, #tpu.memory_space<vmem>>) dst(%dma_wait3A_54 : memref<128x128xf32, #tpu.memory_space<vmem_shared>>)
        tpu.yield
      }) : () -> ()
    }
    %scan3A_21 = arith.constant 5 : i32
    %convert_element_type3A = arith.extui %eq3A_9 : i1 to i32
    %cond3A = arith.constant 0 : i32
    %cond3A_22 = arith.cmpi ne, %convert_element_type3A, %cond3A : i32
    scf.if %cond3A_22 {
      %broadcast_in_dim3A_41 = arith.constant 1.000000e+00 : f32
      %broadcast_in_dim3A_42 = vector.broadcast %broadcast_in_dim3A_41 : f32 to vector<16xf32>
      %scan3A_43 = arith.constant 0 : i32
      %scan3A_44 = arith.constant 128 : i32
      %scan3A_45 = arith.addi %scan3A_43, %scan3A_44 : i32
      %scan3A_46 = arith.constant 1 : i32
      scf.for %scan3A_48 = %scan3A_43 to %scan3A_45 step %scan3A_46  : i32 {
        %mul3A_49 = arith.constant 1 : i32
        %mul3A_50 = arith.muli %scan3A_48, %mul3A_49 : i32
        %add3A_51 = arith.constant 0 : i32
        %add3A_52 = arith.addi %add3A_51, %mul3A_50 : i32
        %scan3A_53 = arith.constant 0 : i32
        %scan3A_54 = arith.constant 8 : i32
        %scan3A_55 = arith.addi %scan3A_53, %scan3A_54 : i32
        %scan3A_56 = arith.constant 1 : i32
        scf.for %scan3A_58 = %scan3A_53 to %scan3A_55 step %scan3A_56  : i32 {
          %mul3A_59 = arith.constant 16 : i32
          %mul3A_60 = arith.muli %scan3A_58, %mul3A_59 : i32
          %add3A_61 = arith.constant 0 : i32
          %add3A_62 = arith.addi %add3A_61, %mul3A_60 : i32
          %swap3A = arith.index_cast %add3A_52 : i32 to index
          %swap3A_63 = arith.index_cast %add3A_62 : i32 to index
          %swap3A_64 = tpu.vector_load %arg9[%swap3A, %swap3A_63] {strides = array<i32>} : memref<128x128xf32, #tpu.memory_space<vmem>>, vector<16xf32>,
          tpu.vector_store %arg9[%swap3A, %swap3A_63], %broadcast_in_dim3A_42 {strides = array<i32>} : memref<128x128xf32, #tpu.memory_space<vmem>>, vector<16xf32>,
        }
        %scan3A_57 = arith.constant 8 : i32
      }
      %scan3A_47 = arith.constant 128 : i32
    } else {
    }
    %barrier3A = arith.constant 0 : index
    tpu.barrier barrier_id(%barrier3A)
    %mul3A_23 = arith.constant 80 : i32
    %mul3A_24 = arith.muli %add3A, %mul3A_23 : i32
    %mul3A_25 = arith.constant 128 : i32
    %mul3A_26 = arith.muli %mul3A_24, %mul3A_25 : i32
    %scan3A_27 = arith.constant 0 : i32
    %scan3A_28 = arith.constant 80 : i32
    %scan3A_29 = arith.addi %scan3A_27, %scan3A_28 : i32
    %scan3A_30 = arith.constant 1 : i32
    scf.for %scan3A_41 = %scan3A_27 to %scan3A_29 step %scan3A_30  : i32 {
      %mul3A_42 = arith.constant 1 : i32
      %mul3A_43 = arith.muli %scan3A_41, %mul3A_42 : i32
      %add3A_44 = arith.constant 0 : i32
      %add3A_45 = arith.addi %add3A_44, %mul3A_43 : i32
      %mul3A_46 = arith.constant 128 : i32
      %mul3A_47 = arith.muli %add3A_45, %mul3A_46 : i32
      %add3A_48 = arith.addi %mul3A_26, %mul3A_47 : i32
      "tpu.region"() ({
        %run_scoped3A = tpu.sem_alloc : memref<!tpu.dma_semaphore, #tpu.memory_space<semaphore_mem>>
        %dma_start3A = tpu.memref_slice %arg4[%add3A_48] : memref<327680xi32, #tpu.memory_space<hbm>> -> memref<128xi32, #tpu.memory_space<hbm>>
        %dma_start3A_53 = tpu.memref_slice %arg4[%add3A_48] : memref<327680xi32, #tpu.memory_space<hbm>> -> memref<128xi32, #tpu.memory_space<hbm>>
        tpu.enqueue_dma source(%dma_start3A_53 : memref<128xi32, #tpu.memory_space<hbm>>) target(%arg8 : memref<128xi32, #tpu.memory_space<vmem>>) target_semaphore(%run_scoped3A : memref<!tpu.dma_semaphore, #tpu.memory_space<semaphore_mem>>)
        %dma_wait3A = tpu.memref_slice %arg4[%add3A_48] : memref<327680xi32, #tpu.memory_space<hbm>> -> memref<128xi32, #tpu.memory_space<hbm>>
        %dma_wait3A_54 = tpu.memref_slice %arg4[%add3A_48] : memref<327680xi32, #tpu.memory_space<hbm>> -> memref<128xi32, #tpu.memory_space<hbm>>
        tpu.wait_dma2 semaphore(%run_scoped3A : memref<!tpu.dma_semaphore, #tpu.memory_space<semaphore_mem>>) src(%dma_wait3A_54 : memref<128xi32, #tpu.memory_space<hbm>>) dst(%arg8 : memref<128xi32, #tpu.memory_space<vmem>>)
        tpu.yield
      }) : () -> ()
      %not3A = arith.constant true
      %not3A_49 = arith.xori %eq3A_9, %not3A : i1
      %convert_element_type3A_50 = arith.extui %not3A_49 : i1 to i32
      %cond3A_51 = arith.constant 0 : i32
      %cond3A_52 = arith.cmpi ne, %convert_element_type3A_50, %cond3A_51 : i32
      scf.if %cond3A_52 {
        "tpu.region"() ({
          %run_scoped3A = tpu.sem_alloc : memref<!tpu.dma_semaphore, #tpu.memory_space<semaphore_mem>>
          %dma_start3A_57 = tpu.memref_slice %arg3[%add3A_48] : memref<327680xi32, #tpu.memory_space<hbm>> -> memref<128xi32, #tpu.memory_space<hbm>>
          %dma_start3A_58 = tpu.memref_slice %arg3[%add3A_48] : memref<327680xi32, #tpu.memory_space<hbm>> -> memref<128xi32, #tpu.memory_space<hbm>>
          tpu.enqueue_dma source(%dma_start3A_58 : memref<128xi32, #tpu.memory_space<hbm>>) target(%arg7 : memref<128xi32, #tpu.memory_space<vmem>>) target_semaphore(%run_scoped3A : memref<!tpu.dma_semaphore, #tpu.memory_space<semaphore_mem>>)
          %dma_wait3A_59 = tpu.memref_slice %arg3[%add3A_48] : memref<327680xi32, #tpu.memory_space<hbm>> -> memref<128xi32, #tpu.memory_space<hbm>>
          %dma_wait3A_60 = tpu.memref_slice %arg3[%add3A_48] : memref<327680xi32, #tpu.memory_space<hbm>> -> memref<128xi32, #tpu.memory_space<hbm>>
          tpu.wait_dma2 semaphore(%run_scoped3A : memref<!tpu.dma_semaphore, #tpu.memory_space<semaphore_mem>>) src(%dma_wait3A_60 : memref<128xi32, #tpu.memory_space<hbm>>) dst(%arg7 : memref<128xi32, #tpu.memory_space<vmem>>)
          tpu.yield
        }) : () -> ()
        %dma_start3A = arith.constant 0 : i32
        %dma_start3A_53 = arith.constant 0 : i32
        %dma_start3A_54 = tpu.memref_slice %arg2[%dma_start3A, %dma_start3A_53] : memref<10240x128xf32, #tpu.memory_space<hbm>> -> memref<10240x128xf32, #tpu.memory_space<hbm>>
        tpu.enqueue_indirect_dma source(%dma_start3A_54 : memref<10240x128xf32, #tpu.memory_space<hbm>>) target(%arg9 : memref<128x128xf32, #tpu.memory_space<vmem>>) offsets(%arg7 : memref<128xi32, #tpu.memory_space<vmem>>) semaphore(%arg12 : memref<!tpu.dma_semaphore, #tpu.memory_space<semaphore_mem>>)
        %dma_wait3A = arith.constant 0 : i32
        %dma_wait3A_55 = arith.constant 0 : i32
        %dma_wait3A_56 = tpu.memref_slice %arg2[%dma_wait3A, %dma_wait3A_55] : memref<10240x128xf32, #tpu.memory_space<hbm>> -> memref<10240x128xf32, #tpu.memory_space<hbm>>
        tpu.wait_indirect_dma semaphore(%arg12 : memref<!tpu.dma_semaphore, #tpu.memory_space<semaphore_mem>>) src(%dma_wait3A_56 : memref<10240x128xf32, #tpu.memory_space<hbm>>) dst(%arg9 : memref<128x128xf32, #tpu.memory_space<vmem>>)
      } else {
      }
      "tpu.region"() ({
        %run_scoped3A = tpu.sem_alloc : memref<!tpu.dma_semaphore, #tpu.memory_space<semaphore_mem>>
        %dma_start3A = arith.constant 0 : i32
        %dma_start3A_53 = arith.constant 0 : i32
        %dma_start3A_54 = tpu.memref_slice %arg10[%dma_start3A, %dma_start3A_53] : memref<10240x128xf32, #tpu.memory_space<vmem_shared>> -> memref<10240x128xf32, #tpu.memory_space<vmem_shared>>
        tpu.enqueue_indirect_dma source(%arg9 : memref<128x128xf32, #tpu.memory_space<vmem>>) target(%dma_start3A_54 : memref<10240x128xf32, #tpu.memory_space<vmem_shared>>) offsets(%arg8 : memref<128xi32, #tpu.memory_space<vmem>>) semaphore(%run_scoped3A : memref<!tpu.dma_semaphore, #tpu.memory_space<semaphore_mem>>) {add = true}
        %dma_wait3A = arith.constant 0 : i32
        %dma_wait3A_55 = arith.constant 0 : i32
        %dma_wait3A_56 = tpu.memref_slice %arg10[%dma_wait3A, %dma_wait3A_55] : memref<10240x128xf32, #tpu.memory_space<vmem_shared>> -> memref<10240x128xf32, #tpu.memory_space<vmem_shared>>
        tpu.wait_indirect_dma semaphore(%run_scoped3A : memref<!tpu.dma_semaphore, #tpu.memory_space<semaphore_mem>>) src(%arg9 : memref<128x128xf32, #tpu.memory_space<vmem>>) dst(%dma_wait3A_56 : memref<10240x128xf32, #tpu.memory_space<vmem_shared>>)
        tpu.yield
      }) : () -> ()
    }
    %scan3A_31 = arith.constant 80 : i32
    %barrier3A_32 = arith.constant 0 : index
    tpu.barrier barrier_id(%barrier3A_32)
    %mul3A_33 = arith.constant 10240 : i32
    %mul3A_34 = arith.muli %arg0, %mul3A_33 : i32
    %add3A_35 = arith.addi %mul3A_34, %mul3A_16 : i32
    %scan3A_36 = arith.constant 0 : i32
    %scan3A_37 = arith.constant 5 : i32
    %scan3A_38 = arith.addi %scan3A_36, %scan3A_37 : i32
    %scan3A_39 = arith.constant 1 : i32
    scf.for %scan3A_41 = %scan3A_36 to %scan3A_38 step %scan3A_39  : i32 {
      %mul3A_42 = arith.constant 1 : i32
      %mul3A_43 = arith.muli %scan3A_41, %mul3A_42 : i32
      %add3A_44 = arith.constant 0 : i32
      %add3A_45 = arith.addi %add3A_44, %mul3A_43 : i32
      %mul3A_46 = arith.constant 128 : i32
      %mul3A_47 = arith.muli %add3A_45, %mul3A_46 : i32
      %add3A_48 = arith.addi %mul3A_16, %mul3A_47 : i32
      "tpu.region"() ({
        %run_scoped3A = tpu.sem_alloc : memref<!tpu.dma_semaphore, #tpu.memory_space<semaphore_mem>>
        %dma_start3A = arith.constant 0 : i32
        %dma_start3A_52 = tpu.memref_slice %arg10[%add3A_48, %dma_start3A] : memref<10240x128xf32, #tpu.memory_space<vmem_shared>> -> memref<128x128xf32, #tpu.memory_space<vmem_shared>>
        %dma_start3A_53 = arith.constant 0 : i32
        %dma_start3A_54 = tpu.memref_slice %arg10[%add3A_48, %dma_start3A_53] : memref<10240x128xf32, #tpu.memory_space<vmem_shared>> -> memref<128x128xf32, #tpu.memory_space<vmem_shared>>
        tpu.enqueue_dma source(%dma_start3A_54 : memref<128x128xf32, #tpu.memory_space<vmem_shared>>) target(%arg9 : memref<128x128xf32, #tpu.memory_space<vmem>>) target_semaphore(%run_scoped3A : memref<!tpu.dma_semaphore, #tpu.memory_space<semaphore_mem>>)
        %dma_wait3A = arith.constant 0 : i32
        %dma_wait3A_55 = tpu.memref_slice %arg10[%add3A_48, %dma_wait3A] : memref<10240x128xf32, #tpu.memory_space<vmem_shared>> -> memref<128x128xf32, #tpu.memory_space<vmem_shared>>
        %dma_wait3A_56 = arith.constant 0 : i32
        %dma_wait3A_57 = tpu.memref_slice %arg10[%add3A_48, %dma_wait3A_56] : memref<10240x128xf32, #tpu.memory_space<vmem_shared>> -> memref<128x128xf32, #tpu.memory_space<vmem_shared>>
        tpu.wait_dma2 semaphore(%run_scoped3A : memref<!tpu.dma_semaphore, #tpu.memory_space<semaphore_mem>>) src(%dma_wait3A_57 : memref<128x128xf32, #tpu.memory_space<vmem_shared>>) dst(%arg9 : memref<128x128xf32, #tpu.memory_space<vmem>>)
        tpu.yield
      }) : () -> ()
      %mul3A_49 = arith.constant 128 : i32
      %mul3A_50 = arith.muli %add3A_45, %mul3A_49 : i32
      %add3A_51 = arith.addi %add3A_35, %mul3A_50 : i32
      "tpu.region"() ({
        %run_scoped3A = tpu.sem_alloc : memref<!tpu.dma_semaphore, #tpu.memory_space<semaphore_mem>>
        %dma_start3A = arith.constant 0 : i32
        %dma_start3A_52 = tpu.memref_slice %arg6[%add3A_51, %dma_start3A] : memref<20480x128xf32, #tpu.memory_space<hbm>> -> memref<128x128xf32, #tpu.memory_space<hbm>>
        %dma_start3A_53 = arith.constant 0 : i32
        %dma_start3A_54 = tpu.memref_slice %arg6[%add3A_51, %dma_start3A_53] : memref<20480x128xf32, #tpu.memory_space<hbm>> -> memref<128x128xf32, #tpu.memory_space<hbm>>
        tpu.enqueue_dma source(%arg9 : memref<128x128xf32, #tpu.memory_space<vmem>>) target(%dma_start3A_54 : memref<128x128xf32, #tpu.memory_space<hbm>>) target_semaphore(%run_scoped3A : memref<!tpu.dma_semaphore, #tpu.memory_space<semaphore_mem>>)
        %dma_wait3A = arith.constant 0 : i32
        %dma_wait3A_55 = tpu.memref_slice %arg6[%add3A_51, %dma_wait3A] : memref<20480x128xf32, #tpu.memory_space<hbm>> -> memref<128x128xf32, #tpu.memory_space<hbm>>
        %dma_wait3A_56 = arith.constant 0 : i32
        %dma_wait3A_57 = tpu.memref_slice %arg6[%add3A_51, %dma_wait3A_56] : memref<20480x128xf32, #tpu.memory_space<hbm>> -> memref<128x128xf32, #tpu.memory_space<hbm>>
        tpu.wait_dma2 semaphore(%run_scoped3A : memref<!tpu.dma_semaphore, #tpu.memory_space<semaphore_mem>>) src(%arg9 : memref<128x128xf32, #tpu.memory_space<vmem>>) dst(%dma_wait3A_57 : memref<128x128xf32, #tpu.memory_space<hbm>>)
        tpu.yield
      }) : () -> ()
    }
    %scan3A_40 = arith.constant 5 : i32
    return
  }
}

#map = affine_map<(d0, d1) -> (0, 0)>
#map1 = affine_map<(d0, d1) -> (0)>
module attributes {stable_mosaic.version = 14 : i64} {
  func.func @_sc_agg(%arg0: i32, %arg1: i32, %arg2: memref<10240x128xf32, #tpu.memory_space<hbm>>, %arg3: memref<327680xi32, #tpu.memory_space<hbm>>, %arg4: memref<327680xi32, #tpu.memory_space<hbm>>, %arg5: memref<16xi32, #tpu.memory_space<hbm>>, %arg6: memref<20480x128xf32, #tpu.memory_space<hbm>>, %arg7: memref<128xi32, #tpu.memory_space<vmem>>, %arg8: memref<128xi32, #tpu.memory_space<vmem>>, %arg9: memref<128x128xf32, #tpu.memory_space<vmem>>, %arg10: memref<10240x128xf32, #tpu.memory_space<vmem_shared>>, %arg11: memref<16xi32, #tpu.memory_space<vmem>>, %arg12: memref<!tpu.dma_semaphore, #tpu.memory_space<semaphore_mem>>) attributes {dimension_semantics = [#tpu.dimension_semantics<core_parallel>, #tpu.dimension_semantics<subcore_parallel>], iteration_bounds = array<i64: 2, 16>, scalar_prefetch = 0 : i64, scratch_operands = 6 : i64, tpu.core_type = #tpu.core_type<sc_vector_subcore>, window_params = [{transform_indices = #map}, {transform_indices = #map1}, {transform_indices = #map1}, {transform_indices = #map1}, {transform_indices = #map}]} {
    %mul3A = arith.constant 2 : i32
    %mul3A_0 = arith.muli %arg1, %mul3A : i32
    %add3A = arith.addi %mul3A_0, %arg0 : i32
    "tpu.region"() ({
      %run_scoped3A = tpu.sem_alloc : memref<!tpu.dma_semaphore, #tpu.memory_space<semaphore_mem>>
      tpu.enqueue_dma source(%arg5 : memref<16xi32, #tpu.memory_space<hbm>>) target(%arg11 : memref<16xi32, #tpu.memory_space<vmem>>) target_semaphore(%run_scoped3A : memref<!tpu.dma_semaphore, #tpu.memory_space<semaphore_mem>>)
      tpu.wait_dma2 semaphore(%run_scoped3A : memref<!tpu.dma_semaphore, #tpu.memory_space<semaphore_mem>>) src(%arg5 : memref<16xi32, #tpu.memory_space<hbm>>) dst(%arg11 : memref<16xi32, #tpu.memory_space<vmem>>)
      tpu.yield
    }) : () -> ()
    %get3A = arith.constant 0 : index
    %get3A_1 = tpu.vector_load %arg11[%get3A] {strides = array<i32>} : memref<16xi32, #tpu.memory_space<vmem>>, vector<16xi32>,
    %reduce_max3A = arith.constant true
    %reduce_max3A_2 = vector.broadcast %reduce_max3A : i1 to vector<16xi1>
    %reduce_max3A_3 = arith.constant -2147483648 : i32
    %reduce_max3A_4 = vector.broadcast %reduce_max3A_3 : i32 to vector<16xi32>
    %reduce_max3A_5 = arith.xori %get3A_1, %reduce_max3A_4 : vector<16xi32>
    %reduce_max3A_6 = tpu.scan <max>, %reduce_max3A_5 masked %reduce_max3A_2 : vector<16xi32>, vector<16xi1> -> vector<16xi32>
    %reduce_max3A_7 = arith.xori %reduce_max3A_6, %reduce_max3A_4 : vector<16xi32>
    %reduce_max3A_8 = vector.extract %reduce_max3A_7[15] : i32 from vector<16xi32>
    %eq3A = arith.constant 1 : i32
    %eq3A_9 = arith.cmpi eq, %reduce_max3A_8, %eq3A : i32
    %broadcast_in_dim3A = arith.constant 0.000000e+00 : f32
    %broadcast_in_dim3A_10 = vector.broadcast %broadcast_in_dim3A : f32 to vector<16xf32>
    %scan3A = arith.constant 0 : i32
    %scan3A_11 = arith.constant 128 : i32
    %scan3A_12 = arith.addi %scan3A, %scan3A_11 : i32
    %scan3A_13 = arith.constant 1 : i32
    scf.for %scan3A_41 = %scan3A to %scan3A_12 step %scan3A_13  : i32 {
      %mul3A_42 = arith.constant 1 : i32
      %mul3A_43 = arith.muli %scan3A_41, %mul3A_42 : i32
      %add3A_44 = arith.constant 0 : i32
      %add3A_45 = arith.addi %add3A_44, %mul3A_43 : i32
      %scan3A_46 = arith.constant 0 : i32
      %scan3A_47 = arith.constant 8 : i32
      %scan3A_48 = arith.addi %scan3A_46, %scan3A_47 : i32
      %scan3A_49 = arith.constant 1 : i32
      scf.for %scan3A_51 = %scan3A_46 to %scan3A_48 step %scan3A_49  : i32 {
        %mul3A_52 = arith.constant 16 : i32
        %mul3A_53 = arith.muli %scan3A_51, %mul3A_52 : i32
        %add3A_54 = arith.constant 0 : i32
        %add3A_55 = arith.addi %add3A_54, %mul3A_53 : i32
        %swap3A = arith.index_cast %add3A_45 : i32 to index
        %swap3A_56 = arith.index_cast %add3A_55 : i32 to index
        %swap3A_57 = tpu.vector_load %arg9[%swap3A, %swap3A_56] {strides = array<i32>} : memref<128x128xf32, #tpu.memory_space<vmem>>, vector<16xf32>,
        tpu.vector_store %arg9[%swap3A, %swap3A_56], %broadcast_in_dim3A_10 {strides = array<i32>} : memref<128x128xf32, #tpu.memory_space<vmem>>, vector<16xf32>,
      }
      %scan3A_50 = arith.constant 8 : i32
    }
    %scan3A_14 = arith.constant 128 : i32
    %mul3A_15 = arith.constant 640 : i32
    %mul3A_16 = arith.muli %arg1, %mul3A_15 : i32
    %scan3A_17 = arith.constant 0 : i32
    %scan3A_18 = arith.constant 5 : i32
    %scan3A_19 = arith.addi %scan3A_17, %scan3A_18 : i32
    %scan3A_20 = arith.constant 1 : i32
    scf.for %scan3A_41 = %scan3A_17 to %scan3A_19 step %scan3A_20  : i32 {
      %mul3A_42 = arith.constant 1 : i32
      %mul3A_43 = arith.muli %scan3A_41, %mul3A_42 : i32
      %add3A_44 = arith.constant 0 : i32
      %add3A_45 = arith.addi %add3A_44, %mul3A_43 : i32
      %mul3A_46 = arith.constant 128 : i32
      %mul3A_47 = arith.muli %add3A_45, %mul3A_46 : i32
      %add3A_48 = arith.addi %mul3A_16, %mul3A_47 : i32
      "tpu.region"() ({
        %run_scoped3A = tpu.sem_alloc : memref<!tpu.dma_semaphore, #tpu.memory_space<semaphore_mem>>
        %dma_start3A = arith.constant 0 : i32
        %dma_start3A_49 = tpu.memref_slice %arg10[%add3A_48, %dma_start3A] : memref<10240x128xf32, #tpu.memory_space<vmem_shared>> -> memref<128x128xf32, #tpu.memory_space<vmem_shared>>
        %dma_start3A_50 = arith.constant 0 : i32
        %dma_start3A_51 = tpu.memref_slice %arg10[%add3A_48, %dma_start3A_50] : memref<10240x128xf32, #tpu.memory_space<vmem_shared>> -> memref<128x128xf32, #tpu.memory_space<vmem_shared>>
        tpu.enqueue_dma source(%arg9 : memref<128x128xf32, #tpu.memory_space<vmem>>) target(%dma_start3A_51 : memref<128x128xf32, #tpu.memory_space<vmem_shared>>) target_semaphore(%run_scoped3A : memref<!tpu.dma_semaphore, #tpu.memory_space<semaphore_mem>>)
        %dma_wait3A = arith.constant 0 : i32
        %dma_wait3A_52 = tpu.memref_slice %arg10[%add3A_48, %dma_wait3A] : memref<10240x128xf32, #tpu.memory_space<vmem_shared>> -> memref<128x128xf32, #tpu.memory_space<vmem_shared>>
        %dma_wait3A_53 = arith.constant 0 : i32
        %dma_wait3A_54 = tpu.memref_slice %arg10[%add3A_48, %dma_wait3A_53] : memref<10240x128xf32, #tpu.memory_space<vmem_shared>> -> memref<128x128xf32, #tpu.memory_space<vmem_shared>>
        tpu.wait_dma2 semaphore(%run_scoped3A : memref<!tpu.dma_semaphore, #tpu.memory_space<semaphore_mem>>) src(%arg9 : memref<128x128xf32, #tpu.memory_space<vmem>>) dst(%dma_wait3A_54 : memref<128x128xf32, #tpu.memory_space<vmem_shared>>)
        tpu.yield
      }) : () -> ()
    }
    %scan3A_21 = arith.constant 5 : i32
    %convert_element_type3A = arith.extui %eq3A_9 : i1 to i32
    %cond3A = arith.constant 0 : i32
    %cond3A_22 = arith.cmpi ne, %convert_element_type3A, %cond3A : i32
    scf.if %cond3A_22 {
      %broadcast_in_dim3A_41 = arith.constant 1.000000e+00 : f32
      %broadcast_in_dim3A_42 = vector.broadcast %broadcast_in_dim3A_41 : f32 to vector<16xf32>
      %scan3A_43 = arith.constant 0 : i32
      %scan3A_44 = arith.constant 128 : i32
      %scan3A_45 = arith.addi %scan3A_43, %scan3A_44 : i32
      %scan3A_46 = arith.constant 1 : i32
      scf.for %scan3A_48 = %scan3A_43 to %scan3A_45 step %scan3A_46  : i32 {
        %mul3A_49 = arith.constant 1 : i32
        %mul3A_50 = arith.muli %scan3A_48, %mul3A_49 : i32
        %add3A_51 = arith.constant 0 : i32
        %add3A_52 = arith.addi %add3A_51, %mul3A_50 : i32
        %scan3A_53 = arith.constant 0 : i32
        %scan3A_54 = arith.constant 8 : i32
        %scan3A_55 = arith.addi %scan3A_53, %scan3A_54 : i32
        %scan3A_56 = arith.constant 1 : i32
        scf.for %scan3A_58 = %scan3A_53 to %scan3A_55 step %scan3A_56  : i32 {
          %mul3A_59 = arith.constant 16 : i32
          %mul3A_60 = arith.muli %scan3A_58, %mul3A_59 : i32
          %add3A_61 = arith.constant 0 : i32
          %add3A_62 = arith.addi %add3A_61, %mul3A_60 : i32
          %swap3A = arith.index_cast %add3A_52 : i32 to index
          %swap3A_63 = arith.index_cast %add3A_62 : i32 to index
          %swap3A_64 = tpu.vector_load %arg9[%swap3A, %swap3A_63] {strides = array<i32>} : memref<128x128xf32, #tpu.memory_space<vmem>>, vector<16xf32>,
          tpu.vector_store %arg9[%swap3A, %swap3A_63], %broadcast_in_dim3A_42 {strides = array<i32>} : memref<128x128xf32, #tpu.memory_space<vmem>>, vector<16xf32>,
        }
        %scan3A_57 = arith.constant 8 : i32
      }
      %scan3A_47 = arith.constant 128 : i32
    } else {
    }
    %barrier3A = arith.constant 0 : index
    tpu.barrier barrier_id(%barrier3A)
    %mul3A_23 = arith.constant 80 : i32
    %mul3A_24 = arith.muli %add3A, %mul3A_23 : i32
    %mul3A_25 = arith.constant 128 : i32
    %mul3A_26 = arith.muli %mul3A_24, %mul3A_25 : i32
    %scan3A_27 = arith.constant 0 : i32
    %scan3A_28 = arith.constant 80 : i32
    %scan3A_29 = arith.addi %scan3A_27, %scan3A_28 : i32
    %scan3A_30 = arith.constant 1 : i32
    scf.for %scan3A_41 = %scan3A_27 to %scan3A_29 step %scan3A_30  : i32 {
      %mul3A_42 = arith.constant 1 : i32
      %mul3A_43 = arith.muli %scan3A_41, %mul3A_42 : i32
      %add3A_44 = arith.constant 0 : i32
      %add3A_45 = arith.addi %add3A_44, %mul3A_43 : i32
      %mul3A_46 = arith.constant 128 : i32
      %mul3A_47 = arith.muli %add3A_45, %mul3A_46 : i32
      %add3A_48 = arith.addi %mul3A_26, %mul3A_47 : i32
      "tpu.region"() ({
        %run_scoped3A = tpu.sem_alloc : memref<!tpu.dma_semaphore, #tpu.memory_space<semaphore_mem>>
        %dma_start3A = tpu.memref_slice %arg4[%add3A_48] : memref<327680xi32, #tpu.memory_space<hbm>> -> memref<128xi32, #tpu.memory_space<hbm>>
        %dma_start3A_53 = tpu.memref_slice %arg4[%add3A_48] : memref<327680xi32, #tpu.memory_space<hbm>> -> memref<128xi32, #tpu.memory_space<hbm>>
        tpu.enqueue_dma source(%dma_start3A_53 : memref<128xi32, #tpu.memory_space<hbm>>) target(%arg8 : memref<128xi32, #tpu.memory_space<vmem>>) target_semaphore(%run_scoped3A : memref<!tpu.dma_semaphore, #tpu.memory_space<semaphore_mem>>)
        %dma_wait3A = tpu.memref_slice %arg4[%add3A_48] : memref<327680xi32, #tpu.memory_space<hbm>> -> memref<128xi32, #tpu.memory_space<hbm>>
        %dma_wait3A_54 = tpu.memref_slice %arg4[%add3A_48] : memref<327680xi32, #tpu.memory_space<hbm>> -> memref<128xi32, #tpu.memory_space<hbm>>
        tpu.wait_dma2 semaphore(%run_scoped3A : memref<!tpu.dma_semaphore, #tpu.memory_space<semaphore_mem>>) src(%dma_wait3A_54 : memref<128xi32, #tpu.memory_space<hbm>>) dst(%arg8 : memref<128xi32, #tpu.memory_space<vmem>>)
        tpu.yield
      }) : () -> ()
      %not3A = arith.constant true
      %not3A_49 = arith.xori %eq3A_9, %not3A : i1
      %convert_element_type3A_50 = arith.extui %not3A_49 : i1 to i32
      %cond3A_51 = arith.constant 0 : i32
      %cond3A_52 = arith.cmpi ne, %convert_element_type3A_50, %cond3A_51 : i32
      scf.if %cond3A_52 {
        "tpu.region"() ({
          %run_scoped3A = tpu.sem_alloc : memref<!tpu.dma_semaphore, #tpu.memory_space<semaphore_mem>>
          %dma_start3A_57 = tpu.memref_slice %arg3[%add3A_48] : memref<327680xi32, #tpu.memory_space<hbm>> -> memref<128xi32, #tpu.memory_space<hbm>>
          %dma_start3A_58 = tpu.memref_slice %arg3[%add3A_48] : memref<327680xi32, #tpu.memory_space<hbm>> -> memref<128xi32, #tpu.memory_space<hbm>>
          tpu.enqueue_dma source(%dma_start3A_58 : memref<128xi32, #tpu.memory_space<hbm>>) target(%arg7 : memref<128xi32, #tpu.memory_space<vmem>>) target_semaphore(%run_scoped3A : memref<!tpu.dma_semaphore, #tpu.memory_space<semaphore_mem>>)
          %dma_wait3A_59 = tpu.memref_slice %arg3[%add3A_48] : memref<327680xi32, #tpu.memory_space<hbm>> -> memref<128xi32, #tpu.memory_space<hbm>>
          %dma_wait3A_60 = tpu.memref_slice %arg3[%add3A_48] : memref<327680xi32, #tpu.memory_space<hbm>> -> memref<128xi32, #tpu.memory_space<hbm>>
          tpu.wait_dma2 semaphore(%run_scoped3A : memref<!tpu.dma_semaphore, #tpu.memory_space<semaphore_mem>>) src(%dma_wait3A_60 : memref<128xi32, #tpu.memory_space<hbm>>) dst(%arg7 : memref<128xi32, #tpu.memory_space<vmem>>)
          tpu.yield
        }) : () -> ()
        %dma_start3A = arith.constant 0 : i32
        %dma_start3A_53 = arith.constant 0 : i32
        %dma_start3A_54 = tpu.memref_slice %arg2[%dma_start3A, %dma_start3A_53] : memref<10240x128xf32, #tpu.memory_space<hbm>> -> memref<10240x128xf32, #tpu.memory_space<hbm>>
        tpu.enqueue_indirect_dma source(%dma_start3A_54 : memref<10240x128xf32, #tpu.memory_space<hbm>>) target(%arg9 : memref<128x128xf32, #tpu.memory_space<vmem>>) offsets(%arg7 : memref<128xi32, #tpu.memory_space<vmem>>) semaphore(%arg12 : memref<!tpu.dma_semaphore, #tpu.memory_space<semaphore_mem>>)
        %dma_wait3A = arith.constant 0 : i32
        %dma_wait3A_55 = arith.constant 0 : i32
        %dma_wait3A_56 = tpu.memref_slice %arg2[%dma_wait3A, %dma_wait3A_55] : memref<10240x128xf32, #tpu.memory_space<hbm>> -> memref<10240x128xf32, #tpu.memory_space<hbm>>
        tpu.wait_indirect_dma semaphore(%arg12 : memref<!tpu.dma_semaphore, #tpu.memory_space<semaphore_mem>>) src(%dma_wait3A_56 : memref<10240x128xf32, #tpu.memory_space<hbm>>) dst(%arg9 : memref<128x128xf32, #tpu.memory_space<vmem>>)
      } else {
      }
      "tpu.region"() ({
        %run_scoped3A = tpu.sem_alloc : memref<!tpu.dma_semaphore, #tpu.memory_space<semaphore_mem>>
        %dma_start3A = arith.constant 0 : i32
        %dma_start3A_53 = arith.constant 0 : i32
        %dma_start3A_54 = tpu.memref_slice %arg10[%dma_start3A, %dma_start3A_53] : memref<10240x128xf32, #tpu.memory_space<vmem_shared>> -> memref<10240x128xf32, #tpu.memory_space<vmem_shared>>
        tpu.enqueue_indirect_dma source(%arg9 : memref<128x128xf32, #tpu.memory_space<vmem>>) target(%dma_start3A_54 : memref<10240x128xf32, #tpu.memory_space<vmem_shared>>) offsets(%arg8 : memref<128xi32, #tpu.memory_space<vmem>>) semaphore(%run_scoped3A : memref<!tpu.dma_semaphore, #tpu.memory_space<semaphore_mem>>) {add = true}
        %dma_wait3A = arith.constant 0 : i32
        %dma_wait3A_55 = arith.constant 0 : i32
        %dma_wait3A_56 = tpu.memref_slice %arg10[%dma_wait3A, %dma_wait3A_55] : memref<10240x128xf32, #tpu.memory_space<vmem_shared>> -> memref<10240x128xf32, #tpu.memory_space<vmem_shared>>
        tpu.wait_indirect_dma semaphore(%run_scoped3A : memref<!tpu.dma_semaphore, #tpu.memory_space<semaphore_mem>>) src(%arg9 : memref<128x128xf32, #tpu.memory_space<vmem>>) dst(%dma_wait3A_56 : memref<10240x128xf32, #tpu.memory_space<vmem_shared>>)
        tpu.yield
      }) : () -> ()
    }
    %scan3A_31 = arith.constant 80 : i32
    %barrier3A_32 = arith.constant 0 : index
    tpu.barrier barrier_id(%barrier3A_32)
    %mul3A_33 = arith.constant 10240 : i32
    %mul3A_34 = arith.muli %arg0, %mul3A_33 : i32
    %add3A_35 = arith.addi %mul3A_34, %mul3A_16 : i32
    %scan3A_36 = arith.constant 0 : i32
    %scan3A_37 = arith.constant 5 : i32
    %scan3A_38 = arith.addi %scan3A_36, %scan3A_37 : i32
    %scan3A_39 = arith.constant 1 : i32
    scf.for %scan3A_41 = %scan3A_36 to %scan3A_38 step %scan3A_39  : i32 {
      %mul3A_42 = arith.constant 1 : i32
      %mul3A_43 = arith.muli %scan3A_41, %mul3A_42 : i32
      %add3A_44 = arith.constant 0 : i32
      %add3A_45 = arith.addi %add3A_44, %mul3A_43 : i32
      %mul3A_46 = arith.constant 128 : i32
      %mul3A_47 = arith.muli %add3A_45, %mul3A_46 : i32
      %add3A_48 = arith.addi %mul3A_16, %mul3A_47 : i32
      "tpu.region"() ({
        %run_scoped3A = tpu.sem_alloc : memref<!tpu.dma_semaphore, #tpu.memory_space<semaphore_mem>>
        %dma_start3A = arith.constant 0 : i32
        %dma_start3A_52 = tpu.memref_slice %arg10[%add3A_48, %dma_start3A] : memref<10240x128xf32, #tpu.memory_space<vmem_shared>> -> memref<128x128xf32, #tpu.memory_space<vmem_shared>>
        %dma_start3A_53 = arith.constant 0 : i32
        %dma_start3A_54 = tpu.memref_slice %arg10[%add3A_48, %dma_start3A_53] : memref<10240x128xf32, #tpu.memory_space<vmem_shared>> -> memref<128x128xf32, #tpu.memory_space<vmem_shared>>
        tpu.enqueue_dma source(%dma_start3A_54 : memref<128x128xf32, #tpu.memory_space<vmem_shared>>) target(%arg9 : memref<128x128xf32, #tpu.memory_space<vmem>>) target_semaphore(%run_scoped3A : memref<!tpu.dma_semaphore, #tpu.memory_space<semaphore_mem>>)
        %dma_wait3A = arith.constant 0 : i32
        %dma_wait3A_55 = tpu.memref_slice %arg10[%add3A_48, %dma_wait3A] : memref<10240x128xf32, #tpu.memory_space<vmem_shared>> -> memref<128x128xf32, #tpu.memory_space<vmem_shared>>
        %dma_wait3A_56 = arith.constant 0 : i32
        %dma_wait3A_57 = tpu.memref_slice %arg10[%add3A_48, %dma_wait3A_56] : memref<10240x128xf32, #tpu.memory_space<vmem_shared>> -> memref<128x128xf32, #tpu.memory_space<vmem_shared>>
        tpu.wait_dma2 semaphore(%run_scoped3A : memref<!tpu.dma_semaphore, #tpu.memory_space<semaphore_mem>>) src(%dma_wait3A_57 : memref<128x128xf32, #tpu.memory_space<vmem_shared>>) dst(%arg9 : memref<128x128xf32, #tpu.memory_space<vmem>>)
        tpu.yield
      }) : () -> ()
      %mul3A_49 = arith.constant 128 : i32
      %mul3A_50 = arith.muli %add3A_45, %mul3A_49 : i32
      %add3A_51 = arith.addi %add3A_35, %mul3A_50 : i32
      "tpu.region"() ({
        %run_scoped3A = tpu.sem_alloc : memref<!tpu.dma_semaphore, #tpu.memory_space<semaphore_mem>>
        %dma_start3A = arith.constant 0 : i32
        %dma_start3A_52 = tpu.memref_slice %arg6[%add3A_51, %dma_start3A] : memref<20480x128xf32, #tpu.memory_space<hbm>> -> memref<128x128xf32, #tpu.memory_space<hbm>>
        %dma_start3A_53 = arith.constant 0 : i32
        %dma_start3A_54 = tpu.memref_slice %arg6[%add3A_51, %dma_start3A_53] : memref<20480x128xf32, #tpu.memory_space<hbm>> -> memref<128x128xf32, #tpu.memory_space<hbm>>
        tpu.enqueue_dma source(%arg9 : memref<128x128xf32, #tpu.memory_space<vmem>>) target(%dma_start3A_54 : memref<128x128xf32, #tpu.memory_space<hbm>>) target_semaphore(%run_scoped3A : memref<!tpu.dma_semaphore, #tpu.memory_space<semaphore_mem>>)
        %dma_wait3A = arith.constant 0 : i32
        %dma_wait3A_55 = tpu.memref_slice %arg6[%add3A_51, %dma_wait3A] : memref<20480x128xf32, #tpu.memory_space<hbm>> -> memref<128x128xf32, #tpu.memory_space<hbm>>
        %dma_wait3A_56 = arith.constant 0 : i32
        %dma_wait3A_57 = tpu.memref_slice %arg6[%add3A_51, %dma_wait3A_56] : memref<20480x128xf32, #tpu.memory_space<hbm>> -> memref<128x128xf32, #tpu.memory_space<hbm>>
        tpu.wait_dma2 semaphore(%run_scoped3A : memref<!tpu.dma_semaphore, #tpu.memory_space<semaphore_mem>>) src(%arg9 : memref<128x128xf32, #tpu.memory_space<vmem>>) dst(%dma_wait3A_57 : memref<128x128xf32, #tpu.memory_space<hbm>>)
        tpu.yield
      }) : () -> ()
    }
    %scan3A_40 = arith.constant 5 : i32
    return
  }
}

#map = affine_map<(d0, d1) -> (0, 0)>
#map1 = affine_map<(d0, d1) -> (0)>
module attributes {stable_mosaic.version = 14 : i64} {
  func.func @_sc_agg(%arg0: i32, %arg1: i32, %arg2: memref<10240x128xf32, #tpu.memory_space<hbm>>, %arg3: memref<327680xi32, #tpu.memory_space<hbm>>, %arg4: memref<327680xi32, #tpu.memory_space<hbm>>, %arg5: memref<16xi32, #tpu.memory_space<hbm>>, %arg6: memref<20480x128xf32, #tpu.memory_space<hbm>>, %arg7: memref<128xi32, #tpu.memory_space<vmem>>, %arg8: memref<128xi32, #tpu.memory_space<vmem>>, %arg9: memref<128x128xf32, #tpu.memory_space<vmem>>, %arg10: memref<10240x128xf32, #tpu.memory_space<vmem_shared>>, %arg11: memref<16xi32, #tpu.memory_space<vmem>>, %arg12: memref<!tpu.dma_semaphore, #tpu.memory_space<semaphore_mem>>) attributes {dimension_semantics = [#tpu.dimension_semantics<core_parallel>, #tpu.dimension_semantics<subcore_parallel>], iteration_bounds = array<i64: 2, 16>, scalar_prefetch = 0 : i64, scratch_operands = 6 : i64, tpu.core_type = #tpu.core_type<sc_vector_subcore>, window_params = [{transform_indices = #map}, {transform_indices = #map1}, {transform_indices = #map1}, {transform_indices = #map1}, {transform_indices = #map}]} {
    %mul3A = arith.constant 2 : i32
    %mul3A_0 = arith.muli %arg1, %mul3A : i32
    %add3A = arith.addi %mul3A_0, %arg0 : i32
    "tpu.region"() ({
      %run_scoped3A = tpu.sem_alloc : memref<!tpu.dma_semaphore, #tpu.memory_space<semaphore_mem>>
      tpu.enqueue_dma source(%arg5 : memref<16xi32, #tpu.memory_space<hbm>>) target(%arg11 : memref<16xi32, #tpu.memory_space<vmem>>) target_semaphore(%run_scoped3A : memref<!tpu.dma_semaphore, #tpu.memory_space<semaphore_mem>>)
      tpu.wait_dma2 semaphore(%run_scoped3A : memref<!tpu.dma_semaphore, #tpu.memory_space<semaphore_mem>>) src(%arg5 : memref<16xi32, #tpu.memory_space<hbm>>) dst(%arg11 : memref<16xi32, #tpu.memory_space<vmem>>)
      tpu.yield
    }) : () -> ()
    %get3A = arith.constant 0 : index
    %get3A_1 = tpu.vector_load %arg11[%get3A] {strides = array<i32>} : memref<16xi32, #tpu.memory_space<vmem>>, vector<16xi32>,
    %reduce_max3A = arith.constant true
    %reduce_max3A_2 = vector.broadcast %reduce_max3A : i1 to vector<16xi1>
    %reduce_max3A_3 = arith.constant -2147483648 : i32
    %reduce_max3A_4 = vector.broadcast %reduce_max3A_3 : i32 to vector<16xi32>
    %reduce_max3A_5 = arith.xori %get3A_1, %reduce_max3A_4 : vector<16xi32>
    %reduce_max3A_6 = tpu.scan <max>, %reduce_max3A_5 masked %reduce_max3A_2 : vector<16xi32>, vector<16xi1> -> vector<16xi32>
    %reduce_max3A_7 = arith.xori %reduce_max3A_6, %reduce_max3A_4 : vector<16xi32>
    %reduce_max3A_8 = vector.extract %reduce_max3A_7[15] : i32 from vector<16xi32>
    %eq3A = arith.constant 1 : i32
    %eq3A_9 = arith.cmpi eq, %reduce_max3A_8, %eq3A : i32
    %broadcast_in_dim3A = arith.constant 0.000000e+00 : f32
    %broadcast_in_dim3A_10 = vector.broadcast %broadcast_in_dim3A : f32 to vector<16xf32>
    %scan3A = arith.constant 0 : i32
    %scan3A_11 = arith.constant 128 : i32
    %scan3A_12 = arith.addi %scan3A, %scan3A_11 : i32
    %scan3A_13 = arith.constant 1 : i32
    scf.for %scan3A_41 = %scan3A to %scan3A_12 step %scan3A_13  : i32 {
      %mul3A_42 = arith.constant 1 : i32
      %mul3A_43 = arith.muli %scan3A_41, %mul3A_42 : i32
      %add3A_44 = arith.constant 0 : i32
      %add3A_45 = arith.addi %add3A_44, %mul3A_43 : i32
      %scan3A_46 = arith.constant 0 : i32
      %scan3A_47 = arith.constant 8 : i32
      %scan3A_48 = arith.addi %scan3A_46, %scan3A_47 : i32
      %scan3A_49 = arith.constant 1 : i32
      scf.for %scan3A_51 = %scan3A_46 to %scan3A_48 step %scan3A_49  : i32 {
        %mul3A_52 = arith.constant 16 : i32
        %mul3A_53 = arith.muli %scan3A_51, %mul3A_52 : i32
        %add3A_54 = arith.constant 0 : i32
        %add3A_55 = arith.addi %add3A_54, %mul3A_53 : i32
        %swap3A = arith.index_cast %add3A_45 : i32 to index
        %swap3A_56 = arith.index_cast %add3A_55 : i32 to index
        %swap3A_57 = tpu.vector_load %arg9[%swap3A, %swap3A_56] {strides = array<i32>} : memref<128x128xf32, #tpu.memory_space<vmem>>, vector<16xf32>,
        tpu.vector_store %arg9[%swap3A, %swap3A_56], %broadcast_in_dim3A_10 {strides = array<i32>} : memref<128x128xf32, #tpu.memory_space<vmem>>, vector<16xf32>,
      }
      %scan3A_50 = arith.constant 8 : i32
    }
    %scan3A_14 = arith.constant 128 : i32
    %mul3A_15 = arith.constant 640 : i32
    %mul3A_16 = arith.muli %arg1, %mul3A_15 : i32
    %scan3A_17 = arith.constant 0 : i32
    %scan3A_18 = arith.constant 5 : i32
    %scan3A_19 = arith.addi %scan3A_17, %scan3A_18 : i32
    %scan3A_20 = arith.constant 1 : i32
    scf.for %scan3A_41 = %scan3A_17 to %scan3A_19 step %scan3A_20  : i32 {
      %mul3A_42 = arith.constant 1 : i32
      %mul3A_43 = arith.muli %scan3A_41, %mul3A_42 : i32
      %add3A_44 = arith.constant 0 : i32
      %add3A_45 = arith.addi %add3A_44, %mul3A_43 : i32
      %mul3A_46 = arith.constant 128 : i32
      %mul3A_47 = arith.muli %add3A_45, %mul3A_46 : i32
      %add3A_48 = arith.addi %mul3A_16, %mul3A_47 : i32
      "tpu.region"() ({
        %run_scoped3A = tpu.sem_alloc : memref<!tpu.dma_semaphore, #tpu.memory_space<semaphore_mem>>
        %dma_start3A = arith.constant 0 : i32
        %dma_start3A_49 = tpu.memref_slice %arg10[%add3A_48, %dma_start3A] : memref<10240x128xf32, #tpu.memory_space<vmem_shared>> -> memref<128x128xf32, #tpu.memory_space<vmem_shared>>
        %dma_start3A_50 = arith.constant 0 : i32
        %dma_start3A_51 = tpu.memref_slice %arg10[%add3A_48, %dma_start3A_50] : memref<10240x128xf32, #tpu.memory_space<vmem_shared>> -> memref<128x128xf32, #tpu.memory_space<vmem_shared>>
        tpu.enqueue_dma source(%arg9 : memref<128x128xf32, #tpu.memory_space<vmem>>) target(%dma_start3A_51 : memref<128x128xf32, #tpu.memory_space<vmem_shared>>) target_semaphore(%run_scoped3A : memref<!tpu.dma_semaphore, #tpu.memory_space<semaphore_mem>>)
        %dma_wait3A = arith.constant 0 : i32
        %dma_wait3A_52 = tpu.memref_slice %arg10[%add3A_48, %dma_wait3A] : memref<10240x128xf32, #tpu.memory_space<vmem_shared>> -> memref<128x128xf32, #tpu.memory_space<vmem_shared>>
        %dma_wait3A_53 = arith.constant 0 : i32
        %dma_wait3A_54 = tpu.memref_slice %arg10[%add3A_48, %dma_wait3A_53] : memref<10240x128xf32, #tpu.memory_space<vmem_shared>> -> memref<128x128xf32, #tpu.memory_space<vmem_shared>>
        tpu.wait_dma2 semaphore(%run_scoped3A : memref<!tpu.dma_semaphore, #tpu.memory_space<semaphore_mem>>) src(%arg9 : memref<128x128xf32, #tpu.memory_space<vmem>>) dst(%dma_wait3A_54 : memref<128x128xf32, #tpu.memory_space<vmem_shared>>)
        tpu.yield
      }) : () -> ()
    }
    %scan3A_21 = arith.constant 5 : i32
    %convert_element_type3A = arith.extui %eq3A_9 : i1 to i32
    %cond3A = arith.constant 0 : i32
    %cond3A_22 = arith.cmpi ne, %convert_element_type3A, %cond3A : i32
    scf.if %cond3A_22 {
      %broadcast_in_dim3A_41 = arith.constant 1.000000e+00 : f32
      %broadcast_in_dim3A_42 = vector.broadcast %broadcast_in_dim3A_41 : f32 to vector<16xf32>
      %scan3A_43 = arith.constant 0 : i32
      %scan3A_44 = arith.constant 128 : i32
      %scan3A_45 = arith.addi %scan3A_43, %scan3A_44 : i32
      %scan3A_46 = arith.constant 1 : i32
      scf.for %scan3A_48 = %scan3A_43 to %scan3A_45 step %scan3A_46  : i32 {
        %mul3A_49 = arith.constant 1 : i32
        %mul3A_50 = arith.muli %scan3A_48, %mul3A_49 : i32
        %add3A_51 = arith.constant 0 : i32
        %add3A_52 = arith.addi %add3A_51, %mul3A_50 : i32
        %scan3A_53 = arith.constant 0 : i32
        %scan3A_54 = arith.constant 8 : i32
        %scan3A_55 = arith.addi %scan3A_53, %scan3A_54 : i32
        %scan3A_56 = arith.constant 1 : i32
        scf.for %scan3A_58 = %scan3A_53 to %scan3A_55 step %scan3A_56  : i32 {
          %mul3A_59 = arith.constant 16 : i32
          %mul3A_60 = arith.muli %scan3A_58, %mul3A_59 : i32
          %add3A_61 = arith.constant 0 : i32
          %add3A_62 = arith.addi %add3A_61, %mul3A_60 : i32
          %swap3A = arith.index_cast %add3A_52 : i32 to index
          %swap3A_63 = arith.index_cast %add3A_62 : i32 to index
          %swap3A_64 = tpu.vector_load %arg9[%swap3A, %swap3A_63] {strides = array<i32>} : memref<128x128xf32, #tpu.memory_space<vmem>>, vector<16xf32>,
          tpu.vector_store %arg9[%swap3A, %swap3A_63], %broadcast_in_dim3A_42 {strides = array<i32>} : memref<128x128xf32, #tpu.memory_space<vmem>>, vector<16xf32>,
        }
        %scan3A_57 = arith.constant 8 : i32
      }
      %scan3A_47 = arith.constant 128 : i32
    } else {
    }
    %barrier3A = arith.constant 0 : index
    tpu.barrier barrier_id(%barrier3A)
    %mul3A_23 = arith.constant 80 : i32
    %mul3A_24 = arith.muli %add3A, %mul3A_23 : i32
    %mul3A_25 = arith.constant 128 : i32
    %mul3A_26 = arith.muli %mul3A_24, %mul3A_25 : i32
    %scan3A_27 = arith.constant 0 : i32
    %scan3A_28 = arith.constant 80 : i32
    %scan3A_29 = arith.addi %scan3A_27, %scan3A_28 : i32
    %scan3A_30 = arith.constant 1 : i32
    scf.for %scan3A_41 = %scan3A_27 to %scan3A_29 step %scan3A_30  : i32 {
      %mul3A_42 = arith.constant 1 : i32
      %mul3A_43 = arith.muli %scan3A_41, %mul3A_42 : i32
      %add3A_44 = arith.constant 0 : i32
      %add3A_45 = arith.addi %add3A_44, %mul3A_43 : i32
      %mul3A_46 = arith.constant 128 : i32
      %mul3A_47 = arith.muli %add3A_45, %mul3A_46 : i32
      %add3A_48 = arith.addi %mul3A_26, %mul3A_47 : i32
      "tpu.region"() ({
        %run_scoped3A = tpu.sem_alloc : memref<!tpu.dma_semaphore, #tpu.memory_space<semaphore_mem>>
        %dma_start3A = tpu.memref_slice %arg4[%add3A_48] : memref<327680xi32, #tpu.memory_space<hbm>> -> memref<128xi32, #tpu.memory_space<hbm>>
        %dma_start3A_53 = tpu.memref_slice %arg4[%add3A_48] : memref<327680xi32, #tpu.memory_space<hbm>> -> memref<128xi32, #tpu.memory_space<hbm>>
        tpu.enqueue_dma source(%dma_start3A_53 : memref<128xi32, #tpu.memory_space<hbm>>) target(%arg8 : memref<128xi32, #tpu.memory_space<vmem>>) target_semaphore(%run_scoped3A : memref<!tpu.dma_semaphore, #tpu.memory_space<semaphore_mem>>)
        %dma_wait3A = tpu.memref_slice %arg4[%add3A_48] : memref<327680xi32, #tpu.memory_space<hbm>> -> memref<128xi32, #tpu.memory_space<hbm>>
        %dma_wait3A_54 = tpu.memref_slice %arg4[%add3A_48] : memref<327680xi32, #tpu.memory_space<hbm>> -> memref<128xi32, #tpu.memory_space<hbm>>
        tpu.wait_dma2 semaphore(%run_scoped3A : memref<!tpu.dma_semaphore, #tpu.memory_space<semaphore_mem>>) src(%dma_wait3A_54 : memref<128xi32, #tpu.memory_space<hbm>>) dst(%arg8 : memref<128xi32, #tpu.memory_space<vmem>>)
        tpu.yield
      }) : () -> ()
      %not3A = arith.constant true
      %not3A_49 = arith.xori %eq3A_9, %not3A : i1
      %convert_element_type3A_50 = arith.extui %not3A_49 : i1 to i32
      %cond3A_51 = arith.constant 0 : i32
      %cond3A_52 = arith.cmpi ne, %convert_element_type3A_50, %cond3A_51 : i32
      scf.if %cond3A_52 {
        "tpu.region"() ({
          %run_scoped3A = tpu.sem_alloc : memref<!tpu.dma_semaphore, #tpu.memory_space<semaphore_mem>>
          %dma_start3A_57 = tpu.memref_slice %arg3[%add3A_48] : memref<327680xi32, #tpu.memory_space<hbm>> -> memref<128xi32, #tpu.memory_space<hbm>>
          %dma_start3A_58 = tpu.memref_slice %arg3[%add3A_48] : memref<327680xi32, #tpu.memory_space<hbm>> -> memref<128xi32, #tpu.memory_space<hbm>>
          tpu.enqueue_dma source(%dma_start3A_58 : memref<128xi32, #tpu.memory_space<hbm>>) target(%arg7 : memref<128xi32, #tpu.memory_space<vmem>>) target_semaphore(%run_scoped3A : memref<!tpu.dma_semaphore, #tpu.memory_space<semaphore_mem>>)
          %dma_wait3A_59 = tpu.memref_slice %arg3[%add3A_48] : memref<327680xi32, #tpu.memory_space<hbm>> -> memref<128xi32, #tpu.memory_space<hbm>>
          %dma_wait3A_60 = tpu.memref_slice %arg3[%add3A_48] : memref<327680xi32, #tpu.memory_space<hbm>> -> memref<128xi32, #tpu.memory_space<hbm>>
          tpu.wait_dma2 semaphore(%run_scoped3A : memref<!tpu.dma_semaphore, #tpu.memory_space<semaphore_mem>>) src(%dma_wait3A_60 : memref<128xi32, #tpu.memory_space<hbm>>) dst(%arg7 : memref<128xi32, #tpu.memory_space<vmem>>)
          tpu.yield
        }) : () -> ()
        %dma_start3A = arith.constant 0 : i32
        %dma_start3A_53 = arith.constant 0 : i32
        %dma_start3A_54 = tpu.memref_slice %arg2[%dma_start3A, %dma_start3A_53] : memref<10240x128xf32, #tpu.memory_space<hbm>> -> memref<10240x128xf32, #tpu.memory_space<hbm>>
        tpu.enqueue_indirect_dma source(%dma_start3A_54 : memref<10240x128xf32, #tpu.memory_space<hbm>>) target(%arg9 : memref<128x128xf32, #tpu.memory_space<vmem>>) offsets(%arg7 : memref<128xi32, #tpu.memory_space<vmem>>) semaphore(%arg12 : memref<!tpu.dma_semaphore, #tpu.memory_space<semaphore_mem>>)
        %dma_wait3A = arith.constant 0 : i32
        %dma_wait3A_55 = arith.constant 0 : i32
        %dma_wait3A_56 = tpu.memref_slice %arg2[%dma_wait3A, %dma_wait3A_55] : memref<10240x128xf32, #tpu.memory_space<hbm>> -> memref<10240x128xf32, #tpu.memory_space<hbm>>
        tpu.wait_indirect_dma semaphore(%arg12 : memref<!tpu.dma_semaphore, #tpu.memory_space<semaphore_mem>>) src(%dma_wait3A_56 : memref<10240x128xf32, #tpu.memory_space<hbm>>) dst(%arg9 : memref<128x128xf32, #tpu.memory_space<vmem>>)
      } else {
      }
      "tpu.region"() ({
        %run_scoped3A = tpu.sem_alloc : memref<!tpu.dma_semaphore, #tpu.memory_space<semaphore_mem>>
        %dma_start3A = arith.constant 0 : i32
        %dma_start3A_53 = arith.constant 0 : i32
        %dma_start3A_54 = tpu.memref_slice %arg10[%dma_start3A, %dma_start3A_53] : memref<10240x128xf32, #tpu.memory_space<vmem_shared>> -> memref<10240x128xf32, #tpu.memory_space<vmem_shared>>
        tpu.enqueue_indirect_dma source(%arg9 : memref<128x128xf32, #tpu.memory_space<vmem>>) target(%dma_start3A_54 : memref<10240x128xf32, #tpu.memory_space<vmem_shared>>) offsets(%arg8 : memref<128xi32, #tpu.memory_space<vmem>>) semaphore(%run_scoped3A : memref<!tpu.dma_semaphore, #tpu.memory_space<semaphore_mem>>) {add = true}
        %dma_wait3A = arith.constant 0 : i32
        %dma_wait3A_55 = arith.constant 0 : i32
        %dma_wait3A_56 = tpu.memref_slice %arg10[%dma_wait3A, %dma_wait3A_55] : memref<10240x128xf32, #tpu.memory_space<vmem_shared>> -> memref<10240x128xf32, #tpu.memory_space<vmem_shared>>
        tpu.wait_indirect_dma semaphore(%run_scoped3A : memref<!tpu.dma_semaphore, #tpu.memory_space<semaphore_mem>>) src(%arg9 : memref<128x128xf32, #tpu.memory_space<vmem>>) dst(%dma_wait3A_56 : memref<10240x128xf32, #tpu.memory_space<vmem_shared>>)
        tpu.yield
      }) : () -> ()
    }
    %scan3A_31 = arith.constant 80 : i32
    %barrier3A_32 = arith.constant 0 : index
    tpu.barrier barrier_id(%barrier3A_32)
    %mul3A_33 = arith.constant 10240 : i32
    %mul3A_34 = arith.muli %arg0, %mul3A_33 : i32
    %add3A_35 = arith.addi %mul3A_34, %mul3A_16 : i32
    %scan3A_36 = arith.constant 0 : i32
    %scan3A_37 = arith.constant 5 : i32
    %scan3A_38 = arith.addi %scan3A_36, %scan3A_37 : i32
    %scan3A_39 = arith.constant 1 : i32
    scf.for %scan3A_41 = %scan3A_36 to %scan3A_38 step %scan3A_39  : i32 {
      %mul3A_42 = arith.constant 1 : i32
      %mul3A_43 = arith.muli %scan3A_41, %mul3A_42 : i32
      %add3A_44 = arith.constant 0 : i32
      %add3A_45 = arith.addi %add3A_44, %mul3A_43 : i32
      %mul3A_46 = arith.constant 128 : i32
      %mul3A_47 = arith.muli %add3A_45, %mul3A_46 : i32
      %add3A_48 = arith.addi %mul3A_16, %mul3A_47 : i32
      "tpu.region"() ({
        %run_scoped3A = tpu.sem_alloc : memref<!tpu.dma_semaphore, #tpu.memory_space<semaphore_mem>>
        %dma_start3A = arith.constant 0 : i32
        %dma_start3A_52 = tpu.memref_slice %arg10[%add3A_48, %dma_start3A] : memref<10240x128xf32, #tpu.memory_space<vmem_shared>> -> memref<128x128xf32, #tpu.memory_space<vmem_shared>>
        %dma_start3A_53 = arith.constant 0 : i32
        %dma_start3A_54 = tpu.memref_slice %arg10[%add3A_48, %dma_start3A_53] : memref<10240x128xf32, #tpu.memory_space<vmem_shared>> -> memref<128x128xf32, #tpu.memory_space<vmem_shared>>
        tpu.enqueue_dma source(%dma_start3A_54 : memref<128x128xf32, #tpu.memory_space<vmem_shared>>) target(%arg9 : memref<128x128xf32, #tpu.memory_space<vmem>>) target_semaphore(%run_scoped3A : memref<!tpu.dma_semaphore, #tpu.memory_space<semaphore_mem>>)
        %dma_wait3A = arith.constant 0 : i32
        %dma_wait3A_55 = tpu.memref_slice %arg10[%add3A_48, %dma_wait3A] : memref<10240x128xf32, #tpu.memory_space<vmem_shared>> -> memref<128x128xf32, #tpu.memory_space<vmem_shared>>
        %dma_wait3A_56 = arith.constant 0 : i32
        %dma_wait3A_57 = tpu.memref_slice %arg10[%add3A_48, %dma_wait3A_56] : memref<10240x128xf32, #tpu.memory_space<vmem_shared>> -> memref<128x128xf32, #tpu.memory_space<vmem_shared>>
        tpu.wait_dma2 semaphore(%run_scoped3A : memref<!tpu.dma_semaphore, #tpu.memory_space<semaphore_mem>>) src(%dma_wait3A_57 : memref<128x128xf32, #tpu.memory_space<vmem_shared>>) dst(%arg9 : memref<128x128xf32, #tpu.memory_space<vmem>>)
        tpu.yield
      }) : () -> ()
      %mul3A_49 = arith.constant 128 : i32
      %mul3A_50 = arith.muli %add3A_45, %mul3A_49 : i32
      %add3A_51 = arith.addi %add3A_35, %mul3A_50 : i32
      "tpu.region"() ({
        %run_scoped3A = tpu.sem_alloc : memref<!tpu.dma_semaphore, #tpu.memory_space<semaphore_mem>>
        %dma_start3A = arith.constant 0 : i32
        %dma_start3A_52 = tpu.memref_slice %arg6[%add3A_51, %dma_start3A] : memref<20480x128xf32, #tpu.memory_space<hbm>> -> memref<128x128xf32, #tpu.memory_space<hbm>>
        %dma_start3A_53 = arith.constant 0 : i32
        %dma_start3A_54 = tpu.memref_slice %arg6[%add3A_51, %dma_start3A_53] : memref<20480x128xf32, #tpu.memory_space<hbm>> -> memref<128x128xf32, #tpu.memory_space<hbm>>
        tpu.enqueue_dma source(%arg9 : memref<128x128xf32, #tpu.memory_space<vmem>>) target(%dma_start3A_54 : memref<128x128xf32, #tpu.memory_space<hbm>>) target_semaphore(%run_scoped3A : memref<!tpu.dma_semaphore, #tpu.memory_space<semaphore_mem>>)
        %dma_wait3A = arith.constant 0 : i32
        %dma_wait3A_55 = tpu.memref_slice %arg6[%add3A_51, %dma_wait3A] : memref<20480x128xf32, #tpu.memory_space<hbm>> -> memref<128x128xf32, #tpu.memory_space<hbm>>
        %dma_wait3A_56 = arith.constant 0 : i32
        %dma_wait3A_57 = tpu.memref_slice %arg6[%add3A_51, %dma_wait3A_56] : memref<20480x128xf32, #tpu.memory_space<hbm>> -> memref<128x128xf32, #tpu.memory_space<hbm>>
        tpu.wait_dma2 semaphore(%run_scoped3A : memref<!tpu.dma_semaphore, #tpu.memory_space<semaphore_mem>>) src(%arg9 : memref<128x128xf32, #tpu.memory_space<vmem>>) dst(%dma_wait3A_57 : memref<128x128xf32, #tpu.memory_space<hbm>>)
        tpu.yield
      }) : () -> ()
    }
    %scan3A_40 = arith.constant 5 : i32
    return
  }
}

#map = affine_map<(d0, d1) -> (0, 0)>
#map1 = affine_map<(d0, d1) -> (0)>
module attributes {stable_mosaic.version = 14 : i64} {
  func.func @_sc_agg(%arg0: i32, %arg1: i32, %arg2: memref<10240x128xf32, #tpu.memory_space<hbm>>, %arg3: memref<327680xi32, #tpu.memory_space<hbm>>, %arg4: memref<327680xi32, #tpu.memory_space<hbm>>, %arg5: memref<16xi32, #tpu.memory_space<hbm>>, %arg6: memref<20480x128xf32, #tpu.memory_space<hbm>>, %arg7: memref<128xi32, #tpu.memory_space<vmem>>, %arg8: memref<128xi32, #tpu.memory_space<vmem>>, %arg9: memref<128x128xf32, #tpu.memory_space<vmem>>, %arg10: memref<10240x128xf32, #tpu.memory_space<vmem_shared>>, %arg11: memref<16xi32, #tpu.memory_space<vmem>>, %arg12: memref<!tpu.dma_semaphore, #tpu.memory_space<semaphore_mem>>) attributes {dimension_semantics = [#tpu.dimension_semantics<core_parallel>, #tpu.dimension_semantics<subcore_parallel>], iteration_bounds = array<i64: 2, 16>, scalar_prefetch = 0 : i64, scratch_operands = 6 : i64, tpu.core_type = #tpu.core_type<sc_vector_subcore>, window_params = [{transform_indices = #map}, {transform_indices = #map1}, {transform_indices = #map1}, {transform_indices = #map1}, {transform_indices = #map}]} {
    %mul3A = arith.constant 2 : i32
    %mul3A_0 = arith.muli %arg1, %mul3A : i32
    %add3A = arith.addi %mul3A_0, %arg0 : i32
    "tpu.region"() ({
      %run_scoped3A = tpu.sem_alloc : memref<!tpu.dma_semaphore, #tpu.memory_space<semaphore_mem>>
      tpu.enqueue_dma source(%arg5 : memref<16xi32, #tpu.memory_space<hbm>>) target(%arg11 : memref<16xi32, #tpu.memory_space<vmem>>) target_semaphore(%run_scoped3A : memref<!tpu.dma_semaphore, #tpu.memory_space<semaphore_mem>>)
      tpu.wait_dma2 semaphore(%run_scoped3A : memref<!tpu.dma_semaphore, #tpu.memory_space<semaphore_mem>>) src(%arg5 : memref<16xi32, #tpu.memory_space<hbm>>) dst(%arg11 : memref<16xi32, #tpu.memory_space<vmem>>)
      tpu.yield
    }) : () -> ()
    %get3A = arith.constant 0 : index
    %get3A_1 = tpu.vector_load %arg11[%get3A] {strides = array<i32>} : memref<16xi32, #tpu.memory_space<vmem>>, vector<16xi32>,
    %reduce_max3A = arith.constant true
    %reduce_max3A_2 = vector.broadcast %reduce_max3A : i1 to vector<16xi1>
    %reduce_max3A_3 = arith.constant -2147483648 : i32
    %reduce_max3A_4 = vector.broadcast %reduce_max3A_3 : i32 to vector<16xi32>
    %reduce_max3A_5 = arith.xori %get3A_1, %reduce_max3A_4 : vector<16xi32>
    %reduce_max3A_6 = tpu.scan <max>, %reduce_max3A_5 masked %reduce_max3A_2 : vector<16xi32>, vector<16xi1> -> vector<16xi32>
    %reduce_max3A_7 = arith.xori %reduce_max3A_6, %reduce_max3A_4 : vector<16xi32>
    %reduce_max3A_8 = vector.extract %reduce_max3A_7[15] : i32 from vector<16xi32>
    %eq3A = arith.constant 1 : i32
    %eq3A_9 = arith.cmpi eq, %reduce_max3A_8, %eq3A : i32
    %broadcast_in_dim3A = arith.constant 0.000000e+00 : f32
    %broadcast_in_dim3A_10 = vector.broadcast %broadcast_in_dim3A : f32 to vector<16xf32>
    %scan3A = arith.constant 0 : i32
    %scan3A_11 = arith.constant 128 : i32
    %scan3A_12 = arith.addi %scan3A, %scan3A_11 : i32
    %scan3A_13 = arith.constant 1 : i32
    scf.for %scan3A_41 = %scan3A to %scan3A_12 step %scan3A_13  : i32 {
      %mul3A_42 = arith.constant 1 : i32
      %mul3A_43 = arith.muli %scan3A_41, %mul3A_42 : i32
      %add3A_44 = arith.constant 0 : i32
      %add3A_45 = arith.addi %add3A_44, %mul3A_43 : i32
      %scan3A_46 = arith.constant 0 : i32
      %scan3A_47 = arith.constant 8 : i32
      %scan3A_48 = arith.addi %scan3A_46, %scan3A_47 : i32
      %scan3A_49 = arith.constant 1 : i32
      scf.for %scan3A_51 = %scan3A_46 to %scan3A_48 step %scan3A_49  : i32 {
        %mul3A_52 = arith.constant 16 : i32
        %mul3A_53 = arith.muli %scan3A_51, %mul3A_52 : i32
        %add3A_54 = arith.constant 0 : i32
        %add3A_55 = arith.addi %add3A_54, %mul3A_53 : i32
        %swap3A = arith.index_cast %add3A_45 : i32 to index
        %swap3A_56 = arith.index_cast %add3A_55 : i32 to index
        %swap3A_57 = tpu.vector_load %arg9[%swap3A, %swap3A_56] {strides = array<i32>} : memref<128x128xf32, #tpu.memory_space<vmem>>, vector<16xf32>,
        tpu.vector_store %arg9[%swap3A, %swap3A_56], %broadcast_in_dim3A_10 {strides = array<i32>} : memref<128x128xf32, #tpu.memory_space<vmem>>, vector<16xf32>,
      }
      %scan3A_50 = arith.constant 8 : i32
    }
    %scan3A_14 = arith.constant 128 : i32
    %mul3A_15 = arith.constant 640 : i32
    %mul3A_16 = arith.muli %arg1, %mul3A_15 : i32
    %scan3A_17 = arith.constant 0 : i32
    %scan3A_18 = arith.constant 5 : i32
    %scan3A_19 = arith.addi %scan3A_17, %scan3A_18 : i32
    %scan3A_20 = arith.constant 1 : i32
    scf.for %scan3A_41 = %scan3A_17 to %scan3A_19 step %scan3A_20  : i32 {
      %mul3A_42 = arith.constant 1 : i32
      %mul3A_43 = arith.muli %scan3A_41, %mul3A_42 : i32
      %add3A_44 = arith.constant 0 : i32
      %add3A_45 = arith.addi %add3A_44, %mul3A_43 : i32
      %mul3A_46 = arith.constant 128 : i32
      %mul3A_47 = arith.muli %add3A_45, %mul3A_46 : i32
      %add3A_48 = arith.addi %mul3A_16, %mul3A_47 : i32
      "tpu.region"() ({
        %run_scoped3A = tpu.sem_alloc : memref<!tpu.dma_semaphore, #tpu.memory_space<semaphore_mem>>
        %dma_start3A = arith.constant 0 : i32
        %dma_start3A_49 = tpu.memref_slice %arg10[%add3A_48, %dma_start3A] : memref<10240x128xf32, #tpu.memory_space<vmem_shared>> -> memref<128x128xf32, #tpu.memory_space<vmem_shared>>
        %dma_start3A_50 = arith.constant 0 : i32
        %dma_start3A_51 = tpu.memref_slice %arg10[%add3A_48, %dma_start3A_50] : memref<10240x128xf32, #tpu.memory_space<vmem_shared>> -> memref<128x128xf32, #tpu.memory_space<vmem_shared>>
        tpu.enqueue_dma source(%arg9 : memref<128x128xf32, #tpu.memory_space<vmem>>) target(%dma_start3A_51 : memref<128x128xf32, #tpu.memory_space<vmem_shared>>) target_semaphore(%run_scoped3A : memref<!tpu.dma_semaphore, #tpu.memory_space<semaphore_mem>>)
        %dma_wait3A = arith.constant 0 : i32
        %dma_wait3A_52 = tpu.memref_slice %arg10[%add3A_48, %dma_wait3A] : memref<10240x128xf32, #tpu.memory_space<vmem_shared>> -> memref<128x128xf32, #tpu.memory_space<vmem_shared>>
        %dma_wait3A_53 = arith.constant 0 : i32
        %dma_wait3A_54 = tpu.memref_slice %arg10[%add3A_48, %dma_wait3A_53] : memref<10240x128xf32, #tpu.memory_space<vmem_shared>> -> memref<128x128xf32, #tpu.memory_space<vmem_shared>>
        tpu.wait_dma2 semaphore(%run_scoped3A : memref<!tpu.dma_semaphore, #tpu.memory_space<semaphore_mem>>) src(%arg9 : memref<128x128xf32, #tpu.memory_space<vmem>>) dst(%dma_wait3A_54 : memref<128x128xf32, #tpu.memory_space<vmem_shared>>)
        tpu.yield
      }) : () -> ()
    }
    %scan3A_21 = arith.constant 5 : i32
    %convert_element_type3A = arith.extui %eq3A_9 : i1 to i32
    %cond3A = arith.constant 0 : i32
    %cond3A_22 = arith.cmpi ne, %convert_element_type3A, %cond3A : i32
    scf.if %cond3A_22 {
      %broadcast_in_dim3A_41 = arith.constant 1.000000e+00 : f32
      %broadcast_in_dim3A_42 = vector.broadcast %broadcast_in_dim3A_41 : f32 to vector<16xf32>
      %scan3A_43 = arith.constant 0 : i32
      %scan3A_44 = arith.constant 128 : i32
      %scan3A_45 = arith.addi %scan3A_43, %scan3A_44 : i32
      %scan3A_46 = arith.constant 1 : i32
      scf.for %scan3A_48 = %scan3A_43 to %scan3A_45 step %scan3A_46  : i32 {
        %mul3A_49 = arith.constant 1 : i32
        %mul3A_50 = arith.muli %scan3A_48, %mul3A_49 : i32
        %add3A_51 = arith.constant 0 : i32
        %add3A_52 = arith.addi %add3A_51, %mul3A_50 : i32
        %scan3A_53 = arith.constant 0 : i32
        %scan3A_54 = arith.constant 8 : i32
        %scan3A_55 = arith.addi %scan3A_53, %scan3A_54 : i32
        %scan3A_56 = arith.constant 1 : i32
        scf.for %scan3A_58 = %scan3A_53 to %scan3A_55 step %scan3A_56  : i32 {
          %mul3A_59 = arith.constant 16 : i32
          %mul3A_60 = arith.muli %scan3A_58, %mul3A_59 : i32
          %add3A_61 = arith.constant 0 : i32
          %add3A_62 = arith.addi %add3A_61, %mul3A_60 : i32
          %swap3A = arith.index_cast %add3A_52 : i32 to index
          %swap3A_63 = arith.index_cast %add3A_62 : i32 to index
          %swap3A_64 = tpu.vector_load %arg9[%swap3A, %swap3A_63] {strides = array<i32>} : memref<128x128xf32, #tpu.memory_space<vmem>>, vector<16xf32>,
          tpu.vector_store %arg9[%swap3A, %swap3A_63], %broadcast_in_dim3A_42 {strides = array<i32>} : memref<128x128xf32, #tpu.memory_space<vmem>>, vector<16xf32>,
        }
        %scan3A_57 = arith.constant 8 : i32
      }
      %scan3A_47 = arith.constant 128 : i32
    } else {
    }
    %barrier3A = arith.constant 0 : index
    tpu.barrier barrier_id(%barrier3A)
    %mul3A_23 = arith.constant 80 : i32
    %mul3A_24 = arith.muli %add3A, %mul3A_23 : i32
    %mul3A_25 = arith.constant 128 : i32
    %mul3A_26 = arith.muli %mul3A_24, %mul3A_25 : i32
    %scan3A_27 = arith.constant 0 : i32
    %scan3A_28 = arith.constant 80 : i32
    %scan3A_29 = arith.addi %scan3A_27, %scan3A_28 : i32
    %scan3A_30 = arith.constant 1 : i32
    scf.for %scan3A_41 = %scan3A_27 to %scan3A_29 step %scan3A_30  : i32 {
      %mul3A_42 = arith.constant 1 : i32
      %mul3A_43 = arith.muli %scan3A_41, %mul3A_42 : i32
      %add3A_44 = arith.constant 0 : i32
      %add3A_45 = arith.addi %add3A_44, %mul3A_43 : i32
      %mul3A_46 = arith.constant 128 : i32
      %mul3A_47 = arith.muli %add3A_45, %mul3A_46 : i32
      %add3A_48 = arith.addi %mul3A_26, %mul3A_47 : i32
      "tpu.region"() ({
        %run_scoped3A = tpu.sem_alloc : memref<!tpu.dma_semaphore, #tpu.memory_space<semaphore_mem>>
        %dma_start3A = tpu.memref_slice %arg4[%add3A_48] : memref<327680xi32, #tpu.memory_space<hbm>> -> memref<128xi32, #tpu.memory_space<hbm>>
        %dma_start3A_53 = tpu.memref_slice %arg4[%add3A_48] : memref<327680xi32, #tpu.memory_space<hbm>> -> memref<128xi32, #tpu.memory_space<hbm>>
        tpu.enqueue_dma source(%dma_start3A_53 : memref<128xi32, #tpu.memory_space<hbm>>) target(%arg8 : memref<128xi32, #tpu.memory_space<vmem>>) target_semaphore(%run_scoped3A : memref<!tpu.dma_semaphore, #tpu.memory_space<semaphore_mem>>)
        %dma_wait3A = tpu.memref_slice %arg4[%add3A_48] : memref<327680xi32, #tpu.memory_space<hbm>> -> memref<128xi32, #tpu.memory_space<hbm>>
        %dma_wait3A_54 = tpu.memref_slice %arg4[%add3A_48] : memref<327680xi32, #tpu.memory_space<hbm>> -> memref<128xi32, #tpu.memory_space<hbm>>
        tpu.wait_dma2 semaphore(%run_scoped3A : memref<!tpu.dma_semaphore, #tpu.memory_space<semaphore_mem>>) src(%dma_wait3A_54 : memref<128xi32, #tpu.memory_space<hbm>>) dst(%arg8 : memref<128xi32, #tpu.memory_space<vmem>>)
        tpu.yield
      }) : () -> ()
      %not3A = arith.constant true
      %not3A_49 = arith.xori %eq3A_9, %not3A : i1
      %convert_element_type3A_50 = arith.extui %not3A_49 : i1 to i32
      %cond3A_51 = arith.constant 0 : i32
      %cond3A_52 = arith.cmpi ne, %convert_element_type3A_50, %cond3A_51 : i32
      scf.if %cond3A_52 {
        "tpu.region"() ({
          %run_scoped3A = tpu.sem_alloc : memref<!tpu.dma_semaphore, #tpu.memory_space<semaphore_mem>>
          %dma_start3A_57 = tpu.memref_slice %arg3[%add3A_48] : memref<327680xi32, #tpu.memory_space<hbm>> -> memref<128xi32, #tpu.memory_space<hbm>>
          %dma_start3A_58 = tpu.memref_slice %arg3[%add3A_48] : memref<327680xi32, #tpu.memory_space<hbm>> -> memref<128xi32, #tpu.memory_space<hbm>>
          tpu.enqueue_dma source(%dma_start3A_58 : memref<128xi32, #tpu.memory_space<hbm>>) target(%arg7 : memref<128xi32, #tpu.memory_space<vmem>>) target_semaphore(%run_scoped3A : memref<!tpu.dma_semaphore, #tpu.memory_space<semaphore_mem>>)
          %dma_wait3A_59 = tpu.memref_slice %arg3[%add3A_48] : memref<327680xi32, #tpu.memory_space<hbm>> -> memref<128xi32, #tpu.memory_space<hbm>>
          %dma_wait3A_60 = tpu.memref_slice %arg3[%add3A_48] : memref<327680xi32, #tpu.memory_space<hbm>> -> memref<128xi32, #tpu.memory_space<hbm>>
          tpu.wait_dma2 semaphore(%run_scoped3A : memref<!tpu.dma_semaphore, #tpu.memory_space<semaphore_mem>>) src(%dma_wait3A_60 : memref<128xi32, #tpu.memory_space<hbm>>) dst(%arg7 : memref<128xi32, #tpu.memory_space<vmem>>)
          tpu.yield
        }) : () -> ()
        %dma_start3A = arith.constant 0 : i32
        %dma_start3A_53 = arith.constant 0 : i32
        %dma_start3A_54 = tpu.memref_slice %arg2[%dma_start3A, %dma_start3A_53] : memref<10240x128xf32, #tpu.memory_space<hbm>> -> memref<10240x128xf32, #tpu.memory_space<hbm>>
        tpu.enqueue_indirect_dma source(%dma_start3A_54 : memref<10240x128xf32, #tpu.memory_space<hbm>>) target(%arg9 : memref<128x128xf32, #tpu.memory_space<vmem>>) offsets(%arg7 : memref<128xi32, #tpu.memory_space<vmem>>) semaphore(%arg12 : memref<!tpu.dma_semaphore, #tpu.memory_space<semaphore_mem>>)
        %dma_wait3A = arith.constant 0 : i32
        %dma_wait3A_55 = arith.constant 0 : i32
        %dma_wait3A_56 = tpu.memref_slice %arg2[%dma_wait3A, %dma_wait3A_55] : memref<10240x128xf32, #tpu.memory_space<hbm>> -> memref<10240x128xf32, #tpu.memory_space<hbm>>
        tpu.wait_indirect_dma semaphore(%arg12 : memref<!tpu.dma_semaphore, #tpu.memory_space<semaphore_mem>>) src(%dma_wait3A_56 : memref<10240x128xf32, #tpu.memory_space<hbm>>) dst(%arg9 : memref<128x128xf32, #tpu.memory_space<vmem>>)
      } else {
      }
      "tpu.region"() ({
        %run_scoped3A = tpu.sem_alloc : memref<!tpu.dma_semaphore, #tpu.memory_space<semaphore_mem>>
        %dma_start3A = arith.constant 0 : i32
        %dma_start3A_53 = arith.constant 0 : i32
        %dma_start3A_54 = tpu.memref_slice %arg10[%dma_start3A, %dma_start3A_53] : memref<10240x128xf32, #tpu.memory_space<vmem_shared>> -> memref<10240x128xf32, #tpu.memory_space<vmem_shared>>
        tpu.enqueue_indirect_dma source(%arg9 : memref<128x128xf32, #tpu.memory_space<vmem>>) target(%dma_start3A_54 : memref<10240x128xf32, #tpu.memory_space<vmem_shared>>) offsets(%arg8 : memref<128xi32, #tpu.memory_space<vmem>>) semaphore(%run_scoped3A : memref<!tpu.dma_semaphore, #tpu.memory_space<semaphore_mem>>) {add = true}
        %dma_wait3A = arith.constant 0 : i32
        %dma_wait3A_55 = arith.constant 0 : i32
        %dma_wait3A_56 = tpu.memref_slice %arg10[%dma_wait3A, %dma_wait3A_55] : memref<10240x128xf32, #tpu.memory_space<vmem_shared>> -> memref<10240x128xf32, #tpu.memory_space<vmem_shared>>
        tpu.wait_indirect_dma semaphore(%run_scoped3A : memref<!tpu.dma_semaphore, #tpu.memory_space<semaphore_mem>>) src(%arg9 : memref<128x128xf32, #tpu.memory_space<vmem>>) dst(%dma_wait3A_56 : memref<10240x128xf32, #tpu.memory_space<vmem_shared>>)
        tpu.yield
      }) : () -> ()
    }
    %scan3A_31 = arith.constant 80 : i32
    %barrier3A_32 = arith.constant 0 : index
    tpu.barrier barrier_id(%barrier3A_32)
    %mul3A_33 = arith.constant 10240 : i32
    %mul3A_34 = arith.muli %arg0, %mul3A_33 : i32
    %add3A_35 = arith.addi %mul3A_34, %mul3A_16 : i32
    %scan3A_36 = arith.constant 0 : i32
    %scan3A_37 = arith.constant 5 : i32
    %scan3A_38 = arith.addi %scan3A_36, %scan3A_37 : i32
    %scan3A_39 = arith.constant 1 : i32
    scf.for %scan3A_41 = %scan3A_36 to %scan3A_38 step %scan3A_39  : i32 {
      %mul3A_42 = arith.constant 1 : i32
      %mul3A_43 = arith.muli %scan3A_41, %mul3A_42 : i32
      %add3A_44 = arith.constant 0 : i32
      %add3A_45 = arith.addi %add3A_44, %mul3A_43 : i32
      %mul3A_46 = arith.constant 128 : i32
      %mul3A_47 = arith.muli %add3A_45, %mul3A_46 : i32
      %add3A_48 = arith.addi %mul3A_16, %mul3A_47 : i32
      "tpu.region"() ({
        %run_scoped3A = tpu.sem_alloc : memref<!tpu.dma_semaphore, #tpu.memory_space<semaphore_mem>>
        %dma_start3A = arith.constant 0 : i32
        %dma_start3A_52 = tpu.memref_slice %arg10[%add3A_48, %dma_start3A] : memref<10240x128xf32, #tpu.memory_space<vmem_shared>> -> memref<128x128xf32, #tpu.memory_space<vmem_shared>>
        %dma_start3A_53 = arith.constant 0 : i32
        %dma_start3A_54 = tpu.memref_slice %arg10[%add3A_48, %dma_start3A_53] : memref<10240x128xf32, #tpu.memory_space<vmem_shared>> -> memref<128x128xf32, #tpu.memory_space<vmem_shared>>
        tpu.enqueue_dma source(%dma_start3A_54 : memref<128x128xf32, #tpu.memory_space<vmem_shared>>) target(%arg9 : memref<128x128xf32, #tpu.memory_space<vmem>>) target_semaphore(%run_scoped3A : memref<!tpu.dma_semaphore, #tpu.memory_space<semaphore_mem>>)
        %dma_wait3A = arith.constant 0 : i32
        %dma_wait3A_55 = tpu.memref_slice %arg10[%add3A_48, %dma_wait3A] : memref<10240x128xf32, #tpu.memory_space<vmem_shared>> -> memref<128x128xf32, #tpu.memory_space<vmem_shared>>
        %dma_wait3A_56 = arith.constant 0 : i32
        %dma_wait3A_57 = tpu.memref_slice %arg10[%add3A_48, %dma_wait3A_56] : memref<10240x128xf32, #tpu.memory_space<vmem_shared>> -> memref<128x128xf32, #tpu.memory_space<vmem_shared>>
        tpu.wait_dma2 semaphore(%run_scoped3A : memref<!tpu.dma_semaphore, #tpu.memory_space<semaphore_mem>>) src(%dma_wait3A_57 : memref<128x128xf32, #tpu.memory_space<vmem_shared>>) dst(%arg9 : memref<128x128xf32, #tpu.memory_space<vmem>>)
        tpu.yield
      }) : () -> ()
      %mul3A_49 = arith.constant 128 : i32
      %mul3A_50 = arith.muli %add3A_45, %mul3A_49 : i32
      %add3A_51 = arith.addi %add3A_35, %mul3A_50 : i32
      "tpu.region"() ({
        %run_scoped3A = tpu.sem_alloc : memref<!tpu.dma_semaphore, #tpu.memory_space<semaphore_mem>>
        %dma_start3A = arith.constant 0 : i32
        %dma_start3A_52 = tpu.memref_slice %arg6[%add3A_51, %dma_start3A] : memref<20480x128xf32, #tpu.memory_space<hbm>> -> memref<128x128xf32, #tpu.memory_space<hbm>>
        %dma_start3A_53 = arith.constant 0 : i32
        %dma_start3A_54 = tpu.memref_slice %arg6[%add3A_51, %dma_start3A_53] : memref<20480x128xf32, #tpu.memory_space<hbm>> -> memref<128x128xf32, #tpu.memory_space<hbm>>
        tpu.enqueue_dma source(%arg9 : memref<128x128xf32, #tpu.memory_space<vmem>>) target(%dma_start3A_54 : memref<128x128xf32, #tpu.memory_space<hbm>>) target_semaphore(%run_scoped3A : memref<!tpu.dma_semaphore, #tpu.memory_space<semaphore_mem>>)
        %dma_wait3A = arith.constant 0 : i32
        %dma_wait3A_55 = tpu.memref_slice %arg6[%add3A_51, %dma_wait3A] : memref<20480x128xf32, #tpu.memory_space<hbm>> -> memref<128x128xf32, #tpu.memory_space<hbm>>
        %dma_wait3A_56 = arith.constant 0 : i32
        %dma_wait3A_57 = tpu.memref_slice %arg6[%add3A_51, %dma_wait3A_56] : memref<20480x128xf32, #tpu.memory_space<hbm>> -> memref<128x128xf32, #tpu.memory_space<hbm>>
        tpu.wait_dma2 semaphore(%run_scoped3A : memref<!tpu.dma_semaphore, #tpu.memory_space<semaphore_mem>>) src(%arg9 : memref<128x128xf32, #tpu.memory_space<vmem>>) dst(%dma_wait3A_57 : memref<128x128xf32, #tpu.memory_space<hbm>>)
        tpu.yield
      }) : () -> ()
    }
    %scan3A_40 = arith.constant 5 : i32
    return
  }
}

#map = affine_map<(d0, d1) -> (0, 0)>
#map1 = affine_map<(d0, d1) -> (0)>
module attributes {stable_mosaic.version = 14 : i64} {
  func.func @_sc_agg(%arg0: i32, %arg1: i32, %arg2: memref<10240x128xf32, #tpu.memory_space<hbm>>, %arg3: memref<327680xi32, #tpu.memory_space<hbm>>, %arg4: memref<327680xi32, #tpu.memory_space<hbm>>, %arg5: memref<16xi32, #tpu.memory_space<hbm>>, %arg6: memref<20480x128xf32, #tpu.memory_space<hbm>>, %arg7: memref<128xi32, #tpu.memory_space<vmem>>, %arg8: memref<128xi32, #tpu.memory_space<vmem>>, %arg9: memref<128x128xf32, #tpu.memory_space<vmem>>, %arg10: memref<10240x128xf32, #tpu.memory_space<vmem_shared>>, %arg11: memref<16xi32, #tpu.memory_space<vmem>>, %arg12: memref<!tpu.dma_semaphore, #tpu.memory_space<semaphore_mem>>) attributes {dimension_semantics = [#tpu.dimension_semantics<core_parallel>, #tpu.dimension_semantics<subcore_parallel>], iteration_bounds = array<i64: 2, 16>, scalar_prefetch = 0 : i64, scratch_operands = 6 : i64, tpu.core_type = #tpu.core_type<sc_vector_subcore>, window_params = [{transform_indices = #map}, {transform_indices = #map1}, {transform_indices = #map1}, {transform_indices = #map1}, {transform_indices = #map}]} {
    %mul3A = arith.constant 2 : i32
    %mul3A_0 = arith.muli %arg1, %mul3A : i32
    %add3A = arith.addi %mul3A_0, %arg0 : i32
    "tpu.region"() ({
      %run_scoped3A = tpu.sem_alloc : memref<!tpu.dma_semaphore, #tpu.memory_space<semaphore_mem>>
      tpu.enqueue_dma source(%arg5 : memref<16xi32, #tpu.memory_space<hbm>>) target(%arg11 : memref<16xi32, #tpu.memory_space<vmem>>) target_semaphore(%run_scoped3A : memref<!tpu.dma_semaphore, #tpu.memory_space<semaphore_mem>>)
      tpu.wait_dma2 semaphore(%run_scoped3A : memref<!tpu.dma_semaphore, #tpu.memory_space<semaphore_mem>>) src(%arg5 : memref<16xi32, #tpu.memory_space<hbm>>) dst(%arg11 : memref<16xi32, #tpu.memory_space<vmem>>)
      tpu.yield
    }) : () -> ()
    %get3A = arith.constant 0 : index
    %get3A_1 = tpu.vector_load %arg11[%get3A] {strides = array<i32>} : memref<16xi32, #tpu.memory_space<vmem>>, vector<16xi32>,
    %reduce_max3A = arith.constant true
    %reduce_max3A_2 = vector.broadcast %reduce_max3A : i1 to vector<16xi1>
    %reduce_max3A_3 = arith.constant -2147483648 : i32
    %reduce_max3A_4 = vector.broadcast %reduce_max3A_3 : i32 to vector<16xi32>
    %reduce_max3A_5 = arith.xori %get3A_1, %reduce_max3A_4 : vector<16xi32>
    %reduce_max3A_6 = tpu.scan <max>, %reduce_max3A_5 masked %reduce_max3A_2 : vector<16xi32>, vector<16xi1> -> vector<16xi32>
    %reduce_max3A_7 = arith.xori %reduce_max3A_6, %reduce_max3A_4 : vector<16xi32>
    %reduce_max3A_8 = vector.extract %reduce_max3A_7[15] : i32 from vector<16xi32>
    %eq3A = arith.constant 1 : i32
    %eq3A_9 = arith.cmpi eq, %reduce_max3A_8, %eq3A : i32
    %broadcast_in_dim3A = arith.constant 0.000000e+00 : f32
    %broadcast_in_dim3A_10 = vector.broadcast %broadcast_in_dim3A : f32 to vector<16xf32>
    %scan3A = arith.constant 0 : i32
    %scan3A_11 = arith.constant 128 : i32
    %scan3A_12 = arith.addi %scan3A, %scan3A_11 : i32
    %scan3A_13 = arith.constant 1 : i32
    scf.for %scan3A_41 = %scan3A to %scan3A_12 step %scan3A_13  : i32 {
      %mul3A_42 = arith.constant 1 : i32
      %mul3A_43 = arith.muli %scan3A_41, %mul3A_42 : i32
      %add3A_44 = arith.constant 0 : i32
      %add3A_45 = arith.addi %add3A_44, %mul3A_43 : i32
      %scan3A_46 = arith.constant 0 : i32
      %scan3A_47 = arith.constant 8 : i32
      %scan3A_48 = arith.addi %scan3A_46, %scan3A_47 : i32
      %scan3A_49 = arith.constant 1 : i32
      scf.for %scan3A_51 = %scan3A_46 to %scan3A_48 step %scan3A_49  : i32 {
        %mul3A_52 = arith.constant 16 : i32
        %mul3A_53 = arith.muli %scan3A_51, %mul3A_52 : i32
        %add3A_54 = arith.constant 0 : i32
        %add3A_55 = arith.addi %add3A_54, %mul3A_53 : i32
        %swap3A = arith.index_cast %add3A_45 : i32 to index
        %swap3A_56 = arith.index_cast %add3A_55 : i32 to index
        %swap3A_57 = tpu.vector_load %arg9[%swap3A, %swap3A_56] {strides = array<i32>} : memref<128x128xf32, #tpu.memory_space<vmem>>, vector<16xf32>,
        tpu.vector_store %arg9[%swap3A, %swap3A_56], %broadcast_in_dim3A_10 {strides = array<i32>} : memref<128x128xf32, #tpu.memory_space<vmem>>, vector<16xf32>,
      }
      %scan3A_50 = arith.constant 8 : i32
    }
    %scan3A_14 = arith.constant 128 : i32
    %mul3A_15 = arith.constant 640 : i32
    %mul3A_16 = arith.muli %arg1, %mul3A_15 : i32
    %scan3A_17 = arith.constant 0 : i32
    %scan3A_18 = arith.constant 5 : i32
    %scan3A_19 = arith.addi %scan3A_17, %scan3A_18 : i32
    %scan3A_20 = arith.constant 1 : i32
    scf.for %scan3A_41 = %scan3A_17 to %scan3A_19 step %scan3A_20  : i32 {
      %mul3A_42 = arith.constant 1 : i32
      %mul3A_43 = arith.muli %scan3A_41, %mul3A_42 : i32
      %add3A_44 = arith.constant 0 : i32
      %add3A_45 = arith.addi %add3A_44, %mul3A_43 : i32
      %mul3A_46 = arith.constant 128 : i32
      %mul3A_47 = arith.muli %add3A_45, %mul3A_46 : i32
      %add3A_48 = arith.addi %mul3A_16, %mul3A_47 : i32
      "tpu.region"() ({
        %run_scoped3A = tpu.sem_alloc : memref<!tpu.dma_semaphore, #tpu.memory_space<semaphore_mem>>
        %dma_start3A = arith.constant 0 : i32
        %dma_start3A_49 = tpu.memref_slice %arg10[%add3A_48, %dma_start3A] : memref<10240x128xf32, #tpu.memory_space<vmem_shared>> -> memref<128x128xf32, #tpu.memory_space<vmem_shared>>
        %dma_start3A_50 = arith.constant 0 : i32
        %dma_start3A_51 = tpu.memref_slice %arg10[%add3A_48, %dma_start3A_50] : memref<10240x128xf32, #tpu.memory_space<vmem_shared>> -> memref<128x128xf32, #tpu.memory_space<vmem_shared>>
        tpu.enqueue_dma source(%arg9 : memref<128x128xf32, #tpu.memory_space<vmem>>) target(%dma_start3A_51 : memref<128x128xf32, #tpu.memory_space<vmem_shared>>) target_semaphore(%run_scoped3A : memref<!tpu.dma_semaphore, #tpu.memory_space<semaphore_mem>>)
        %dma_wait3A = arith.constant 0 : i32
        %dma_wait3A_52 = tpu.memref_slice %arg10[%add3A_48, %dma_wait3A] : memref<10240x128xf32, #tpu.memory_space<vmem_shared>> -> memref<128x128xf32, #tpu.memory_space<vmem_shared>>
        %dma_wait3A_53 = arith.constant 0 : i32
        %dma_wait3A_54 = tpu.memref_slice %arg10[%add3A_48, %dma_wait3A_53] : memref<10240x128xf32, #tpu.memory_space<vmem_shared>> -> memref<128x128xf32, #tpu.memory_space<vmem_shared>>
        tpu.wait_dma2 semaphore(%run_scoped3A : memref<!tpu.dma_semaphore, #tpu.memory_space<semaphore_mem>>) src(%arg9 : memref<128x128xf32, #tpu.memory_space<vmem>>) dst(%dma_wait3A_54 : memref<128x128xf32, #tpu.memory_space<vmem_shared>>)
        tpu.yield
      }) : () -> ()
    }
    %scan3A_21 = arith.constant 5 : i32
    %convert_element_type3A = arith.extui %eq3A_9 : i1 to i32
    %cond3A = arith.constant 0 : i32
    %cond3A_22 = arith.cmpi ne, %convert_element_type3A, %cond3A : i32
    scf.if %cond3A_22 {
      %broadcast_in_dim3A_41 = arith.constant 1.000000e+00 : f32
      %broadcast_in_dim3A_42 = vector.broadcast %broadcast_in_dim3A_41 : f32 to vector<16xf32>
      %scan3A_43 = arith.constant 0 : i32
      %scan3A_44 = arith.constant 128 : i32
      %scan3A_45 = arith.addi %scan3A_43, %scan3A_44 : i32
      %scan3A_46 = arith.constant 1 : i32
      scf.for %scan3A_48 = %scan3A_43 to %scan3A_45 step %scan3A_46  : i32 {
        %mul3A_49 = arith.constant 1 : i32
        %mul3A_50 = arith.muli %scan3A_48, %mul3A_49 : i32
        %add3A_51 = arith.constant 0 : i32
        %add3A_52 = arith.addi %add3A_51, %mul3A_50 : i32
        %scan3A_53 = arith.constant 0 : i32
        %scan3A_54 = arith.constant 8 : i32
        %scan3A_55 = arith.addi %scan3A_53, %scan3A_54 : i32
        %scan3A_56 = arith.constant 1 : i32
        scf.for %scan3A_58 = %scan3A_53 to %scan3A_55 step %scan3A_56  : i32 {
          %mul3A_59 = arith.constant 16 : i32
          %mul3A_60 = arith.muli %scan3A_58, %mul3A_59 : i32
          %add3A_61 = arith.constant 0 : i32
          %add3A_62 = arith.addi %add3A_61, %mul3A_60 : i32
          %swap3A = arith.index_cast %add3A_52 : i32 to index
          %swap3A_63 = arith.index_cast %add3A_62 : i32 to index
          %swap3A_64 = tpu.vector_load %arg9[%swap3A, %swap3A_63] {strides = array<i32>} : memref<128x128xf32, #tpu.memory_space<vmem>>, vector<16xf32>,
          tpu.vector_store %arg9[%swap3A, %swap3A_63], %broadcast_in_dim3A_42 {strides = array<i32>} : memref<128x128xf32, #tpu.memory_space<vmem>>, vector<16xf32>,
        }
        %scan3A_57 = arith.constant 8 : i32
      }
      %scan3A_47 = arith.constant 128 : i32
    } else {
    }
    %barrier3A = arith.constant 0 : index
    tpu.barrier barrier_id(%barrier3A)
    %mul3A_23 = arith.constant 80 : i32
    %mul3A_24 = arith.muli %add3A, %mul3A_23 : i32
    %mul3A_25 = arith.constant 128 : i32
    %mul3A_26 = arith.muli %mul3A_24, %mul3A_25 : i32
    %scan3A_27 = arith.constant 0 : i32
    %scan3A_28 = arith.constant 80 : i32
    %scan3A_29 = arith.addi %scan3A_27, %scan3A_28 : i32
    %scan3A_30 = arith.constant 1 : i32
    scf.for %scan3A_41 = %scan3A_27 to %scan3A_29 step %scan3A_30  : i32 {
      %mul3A_42 = arith.constant 1 : i32
      %mul3A_43 = arith.muli %scan3A_41, %mul3A_42 : i32
      %add3A_44 = arith.constant 0 : i32
      %add3A_45 = arith.addi %add3A_44, %mul3A_43 : i32
      %mul3A_46 = arith.constant 128 : i32
      %mul3A_47 = arith.muli %add3A_45, %mul3A_46 : i32
      %add3A_48 = arith.addi %mul3A_26, %mul3A_47 : i32
      "tpu.region"() ({
        %run_scoped3A = tpu.sem_alloc : memref<!tpu.dma_semaphore, #tpu.memory_space<semaphore_mem>>
        %dma_start3A = tpu.memref_slice %arg4[%add3A_48] : memref<327680xi32, #tpu.memory_space<hbm>> -> memref<128xi32, #tpu.memory_space<hbm>>
        %dma_start3A_53 = tpu.memref_slice %arg4[%add3A_48] : memref<327680xi32, #tpu.memory_space<hbm>> -> memref<128xi32, #tpu.memory_space<hbm>>
        tpu.enqueue_dma source(%dma_start3A_53 : memref<128xi32, #tpu.memory_space<hbm>>) target(%arg8 : memref<128xi32, #tpu.memory_space<vmem>>) target_semaphore(%run_scoped3A : memref<!tpu.dma_semaphore, #tpu.memory_space<semaphore_mem>>)
        %dma_wait3A = tpu.memref_slice %arg4[%add3A_48] : memref<327680xi32, #tpu.memory_space<hbm>> -> memref<128xi32, #tpu.memory_space<hbm>>
        %dma_wait3A_54 = tpu.memref_slice %arg4[%add3A_48] : memref<327680xi32, #tpu.memory_space<hbm>> -> memref<128xi32, #tpu.memory_space<hbm>>
        tpu.wait_dma2 semaphore(%run_scoped3A : memref<!tpu.dma_semaphore, #tpu.memory_space<semaphore_mem>>) src(%dma_wait3A_54 : memref<128xi32, #tpu.memory_space<hbm>>) dst(%arg8 : memref<128xi32, #tpu.memory_space<vmem>>)
        tpu.yield
      }) : () -> ()
      %not3A = arith.constant true
      %not3A_49 = arith.xori %eq3A_9, %not3A : i1
      %convert_element_type3A_50 = arith.extui %not3A_49 : i1 to i32
      %cond3A_51 = arith.constant 0 : i32
      %cond3A_52 = arith.cmpi ne, %convert_element_type3A_50, %cond3A_51 : i32
      scf.if %cond3A_52 {
        "tpu.region"() ({
          %run_scoped3A = tpu.sem_alloc : memref<!tpu.dma_semaphore, #tpu.memory_space<semaphore_mem>>
          %dma_start3A_57 = tpu.memref_slice %arg3[%add3A_48] : memref<327680xi32, #tpu.memory_space<hbm>> -> memref<128xi32, #tpu.memory_space<hbm>>
          %dma_start3A_58 = tpu.memref_slice %arg3[%add3A_48] : memref<327680xi32, #tpu.memory_space<hbm>> -> memref<128xi32, #tpu.memory_space<hbm>>
          tpu.enqueue_dma source(%dma_start3A_58 : memref<128xi32, #tpu.memory_space<hbm>>) target(%arg7 : memref<128xi32, #tpu.memory_space<vmem>>) target_semaphore(%run_scoped3A : memref<!tpu.dma_semaphore, #tpu.memory_space<semaphore_mem>>)
          %dma_wait3A_59 = tpu.memref_slice %arg3[%add3A_48] : memref<327680xi32, #tpu.memory_space<hbm>> -> memref<128xi32, #tpu.memory_space<hbm>>
          %dma_wait3A_60 = tpu.memref_slice %arg3[%add3A_48] : memref<327680xi32, #tpu.memory_space<hbm>> -> memref<128xi32, #tpu.memory_space<hbm>>
          tpu.wait_dma2 semaphore(%run_scoped3A : memref<!tpu.dma_semaphore, #tpu.memory_space<semaphore_mem>>) src(%dma_wait3A_60 : memref<128xi32, #tpu.memory_space<hbm>>) dst(%arg7 : memref<128xi32, #tpu.memory_space<vmem>>)
          tpu.yield
        }) : () -> ()
        %dma_start3A = arith.constant 0 : i32
        %dma_start3A_53 = arith.constant 0 : i32
        %dma_start3A_54 = tpu.memref_slice %arg2[%dma_start3A, %dma_start3A_53] : memref<10240x128xf32, #tpu.memory_space<hbm>> -> memref<10240x128xf32, #tpu.memory_space<hbm>>
        tpu.enqueue_indirect_dma source(%dma_start3A_54 : memref<10240x128xf32, #tpu.memory_space<hbm>>) target(%arg9 : memref<128x128xf32, #tpu.memory_space<vmem>>) offsets(%arg7 : memref<128xi32, #tpu.memory_space<vmem>>) semaphore(%arg12 : memref<!tpu.dma_semaphore, #tpu.memory_space<semaphore_mem>>)
        %dma_wait3A = arith.constant 0 : i32
        %dma_wait3A_55 = arith.constant 0 : i32
        %dma_wait3A_56 = tpu.memref_slice %arg2[%dma_wait3A, %dma_wait3A_55] : memref<10240x128xf32, #tpu.memory_space<hbm>> -> memref<10240x128xf32, #tpu.memory_space<hbm>>
        tpu.wait_indirect_dma semaphore(%arg12 : memref<!tpu.dma_semaphore, #tpu.memory_space<semaphore_mem>>) src(%dma_wait3A_56 : memref<10240x128xf32, #tpu.memory_space<hbm>>) dst(%arg9 : memref<128x128xf32, #tpu.memory_space<vmem>>)
      } else {
      }
      "tpu.region"() ({
        %run_scoped3A = tpu.sem_alloc : memref<!tpu.dma_semaphore, #tpu.memory_space<semaphore_mem>>
        %dma_start3A = arith.constant 0 : i32
        %dma_start3A_53 = arith.constant 0 : i32
        %dma_start3A_54 = tpu.memref_slice %arg10[%dma_start3A, %dma_start3A_53] : memref<10240x128xf32, #tpu.memory_space<vmem_shared>> -> memref<10240x128xf32, #tpu.memory_space<vmem_shared>>
        tpu.enqueue_indirect_dma source(%arg9 : memref<128x128xf32, #tpu.memory_space<vmem>>) target(%dma_start3A_54 : memref<10240x128xf32, #tpu.memory_space<vmem_shared>>) offsets(%arg8 : memref<128xi32, #tpu.memory_space<vmem>>) semaphore(%run_scoped3A : memref<!tpu.dma_semaphore, #tpu.memory_space<semaphore_mem>>) {add = true}
        %dma_wait3A = arith.constant 0 : i32
        %dma_wait3A_55 = arith.constant 0 : i32
        %dma_wait3A_56 = tpu.memref_slice %arg10[%dma_wait3A, %dma_wait3A_55] : memref<10240x128xf32, #tpu.memory_space<vmem_shared>> -> memref<10240x128xf32, #tpu.memory_space<vmem_shared>>
        tpu.wait_indirect_dma semaphore(%run_scoped3A : memref<!tpu.dma_semaphore, #tpu.memory_space<semaphore_mem>>) src(%arg9 : memref<128x128xf32, #tpu.memory_space<vmem>>) dst(%dma_wait3A_56 : memref<10240x128xf32, #tpu.memory_space<vmem_shared>>)
        tpu.yield
      }) : () -> ()
    }
    %scan3A_31 = arith.constant 80 : i32
    %barrier3A_32 = arith.constant 0 : index
    tpu.barrier barrier_id(%barrier3A_32)
    %mul3A_33 = arith.constant 10240 : i32
    %mul3A_34 = arith.muli %arg0, %mul3A_33 : i32
    %add3A_35 = arith.addi %mul3A_34, %mul3A_16 : i32
    %scan3A_36 = arith.constant 0 : i32
    %scan3A_37 = arith.constant 5 : i32
    %scan3A_38 = arith.addi %scan3A_36, %scan3A_37 : i32
    %scan3A_39 = arith.constant 1 : i32
    scf.for %scan3A_41 = %scan3A_36 to %scan3A_38 step %scan3A_39  : i32 {
      %mul3A_42 = arith.constant 1 : i32
      %mul3A_43 = arith.muli %scan3A_41, %mul3A_42 : i32
      %add3A_44 = arith.constant 0 : i32
      %add3A_45 = arith.addi %add3A_44, %mul3A_43 : i32
      %mul3A_46 = arith.constant 128 : i32
      %mul3A_47 = arith.muli %add3A_45, %mul3A_46 : i32
      %add3A_48 = arith.addi %mul3A_16, %mul3A_47 : i32
      "tpu.region"() ({
        %run_scoped3A = tpu.sem_alloc : memref<!tpu.dma_semaphore, #tpu.memory_space<semaphore_mem>>
        %dma_start3A = arith.constant 0 : i32
        %dma_start3A_52 = tpu.memref_slice %arg10[%add3A_48, %dma_start3A] : memref<10240x128xf32, #tpu.memory_space<vmem_shared>> -> memref<128x128xf32, #tpu.memory_space<vmem_shared>>
        %dma_start3A_53 = arith.constant 0 : i32
        %dma_start3A_54 = tpu.memref_slice %arg10[%add3A_48, %dma_start3A_53] : memref<10240x128xf32, #tpu.memory_space<vmem_shared>> -> memref<128x128xf32, #tpu.memory_space<vmem_shared>>
        tpu.enqueue_dma source(%dma_start3A_54 : memref<128x128xf32, #tpu.memory_space<vmem_shared>>) target(%arg9 : memref<128x128xf32, #tpu.memory_space<vmem>>) target_semaphore(%run_scoped3A : memref<!tpu.dma_semaphore, #tpu.memory_space<semaphore_mem>>)
        %dma_wait3A = arith.constant 0 : i32
        %dma_wait3A_55 = tpu.memref_slice %arg10[%add3A_48, %dma_wait3A] : memref<10240x128xf32, #tpu.memory_space<vmem_shared>> -> memref<128x128xf32, #tpu.memory_space<vmem_shared>>
        %dma_wait3A_56 = arith.constant 0 : i32
        %dma_wait3A_57 = tpu.memref_slice %arg10[%add3A_48, %dma_wait3A_56] : memref<10240x128xf32, #tpu.memory_space<vmem_shared>> -> memref<128x128xf32, #tpu.memory_space<vmem_shared>>
        tpu.wait_dma2 semaphore(%run_scoped3A : memref<!tpu.dma_semaphore, #tpu.memory_space<semaphore_mem>>) src(%dma_wait3A_57 : memref<128x128xf32, #tpu.memory_space<vmem_shared>>) dst(%arg9 : memref<128x128xf32, #tpu.memory_space<vmem>>)
        tpu.yield
      }) : () -> ()
      %mul3A_49 = arith.constant 128 : i32
      %mul3A_50 = arith.muli %add3A_45, %mul3A_49 : i32
      %add3A_51 = arith.addi %add3A_35, %mul3A_50 : i32
      "tpu.region"() ({
        %run_scoped3A = tpu.sem_alloc : memref<!tpu.dma_semaphore, #tpu.memory_space<semaphore_mem>>
        %dma_start3A = arith.constant 0 : i32
        %dma_start3A_52 = tpu.memref_slice %arg6[%add3A_51, %dma_start3A] : memref<20480x128xf32, #tpu.memory_space<hbm>> -> memref<128x128xf32, #tpu.memory_space<hbm>>
        %dma_start3A_53 = arith.constant 0 : i32
        %dma_start3A_54 = tpu.memref_slice %arg6[%add3A_51, %dma_start3A_53] : memref<20480x128xf32, #tpu.memory_space<hbm>> -> memref<128x128xf32, #tpu.memory_space<hbm>>
        tpu.enqueue_dma source(%arg9 : memref<128x128xf32, #tpu.memory_space<vmem>>) target(%dma_start3A_54 : memref<128x128xf32, #tpu.memory_space<hbm>>) target_semaphore(%run_scoped3A : memref<!tpu.dma_semaphore, #tpu.memory_space<semaphore_mem>>)
        %dma_wait3A = arith.constant 0 : i32
        %dma_wait3A_55 = tpu.memref_slice %arg6[%add3A_51, %dma_wait3A] : memref<20480x128xf32, #tpu.memory_space<hbm>> -> memref<128x128xf32, #tpu.memory_space<hbm>>
        %dma_wait3A_56 = arith.constant 0 : i32
        %dma_wait3A_57 = tpu.memref_slice %arg6[%add3A_51, %dma_wait3A_56] : memref<20480x128xf32, #tpu.memory_space<hbm>> -> memref<128x128xf32, #tpu.memory_space<hbm>>
        tpu.wait_dma2 semaphore(%run_scoped3A : memref<!tpu.dma_semaphore, #tpu.memory_space<semaphore_mem>>) src(%arg9 : memref<128x128xf32, #tpu.memory_space<vmem>>) dst(%dma_wait3A_57 : memref<128x128xf32, #tpu.memory_space<hbm>>)
        tpu.yield
      }) : () -> ()
    }
    %scan3A_40 = arith.constant 5 : i32
    return
  }
}

#map = affine_map<(d0, d1) -> (0, 0)>
#map1 = affine_map<(d0, d1) -> (0)>
module attributes {stable_mosaic.version = 14 : i64} {
  func.func @_sc_agg(%arg0: i32, %arg1: i32, %arg2: memref<10240x128xf32, #tpu.memory_space<hbm>>, %arg3: memref<327680xi32, #tpu.memory_space<hbm>>, %arg4: memref<327680xi32, #tpu.memory_space<hbm>>, %arg5: memref<16xi32, #tpu.memory_space<hbm>>, %arg6: memref<20480x128xf32, #tpu.memory_space<hbm>>, %arg7: memref<128xi32, #tpu.memory_space<vmem>>, %arg8: memref<128xi32, #tpu.memory_space<vmem>>, %arg9: memref<128x128xf32, #tpu.memory_space<vmem>>, %arg10: memref<10240x128xf32, #tpu.memory_space<vmem_shared>>, %arg11: memref<16xi32, #tpu.memory_space<vmem>>, %arg12: memref<!tpu.dma_semaphore, #tpu.memory_space<semaphore_mem>>) attributes {dimension_semantics = [#tpu.dimension_semantics<core_parallel>, #tpu.dimension_semantics<subcore_parallel>], iteration_bounds = array<i64: 2, 16>, scalar_prefetch = 0 : i64, scratch_operands = 6 : i64, tpu.core_type = #tpu.core_type<sc_vector_subcore>, window_params = [{transform_indices = #map}, {transform_indices = #map1}, {transform_indices = #map1}, {transform_indices = #map1}, {transform_indices = #map}]} {
    %mul3A = arith.constant 2 : i32
    %mul3A_0 = arith.muli %arg1, %mul3A : i32
    %add3A = arith.addi %mul3A_0, %arg0 : i32
    "tpu.region"() ({
      %run_scoped3A = tpu.sem_alloc : memref<!tpu.dma_semaphore, #tpu.memory_space<semaphore_mem>>
      tpu.enqueue_dma source(%arg5 : memref<16xi32, #tpu.memory_space<hbm>>) target(%arg11 : memref<16xi32, #tpu.memory_space<vmem>>) target_semaphore(%run_scoped3A : memref<!tpu.dma_semaphore, #tpu.memory_space<semaphore_mem>>)
      tpu.wait_dma2 semaphore(%run_scoped3A : memref<!tpu.dma_semaphore, #tpu.memory_space<semaphore_mem>>) src(%arg5 : memref<16xi32, #tpu.memory_space<hbm>>) dst(%arg11 : memref<16xi32, #tpu.memory_space<vmem>>)
      tpu.yield
    }) : () -> ()
    %get3A = arith.constant 0 : index
    %get3A_1 = tpu.vector_load %arg11[%get3A] {strides = array<i32>} : memref<16xi32, #tpu.memory_space<vmem>>, vector<16xi32>,
    %reduce_max3A = arith.constant true
    %reduce_max3A_2 = vector.broadcast %reduce_max3A : i1 to vector<16xi1>
    %reduce_max3A_3 = arith.constant -2147483648 : i32
    %reduce_max3A_4 = vector.broadcast %reduce_max3A_3 : i32 to vector<16xi32>
    %reduce_max3A_5 = arith.xori %get3A_1, %reduce_max3A_4 : vector<16xi32>
    %reduce_max3A_6 = tpu.scan <max>, %reduce_max3A_5 masked %reduce_max3A_2 : vector<16xi32>, vector<16xi1> -> vector<16xi32>
    %reduce_max3A_7 = arith.xori %reduce_max3A_6, %reduce_max3A_4 : vector<16xi32>
    %reduce_max3A_8 = vector.extract %reduce_max3A_7[15] : i32 from vector<16xi32>
    %eq3A = arith.constant 1 : i32
    %eq3A_9 = arith.cmpi eq, %reduce_max3A_8, %eq3A : i32
    %broadcast_in_dim3A = arith.constant 0.000000e+00 : f32
    %broadcast_in_dim3A_10 = vector.broadcast %broadcast_in_dim3A : f32 to vector<16xf32>
    %scan3A = arith.constant 0 : i32
    %scan3A_11 = arith.constant 128 : i32
    %scan3A_12 = arith.addi %scan3A, %scan3A_11 : i32
    %scan3A_13 = arith.constant 1 : i32
    scf.for %scan3A_41 = %scan3A to %scan3A_12 step %scan3A_13  : i32 {
      %mul3A_42 = arith.constant 1 : i32
      %mul3A_43 = arith.muli %scan3A_41, %mul3A_42 : i32
      %add3A_44 = arith.constant 0 : i32
      %add3A_45 = arith.addi %add3A_44, %mul3A_43 : i32
      %scan3A_46 = arith.constant 0 : i32
      %scan3A_47 = arith.constant 8 : i32
      %scan3A_48 = arith.addi %scan3A_46, %scan3A_47 : i32
      %scan3A_49 = arith.constant 1 : i32
      scf.for %scan3A_51 = %scan3A_46 to %scan3A_48 step %scan3A_49  : i32 {
        %mul3A_52 = arith.constant 16 : i32
        %mul3A_53 = arith.muli %scan3A_51, %mul3A_52 : i32
        %add3A_54 = arith.constant 0 : i32
        %add3A_55 = arith.addi %add3A_54, %mul3A_53 : i32
        %swap3A = arith.index_cast %add3A_45 : i32 to index
        %swap3A_56 = arith.index_cast %add3A_55 : i32 to index
        %swap3A_57 = tpu.vector_load %arg9[%swap3A, %swap3A_56] {strides = array<i32>} : memref<128x128xf32, #tpu.memory_space<vmem>>, vector<16xf32>,
        tpu.vector_store %arg9[%swap3A, %swap3A_56], %broadcast_in_dim3A_10 {strides = array<i32>} : memref<128x128xf32, #tpu.memory_space<vmem>>, vector<16xf32>,
      }
      %scan3A_50 = arith.constant 8 : i32
    }
    %scan3A_14 = arith.constant 128 : i32
    %mul3A_15 = arith.constant 640 : i32
    %mul3A_16 = arith.muli %arg1, %mul3A_15 : i32
    %scan3A_17 = arith.constant 0 : i32
    %scan3A_18 = arith.constant 5 : i32
    %scan3A_19 = arith.addi %scan3A_17, %scan3A_18 : i32
    %scan3A_20 = arith.constant 1 : i32
    scf.for %scan3A_41 = %scan3A_17 to %scan3A_19 step %scan3A_20  : i32 {
      %mul3A_42 = arith.constant 1 : i32
      %mul3A_43 = arith.muli %scan3A_41, %mul3A_42 : i32
      %add3A_44 = arith.constant 0 : i32
      %add3A_45 = arith.addi %add3A_44, %mul3A_43 : i32
      %mul3A_46 = arith.constant 128 : i32
      %mul3A_47 = arith.muli %add3A_45, %mul3A_46 : i32
      %add3A_48 = arith.addi %mul3A_16, %mul3A_47 : i32
      "tpu.region"() ({
        %run_scoped3A = tpu.sem_alloc : memref<!tpu.dma_semaphore, #tpu.memory_space<semaphore_mem>>
        %dma_start3A = arith.constant 0 : i32
        %dma_start3A_49 = tpu.memref_slice %arg10[%add3A_48, %dma_start3A] : memref<10240x128xf32, #tpu.memory_space<vmem_shared>> -> memref<128x128xf32, #tpu.memory_space<vmem_shared>>
        %dma_start3A_50 = arith.constant 0 : i32
        %dma_start3A_51 = tpu.memref_slice %arg10[%add3A_48, %dma_start3A_50] : memref<10240x128xf32, #tpu.memory_space<vmem_shared>> -> memref<128x128xf32, #tpu.memory_space<vmem_shared>>
        tpu.enqueue_dma source(%arg9 : memref<128x128xf32, #tpu.memory_space<vmem>>) target(%dma_start3A_51 : memref<128x128xf32, #tpu.memory_space<vmem_shared>>) target_semaphore(%run_scoped3A : memref<!tpu.dma_semaphore, #tpu.memory_space<semaphore_mem>>)
        %dma_wait3A = arith.constant 0 : i32
        %dma_wait3A_52 = tpu.memref_slice %arg10[%add3A_48, %dma_wait3A] : memref<10240x128xf32, #tpu.memory_space<vmem_shared>> -> memref<128x128xf32, #tpu.memory_space<vmem_shared>>
        %dma_wait3A_53 = arith.constant 0 : i32
        %dma_wait3A_54 = tpu.memref_slice %arg10[%add3A_48, %dma_wait3A_53] : memref<10240x128xf32, #tpu.memory_space<vmem_shared>> -> memref<128x128xf32, #tpu.memory_space<vmem_shared>>
        tpu.wait_dma2 semaphore(%run_scoped3A : memref<!tpu.dma_semaphore, #tpu.memory_space<semaphore_mem>>) src(%arg9 : memref<128x128xf32, #tpu.memory_space<vmem>>) dst(%dma_wait3A_54 : memref<128x128xf32, #tpu.memory_space<vmem_shared>>)
        tpu.yield
      }) : () -> ()
    }
    %scan3A_21 = arith.constant 5 : i32
    %convert_element_type3A = arith.extui %eq3A_9 : i1 to i32
    %cond3A = arith.constant 0 : i32
    %cond3A_22 = arith.cmpi ne, %convert_element_type3A, %cond3A : i32
    scf.if %cond3A_22 {
      %broadcast_in_dim3A_41 = arith.constant 1.000000e+00 : f32
      %broadcast_in_dim3A_42 = vector.broadcast %broadcast_in_dim3A_41 : f32 to vector<16xf32>
      %scan3A_43 = arith.constant 0 : i32
      %scan3A_44 = arith.constant 128 : i32
      %scan3A_45 = arith.addi %scan3A_43, %scan3A_44 : i32
      %scan3A_46 = arith.constant 1 : i32
      scf.for %scan3A_48 = %scan3A_43 to %scan3A_45 step %scan3A_46  : i32 {
        %mul3A_49 = arith.constant 1 : i32
        %mul3A_50 = arith.muli %scan3A_48, %mul3A_49 : i32
        %add3A_51 = arith.constant 0 : i32
        %add3A_52 = arith.addi %add3A_51, %mul3A_50 : i32
        %scan3A_53 = arith.constant 0 : i32
        %scan3A_54 = arith.constant 8 : i32
        %scan3A_55 = arith.addi %scan3A_53, %scan3A_54 : i32
        %scan3A_56 = arith.constant 1 : i32
        scf.for %scan3A_58 = %scan3A_53 to %scan3A_55 step %scan3A_56  : i32 {
          %mul3A_59 = arith.constant 16 : i32
          %mul3A_60 = arith.muli %scan3A_58, %mul3A_59 : i32
          %add3A_61 = arith.constant 0 : i32
          %add3A_62 = arith.addi %add3A_61, %mul3A_60 : i32
          %swap3A = arith.index_cast %add3A_52 : i32 to index
          %swap3A_63 = arith.index_cast %add3A_62 : i32 to index
          %swap3A_64 = tpu.vector_load %arg9[%swap3A, %swap3A_63] {strides = array<i32>} : memref<128x128xf32, #tpu.memory_space<vmem>>, vector<16xf32>,
          tpu.vector_store %arg9[%swap3A, %swap3A_63], %broadcast_in_dim3A_42 {strides = array<i32>} : memref<128x128xf32, #tpu.memory_space<vmem>>, vector<16xf32>,
        }
        %scan3A_57 = arith.constant 8 : i32
      }
      %scan3A_47 = arith.constant 128 : i32
    } else {
    }
    %barrier3A = arith.constant 0 : index
    tpu.barrier barrier_id(%barrier3A)
    %mul3A_23 = arith.constant 80 : i32
    %mul3A_24 = arith.muli %add3A, %mul3A_23 : i32
    %mul3A_25 = arith.constant 128 : i32
    %mul3A_26 = arith.muli %mul3A_24, %mul3A_25 : i32
    %scan3A_27 = arith.constant 0 : i32
    %scan3A_28 = arith.constant 80 : i32
    %scan3A_29 = arith.addi %scan3A_27, %scan3A_28 : i32
    %scan3A_30 = arith.constant 1 : i32
    scf.for %scan3A_41 = %scan3A_27 to %scan3A_29 step %scan3A_30  : i32 {
      %mul3A_42 = arith.constant 1 : i32
      %mul3A_43 = arith.muli %scan3A_41, %mul3A_42 : i32
      %add3A_44 = arith.constant 0 : i32
      %add3A_45 = arith.addi %add3A_44, %mul3A_43 : i32
      %mul3A_46 = arith.constant 128 : i32
      %mul3A_47 = arith.muli %add3A_45, %mul3A_46 : i32
      %add3A_48 = arith.addi %mul3A_26, %mul3A_47 : i32
      "tpu.region"() ({
        %run_scoped3A = tpu.sem_alloc : memref<!tpu.dma_semaphore, #tpu.memory_space<semaphore_mem>>
        %dma_start3A = tpu.memref_slice %arg4[%add3A_48] : memref<327680xi32, #tpu.memory_space<hbm>> -> memref<128xi32, #tpu.memory_space<hbm>>
        %dma_start3A_53 = tpu.memref_slice %arg4[%add3A_48] : memref<327680xi32, #tpu.memory_space<hbm>> -> memref<128xi32, #tpu.memory_space<hbm>>
        tpu.enqueue_dma source(%dma_start3A_53 : memref<128xi32, #tpu.memory_space<hbm>>) target(%arg8 : memref<128xi32, #tpu.memory_space<vmem>>) target_semaphore(%run_scoped3A : memref<!tpu.dma_semaphore, #tpu.memory_space<semaphore_mem>>)
        %dma_wait3A = tpu.memref_slice %arg4[%add3A_48] : memref<327680xi32, #tpu.memory_space<hbm>> -> memref<128xi32, #tpu.memory_space<hbm>>
        %dma_wait3A_54 = tpu.memref_slice %arg4[%add3A_48] : memref<327680xi32, #tpu.memory_space<hbm>> -> memref<128xi32, #tpu.memory_space<hbm>>
        tpu.wait_dma2 semaphore(%run_scoped3A : memref<!tpu.dma_semaphore, #tpu.memory_space<semaphore_mem>>) src(%dma_wait3A_54 : memref<128xi32, #tpu.memory_space<hbm>>) dst(%arg8 : memref<128xi32, #tpu.memory_space<vmem>>)
        tpu.yield
      }) : () -> ()
      %not3A = arith.constant true
      %not3A_49 = arith.xori %eq3A_9, %not3A : i1
      %convert_element_type3A_50 = arith.extui %not3A_49 : i1 to i32
      %cond3A_51 = arith.constant 0 : i32
      %cond3A_52 = arith.cmpi ne, %convert_element_type3A_50, %cond3A_51 : i32
      scf.if %cond3A_52 {
        "tpu.region"() ({
          %run_scoped3A = tpu.sem_alloc : memref<!tpu.dma_semaphore, #tpu.memory_space<semaphore_mem>>
          %dma_start3A_57 = tpu.memref_slice %arg3[%add3A_48] : memref<327680xi32, #tpu.memory_space<hbm>> -> memref<128xi32, #tpu.memory_space<hbm>>
          %dma_start3A_58 = tpu.memref_slice %arg3[%add3A_48] : memref<327680xi32, #tpu.memory_space<hbm>> -> memref<128xi32, #tpu.memory_space<hbm>>
          tpu.enqueue_dma source(%dma_start3A_58 : memref<128xi32, #tpu.memory_space<hbm>>) target(%arg7 : memref<128xi32, #tpu.memory_space<vmem>>) target_semaphore(%run_scoped3A : memref<!tpu.dma_semaphore, #tpu.memory_space<semaphore_mem>>)
          %dma_wait3A_59 = tpu.memref_slice %arg3[%add3A_48] : memref<327680xi32, #tpu.memory_space<hbm>> -> memref<128xi32, #tpu.memory_space<hbm>>
          %dma_wait3A_60 = tpu.memref_slice %arg3[%add3A_48] : memref<327680xi32, #tpu.memory_space<hbm>> -> memref<128xi32, #tpu.memory_space<hbm>>
          tpu.wait_dma2 semaphore(%run_scoped3A : memref<!tpu.dma_semaphore, #tpu.memory_space<semaphore_mem>>) src(%dma_wait3A_60 : memref<128xi32, #tpu.memory_space<hbm>>) dst(%arg7 : memref<128xi32, #tpu.memory_space<vmem>>)
          tpu.yield
        }) : () -> ()
        %dma_start3A = arith.constant 0 : i32
        %dma_start3A_53 = arith.constant 0 : i32
        %dma_start3A_54 = tpu.memref_slice %arg2[%dma_start3A, %dma_start3A_53] : memref<10240x128xf32, #tpu.memory_space<hbm>> -> memref<10240x128xf32, #tpu.memory_space<hbm>>
        tpu.enqueue_indirect_dma source(%dma_start3A_54 : memref<10240x128xf32, #tpu.memory_space<hbm>>) target(%arg9 : memref<128x128xf32, #tpu.memory_space<vmem>>) offsets(%arg7 : memref<128xi32, #tpu.memory_space<vmem>>) semaphore(%arg12 : memref<!tpu.dma_semaphore, #tpu.memory_space<semaphore_mem>>)
        %dma_wait3A = arith.constant 0 : i32
        %dma_wait3A_55 = arith.constant 0 : i32
        %dma_wait3A_56 = tpu.memref_slice %arg2[%dma_wait3A, %dma_wait3A_55] : memref<10240x128xf32, #tpu.memory_space<hbm>> -> memref<10240x128xf32, #tpu.memory_space<hbm>>
        tpu.wait_indirect_dma semaphore(%arg12 : memref<!tpu.dma_semaphore, #tpu.memory_space<semaphore_mem>>) src(%dma_wait3A_56 : memref<10240x128xf32, #tpu.memory_space<hbm>>) dst(%arg9 : memref<128x128xf32, #tpu.memory_space<vmem>>)
      } else {
      }
      "tpu.region"() ({
        %run_scoped3A = tpu.sem_alloc : memref<!tpu.dma_semaphore, #tpu.memory_space<semaphore_mem>>
        %dma_start3A = arith.constant 0 : i32
        %dma_start3A_53 = arith.constant 0 : i32
        %dma_start3A_54 = tpu.memref_slice %arg10[%dma_start3A, %dma_start3A_53] : memref<10240x128xf32, #tpu.memory_space<vmem_shared>> -> memref<10240x128xf32, #tpu.memory_space<vmem_shared>>
        tpu.enqueue_indirect_dma source(%arg9 : memref<128x128xf32, #tpu.memory_space<vmem>>) target(%dma_start3A_54 : memref<10240x128xf32, #tpu.memory_space<vmem_shared>>) offsets(%arg8 : memref<128xi32, #tpu.memory_space<vmem>>) semaphore(%run_scoped3A : memref<!tpu.dma_semaphore, #tpu.memory_space<semaphore_mem>>) {add = true}
        %dma_wait3A = arith.constant 0 : i32
        %dma_wait3A_55 = arith.constant 0 : i32
        %dma_wait3A_56 = tpu.memref_slice %arg10[%dma_wait3A, %dma_wait3A_55] : memref<10240x128xf32, #tpu.memory_space<vmem_shared>> -> memref<10240x128xf32, #tpu.memory_space<vmem_shared>>
        tpu.wait_indirect_dma semaphore(%run_scoped3A : memref<!tpu.dma_semaphore, #tpu.memory_space<semaphore_mem>>) src(%arg9 : memref<128x128xf32, #tpu.memory_space<vmem>>) dst(%dma_wait3A_56 : memref<10240x128xf32, #tpu.memory_space<vmem_shared>>)
        tpu.yield
      }) : () -> ()
    }
    %scan3A_31 = arith.constant 80 : i32
    %barrier3A_32 = arith.constant 0 : index
    tpu.barrier barrier_id(%barrier3A_32)
    %mul3A_33 = arith.constant 10240 : i32
    %mul3A_34 = arith.muli %arg0, %mul3A_33 : i32
    %add3A_35 = arith.addi %mul3A_34, %mul3A_16 : i32
    %scan3A_36 = arith.constant 0 : i32
    %scan3A_37 = arith.constant 5 : i32
    %scan3A_38 = arith.addi %scan3A_36, %scan3A_37 : i32
    %scan3A_39 = arith.constant 1 : i32
    scf.for %scan3A_41 = %scan3A_36 to %scan3A_38 step %scan3A_39  : i32 {
      %mul3A_42 = arith.constant 1 : i32
      %mul3A_43 = arith.muli %scan3A_41, %mul3A_42 : i32
      %add3A_44 = arith.constant 0 : i32
      %add3A_45 = arith.addi %add3A_44, %mul3A_43 : i32
      %mul3A_46 = arith.constant 128 : i32
      %mul3A_47 = arith.muli %add3A_45, %mul3A_46 : i32
      %add3A_48 = arith.addi %mul3A_16, %mul3A_47 : i32
      "tpu.region"() ({
        %run_scoped3A = tpu.sem_alloc : memref<!tpu.dma_semaphore, #tpu.memory_space<semaphore_mem>>
        %dma_start3A = arith.constant 0 : i32
        %dma_start3A_52 = tpu.memref_slice %arg10[%add3A_48, %dma_start3A] : memref<10240x128xf32, #tpu.memory_space<vmem_shared>> -> memref<128x128xf32, #tpu.memory_space<vmem_shared>>
        %dma_start3A_53 = arith.constant 0 : i32
        %dma_start3A_54 = tpu.memref_slice %arg10[%add3A_48, %dma_start3A_53] : memref<10240x128xf32, #tpu.memory_space<vmem_shared>> -> memref<128x128xf32, #tpu.memory_space<vmem_shared>>
        tpu.enqueue_dma source(%dma_start3A_54 : memref<128x128xf32, #tpu.memory_space<vmem_shared>>) target(%arg9 : memref<128x128xf32, #tpu.memory_space<vmem>>) target_semaphore(%run_scoped3A : memref<!tpu.dma_semaphore, #tpu.memory_space<semaphore_mem>>)
        %dma_wait3A = arith.constant 0 : i32
        %dma_wait3A_55 = tpu.memref_slice %arg10[%add3A_48, %dma_wait3A] : memref<10240x128xf32, #tpu.memory_space<vmem_shared>> -> memref<128x128xf32, #tpu.memory_space<vmem_shared>>
        %dma_wait3A_56 = arith.constant 0 : i32
        %dma_wait3A_57 = tpu.memref_slice %arg10[%add3A_48, %dma_wait3A_56] : memref<10240x128xf32, #tpu.memory_space<vmem_shared>> -> memref<128x128xf32, #tpu.memory_space<vmem_shared>>
        tpu.wait_dma2 semaphore(%run_scoped3A : memref<!tpu.dma_semaphore, #tpu.memory_space<semaphore_mem>>) src(%dma_wait3A_57 : memref<128x128xf32, #tpu.memory_space<vmem_shared>>) dst(%arg9 : memref<128x128xf32, #tpu.memory_space<vmem>>)
        tpu.yield
      }) : () -> ()
      %mul3A_49 = arith.constant 128 : i32
      %mul3A_50 = arith.muli %add3A_45, %mul3A_49 : i32
      %add3A_51 = arith.addi %add3A_35, %mul3A_50 : i32
      "tpu.region"() ({
        %run_scoped3A = tpu.sem_alloc : memref<!tpu.dma_semaphore, #tpu.memory_space<semaphore_mem>>
        %dma_start3A = arith.constant 0 : i32
        %dma_start3A_52 = tpu.memref_slice %arg6[%add3A_51, %dma_start3A] : memref<20480x128xf32, #tpu.memory_space<hbm>> -> memref<128x128xf32, #tpu.memory_space<hbm>>
        %dma_start3A_53 = arith.constant 0 : i32
        %dma_start3A_54 = tpu.memref_slice %arg6[%add3A_51, %dma_start3A_53] : memref<20480x128xf32, #tpu.memory_space<hbm>> -> memref<128x128xf32, #tpu.memory_space<hbm>>
        tpu.enqueue_dma source(%arg9 : memref<128x128xf32, #tpu.memory_space<vmem>>) target(%dma_start3A_54 : memref<128x128xf32, #tpu.memory_space<hbm>>) target_semaphore(%run_scoped3A : memref<!tpu.dma_semaphore, #tpu.memory_space<semaphore_mem>>)
        %dma_wait3A = arith.constant 0 : i32
        %dma_wait3A_55 = tpu.memref_slice %arg6[%add3A_51, %dma_wait3A] : memref<20480x128xf32, #tpu.memory_space<hbm>> -> memref<128x128xf32, #tpu.memory_space<hbm>>
        %dma_wait3A_56 = arith.constant 0 : i32
        %dma_wait3A_57 = tpu.memref_slice %arg6[%add3A_51, %dma_wait3A_56] : memref<20480x128xf32, #tpu.memory_space<hbm>> -> memref<128x128xf32, #tpu.memory_space<hbm>>
        tpu.wait_dma2 semaphore(%run_scoped3A : memref<!tpu.dma_semaphore, #tpu.memory_space<semaphore_mem>>) src(%arg9 : memref<128x128xf32, #tpu.memory_space<vmem>>) dst(%dma_wait3A_57 : memref<128x128xf32, #tpu.memory_space<hbm>>)
        tpu.yield
      }) : () -> ()
    }
    %scan3A_40 = arith.constant 5 : i32
    return
  }
}

#map = affine_map<(d0, d1) -> (0, 0)>
#map1 = affine_map<(d0, d1) -> (0)>
module attributes {stable_mosaic.version = 14 : i64} {
  func.func @_sc_agg(%arg0: i32, %arg1: i32, %arg2: memref<10240x128xf32, #tpu.memory_space<hbm>>, %arg3: memref<327680xi32, #tpu.memory_space<hbm>>, %arg4: memref<327680xi32, #tpu.memory_space<hbm>>, %arg5: memref<16xi32, #tpu.memory_space<hbm>>, %arg6: memref<20480x128xf32, #tpu.memory_space<hbm>>, %arg7: memref<128xi32, #tpu.memory_space<vmem>>, %arg8: memref<128xi32, #tpu.memory_space<vmem>>, %arg9: memref<128x128xf32, #tpu.memory_space<vmem>>, %arg10: memref<10240x128xf32, #tpu.memory_space<vmem_shared>>, %arg11: memref<16xi32, #tpu.memory_space<vmem>>, %arg12: memref<!tpu.dma_semaphore, #tpu.memory_space<semaphore_mem>>) attributes {dimension_semantics = [#tpu.dimension_semantics<core_parallel>, #tpu.dimension_semantics<subcore_parallel>], iteration_bounds = array<i64: 2, 16>, scalar_prefetch = 0 : i64, scratch_operands = 6 : i64, tpu.core_type = #tpu.core_type<sc_vector_subcore>, window_params = [{transform_indices = #map}, {transform_indices = #map1}, {transform_indices = #map1}, {transform_indices = #map1}, {transform_indices = #map}]} {
    %mul3A = arith.constant 2 : i32
    %mul3A_0 = arith.muli %arg1, %mul3A : i32
    %add3A = arith.addi %mul3A_0, %arg0 : i32
    "tpu.region"() ({
      %run_scoped3A = tpu.sem_alloc : memref<!tpu.dma_semaphore, #tpu.memory_space<semaphore_mem>>
      tpu.enqueue_dma source(%arg5 : memref<16xi32, #tpu.memory_space<hbm>>) target(%arg11 : memref<16xi32, #tpu.memory_space<vmem>>) target_semaphore(%run_scoped3A : memref<!tpu.dma_semaphore, #tpu.memory_space<semaphore_mem>>)
      tpu.wait_dma2 semaphore(%run_scoped3A : memref<!tpu.dma_semaphore, #tpu.memory_space<semaphore_mem>>) src(%arg5 : memref<16xi32, #tpu.memory_space<hbm>>) dst(%arg11 : memref<16xi32, #tpu.memory_space<vmem>>)
      tpu.yield
    }) : () -> ()
    %get3A = arith.constant 0 : index
    %get3A_1 = tpu.vector_load %arg11[%get3A] {strides = array<i32>} : memref<16xi32, #tpu.memory_space<vmem>>, vector<16xi32>,
    %reduce_max3A = arith.constant true
    %reduce_max3A_2 = vector.broadcast %reduce_max3A : i1 to vector<16xi1>
    %reduce_max3A_3 = arith.constant -2147483648 : i32
    %reduce_max3A_4 = vector.broadcast %reduce_max3A_3 : i32 to vector<16xi32>
    %reduce_max3A_5 = arith.xori %get3A_1, %reduce_max3A_4 : vector<16xi32>
    %reduce_max3A_6 = tpu.scan <max>, %reduce_max3A_5 masked %reduce_max3A_2 : vector<16xi32>, vector<16xi1> -> vector<16xi32>
    %reduce_max3A_7 = arith.xori %reduce_max3A_6, %reduce_max3A_4 : vector<16xi32>
    %reduce_max3A_8 = vector.extract %reduce_max3A_7[15] : i32 from vector<16xi32>
    %eq3A = arith.constant 1 : i32
    %eq3A_9 = arith.cmpi eq, %reduce_max3A_8, %eq3A : i32
    %broadcast_in_dim3A = arith.constant 0.000000e+00 : f32
    %broadcast_in_dim3A_10 = vector.broadcast %broadcast_in_dim3A : f32 to vector<16xf32>
    %scan3A = arith.constant 0 : i32
    %scan3A_11 = arith.constant 128 : i32
    %scan3A_12 = arith.addi %scan3A, %scan3A_11 : i32
    %scan3A_13 = arith.constant 1 : i32
    scf.for %scan3A_41 = %scan3A to %scan3A_12 step %scan3A_13  : i32 {
      %mul3A_42 = arith.constant 1 : i32
      %mul3A_43 = arith.muli %scan3A_41, %mul3A_42 : i32
      %add3A_44 = arith.constant 0 : i32
      %add3A_45 = arith.addi %add3A_44, %mul3A_43 : i32
      %scan3A_46 = arith.constant 0 : i32
      %scan3A_47 = arith.constant 8 : i32
      %scan3A_48 = arith.addi %scan3A_46, %scan3A_47 : i32
      %scan3A_49 = arith.constant 1 : i32
      scf.for %scan3A_51 = %scan3A_46 to %scan3A_48 step %scan3A_49  : i32 {
        %mul3A_52 = arith.constant 16 : i32
        %mul3A_53 = arith.muli %scan3A_51, %mul3A_52 : i32
        %add3A_54 = arith.constant 0 : i32
        %add3A_55 = arith.addi %add3A_54, %mul3A_53 : i32
        %swap3A = arith.index_cast %add3A_45 : i32 to index
        %swap3A_56 = arith.index_cast %add3A_55 : i32 to index
        %swap3A_57 = tpu.vector_load %arg9[%swap3A, %swap3A_56] {strides = array<i32>} : memref<128x128xf32, #tpu.memory_space<vmem>>, vector<16xf32>,
        tpu.vector_store %arg9[%swap3A, %swap3A_56], %broadcast_in_dim3A_10 {strides = array<i32>} : memref<128x128xf32, #tpu.memory_space<vmem>>, vector<16xf32>,
      }
      %scan3A_50 = arith.constant 8 : i32
    }
    %scan3A_14 = arith.constant 128 : i32
    %mul3A_15 = arith.constant 640 : i32
    %mul3A_16 = arith.muli %arg1, %mul3A_15 : i32
    %scan3A_17 = arith.constant 0 : i32
    %scan3A_18 = arith.constant 5 : i32
    %scan3A_19 = arith.addi %scan3A_17, %scan3A_18 : i32
    %scan3A_20 = arith.constant 1 : i32
    scf.for %scan3A_41 = %scan3A_17 to %scan3A_19 step %scan3A_20  : i32 {
      %mul3A_42 = arith.constant 1 : i32
      %mul3A_43 = arith.muli %scan3A_41, %mul3A_42 : i32
      %add3A_44 = arith.constant 0 : i32
      %add3A_45 = arith.addi %add3A_44, %mul3A_43 : i32
      %mul3A_46 = arith.constant 128 : i32
      %mul3A_47 = arith.muli %add3A_45, %mul3A_46 : i32
      %add3A_48 = arith.addi %mul3A_16, %mul3A_47 : i32
      "tpu.region"() ({
        %run_scoped3A = tpu.sem_alloc : memref<!tpu.dma_semaphore, #tpu.memory_space<semaphore_mem>>
        %dma_start3A = arith.constant 0 : i32
        %dma_start3A_49 = tpu.memref_slice %arg10[%add3A_48, %dma_start3A] : memref<10240x128xf32, #tpu.memory_space<vmem_shared>> -> memref<128x128xf32, #tpu.memory_space<vmem_shared>>
        %dma_start3A_50 = arith.constant 0 : i32
        %dma_start3A_51 = tpu.memref_slice %arg10[%add3A_48, %dma_start3A_50] : memref<10240x128xf32, #tpu.memory_space<vmem_shared>> -> memref<128x128xf32, #tpu.memory_space<vmem_shared>>
        tpu.enqueue_dma source(%arg9 : memref<128x128xf32, #tpu.memory_space<vmem>>) target(%dma_start3A_51 : memref<128x128xf32, #tpu.memory_space<vmem_shared>>) target_semaphore(%run_scoped3A : memref<!tpu.dma_semaphore, #tpu.memory_space<semaphore_mem>>)
        %dma_wait3A = arith.constant 0 : i32
        %dma_wait3A_52 = tpu.memref_slice %arg10[%add3A_48, %dma_wait3A] : memref<10240x128xf32, #tpu.memory_space<vmem_shared>> -> memref<128x128xf32, #tpu.memory_space<vmem_shared>>
        %dma_wait3A_53 = arith.constant 0 : i32
        %dma_wait3A_54 = tpu.memref_slice %arg10[%add3A_48, %dma_wait3A_53] : memref<10240x128xf32, #tpu.memory_space<vmem_shared>> -> memref<128x128xf32, #tpu.memory_space<vmem_shared>>
        tpu.wait_dma2 semaphore(%run_scoped3A : memref<!tpu.dma_semaphore, #tpu.memory_space<semaphore_mem>>) src(%arg9 : memref<128x128xf32, #tpu.memory_space<vmem>>) dst(%dma_wait3A_54 : memref<128x128xf32, #tpu.memory_space<vmem_shared>>)
        tpu.yield
      }) : () -> ()
    }
    %scan3A_21 = arith.constant 5 : i32
    %convert_element_type3A = arith.extui %eq3A_9 : i1 to i32
    %cond3A = arith.constant 0 : i32
    %cond3A_22 = arith.cmpi ne, %convert_element_type3A, %cond3A : i32
    scf.if %cond3A_22 {
      %broadcast_in_dim3A_41 = arith.constant 1.000000e+00 : f32
      %broadcast_in_dim3A_42 = vector.broadcast %broadcast_in_dim3A_41 : f32 to vector<16xf32>
      %scan3A_43 = arith.constant 0 : i32
      %scan3A_44 = arith.constant 128 : i32
      %scan3A_45 = arith.addi %scan3A_43, %scan3A_44 : i32
      %scan3A_46 = arith.constant 1 : i32
      scf.for %scan3A_48 = %scan3A_43 to %scan3A_45 step %scan3A_46  : i32 {
        %mul3A_49 = arith.constant 1 : i32
        %mul3A_50 = arith.muli %scan3A_48, %mul3A_49 : i32
        %add3A_51 = arith.constant 0 : i32
        %add3A_52 = arith.addi %add3A_51, %mul3A_50 : i32
        %scan3A_53 = arith.constant 0 : i32
        %scan3A_54 = arith.constant 8 : i32
        %scan3A_55 = arith.addi %scan3A_53, %scan3A_54 : i32
        %scan3A_56 = arith.constant 1 : i32
        scf.for %scan3A_58 = %scan3A_53 to %scan3A_55 step %scan3A_56  : i32 {
          %mul3A_59 = arith.constant 16 : i32
          %mul3A_60 = arith.muli %scan3A_58, %mul3A_59 : i32
          %add3A_61 = arith.constant 0 : i32
          %add3A_62 = arith.addi %add3A_61, %mul3A_60 : i32
          %swap3A = arith.index_cast %add3A_52 : i32 to index
          %swap3A_63 = arith.index_cast %add3A_62 : i32 to index
          %swap3A_64 = tpu.vector_load %arg9[%swap3A, %swap3A_63] {strides = array<i32>} : memref<128x128xf32, #tpu.memory_space<vmem>>, vector<16xf32>,
          tpu.vector_store %arg9[%swap3A, %swap3A_63], %broadcast_in_dim3A_42 {strides = array<i32>} : memref<128x128xf32, #tpu.memory_space<vmem>>, vector<16xf32>,
        }
        %scan3A_57 = arith.constant 8 : i32
      }
      %scan3A_47 = arith.constant 128 : i32
    } else {
    }
    %barrier3A = arith.constant 0 : index
    tpu.barrier barrier_id(%barrier3A)
    %mul3A_23 = arith.constant 80 : i32
    %mul3A_24 = arith.muli %add3A, %mul3A_23 : i32
    %mul3A_25 = arith.constant 128 : i32
    %mul3A_26 = arith.muli %mul3A_24, %mul3A_25 : i32
    %scan3A_27 = arith.constant 0 : i32
    %scan3A_28 = arith.constant 80 : i32
    %scan3A_29 = arith.addi %scan3A_27, %scan3A_28 : i32
    %scan3A_30 = arith.constant 1 : i32
    scf.for %scan3A_41 = %scan3A_27 to %scan3A_29 step %scan3A_30  : i32 {
      %mul3A_42 = arith.constant 1 : i32
      %mul3A_43 = arith.muli %scan3A_41, %mul3A_42 : i32
      %add3A_44 = arith.constant 0 : i32
      %add3A_45 = arith.addi %add3A_44, %mul3A_43 : i32
      %mul3A_46 = arith.constant 128 : i32
      %mul3A_47 = arith.muli %add3A_45, %mul3A_46 : i32
      %add3A_48 = arith.addi %mul3A_26, %mul3A_47 : i32
      "tpu.region"() ({
        %run_scoped3A = tpu.sem_alloc : memref<!tpu.dma_semaphore, #tpu.memory_space<semaphore_mem>>
        %dma_start3A = tpu.memref_slice %arg4[%add3A_48] : memref<327680xi32, #tpu.memory_space<hbm>> -> memref<128xi32, #tpu.memory_space<hbm>>
        %dma_start3A_53 = tpu.memref_slice %arg4[%add3A_48] : memref<327680xi32, #tpu.memory_space<hbm>> -> memref<128xi32, #tpu.memory_space<hbm>>
        tpu.enqueue_dma source(%dma_start3A_53 : memref<128xi32, #tpu.memory_space<hbm>>) target(%arg8 : memref<128xi32, #tpu.memory_space<vmem>>) target_semaphore(%run_scoped3A : memref<!tpu.dma_semaphore, #tpu.memory_space<semaphore_mem>>)
        %dma_wait3A = tpu.memref_slice %arg4[%add3A_48] : memref<327680xi32, #tpu.memory_space<hbm>> -> memref<128xi32, #tpu.memory_space<hbm>>
        %dma_wait3A_54 = tpu.memref_slice %arg4[%add3A_48] : memref<327680xi32, #tpu.memory_space<hbm>> -> memref<128xi32, #tpu.memory_space<hbm>>
        tpu.wait_dma2 semaphore(%run_scoped3A : memref<!tpu.dma_semaphore, #tpu.memory_space<semaphore_mem>>) src(%dma_wait3A_54 : memref<128xi32, #tpu.memory_space<hbm>>) dst(%arg8 : memref<128xi32, #tpu.memory_space<vmem>>)
        tpu.yield
      }) : () -> ()
      %not3A = arith.constant true
      %not3A_49 = arith.xori %eq3A_9, %not3A : i1
      %convert_element_type3A_50 = arith.extui %not3A_49 : i1 to i32
      %cond3A_51 = arith.constant 0 : i32
      %cond3A_52 = arith.cmpi ne, %convert_element_type3A_50, %cond3A_51 : i32
      scf.if %cond3A_52 {
        "tpu.region"() ({
          %run_scoped3A = tpu.sem_alloc : memref<!tpu.dma_semaphore, #tpu.memory_space<semaphore_mem>>
          %dma_start3A_57 = tpu.memref_slice %arg3[%add3A_48] : memref<327680xi32, #tpu.memory_space<hbm>> -> memref<128xi32, #tpu.memory_space<hbm>>
          %dma_start3A_58 = tpu.memref_slice %arg3[%add3A_48] : memref<327680xi32, #tpu.memory_space<hbm>> -> memref<128xi32, #tpu.memory_space<hbm>>
          tpu.enqueue_dma source(%dma_start3A_58 : memref<128xi32, #tpu.memory_space<hbm>>) target(%arg7 : memref<128xi32, #tpu.memory_space<vmem>>) target_semaphore(%run_scoped3A : memref<!tpu.dma_semaphore, #tpu.memory_space<semaphore_mem>>)
          %dma_wait3A_59 = tpu.memref_slice %arg3[%add3A_48] : memref<327680xi32, #tpu.memory_space<hbm>> -> memref<128xi32, #tpu.memory_space<hbm>>
          %dma_wait3A_60 = tpu.memref_slice %arg3[%add3A_48] : memref<327680xi32, #tpu.memory_space<hbm>> -> memref<128xi32, #tpu.memory_space<hbm>>
          tpu.wait_dma2 semaphore(%run_scoped3A : memref<!tpu.dma_semaphore, #tpu.memory_space<semaphore_mem>>) src(%dma_wait3A_60 : memref<128xi32, #tpu.memory_space<hbm>>) dst(%arg7 : memref<128xi32, #tpu.memory_space<vmem>>)
          tpu.yield
        }) : () -> ()
        %dma_start3A = arith.constant 0 : i32
        %dma_start3A_53 = arith.constant 0 : i32
        %dma_start3A_54 = tpu.memref_slice %arg2[%dma_start3A, %dma_start3A_53] : memref<10240x128xf32, #tpu.memory_space<hbm>> -> memref<10240x128xf32, #tpu.memory_space<hbm>>
        tpu.enqueue_indirect_dma source(%dma_start3A_54 : memref<10240x128xf32, #tpu.memory_space<hbm>>) target(%arg9 : memref<128x128xf32, #tpu.memory_space<vmem>>) offsets(%arg7 : memref<128xi32, #tpu.memory_space<vmem>>) semaphore(%arg12 : memref<!tpu.dma_semaphore, #tpu.memory_space<semaphore_mem>>)
        %dma_wait3A = arith.constant 0 : i32
        %dma_wait3A_55 = arith.constant 0 : i32
        %dma_wait3A_56 = tpu.memref_slice %arg2[%dma_wait3A, %dma_wait3A_55] : memref<10240x128xf32, #tpu.memory_space<hbm>> -> memref<10240x128xf32, #tpu.memory_space<hbm>>
        tpu.wait_indirect_dma semaphore(%arg12 : memref<!tpu.dma_semaphore, #tpu.memory_space<semaphore_mem>>) src(%dma_wait3A_56 : memref<10240x128xf32, #tpu.memory_space<hbm>>) dst(%arg9 : memref<128x128xf32, #tpu.memory_space<vmem>>)
      } else {
      }
      "tpu.region"() ({
        %run_scoped3A = tpu.sem_alloc : memref<!tpu.dma_semaphore, #tpu.memory_space<semaphore_mem>>
        %dma_start3A = arith.constant 0 : i32
        %dma_start3A_53 = arith.constant 0 : i32
        %dma_start3A_54 = tpu.memref_slice %arg10[%dma_start3A, %dma_start3A_53] : memref<10240x128xf32, #tpu.memory_space<vmem_shared>> -> memref<10240x128xf32, #tpu.memory_space<vmem_shared>>
        tpu.enqueue_indirect_dma source(%arg9 : memref<128x128xf32, #tpu.memory_space<vmem>>) target(%dma_start3A_54 : memref<10240x128xf32, #tpu.memory_space<vmem_shared>>) offsets(%arg8 : memref<128xi32, #tpu.memory_space<vmem>>) semaphore(%run_scoped3A : memref<!tpu.dma_semaphore, #tpu.memory_space<semaphore_mem>>) {add = true}
        %dma_wait3A = arith.constant 0 : i32
        %dma_wait3A_55 = arith.constant 0 : i32
        %dma_wait3A_56 = tpu.memref_slice %arg10[%dma_wait3A, %dma_wait3A_55] : memref<10240x128xf32, #tpu.memory_space<vmem_shared>> -> memref<10240x128xf32, #tpu.memory_space<vmem_shared>>
        tpu.wait_indirect_dma semaphore(%run_scoped3A : memref<!tpu.dma_semaphore, #tpu.memory_space<semaphore_mem>>) src(%arg9 : memref<128x128xf32, #tpu.memory_space<vmem>>) dst(%dma_wait3A_56 : memref<10240x128xf32, #tpu.memory_space<vmem_shared>>)
        tpu.yield
      }) : () -> ()
    }
    %scan3A_31 = arith.constant 80 : i32
    %barrier3A_32 = arith.constant 0 : index
    tpu.barrier barrier_id(%barrier3A_32)
    %mul3A_33 = arith.constant 10240 : i32
    %mul3A_34 = arith.muli %arg0, %mul3A_33 : i32
    %add3A_35 = arith.addi %mul3A_34, %mul3A_16 : i32
    %scan3A_36 = arith.constant 0 : i32
    %scan3A_37 = arith.constant 5 : i32
    %scan3A_38 = arith.addi %scan3A_36, %scan3A_37 : i32
    %scan3A_39 = arith.constant 1 : i32
    scf.for %scan3A_41 = %scan3A_36 to %scan3A_38 step %scan3A_39  : i32 {
      %mul3A_42 = arith.constant 1 : i32
      %mul3A_43 = arith.muli %scan3A_41, %mul3A_42 : i32
      %add3A_44 = arith.constant 0 : i32
      %add3A_45 = arith.addi %add3A_44, %mul3A_43 : i32
      %mul3A_46 = arith.constant 128 : i32
      %mul3A_47 = arith.muli %add3A_45, %mul3A_46 : i32
      %add3A_48 = arith.addi %mul3A_16, %mul3A_47 : i32
      "tpu.region"() ({
        %run_scoped3A = tpu.sem_alloc : memref<!tpu.dma_semaphore, #tpu.memory_space<semaphore_mem>>
        %dma_start3A = arith.constant 0 : i32
        %dma_start3A_52 = tpu.memref_slice %arg10[%add3A_48, %dma_start3A] : memref<10240x128xf32, #tpu.memory_space<vmem_shared>> -> memref<128x128xf32, #tpu.memory_space<vmem_shared>>
        %dma_start3A_53 = arith.constant 0 : i32
        %dma_start3A_54 = tpu.memref_slice %arg10[%add3A_48, %dma_start3A_53] : memref<10240x128xf32, #tpu.memory_space<vmem_shared>> -> memref<128x128xf32, #tpu.memory_space<vmem_shared>>
        tpu.enqueue_dma source(%dma_start3A_54 : memref<128x128xf32, #tpu.memory_space<vmem_shared>>) target(%arg9 : memref<128x128xf32, #tpu.memory_space<vmem>>) target_semaphore(%run_scoped3A : memref<!tpu.dma_semaphore, #tpu.memory_space<semaphore_mem>>)
        %dma_wait3A = arith.constant 0 : i32
        %dma_wait3A_55 = tpu.memref_slice %arg10[%add3A_48, %dma_wait3A] : memref<10240x128xf32, #tpu.memory_space<vmem_shared>> -> memref<128x128xf32, #tpu.memory_space<vmem_shared>>
        %dma_wait3A_56 = arith.constant 0 : i32
        %dma_wait3A_57 = tpu.memref_slice %arg10[%add3A_48, %dma_wait3A_56] : memref<10240x128xf32, #tpu.memory_space<vmem_shared>> -> memref<128x128xf32, #tpu.memory_space<vmem_shared>>
        tpu.wait_dma2 semaphore(%run_scoped3A : memref<!tpu.dma_semaphore, #tpu.memory_space<semaphore_mem>>) src(%dma_wait3A_57 : memref<128x128xf32, #tpu.memory_space<vmem_shared>>) dst(%arg9 : memref<128x128xf32, #tpu.memory_space<vmem>>)
        tpu.yield
      }) : () -> ()
      %mul3A_49 = arith.constant 128 : i32
      %mul3A_50 = arith.muli %add3A_45, %mul3A_49 : i32
      %add3A_51 = arith.addi %add3A_35, %mul3A_50 : i32
      "tpu.region"() ({
        %run_scoped3A = tpu.sem_alloc : memref<!tpu.dma_semaphore, #tpu.memory_space<semaphore_mem>>
        %dma_start3A = arith.constant 0 : i32
        %dma_start3A_52 = tpu.memref_slice %arg6[%add3A_51, %dma_start3A] : memref<20480x128xf32, #tpu.memory_space<hbm>> -> memref<128x128xf32, #tpu.memory_space<hbm>>
        %dma_start3A_53 = arith.constant 0 : i32
        %dma_start3A_54 = tpu.memref_slice %arg6[%add3A_51, %dma_start3A_53] : memref<20480x128xf32, #tpu.memory_space<hbm>> -> memref<128x128xf32, #tpu.memory_space<hbm>>
        tpu.enqueue_dma source(%arg9 : memref<128x128xf32, #tpu.memory_space<vmem>>) target(%dma_start3A_54 : memref<128x128xf32, #tpu.memory_space<hbm>>) target_semaphore(%run_scoped3A : memref<!tpu.dma_semaphore, #tpu.memory_space<semaphore_mem>>)
        %dma_wait3A = arith.constant 0 : i32
        %dma_wait3A_55 = tpu.memref_slice %arg6[%add3A_51, %dma_wait3A] : memref<20480x128xf32, #tpu.memory_space<hbm>> -> memref<128x128xf32, #tpu.memory_space<hbm>>
        %dma_wait3A_56 = arith.constant 0 : i32
        %dma_wait3A_57 = tpu.memref_slice %arg6[%add3A_51, %dma_wait3A_56] : memref<20480x128xf32, #tpu.memory_space<hbm>> -> memref<128x128xf32, #tpu.memory_space<hbm>>
        tpu.wait_dma2 semaphore(%run_scoped3A : memref<!tpu.dma_semaphore, #tpu.memory_space<semaphore_mem>>) src(%arg9 : memref<128x128xf32, #tpu.memory_space<vmem>>) dst(%dma_wait3A_57 : memref<128x128xf32, #tpu.memory_space<hbm>>)
        tpu.yield
      }) : () -> ()
    }
    %scan3A_40 = arith.constant 5 : i32
    return
  }
}

#map = affine_map<(d0, d1) -> (0, 0)>
#map1 = affine_map<(d0, d1) -> (0)>
module attributes {stable_mosaic.version = 14 : i64} {
  func.func @_sc_agg(%arg0: i32, %arg1: i32, %arg2: memref<10240x128xf32, #tpu.memory_space<hbm>>, %arg3: memref<327680xi32, #tpu.memory_space<hbm>>, %arg4: memref<327680xi32, #tpu.memory_space<hbm>>, %arg5: memref<16xi32, #tpu.memory_space<hbm>>, %arg6: memref<20480x128xf32, #tpu.memory_space<hbm>>, %arg7: memref<128xi32, #tpu.memory_space<vmem>>, %arg8: memref<128xi32, #tpu.memory_space<vmem>>, %arg9: memref<128x128xf32, #tpu.memory_space<vmem>>, %arg10: memref<10240x128xf32, #tpu.memory_space<vmem_shared>>, %arg11: memref<16xi32, #tpu.memory_space<vmem>>, %arg12: memref<!tpu.dma_semaphore, #tpu.memory_space<semaphore_mem>>) attributes {dimension_semantics = [#tpu.dimension_semantics<core_parallel>, #tpu.dimension_semantics<subcore_parallel>], iteration_bounds = array<i64: 2, 16>, scalar_prefetch = 0 : i64, scratch_operands = 6 : i64, tpu.core_type = #tpu.core_type<sc_vector_subcore>, window_params = [{transform_indices = #map}, {transform_indices = #map1}, {transform_indices = #map1}, {transform_indices = #map1}, {transform_indices = #map}]} {
    %mul3A = arith.constant 2 : i32
    %mul3A_0 = arith.muli %arg1, %mul3A : i32
    %add3A = arith.addi %mul3A_0, %arg0 : i32
    "tpu.region"() ({
      %run_scoped3A = tpu.sem_alloc : memref<!tpu.dma_semaphore, #tpu.memory_space<semaphore_mem>>
      tpu.enqueue_dma source(%arg5 : memref<16xi32, #tpu.memory_space<hbm>>) target(%arg11 : memref<16xi32, #tpu.memory_space<vmem>>) target_semaphore(%run_scoped3A : memref<!tpu.dma_semaphore, #tpu.memory_space<semaphore_mem>>)
      tpu.wait_dma2 semaphore(%run_scoped3A : memref<!tpu.dma_semaphore, #tpu.memory_space<semaphore_mem>>) src(%arg5 : memref<16xi32, #tpu.memory_space<hbm>>) dst(%arg11 : memref<16xi32, #tpu.memory_space<vmem>>)
      tpu.yield
    }) : () -> ()
    %get3A = arith.constant 0 : index
    %get3A_1 = tpu.vector_load %arg11[%get3A] {strides = array<i32>} : memref<16xi32, #tpu.memory_space<vmem>>, vector<16xi32>,
    %reduce_max3A = arith.constant true
    %reduce_max3A_2 = vector.broadcast %reduce_max3A : i1 to vector<16xi1>
    %reduce_max3A_3 = arith.constant -2147483648 : i32
    %reduce_max3A_4 = vector.broadcast %reduce_max3A_3 : i32 to vector<16xi32>
    %reduce_max3A_5 = arith.xori %get3A_1, %reduce_max3A_4 : vector<16xi32>
    %reduce_max3A_6 = tpu.scan <max>, %reduce_max3A_5 masked %reduce_max3A_2 : vector<16xi32>, vector<16xi1> -> vector<16xi32>
    %reduce_max3A_7 = arith.xori %reduce_max3A_6, %reduce_max3A_4 : vector<16xi32>
    %reduce_max3A_8 = vector.extract %reduce_max3A_7[15] : i32 from vector<16xi32>
    %eq3A = arith.constant 1 : i32
    %eq3A_9 = arith.cmpi eq, %reduce_max3A_8, %eq3A : i32
    %broadcast_in_dim3A = arith.constant 0.000000e+00 : f32
    %broadcast_in_dim3A_10 = vector.broadcast %broadcast_in_dim3A : f32 to vector<16xf32>
    %scan3A = arith.constant 0 : i32
    %scan3A_11 = arith.constant 128 : i32
    %scan3A_12 = arith.addi %scan3A, %scan3A_11 : i32
    %scan3A_13 = arith.constant 1 : i32
    scf.for %scan3A_41 = %scan3A to %scan3A_12 step %scan3A_13  : i32 {
      %mul3A_42 = arith.constant 1 : i32
      %mul3A_43 = arith.muli %scan3A_41, %mul3A_42 : i32
      %add3A_44 = arith.constant 0 : i32
      %add3A_45 = arith.addi %add3A_44, %mul3A_43 : i32
      %scan3A_46 = arith.constant 0 : i32
      %scan3A_47 = arith.constant 8 : i32
      %scan3A_48 = arith.addi %scan3A_46, %scan3A_47 : i32
      %scan3A_49 = arith.constant 1 : i32
      scf.for %scan3A_51 = %scan3A_46 to %scan3A_48 step %scan3A_49  : i32 {
        %mul3A_52 = arith.constant 16 : i32
        %mul3A_53 = arith.muli %scan3A_51, %mul3A_52 : i32
        %add3A_54 = arith.constant 0 : i32
        %add3A_55 = arith.addi %add3A_54, %mul3A_53 : i32
        %swap3A = arith.index_cast %add3A_45 : i32 to index
        %swap3A_56 = arith.index_cast %add3A_55 : i32 to index
        %swap3A_57 = tpu.vector_load %arg9[%swap3A, %swap3A_56] {strides = array<i32>} : memref<128x128xf32, #tpu.memory_space<vmem>>, vector<16xf32>,
        tpu.vector_store %arg9[%swap3A, %swap3A_56], %broadcast_in_dim3A_10 {strides = array<i32>} : memref<128x128xf32, #tpu.memory_space<vmem>>, vector<16xf32>,
      }
      %scan3A_50 = arith.constant 8 : i32
    }
    %scan3A_14 = arith.constant 128 : i32
    %mul3A_15 = arith.constant 640 : i32
    %mul3A_16 = arith.muli %arg1, %mul3A_15 : i32
    %scan3A_17 = arith.constant 0 : i32
    %scan3A_18 = arith.constant 5 : i32
    %scan3A_19 = arith.addi %scan3A_17, %scan3A_18 : i32
    %scan3A_20 = arith.constant 1 : i32
    scf.for %scan3A_41 = %scan3A_17 to %scan3A_19 step %scan3A_20  : i32 {
      %mul3A_42 = arith.constant 1 : i32
      %mul3A_43 = arith.muli %scan3A_41, %mul3A_42 : i32
      %add3A_44 = arith.constant 0 : i32
      %add3A_45 = arith.addi %add3A_44, %mul3A_43 : i32
      %mul3A_46 = arith.constant 128 : i32
      %mul3A_47 = arith.muli %add3A_45, %mul3A_46 : i32
      %add3A_48 = arith.addi %mul3A_16, %mul3A_47 : i32
      "tpu.region"() ({
        %run_scoped3A = tpu.sem_alloc : memref<!tpu.dma_semaphore, #tpu.memory_space<semaphore_mem>>
        %dma_start3A = arith.constant 0 : i32
        %dma_start3A_49 = tpu.memref_slice %arg10[%add3A_48, %dma_start3A] : memref<10240x128xf32, #tpu.memory_space<vmem_shared>> -> memref<128x128xf32, #tpu.memory_space<vmem_shared>>
        %dma_start3A_50 = arith.constant 0 : i32
        %dma_start3A_51 = tpu.memref_slice %arg10[%add3A_48, %dma_start3A_50] : memref<10240x128xf32, #tpu.memory_space<vmem_shared>> -> memref<128x128xf32, #tpu.memory_space<vmem_shared>>
        tpu.enqueue_dma source(%arg9 : memref<128x128xf32, #tpu.memory_space<vmem>>) target(%dma_start3A_51 : memref<128x128xf32, #tpu.memory_space<vmem_shared>>) target_semaphore(%run_scoped3A : memref<!tpu.dma_semaphore, #tpu.memory_space<semaphore_mem>>)
        %dma_wait3A = arith.constant 0 : i32
        %dma_wait3A_52 = tpu.memref_slice %arg10[%add3A_48, %dma_wait3A] : memref<10240x128xf32, #tpu.memory_space<vmem_shared>> -> memref<128x128xf32, #tpu.memory_space<vmem_shared>>
        %dma_wait3A_53 = arith.constant 0 : i32
        %dma_wait3A_54 = tpu.memref_slice %arg10[%add3A_48, %dma_wait3A_53] : memref<10240x128xf32, #tpu.memory_space<vmem_shared>> -> memref<128x128xf32, #tpu.memory_space<vmem_shared>>
        tpu.wait_dma2 semaphore(%run_scoped3A : memref<!tpu.dma_semaphore, #tpu.memory_space<semaphore_mem>>) src(%arg9 : memref<128x128xf32, #tpu.memory_space<vmem>>) dst(%dma_wait3A_54 : memref<128x128xf32, #tpu.memory_space<vmem_shared>>)
        tpu.yield
      }) : () -> ()
    }
    %scan3A_21 = arith.constant 5 : i32
    %convert_element_type3A = arith.extui %eq3A_9 : i1 to i32
    %cond3A = arith.constant 0 : i32
    %cond3A_22 = arith.cmpi ne, %convert_element_type3A, %cond3A : i32
    scf.if %cond3A_22 {
      %broadcast_in_dim3A_41 = arith.constant 1.000000e+00 : f32
      %broadcast_in_dim3A_42 = vector.broadcast %broadcast_in_dim3A_41 : f32 to vector<16xf32>
      %scan3A_43 = arith.constant 0 : i32
      %scan3A_44 = arith.constant 128 : i32
      %scan3A_45 = arith.addi %scan3A_43, %scan3A_44 : i32
      %scan3A_46 = arith.constant 1 : i32
      scf.for %scan3A_48 = %scan3A_43 to %scan3A_45 step %scan3A_46  : i32 {
        %mul3A_49 = arith.constant 1 : i32
        %mul3A_50 = arith.muli %scan3A_48, %mul3A_49 : i32
        %add3A_51 = arith.constant 0 : i32
        %add3A_52 = arith.addi %add3A_51, %mul3A_50 : i32
        %scan3A_53 = arith.constant 0 : i32
        %scan3A_54 = arith.constant 8 : i32
        %scan3A_55 = arith.addi %scan3A_53, %scan3A_54 : i32
        %scan3A_56 = arith.constant 1 : i32
        scf.for %scan3A_58 = %scan3A_53 to %scan3A_55 step %scan3A_56  : i32 {
          %mul3A_59 = arith.constant 16 : i32
          %mul3A_60 = arith.muli %scan3A_58, %mul3A_59 : i32
          %add3A_61 = arith.constant 0 : i32
          %add3A_62 = arith.addi %add3A_61, %mul3A_60 : i32
          %swap3A = arith.index_cast %add3A_52 : i32 to index
          %swap3A_63 = arith.index_cast %add3A_62 : i32 to index
          %swap3A_64 = tpu.vector_load %arg9[%swap3A, %swap3A_63] {strides = array<i32>} : memref<128x128xf32, #tpu.memory_space<vmem>>, vector<16xf32>,
          tpu.vector_store %arg9[%swap3A, %swap3A_63], %broadcast_in_dim3A_42 {strides = array<i32>} : memref<128x128xf32, #tpu.memory_space<vmem>>, vector<16xf32>,
        }
        %scan3A_57 = arith.constant 8 : i32
      }
      %scan3A_47 = arith.constant 128 : i32
    } else {
    }
    %barrier3A = arith.constant 0 : index
    tpu.barrier barrier_id(%barrier3A)
    %mul3A_23 = arith.constant 80 : i32
    %mul3A_24 = arith.muli %add3A, %mul3A_23 : i32
    %mul3A_25 = arith.constant 128 : i32
    %mul3A_26 = arith.muli %mul3A_24, %mul3A_25 : i32
    %scan3A_27 = arith.constant 0 : i32
    %scan3A_28 = arith.constant 80 : i32
    %scan3A_29 = arith.addi %scan3A_27, %scan3A_28 : i32
    %scan3A_30 = arith.constant 1 : i32
    scf.for %scan3A_41 = %scan3A_27 to %scan3A_29 step %scan3A_30  : i32 {
      %mul3A_42 = arith.constant 1 : i32
      %mul3A_43 = arith.muli %scan3A_41, %mul3A_42 : i32
      %add3A_44 = arith.constant 0 : i32
      %add3A_45 = arith.addi %add3A_44, %mul3A_43 : i32
      %mul3A_46 = arith.constant 128 : i32
      %mul3A_47 = arith.muli %add3A_45, %mul3A_46 : i32
      %add3A_48 = arith.addi %mul3A_26, %mul3A_47 : i32
      "tpu.region"() ({
        %run_scoped3A = tpu.sem_alloc : memref<!tpu.dma_semaphore, #tpu.memory_space<semaphore_mem>>
        %dma_start3A = tpu.memref_slice %arg4[%add3A_48] : memref<327680xi32, #tpu.memory_space<hbm>> -> memref<128xi32, #tpu.memory_space<hbm>>
        %dma_start3A_53 = tpu.memref_slice %arg4[%add3A_48] : memref<327680xi32, #tpu.memory_space<hbm>> -> memref<128xi32, #tpu.memory_space<hbm>>
        tpu.enqueue_dma source(%dma_start3A_53 : memref<128xi32, #tpu.memory_space<hbm>>) target(%arg8 : memref<128xi32, #tpu.memory_space<vmem>>) target_semaphore(%run_scoped3A : memref<!tpu.dma_semaphore, #tpu.memory_space<semaphore_mem>>)
        %dma_wait3A = tpu.memref_slice %arg4[%add3A_48] : memref<327680xi32, #tpu.memory_space<hbm>> -> memref<128xi32, #tpu.memory_space<hbm>>
        %dma_wait3A_54 = tpu.memref_slice %arg4[%add3A_48] : memref<327680xi32, #tpu.memory_space<hbm>> -> memref<128xi32, #tpu.memory_space<hbm>>
        tpu.wait_dma2 semaphore(%run_scoped3A : memref<!tpu.dma_semaphore, #tpu.memory_space<semaphore_mem>>) src(%dma_wait3A_54 : memref<128xi32, #tpu.memory_space<hbm>>) dst(%arg8 : memref<128xi32, #tpu.memory_space<vmem>>)
        tpu.yield
      }) : () -> ()
      %not3A = arith.constant true
      %not3A_49 = arith.xori %eq3A_9, %not3A : i1
      %convert_element_type3A_50 = arith.extui %not3A_49 : i1 to i32
      %cond3A_51 = arith.constant 0 : i32
      %cond3A_52 = arith.cmpi ne, %convert_element_type3A_50, %cond3A_51 : i32
      scf.if %cond3A_52 {
        "tpu.region"() ({
          %run_scoped3A = tpu.sem_alloc : memref<!tpu.dma_semaphore, #tpu.memory_space<semaphore_mem>>
          %dma_start3A_57 = tpu.memref_slice %arg3[%add3A_48] : memref<327680xi32, #tpu.memory_space<hbm>> -> memref<128xi32, #tpu.memory_space<hbm>>
          %dma_start3A_58 = tpu.memref_slice %arg3[%add3A_48] : memref<327680xi32, #tpu.memory_space<hbm>> -> memref<128xi32, #tpu.memory_space<hbm>>
          tpu.enqueue_dma source(%dma_start3A_58 : memref<128xi32, #tpu.memory_space<hbm>>) target(%arg7 : memref<128xi32, #tpu.memory_space<vmem>>) target_semaphore(%run_scoped3A : memref<!tpu.dma_semaphore, #tpu.memory_space<semaphore_mem>>)
          %dma_wait3A_59 = tpu.memref_slice %arg3[%add3A_48] : memref<327680xi32, #tpu.memory_space<hbm>> -> memref<128xi32, #tpu.memory_space<hbm>>
          %dma_wait3A_60 = tpu.memref_slice %arg3[%add3A_48] : memref<327680xi32, #tpu.memory_space<hbm>> -> memref<128xi32, #tpu.memory_space<hbm>>
          tpu.wait_dma2 semaphore(%run_scoped3A : memref<!tpu.dma_semaphore, #tpu.memory_space<semaphore_mem>>) src(%dma_wait3A_60 : memref<128xi32, #tpu.memory_space<hbm>>) dst(%arg7 : memref<128xi32, #tpu.memory_space<vmem>>)
          tpu.yield
        }) : () -> ()
        %dma_start3A = arith.constant 0 : i32
        %dma_start3A_53 = arith.constant 0 : i32
        %dma_start3A_54 = tpu.memref_slice %arg2[%dma_start3A, %dma_start3A_53] : memref<10240x128xf32, #tpu.memory_space<hbm>> -> memref<10240x128xf32, #tpu.memory_space<hbm>>
        tpu.enqueue_indirect_dma source(%dma_start3A_54 : memref<10240x128xf32, #tpu.memory_space<hbm>>) target(%arg9 : memref<128x128xf32, #tpu.memory_space<vmem>>) offsets(%arg7 : memref<128xi32, #tpu.memory_space<vmem>>) semaphore(%arg12 : memref<!tpu.dma_semaphore, #tpu.memory_space<semaphore_mem>>)
        %dma_wait3A = arith.constant 0 : i32
        %dma_wait3A_55 = arith.constant 0 : i32
        %dma_wait3A_56 = tpu.memref_slice %arg2[%dma_wait3A, %dma_wait3A_55] : memref<10240x128xf32, #tpu.memory_space<hbm>> -> memref<10240x128xf32, #tpu.memory_space<hbm>>
        tpu.wait_indirect_dma semaphore(%arg12 : memref<!tpu.dma_semaphore, #tpu.memory_space<semaphore_mem>>) src(%dma_wait3A_56 : memref<10240x128xf32, #tpu.memory_space<hbm>>) dst(%arg9 : memref<128x128xf32, #tpu.memory_space<vmem>>)
      } else {
      }
      "tpu.region"() ({
        %run_scoped3A = tpu.sem_alloc : memref<!tpu.dma_semaphore, #tpu.memory_space<semaphore_mem>>
        %dma_start3A = arith.constant 0 : i32
        %dma_start3A_53 = arith.constant 0 : i32
        %dma_start3A_54 = tpu.memref_slice %arg10[%dma_start3A, %dma_start3A_53] : memref<10240x128xf32, #tpu.memory_space<vmem_shared>> -> memref<10240x128xf32, #tpu.memory_space<vmem_shared>>
        tpu.enqueue_indirect_dma source(%arg9 : memref<128x128xf32, #tpu.memory_space<vmem>>) target(%dma_start3A_54 : memref<10240x128xf32, #tpu.memory_space<vmem_shared>>) offsets(%arg8 : memref<128xi32, #tpu.memory_space<vmem>>) semaphore(%run_scoped3A : memref<!tpu.dma_semaphore, #tpu.memory_space<semaphore_mem>>) {add = true}
        %dma_wait3A = arith.constant 0 : i32
        %dma_wait3A_55 = arith.constant 0 : i32
        %dma_wait3A_56 = tpu.memref_slice %arg10[%dma_wait3A, %dma_wait3A_55] : memref<10240x128xf32, #tpu.memory_space<vmem_shared>> -> memref<10240x128xf32, #tpu.memory_space<vmem_shared>>
        tpu.wait_indirect_dma semaphore(%run_scoped3A : memref<!tpu.dma_semaphore, #tpu.memory_space<semaphore_mem>>) src(%arg9 : memref<128x128xf32, #tpu.memory_space<vmem>>) dst(%dma_wait3A_56 : memref<10240x128xf32, #tpu.memory_space<vmem_shared>>)
        tpu.yield
      }) : () -> ()
    }
    %scan3A_31 = arith.constant 80 : i32
    %barrier3A_32 = arith.constant 0 : index
    tpu.barrier barrier_id(%barrier3A_32)
    %mul3A_33 = arith.constant 10240 : i32
    %mul3A_34 = arith.muli %arg0, %mul3A_33 : i32
    %add3A_35 = arith.addi %mul3A_34, %mul3A_16 : i32
    %scan3A_36 = arith.constant 0 : i32
    %scan3A_37 = arith.constant 5 : i32
    %scan3A_38 = arith.addi %scan3A_36, %scan3A_37 : i32
    %scan3A_39 = arith.constant 1 : i32
    scf.for %scan3A_41 = %scan3A_36 to %scan3A_38 step %scan3A_39  : i32 {
      %mul3A_42 = arith.constant 1 : i32
      %mul3A_43 = arith.muli %scan3A_41, %mul3A_42 : i32
      %add3A_44 = arith.constant 0 : i32
      %add3A_45 = arith.addi %add3A_44, %mul3A_43 : i32
      %mul3A_46 = arith.constant 128 : i32
      %mul3A_47 = arith.muli %add3A_45, %mul3A_46 : i32
      %add3A_48 = arith.addi %mul3A_16, %mul3A_47 : i32
      "tpu.region"() ({
        %run_scoped3A = tpu.sem_alloc : memref<!tpu.dma_semaphore, #tpu.memory_space<semaphore_mem>>
        %dma_start3A = arith.constant 0 : i32
        %dma_start3A_52 = tpu.memref_slice %arg10[%add3A_48, %dma_start3A] : memref<10240x128xf32, #tpu.memory_space<vmem_shared>> -> memref<128x128xf32, #tpu.memory_space<vmem_shared>>
        %dma_start3A_53 = arith.constant 0 : i32
        %dma_start3A_54 = tpu.memref_slice %arg10[%add3A_48, %dma_start3A_53] : memref<10240x128xf32, #tpu.memory_space<vmem_shared>> -> memref<128x128xf32, #tpu.memory_space<vmem_shared>>
        tpu.enqueue_dma source(%dma_start3A_54 : memref<128x128xf32, #tpu.memory_space<vmem_shared>>) target(%arg9 : memref<128x128xf32, #tpu.memory_space<vmem>>) target_semaphore(%run_scoped3A : memref<!tpu.dma_semaphore, #tpu.memory_space<semaphore_mem>>)
        %dma_wait3A = arith.constant 0 : i32
        %dma_wait3A_55 = tpu.memref_slice %arg10[%add3A_48, %dma_wait3A] : memref<10240x128xf32, #tpu.memory_space<vmem_shared>> -> memref<128x128xf32, #tpu.memory_space<vmem_shared>>
        %dma_wait3A_56 = arith.constant 0 : i32
        %dma_wait3A_57 = tpu.memref_slice %arg10[%add3A_48, %dma_wait3A_56] : memref<10240x128xf32, #tpu.memory_space<vmem_shared>> -> memref<128x128xf32, #tpu.memory_space<vmem_shared>>
        tpu.wait_dma2 semaphore(%run_scoped3A : memref<!tpu.dma_semaphore, #tpu.memory_space<semaphore_mem>>) src(%dma_wait3A_57 : memref<128x128xf32, #tpu.memory_space<vmem_shared>>) dst(%arg9 : memref<128x128xf32, #tpu.memory_space<vmem>>)
        tpu.yield
      }) : () -> ()
      %mul3A_49 = arith.constant 128 : i32
      %mul3A_50 = arith.muli %add3A_45, %mul3A_49 : i32
      %add3A_51 = arith.addi %add3A_35, %mul3A_50 : i32
      "tpu.region"() ({
        %run_scoped3A = tpu.sem_alloc : memref<!tpu.dma_semaphore, #tpu.memory_space<semaphore_mem>>
        %dma_start3A = arith.constant 0 : i32
        %dma_start3A_52 = tpu.memref_slice %arg6[%add3A_51, %dma_start3A] : memref<20480x128xf32, #tpu.memory_space<hbm>> -> memref<128x128xf32, #tpu.memory_space<hbm>>
        %dma_start3A_53 = arith.constant 0 : i32
        %dma_start3A_54 = tpu.memref_slice %arg6[%add3A_51, %dma_start3A_53] : memref<20480x128xf32, #tpu.memory_space<hbm>> -> memref<128x128xf32, #tpu.memory_space<hbm>>
        tpu.enqueue_dma source(%arg9 : memref<128x128xf32, #tpu.memory_space<vmem>>) target(%dma_start3A_54 : memref<128x128xf32, #tpu.memory_space<hbm>>) target_semaphore(%run_scoped3A : memref<!tpu.dma_semaphore, #tpu.memory_space<semaphore_mem>>)
        %dma_wait3A = arith.constant 0 : i32
        %dma_wait3A_55 = tpu.memref_slice %arg6[%add3A_51, %dma_wait3A] : memref<20480x128xf32, #tpu.memory_space<hbm>> -> memref<128x128xf32, #tpu.memory_space<hbm>>
        %dma_wait3A_56 = arith.constant 0 : i32
        %dma_wait3A_57 = tpu.memref_slice %arg6[%add3A_51, %dma_wait3A_56] : memref<20480x128xf32, #tpu.memory_space<hbm>> -> memref<128x128xf32, #tpu.memory_space<hbm>>
        tpu.wait_dma2 semaphore(%run_scoped3A : memref<!tpu.dma_semaphore, #tpu.memory_space<semaphore_mem>>) src(%arg9 : memref<128x128xf32, #tpu.memory_space<vmem>>) dst(%dma_wait3A_57 : memref<128x128xf32, #tpu.memory_space<hbm>>)
        tpu.yield
      }) : () -> ()
    }
    %scan3A_40 = arith.constant 5 : i32
    return
  }
}

module attributes {stable_mosaic.version = 14 : i64} {
  func.func @_layer_body(%arg0: i32, %arg1: memref<1x1024x128xf32, #tpu.memory_space<vmem>>, %arg2: memref<1x1024x128xf32, #tpu.memory_space<vmem>>, %arg3: memref<1024x128xf32, #tpu.memory_space<vmem>>, %arg4: memref<1x128xf32, #tpu.memory_space<vmem>>, %arg5: memref<1024x128xf32, #tpu.memory_space<vmem>>, %arg6: memref<128x128xf32, #tpu.memory_space<vmem>>, %arg7: memref<1024x128xf32, #tpu.memory_space<vmem>>) attributes {dimension_semantics = [#tpu.dimension_semantics<arbitrary>], iteration_bounds = array<i64: 10>, scalar_prefetch = 0 : i64, scratch_operands = 0 : i64, tpu.core_type = #tpu.core_type<tc>, window_params = [{transform_indices = @transform_0, window_bounds = array<i64: 1, 1024, 128>}, {transform_indices = @transform_1, window_bounds = array<i64: 1, 1024, 128>}, {transform_indices = @transform_2, window_bounds = array<i64: 1024, 128>}, {pipeline_mode = #tpu.pipeline_mode<synchronous>, transform_indices = @transform_3, window_bounds = array<i64: 1, 128>}, {transform_indices = @transform_4, window_bounds = array<i64: 1024, 128>}, {pipeline_mode = #tpu.pipeline_mode<synchronous>, transform_indices = @transform_5, window_bounds = array<i64: 128, 128>}, {transform_indices = @transform_6, window_bounds = array<i64: 1024, 128>}]} {
    %get3A = arith.constant 0 : index
    %get3A_0 = arith.constant 0 : index
    %get3A_1 = arith.constant 0 : index
    %get3A_2 = vector.load %arg1[%get3A, %get3A_0, %get3A_1] : memref<1x1024x128xf32, #tpu.memory_space<vmem>>, vector<1x1024x128xf32>
    %get3A_3 = vector.shape_cast %get3A_2 : vector<1x1024x128xf32> to vector<1024x128xf32>
    %get3A_4 = arith.constant 0 : index
    %get3A_5 = arith.constant 0 : index
    %get3A_6 = arith.constant 0 : index
    %get3A_7 = vector.load %arg2[%get3A_4, %get3A_5, %get3A_6] : memref<1x1024x128xf32, #tpu.memory_space<vmem>>, vector<1x1024x128xf32>
    %get3A_8 = vector.shape_cast %get3A_7 : vector<1x1024x128xf32> to vector<1024x128xf32>
    %add3A = arith.addf %get3A_3, %get3A_8 : vector<1024x128xf32>
    %get3A_9 = arith.constant 0 : index
    %get3A_10 = arith.constant 0 : index
    %get3A_11 = vector.load %arg3[%get3A_9, %get3A_10] : memref<1024x128xf32, #tpu.memory_space<vmem>>, vector<1024x128xf32>
    %mul3A = arith.mulf %add3A, %get3A_11 : vector<1024x128xf32>
    %get3A_12 = arith.constant 0 : index
    %get3A_13 = arith.constant 0 : index
    %get3A_14 = vector.load %arg4[%get3A_12, %get3A_13] : memref<1x128xf32, #tpu.memory_space<vmem>>, vector<1x128xf32>
    %add3A_15 = vector.broadcast %get3A_14 : vector<1x128xf32> to vector<1024x128xf32>
    %add3A_16 = arith.addf %mul3A, %add3A_15 : vector<1024x128xf32>
    %max3A = arith.constant 0.000000e+00 : f32
    %max3A_17 = vector.broadcast %max3A : f32 to vector<1024x128xf32>
    %max3A_18 = arith.maximumf %add3A_16, %max3A_17 : vector<1024x128xf32>
    %get3A_19 = arith.constant 0 : index
    %get3A_20 = arith.constant 0 : index
    %get3A_21 = vector.load %arg5[%get3A_19, %get3A_20] : memref<1024x128xf32, #tpu.memory_space<vmem>>, vector<1024x128xf32>
    %mul3A_22 = arith.mulf %max3A_18, %get3A_21 : vector<1024x128xf32>
    %get3A_23 = arith.constant 0 : index
    %get3A_24 = arith.constant 0 : index
    %get3A_25 = vector.load %arg6[%get3A_23, %get3A_24] : memref<128x128xf32, #tpu.memory_space<vmem>>, vector<128x128xf32>
    %dot_general3A = arith.constant dense<0.000000e+00> : vector<1024x128xf32>
    %dot_general3A_26 = tpu.matmul %mul3A_22, %get3A_25, %dot_general3A {dimension_numbers = #tpu.dot_dimension_numbers<[1], [0], [0], [1], [0, 0, 1, 1], [], []>, transpose_lhs_hint = false} : vector<1024x128xf32>, vector<128x128xf32>, vector<1024x128xf32> -> vector<1024x128xf32>
    %swap3A = arith.constant 0 : index
    %swap3A_27 = arith.constant 0 : index
    %swap3A_28 = vector.load %arg7[%swap3A, %swap3A_27] : memref<1024x128xf32, #tpu.memory_space<vmem>>, vector<1024x128xf32>
    tpu.vector_store %arg7[%swap3A, %swap3A_27], %dot_general3A_26 {strides = array<i32>} : memref<1024x128xf32, #tpu.memory_space<vmem>>, vector<1024x128xf32>,
    return
  }
  func.func @transform_0(%arg0: i32) -> (i32, i32, i32) {
    %c0_i32 = arith.constant 0 : i32
    %c0_i32_0 = arith.constant 0 : i32
    %c0_i32_1 = arith.constant 0 : i32
    return %c0_i32, %arg0, %c0_i32_0 : i32, i32, i32
  }
  func.func @transform_1(%arg0: i32) -> (i32, i32, i32) {
    %c1_i32 = arith.constant 1 : i32
    %c0_i32 = arith.constant 0 : i32
    %c0_i32_0 = arith.constant 0 : i32
    return %c1_i32, %arg0, %c0_i32 : i32, i32, i32
  }
  func.func @transform_2(%arg0: i32) -> (i32, i32) {
    %c0_i32 = arith.constant 0 : i32
    %c0_i32_0 = arith.constant 0 : i32
    return %arg0, %c0_i32 : i32, i32
  }
  func.func @transform_3(%arg0: i32) -> (i32, i32) {
    %c0_i32 = arith.constant 0 : i32
    %c0_i32_0 = arith.constant 0 : i32
    %c0_i32_1 = arith.constant 0 : i32
    return %c0_i32, %c0_i32_0 : i32, i32
  }
  func.func @transform_4(%arg0: i32) -> (i32, i32) {
    %c0_i32 = arith.constant 0 : i32
    %c0_i32_0 = arith.constant 0 : i32
    return %arg0, %c0_i32 : i32, i32
  }
  func.func @transform_5(%arg0: i32) -> (i32, i32) {
    %c0_i32 = arith.constant 0 : i32
    %c0_i32_0 = arith.constant 0 : i32
    %c0_i32_1 = arith.constant 0 : i32
    return %c0_i32, %c0_i32_0 : i32, i32
  }
  func.func @transform_6(%arg0: i32) -> (i32, i32) {
    %c0_i32 = arith.constant 0 : i32
    %c0_i32_0 = arith.constant 0 : i32
    return %arg0, %c0_i32 : i32, i32
  }
}

module attributes {stable_mosaic.version = 14 : i64} {
  func.func @_prep_body(%arg0: i32, %arg1: memref<1024x128xf32, #tpu.memory_space<vmem>>, %arg2: memref<1x1024x128xf32, #tpu.memory_space<vmem>>, %arg3: memref<1x1024x128xf32, #tpu.memory_space<vmem>>, %arg4: memref<1x1024x128xf32, #tpu.memory_space<vmem>>, %arg5: memref<1x1024x128xf32, #tpu.memory_space<vmem>>, %arg6: memref<128x128xf32, #tpu.memory_space<vmem>>, %arg7: memref<1024x128xf32, #tpu.memory_space<vmem>>, %arg8: memref<1024x128xf32, #tpu.memory_space<vmem>>, %arg9: memref<1024x128xf32, #tpu.memory_space<vmem>>) attributes {dimension_semantics = [#tpu.dimension_semantics<arbitrary>], iteration_bounds = array<i64: 10>, scalar_prefetch = 0 : i64, scratch_operands = 0 : i64, tpu.core_type = #tpu.core_type<tc>, window_params = [{transform_indices = @transform_0, window_bounds = array<i64: 1024, 128>}, {transform_indices = @transform_1, window_bounds = array<i64: 1, 1024, 128>}, {transform_indices = @transform_2, window_bounds = array<i64: 1, 1024, 128>}, {transform_indices = @transform_3, window_bounds = array<i64: 1, 1024, 128>}, {transform_indices = @transform_4, window_bounds = array<i64: 1, 1024, 128>}, {pipeline_mode = #tpu.pipeline_mode<synchronous>, transform_indices = @transform_5, window_bounds = array<i64: 128, 128>}, {transform_indices = @transform_6, window_bounds = array<i64: 1024, 128>}, {transform_indices = @transform_7, window_bounds = array<i64: 1024, 128>}, {transform_indices = @transform_8, window_bounds = array<i64: 1024, 128>}]} {
    %get3A = arith.constant 0 : index
    %get3A_0 = arith.constant 0 : index
    %get3A_1 = arith.constant 0 : index
    %get3A_2 = vector.load %arg2[%get3A, %get3A_0, %get3A_1] : memref<1x1024x128xf32, #tpu.memory_space<vmem>>, vector<1x1024x128xf32>
    %get3A_3 = vector.shape_cast %get3A_2 : vector<1x1024x128xf32> to vector<1024x128xf32>
    %get3A_4 = arith.constant 0 : index
    %get3A_5 = arith.constant 0 : index
    %get3A_6 = arith.constant 0 : index
    %get3A_7 = vector.load %arg3[%get3A_4, %get3A_5, %get3A_6] : memref<1x1024x128xf32, #tpu.memory_space<vmem>>, vector<1x1024x128xf32>
    %get3A_8 = vector.shape_cast %get3A_7 : vector<1x1024x128xf32> to vector<1024x128xf32>
    %add3A = arith.addf %get3A_3, %get3A_8 : vector<1024x128xf32>
    %max3A = arith.constant 1.000000e+00 : f32
    %max3A_9 = vector.broadcast %max3A : f32 to vector<1024x128xf32>
    %max3A_10 = arith.maximumf %add3A, %max3A_9 : vector<1024x128xf32>
    %rsqrt3A = math.rsqrt %max3A_10 : vector<1024x128xf32>
    %get3A_11 = arith.constant 0 : index
    %get3A_12 = arith.constant 0 : index
    %get3A_13 = arith.constant 0 : index
    %get3A_14 = vector.load %arg4[%get3A_11, %get3A_12, %get3A_13] : memref<1x1024x128xf32, #tpu.memory_space<vmem>>, vector<1x1024x128xf32>
    %get3A_15 = vector.shape_cast %get3A_14 : vector<1x1024x128xf32> to vector<1024x128xf32>
    %get3A_16 = arith.constant 0 : index
    %get3A_17 = arith.constant 0 : index
    %get3A_18 = arith.constant 0 : index
    %get3A_19 = vector.load %arg5[%get3A_16, %get3A_17, %get3A_18] : memref<1x1024x128xf32, #tpu.memory_space<vmem>>, vector<1x1024x128xf32>
    %get3A_20 = vector.shape_cast %get3A_19 : vector<1x1024x128xf32> to vector<1024x128xf32>
    %add3A_21 = arith.addf %get3A_15, %get3A_20 : vector<1024x128xf32>
    %max3A_22 = arith.constant 1.000000e+00 : f32
    %max3A_23 = vector.broadcast %max3A_22 : f32 to vector<1024x128xf32>
    %max3A_24 = arith.maximumf %add3A_21, %max3A_23 : vector<1024x128xf32>
    %rsqrt3A_25 = math.rsqrt %max3A_24 : vector<1024x128xf32>
    %swap3A = arith.constant 0 : index
    %swap3A_26 = arith.constant 0 : index
    %swap3A_27 = vector.load %arg8[%swap3A, %swap3A_26] : memref<1024x128xf32, #tpu.memory_space<vmem>>, vector<1024x128xf32>
    tpu.vector_store %arg8[%swap3A, %swap3A_26], %rsqrt3A {strides = array<i32>} : memref<1024x128xf32, #tpu.memory_space<vmem>>, vector<1024x128xf32>,
    %swap3A_28 = arith.constant 0 : index
    %swap3A_29 = arith.constant 0 : index
    %swap3A_30 = vector.load %arg9[%swap3A_28, %swap3A_29] : memref<1024x128xf32, #tpu.memory_space<vmem>>, vector<1024x128xf32>
    tpu.vector_store %arg9[%swap3A_28, %swap3A_29], %rsqrt3A_25 {strides = array<i32>} : memref<1024x128xf32, #tpu.memory_space<vmem>>, vector<1024x128xf32>,
    %get3A_31 = arith.constant 0 : index
    %get3A_32 = arith.constant 0 : index
    %get3A_33 = vector.load %arg1[%get3A_31, %get3A_32] : memref<1024x128xf32, #tpu.memory_space<vmem>>, vector<1024x128xf32>
    %mul3A = arith.mulf %get3A_33, %rsqrt3A : vector<1024x128xf32>
    %get3A_34 = arith.constant 0 : index
    %get3A_35 = arith.constant 0 : index
    %get3A_36 = vector.load %arg6[%get3A_34, %get3A_35] : memref<128x128xf32, #tpu.memory_space<vmem>>, vector<128x128xf32>
    %dot_general3A = arith.constant dense<0.000000e+00> : vector<1024x128xf32>
    %dot_general3A_37 = tpu.matmul %mul3A, %get3A_36, %dot_general3A {dimension_numbers = #tpu.dot_dimension_numbers<[1], [0], [0], [1], [0, 0, 1, 1], [], []>, transpose_lhs_hint = false} : vector<1024x128xf32>, vector<128x128xf32>, vector<1024x128xf32> -> vector<1024x128xf32>
    %swap3A_38 = arith.constant 0 : index
    %swap3A_39 = arith.constant 0 : index
    %swap3A_40 = vector.load %arg7[%swap3A_38, %swap3A_39] : memref<1024x128xf32, #tpu.memory_space<vmem>>, vector<1024x128xf32>
    tpu.vector_store %arg7[%swap3A_38, %swap3A_39], %dot_general3A_37 {strides = array<i32>} : memref<1024x128xf32, #tpu.memory_space<vmem>>, vector<1024x128xf32>,
    return
  }
  func.func @transform_0(%arg0: i32) -> (i32, i32) {
    %c0_i32 = arith.constant 0 : i32
    %c0_i32_0 = arith.constant 0 : i32
    return %arg0, %c0_i32 : i32, i32
  }
  func.func @transform_1(%arg0: i32) -> (i32, i32, i32) {
    %c0_i32 = arith.constant 0 : i32
    %c0_i32_0 = arith.constant 0 : i32
    %c0_i32_1 = arith.constant 0 : i32
    return %c0_i32, %arg0, %c0_i32_0 : i32, i32, i32
  }
  func.func @transform_2(%arg0: i32) -> (i32, i32, i32) {
    %c1_i32 = arith.constant 1 : i32
    %c0_i32 = arith.constant 0 : i32
    %c0_i32_0 = arith.constant 0 : i32
    return %c1_i32, %arg0, %c0_i32 : i32, i32, i32
  }
  func.func @transform_3(%arg0: i32) -> (i32, i32, i32) {
    %c0_i32 = arith.constant 0 : i32
    %c0_i32_0 = arith.constant 0 : i32
    %c0_i32_1 = arith.constant 0 : i32
    return %c0_i32, %arg0, %c0_i32_0 : i32, i32, i32
  }
  func.func @transform_4(%arg0: i32) -> (i32, i32, i32) {
    %c1_i32 = arith.constant 1 : i32
    %c0_i32 = arith.constant 0 : i32
    %c0_i32_0 = arith.constant 0 : i32
    return %c1_i32, %arg0, %c0_i32 : i32, i32, i32
  }
  func.func @transform_5(%arg0: i32) -> (i32, i32) {
    %c0_i32 = arith.constant 0 : i32
    %c0_i32_0 = arith.constant 0 : i32
    %c0_i32_1 = arith.constant 0 : i32
    return %c0_i32, %c0_i32_0 : i32, i32
  }
  func.func @transform_6(%arg0: i32) -> (i32, i32) {
    %c0_i32 = arith.constant 0 : i32
    %c0_i32_0 = arith.constant 0 : i32
    return %arg0, %c0_i32 : i32, i32
  }
  func.func @transform_7(%arg0: i32) -> (i32, i32) {
    %c0_i32 = arith.constant 0 : i32
    %c0_i32_0 = arith.constant 0 : i32
    return %arg0, %c0_i32 : i32, i32
  }
  func.func @transform_8(%arg0: i32) -> (i32, i32) {
    %c0_i32 = arith.constant 0 : i32
    %c0_i32_0 = arith.constant 0 : i32
    return %arg0, %c0_i32 : i32, i32
  }
}

module attributes {stable_mosaic.version = 14 : i64} {
  func.func @_final_body(%arg0: i32, %arg1: memref<1x1024x128xf32, #tpu.memory_space<vmem>>, %arg2: memref<1x1024x128xf32, #tpu.memory_space<vmem>>, %arg3: memref<1024x128xf32, #tpu.memory_space<vmem>>, %arg4: memref<1x128xf32, #tpu.memory_space<vmem>>, %arg5: memref<128x8xf32, #tpu.memory_space<vmem>>, %arg6: memref<1x8xf32, #tpu.memory_space<vmem>>, %arg7: memref<1024x8xf32, #tpu.memory_space<vmem>>) attributes {dimension_semantics = [#tpu.dimension_semantics<arbitrary>], iteration_bounds = array<i64: 10>, scalar_prefetch = 0 : i64, scratch_operands = 0 : i64, tpu.core_type = #tpu.core_type<tc>, window_params = [{transform_indices = @transform_0, window_bounds = array<i64: 1, 1024, 128>}, {transform_indices = @transform_1, window_bounds = array<i64: 1, 1024, 128>}, {transform_indices = @transform_2, window_bounds = array<i64: 1024, 128>}, {pipeline_mode = #tpu.pipeline_mode<synchronous>, transform_indices = @transform_3, window_bounds = array<i64: 1, 128>}, {pipeline_mode = #tpu.pipeline_mode<synchronous>, transform_indices = @transform_4, window_bounds = array<i64: 128, 8>}, {pipeline_mode = #tpu.pipeline_mode<synchronous>, transform_indices = @transform_5, window_bounds = array<i64: 1, 8>}, {transform_indices = @transform_6, window_bounds = array<i64: 1024, 8>}]} {
    %get3A = arith.constant 0 : index
    %get3A_0 = arith.constant 0 : index
    %get3A_1 = arith.constant 0 : index
    %get3A_2 = vector.load %arg1[%get3A, %get3A_0, %get3A_1] : memref<1x1024x128xf32, #tpu.memory_space<vmem>>, vector<1x1024x128xf32>
    %get3A_3 = vector.shape_cast %get3A_2 : vector<1x1024x128xf32> to vector<1024x128xf32>
    %get3A_4 = arith.constant 0 : index
    %get3A_5 = arith.constant 0 : index
    %get3A_6 = arith.constant 0 : index
    %get3A_7 = vector.load %arg2[%get3A_4, %get3A_5, %get3A_6] : memref<1x1024x128xf32, #tpu.memory_space<vmem>>, vector<1x1024x128xf32>
    %get3A_8 = vector.shape_cast %get3A_7 : vector<1x1024x128xf32> to vector<1024x128xf32>
    %add3A = arith.addf %get3A_3, %get3A_8 : vector<1024x128xf32>
    %get3A_9 = arith.constant 0 : index
    %get3A_10 = arith.constant 0 : index
    %get3A_11 = vector.load %arg3[%get3A_9, %get3A_10] : memref<1024x128xf32, #tpu.memory_space<vmem>>, vector<1024x128xf32>
    %mul3A = arith.mulf %add3A, %get3A_11 : vector<1024x128xf32>
    %get3A_12 = arith.constant 0 : index
    %get3A_13 = arith.constant 0 : index
    %get3A_14 = vector.load %arg4[%get3A_12, %get3A_13] : memref<1x128xf32, #tpu.memory_space<vmem>>, vector<1x128xf32>
    %add3A_15 = vector.broadcast %get3A_14 : vector<1x128xf32> to vector<1024x128xf32>
    %add3A_16 = arith.addf %mul3A, %add3A_15 : vector<1024x128xf32>
    %get3A_17 = arith.constant 0 : index
    %get3A_18 = arith.constant 0 : index
    %get3A_19 = vector.load %arg5[%get3A_17, %get3A_18] : memref<128x8xf32, #tpu.memory_space<vmem>>, vector<128x8xf32>
    %dot_general3A = arith.constant dense<0.000000e+00> : vector<1024x8xf32>
    %dot_general3A_20 = tpu.matmul %add3A_16, %get3A_19, %dot_general3A {dimension_numbers = #tpu.dot_dimension_numbers<[1], [0], [0], [1], [0, 0, 1, 1], [], []>, transpose_lhs_hint = false} : vector<1024x128xf32>, vector<128x8xf32>, vector<1024x8xf32> -> vector<1024x8xf32>
    %get3A_21 = arith.constant 0 : index
    %get3A_22 = arith.constant 0 : index
    %get3A_23 = vector.load %arg6[%get3A_21, %get3A_22] : memref<1x8xf32, #tpu.memory_space<vmem>>, vector<1x8xf32>
    %add3A_24 = vector.broadcast %get3A_23 : vector<1x8xf32> to vector<1024x8xf32>
    %add3A_25 = arith.addf %dot_general3A_20, %add3A_24 : vector<1024x8xf32>
    %swap3A = arith.constant 0 : index
    %swap3A_26 = arith.constant 0 : index
    %swap3A_27 = vector.load %arg7[%swap3A, %swap3A_26] : memref<1024x8xf32, #tpu.memory_space<vmem>>, vector<1024x8xf32>
    tpu.vector_store %arg7[%swap3A, %swap3A_26], %add3A_25 {strides = array<i32>} : memref<1024x8xf32, #tpu.memory_space<vmem>>, vector<1024x8xf32>,
    return
  }
  func.func @transform_0(%arg0: i32) -> (i32, i32, i32) {
    %c0_i32 = arith.constant 0 : i32
    %c0_i32_0 = arith.constant 0 : i32
    %c0_i32_1 = arith.constant 0 : i32
    return %c0_i32, %arg0, %c0_i32_0 : i32, i32, i32
  }
  func.func @transform_1(%arg0: i32) -> (i32, i32, i32) {
    %c1_i32 = arith.constant 1 : i32
    %c0_i32 = arith.constant 0 : i32
    %c0_i32_0 = arith.constant 0 : i32
    return %c1_i32, %arg0, %c0_i32 : i32, i32, i32
  }
  func.func @transform_2(%arg0: i32) -> (i32, i32) {
    %c0_i32 = arith.constant 0 : i32
    %c0_i32_0 = arith.constant 0 : i32
    return %arg0, %c0_i32 : i32, i32
  }
  func.func @transform_3(%arg0: i32) -> (i32, i32) {
    %c0_i32 = arith.constant 0 : i32
    %c0_i32_0 = arith.constant 0 : i32
    %c0_i32_1 = arith.constant 0 : i32
    return %c0_i32, %c0_i32_0 : i32, i32
  }
  func.func @transform_4(%arg0: i32) -> (i32, i32) {
    %c0_i32 = arith.constant 0 : i32
    %c0_i32_0 = arith.constant 0 : i32
    %c0_i32_1 = arith.constant 0 : i32
    return %c0_i32, %c0_i32_0 : i32, i32
  }
  func.func @transform_5(%arg0: i32) -> (i32, i32) {
    %c0_i32 = arith.constant 0 : i32
    %c0_i32_0 = arith.constant 0 : i32
    %c0_i32_1 = arith.constant 0 : i32
    return %c0_i32, %c0_i32_0 : i32, i32
  }
  func.func @transform_6(%arg0: i32) -> (i32, i32) {
    %c0_i32 = arith.constant 0 : i32
    %c0_i32_0 = arith.constant 0 : i32
    return %arg0, %c0_i32 : i32, i32
  }
}

</mosaic_0001>

<sc_bundles>
// kernel: kernel.17.cloned.1.call-start
scs
__scs_entry_jumppad:
0x0: {  	(pc) =	sbr.rel $0x88, $3  }
0x1: {  	(tag) =	ssettag $0x0;
	lr =	simm.s32 $0x1  }
0x2: {  	[smem:$0x3F91] =	sst lr;
	_ =	strace $0xD0000000  }
0x3: {  	_ = 	snop  }
0x4: {  	_ = 	snop  }
0x5: {  	_ = 	snop  }
0x6: {  	_ = 	snop  }
0x7: {  	_ = 	snop  }
__scs_overlays_trampoline_lowered:
0x8: {  	[smem:$0x3FA0] =	sst s0  }
0x9: {  	[smem:$0x3FA1] =	sst s1  }
0xa: {  	[smem:$0x3FA2] =	sst s2  }
0xb: {  	[smem:$0x3FA3] =	sst s3  }
0xc: {  	[smem:$0x3FA4] =	sst s4  }
0xd: {  	[smem:$0x3FA5] =	sst s5  }
0xe: {  	[smem:$0x3FA6] =	sst s6  }
0xf: {  	[smem:$0x3FA7] =	sst s7  }
0x10: {  	[smem:$0x3FA8] =	sst s8  }
0x11: {  	[smem:$0x3FA9] =	sst s9;
	s0 =	simm.s32 @!p0 $0x0  }
0x12: {  	s1 =	sld [smem:$0x3F8F];
	s0 =	simm.s32 @p0 $0x1  }
0x13: {  	[smem:$0x3FAA] =	sst s0;
	s0 =	simm.s32 @!p1 $0x0  }
0x14: {  	s2 =	sld [smem:$0x3F8E];
	s0 =	simm.s32 @p1 $0x1  }
0x15: {  	[smem:$0x3FAB] =	sst s0;
	s0 =	simm.s32 @!p2 $0x0  }
0x16: {  	s3 =	sld [smem:$0x3FDB];
	s0 =	simm.s32 @p2 $0x1  }
0x17: {  	s4 =	simm.s32 $0x1BF5;
	[smem:$0x3FAD] =	sst s0  }
0x18: {  	s0 =	sld [smem:$0x3F90];
	_ =	swait.ge [sflag:s4], $0x0  }
0x19: {  	s7 =	sld [smem:$0x3F91]  }
0x1a: {  	s8 =	sadd.s32 $0xFFFFE003, lr  }
0x1b: {  	s9 =	sadd.s32 $0xFFFFFEF7, lr;
	s5 =	simm.s32 $0xFFFFFFFF;
	p2 =	slt.u32 s8, $0xFFFFF086  }
0x1c: {  	p1 =	slt.u32 s9, $0xF7A;
	s5 =	simm.s32 @!p2 $0x0  }
0x1d: {  	s5 =	simm.s32 @p1 $0x1;
	p0 =	seq.s32 s7, s2  }
0x1e: {  	s7 =	smul.u32 @!p0 $0xF7A, s2;
	p2 =	seq.s32 @!p0 s5, $0x0  }
0x1f: {  	s9 =	smul.u32 $0xF7A, s1;
	s8 =	simm.s32 @!p0 $0x1BF5;
	p2 =	por !p2, p0  }
0x20: {  	[sflag:s8] =	ssyncset.s32 @!p0 $0xFFFFF086;
	s6 =	sadd.s32 @!p0 s3, s7;
	s7 =	simm.s32 @!p0 $0x108  }
0x21: {  	s3 =	sadd.s32 s3, s9;
	s6 =	sadd.s32 @!p0 $0x88, s6;
	s7 =	simm.s32 @p2 $0x1082  }
0x22: {  	[simem:s7], [sflag:s8] =	dma.local @!p0 [hbm:s6], $0xF7A  }
0x23: {  	s9 =	sor.u32 $0xD0000000, s2;
	s6 =	simm.s32 $0x108;
	_ =	swait.ge @!p0 [sflag:s8], $0x0  }
0x24: {  	s3 =	sadd.s32 $0x88, s3;
	s6 =	simm.s32 @!p1 $0x1082;
	[sflag:s4] =	ssyncset.s32 $0xFFFFF086  }
0x25: {  	[simem:s6], [sflag:s4] =	dma.local [hbm:s3], $0xF7A  }
0x26: {  	[smem:$0x3F91] =	sst s1;
	(tag) =	ssettag s2;
	_ =	strace s9  }
0x27: {  	s1 =	sld [smem:$0x3FA1]  }
0x28: {  	s2 =	sld [smem:$0x3FA2]  }
0x29: {  	s4 =	sld [smem:$0x3FA4]  }
0x2a: {  	p0 =	seq.s32 s5, $0x0;
	s5 =	sld [smem:$0x3FA5]  }
0x2b: {  	s6 =	sld [smem:$0x3FA6]  }
0x2c: {  	s7 =	sld [smem:$0x3FA7]  }
0x2d: {  	s3 =	simm.s32 $0x108;
	s8 =	sld [smem:$0x3FA8]  }
0x2e: {  	s3 =	simm.s32 @!p0 $0x1082;
	s9 =	sld [smem:$0x3FA9]  }
0x2f: {  	lr =	sadd.s32 s0, s3;
	s0 =	sld [smem:$0x3FA0]  }
0x30: {  	s3 =	sld [smem:$0x3FA3]  }
0x31: {  	[smem:$0x3FAC] =	sst s10  }
0x32: {  	s10 =	sld [smem:$0x3FAA];
	_ =	sdelay $0x3  }
0x33: {  	p0 =	seq.s32 s10, $0x1;
	s10 =	sld [smem:$0x3FAC];
	_ =	sdelay $0x3  }
0x34: {  	[smem:$0x3FAC] =	sst s10  }
0x35: {  	s10 =	sld [smem:$0x3FAB];
	_ =	sdelay $0x3  }
0x36: {  	p1 =	seq.s32 s10, $0x1;
	s10 =	sld [smem:$0x3FAC];
	_ =	sdelay $0x3  }
0x37: {  	[smem:$0x3FAC] =	sst s10  }
0x38: {  	s10 =	sld [smem:$0x3FAD]  }
0x39: {  	_ = 	snop;
	(pc) =	sbr.ind lr, $3  }
0x3a: {  	_ = 	snop  }
0x3b: {  	_ = 	snop  }
0x3c: {  	p2 =	seq.s32 s10, $0x1;
	s10 =	sld [smem:$0x3FAC]  }
0x3d: {  	_ =	shalt  }
0x3e: {  	_ =	shalt  }
0x3f: {  	_ =	shalt  }
0x40: {  	_ =	shalt  }
0x41: {  	_ =	shalt  }
0x42: {  	_ =	shalt  }
0x43: {  	_ =	shalt  }
0x44: {  	_ =	shalt  }
0x45: {  	_ =	shalt  }
0x46: {  	_ =	shalt  }
0x47: {  	_ =	shalt  }
0x48: {  	_ =	shalt  }
0x49: {  	_ =	shalt  }
0x4a: {  	_ =	shalt  }
0x4b: {  	_ =	shalt  }
0x4c: {  	_ =	shalt  }
0x4d: {  	_ =	shalt  }
0x4e: {  	_ =	shalt  }
0x4f: {  	_ =	shalt  }
0x50: {  	_ =	shalt  }
0x51: {  	_ =	shalt  }
0x52: {  	_ =	shalt  }
0x53: {  	_ =	shalt  }
0x54: {  	_ =	shalt  }
0x55: {  	_ =	shalt  }
0x56: {  	_ =	shalt  }
0x57: {  	_ =	shalt  }
0x58: {  	_ =	shalt  }
0x59: {  	_ =	shalt  }
0x5a: {  	_ =	shalt  }
0x5b: {  	_ =	shalt  }
0x5c: {  	_ =	shalt  }
0x5d: {  	_ =	shalt  }
0x5e: {  	_ =	shalt  }
0x5f: {  	_ =	shalt  }
0x60: {  	_ =	shalt  }
0x61: {  	_ =	shalt  }
0x62: {  	_ =	shalt  }
0x63: {  	_ =	shalt  }
0x64: {  	_ =	shalt  }
0x65: {  	_ =	shalt  }
0x66: {  	_ =	shalt  }
0x67: {  	_ =	shalt  }
0x68: {  	_ =	shalt  }
0x69: {  	_ =	shalt  }
0x6a: {  	_ =	shalt  }
0x6b: {  	_ =	shalt  }
0x6c: {  	_ =	shalt  }
0x6d: {  	_ =	shalt  }
0x6e: {  	_ =	shalt  }
0x6f: {  	_ =	shalt  }
0x70: {  	_ =	shalt  }
0x71: {  	_ =	shalt  }
0x72: {  	_ =	shalt  }
0x73: {  	_ =	shalt  }
0x74: {  	_ =	shalt  }
0x75: {  	_ =	shalt  }
0x76: {  	_ =	shalt  }
0x77: {  	_ =	shalt  }
0x78: {  	_ =	shalt  }
0x79: {  	_ =	shalt  }
0x7a: {  	_ =	shalt  }
0x7b: {  	_ =	shalt  }
0x7c: {  	_ =	shalt  }
0x7d: {  	_ =	shalt  }
0x7e: {  	_ =	shalt  }
0x7f: {  	_ =	shalt  }
0x80: {  	_ =	shalt  }
0x81: {  	_ =	shalt  }
0x82: {  	_ =	shalt  }
0x83: {  	_ =	shalt  }
0x84: {  	_ =	shalt  }
0x85: {  	_ =	shalt  }
0x86: {  	_ =	shalt  }
0x87: {  	_ =	shalt  }
.Lfunc_end0:
.L_simem_size_0:
called_computation_lowered:
.L_overlay_start_0:
0x88: {  	s2 =	sld [smem:$0x3FD9]  }
0x89: {  	s3 =	sld [smem:$0x3FFE];
	_ =	sdelay $0x1  }
0x8a: {  	s1 =	srdreg.scid  }
0x8b: {  	s0 =	sand.u32 $0x1, s1  }
0x8c: {  	s17 =	sshll.u32 s0, $0xA;
	s2 =	sadd.s32 s3, s2  }
0x8d: {  	s2 =	sadd.s32 s2, s17  }
0x8e: {  	[smem:$0x3FB8] =	sst s2  }
0x8f: {  	_ = 	snop  }
0x90: {  	s2 =	sld [smem:$0x3FD0];
	(tm) =	ssettm $0x1  }
0x91: {  	s18 =	sld [smem:$0x3FFB];
	_ =	sdelay $0x3  }
0x92: {  	_ =	strace s18  }
0x93: {  	s3 =	sld [smem:$0x3FFC];
	_ =	sdelay $0x3  }
0x94: {  	_ =	strace s3  }
0x95: {  	s3 =	sld [smem:$0x3FFD];
	_ =	sdelay $0x3  }
0x96: {  	_ =	strace s3  }
0x97: {  	_ =	strace $0x8FFFFFFF  }
0x98: {  	s19 =	sld [smem:$0x3FDB];
	_ =	sdelay $0x1  }
0x99: {  	s4 =	simm.s32 $_scs_section_size  }
0x9a: {  	s5 =	simm.s32 $_size__tile_overlayer_lowered;
	s6 =	simm.s32 $_tile_overlayer_lowered  }
0x9b: {  	s22 =	simm.s32 $0x1BFF;
	s21 =	sshll.u32 s6, $0x1;
	s3 =	sadd.s32 s4, s19  }
0x9c: {  	s7 =	simm.s32 $0x0;
	s20 =	sshll.u32 s5, $0x1;
	s5 =	sadd.s32 s21, s3  }
0x9d: {  	[timem:s7], [sflag:s22] =	dma.local [hbm:s5], s20  }
0x9e: {  	_ =	swait.ge [sflag:s22], s20  }
0x9f: {  	s4 =	ssub.s32 $0x0, s20;
	[sflag:s22] =	ssyncset.done $0x0  }
0xa0: {  	[sflag:s22] =	ssyncadd.s32 s4;
	_ =	sdelay $0x1  }
0xa1: {  	s23 =	simm.s32 $0x1B8B  }
0xa2: {  	_ =	swait.ge [sflag:s23], $0x1  }
0xa3: {  	[sflag:s23] =	ssyncset.done $0x0  }
0xa4: {  	s25 =	simm.s32 $0x1B8E;
	s24 =	sld [smem:$0x3FFE];
	[sflag:s23] =	ssyncadd.s32 $0xFFFFFFFF  }
0xa5: {  	s26 =	simm.s32 $execute0_lowered;
	[smem:$0x3FD2] =	sst s25  }
0xa6: {  	s5 =	sshll.u32 s26, $0x1;
	_ =	strace $0x80000046;
	[dreg:$0x1] =	wrdreg $0xFFFFFFFF  }
0xa7: {  	s28 =	simm.s32 $_size_execute0_lowered;
	s3 =	sadd.s32 s3, s5;
	[dreg:$0x0] =	wrdreg $0x0  }
0xa8: {  	s5 =	sshll.u32 s28, $0x1;
	[dreg:$0x2] =	wrdreg s3  }
0xa9: {  	[dreg:$0x3] =	wrdreg s5  }
0xaa: {  	[dreg:$0x4] =	wrdreg $0xC0  }
0xab: {  	_ =	task [dreg:s7], $0x5FFFF  }
0xac: {  	[dreg:$0x1] =	wrdreg $0xFFFFFFFF  }
0xad: {  	[dreg:$0x0] =	wrdreg $0x60  }
0xae: {  	[dreg:$0x2] =	wrdreg s24  }
0xaf: {  	[dreg:$0x3] =	wrdreg s2  }
0xb0: {  	[dreg:$0x4] =	wrdreg $0x41000  }
0xb1: {  	[dreg:$0x5] =	wrdreg $0x9  }
0xb2: {  	_ =	task.clear_ibuf [dreg:s7], $0x6FFFF;
	_ =	strace $0x90000046  }
0xb3: {  	s29 =	simm.s32 $0x9;
	_ =	strace $0x80000048  }
0xb4: {  	_ =	swait.ge [sflag:s29], $0x1  }
0xb5: {  	[sflag:s29] =	ssyncadd.s32 $0xFFFFFFFF  }
0xb6: {  	_ =	strace $0x90000048  }
0xb7: {  	_ =	sfence  }
0xb8: {  	s30 =	sld [smem:$0x0];
	_ =	sdelay $0x2  }
0xb9: {  	s31 =	sshll.u32 s1, $0xD;
	s1 =	sshrl.u32 s1, $0x2  }
0xba: {  	s3 =	sand.u32 $0x4000, s31;
	s1 =	sadd.s32 s1, s30  }
0xbb: {  	s0 =	sor.u32 s3, s0;
	s1 =	sshll.u32 s1, $0x11  }
0xbc: {  	s0 =	sor.u32 s1, s0  }
0xbd: {  	s0 =	sadd.s32 $0x8F2B, s0  }
0xbe: {  	[sflag:s0] =	ssyncadd.remote.s32 $0x1  }
0xbf: {  	_ =	sfence.sel $0xFFFF  }
0xc0: {  	[dreg:$0x0] =	wrdreg $0xFFFFFFFF;
	(pc) =	sbr.abs _section_cstart, $3  }
0xc1: {  	[dreg:$0x1] =	wrdreg $0xFFFFFFFF  }
0xc2: {  	_ =	task.clear_ibuf [dreg:s7], $0x2FFFF;
	_ =	strace $0x9FFFFFFF  }
0xc3: {  	(tm) =	ssettm $0x7FFFFFFF  }
tec
execute0_lowered:
.L_overlay_start_1:
0x0: {  	(tag) =	ssettag $0x1  }
0x1: {  	s6 =	rddreg [dreg:$0x0]  }
0x2: {  	s2 =	rddreg [dreg:$0x1]  }
0x3: {  	s3 =	rddreg [dreg:$0x2]  }
0x4: {  	s0 =	rddreg [dreg:$0x3]  }
0x5: {  	s1 =	stileid.u32;
	s5 =	srdreg.scid  }
0x6: {  	s4 =	simm.s32 $0x0;
	s19 =	simm.s32 $0x2;
	s7 =	smul.u32 $0xA00, s1  }
0x7: {  	s20 =	simm.s32 $0x100;
	s21 =	simm.s32 $0x80;
	s8 =	smul.u32 $0x280, s1  }
0x8: {  	s22 =	simm.s32 $0x0;
	s12 =	sand.u32 $0x1, s5;
	s10 =	smul.u32 $0x50000, s1  }
0x9: {  	[smem:$0x7FF] =	sst s4;
	s5 =	sadd.s32 $0x19400, s6;
	s9 =	smul.u32 $0x2800, s12  }
0xa: {  	_ =	strace $0x80000047;
	s29 =	ssub.s32 $0x2, s12;
	s18 =	smul.u32 $0x500, s12  }
0xb: {  	s17 =	sadd.s32 s7, s6;
	s30 =	sshrl.u32 s29, $0x1;
	s10 =	sshrl.u32 s10, $0x2  }
0xc: {  	s28 =	sadd.s32 s8, s9;
	s31 =	ssub.s32 s29, s30;
	s17 =	sadd.s32 s18, s17  }
0xd: {  	s18 =	simm.s32 $0x18100;
	s7 =	sshll.u32 s28, $0x4;
	s17 =	sadd.s32 $0xF400, s17  }
0xe: {  	s16 =	sadd.s32 s7, s6;
	s6 =	sadd.s32 s10, s3;
	s7 =	smax.u32 s31, $0x1  }
0xf: {  	s8 =	sadd.s32 $0x4000, s6;
	s9 =	sadd.s32 $0x8000, s6;
	s10 =	sadd.s32 $0xC000, s6  }
0x10: {  	s11 =	sadd.s32 $0x10000, s6;
	s12 =	sadd.s32 $0x41400, s16;
	s13 =	sadd.s32 $0x41C00, s16  }
0x11: {  	v0 =	vimm.f32 $0.0e+00;
	v1 =	vimm.f32 $1.000000000e+00;
	s14 =	sadd.s32 $0x42400, s16;
	s15 =	sadd.s32 $0x42C00, s16;
	s16 =	sadd.s32 $0x43400, s16  }
.LBB2_1:
0x12: {  	[tilespmem:s18], [sflag:$0x2] =	stream.linear.gather [hbm4b:s2+s4], $0x80, $0x38;
	[tilespmem:$0x18180] =	vst v63  }
0x13: {  	_ =	swait.ge [sflag:s19], $0x80  }
0x14: {  	[sflag:s19] =	ssyncset.done $0x0  }
0x15: {  	[sflag:s19] =	ssyncadd.s32 $0xFFFFFF80  }
0x16: {  	s23 =	simm.s32 $0x0;
	s24 =	simm.s32 $0x200;
	v2 =	vld [tilespmem:$0x18100]  }
.LBB2_2:
0x17: {  	p0 =	sne.s32 s24, $0xFE00;
	[tilespmem:s23+$0x170] =	vst v0  }
0x18: {  	[tilespmem:s23+$0x100] =	vst v0  }
0x19: {  	[tilespmem:s23+$0x110] =	vst v0  }
.Ltmp0:
0x1a: {  	[tilespmem:s23+$0x120] =	vst v0;
	(pc) =	sbr.rel @p0 .LBB2_2-.Ltmp0, $4  }
0x1b: {  	[tilespmem:s23+$0x130] =	vst v0  }
0x1c: {  	[tilespmem:s23+$0x140] =	vst v0  }
0x1d: {  	[tilespmem:s23+$0x150] =	vst v0  }
0x1e: {  	[tilespmem:s23+$0x160] =	vst v0;
	s23 =	sshra.s32 s24, $0x2;
	s24 =	sadd.s32 $0x200, s24  }
0x1f: {  	[tilespmem:s23+$0x170] =	vst v0  }
0x20: {  	[tilespmem:s23+$0x100] =	vst v0  }
0x21: {  	[tilespmem:s23+$0x110] =	vst v0  }
0x22: {  	[tilespmem:s23+$0x120] =	vst v0  }
0x23: {  	[tilespmem:s23+$0x130] =	vst v0  }
0x24: {  	[tilespmem:s23+$0x140] =	vst v0  }
0x25: {  	[tilespmem:s23+$0x150] =	vst v0  }
0x26: {  	[tilespmem:s23+$0x160] =	vst v0  }
0x27: {  	[spmem:s6] =	stream.linear.scatter [tilespmem:s20], [sflag:$0x2], $0x4000, $0x38;
	[tilespmem:$0x18180] =	vst v63  }
0x28: {  	_ =	swait.ge [sflag:s19], $0x4000  }
0x29: {  	[sflag:s19] =	ssyncset.done $0x0  }
0x2a: {  	[sflag:s19] =	ssyncadd.s32 $0xFFFFC000  }
0x2b: {  	[spmem:s8] =	stream.linear.scatter [tilespmem:s20], [sflag:$0x2], $0x4000, $0x38;
	[tilespmem:$0x18180] =	vst v63  }
0x2c: {  	_ =	swait.ge [sflag:s19], $0x4000  }
0x2d: {  	[sflag:s19] =	ssyncset.done $0x0  }
0x2e: {  	[sflag:s19] =	ssyncadd.s32 $0xFFFFC000  }
0x2f: {  	[spmem:s9] =	stream.linear.scatter [tilespmem:s20], [sflag:$0x2], $0x4000, $0x38;
	[tilespmem:$0x18180] =	vst v63  }
0x30: {  	_ =	swait.ge [sflag:s19], $0x4000  }
0x31: {  	[sflag:s19] =	ssyncset.done $0x0  }
0x32: {  	[sflag:s19] =	ssyncadd.s32 $0xFFFFC000  }
0x33: {  	[spmem:s10] =	stream.linear.scatter [tilespmem:s20], [sflag:$0x2], $0x4000, $0x38;
	[tilespmem:$0x18180] =	vst v63  }
0x34: {  	_ =	swait.ge [sflag:s19], $0x4000  }
0x35: {  	[sflag:s19] =	ssyncset.done $0x0  }
0x36: {  	[sflag:s19] =	ssyncadd.s32 $0xFFFFC000  }
0x37: {  	[spmem:s11] =	stream.linear.scatter [tilespmem:s20], [sflag:$0x2], $0x4000, $0x38;
	[tilespmem:$0x18180] =	vst v63  }
0x38: {  	v2 =	vxor.u32 $0x80000000, v2;
	_ =	swait.ge [sflag:s19], $0x4000  }
0x39: {  	(xrf0) =	vmax.scan.msk.u32 $0xffff, v2;
	_ =	sdelay $0x5  }
0x3a: {  	v2, _, _ =	vpop (xrf0)  }
0x3b: {  	(v2sf) =	vpush v2, $0xF;
	_ =	sdelay $0xe  }
0x3c: {  	s23 =	spop (v2sf)  }
0x3d: {  	p0 =	sne.s32 s23, $0x80000001  }
.Ltmp1:
0x3e: {  	_ = 	snop;
	(pc) =	sbr.rel @p0 .LBB2_7-.Ltmp1, $3  }
0x3f: {  	_ =	sdelay $0x1  }
0x40: {  	[sflag:s19] =	ssyncset.done $0x0  }
0x41: {  	s25 =	simm.s32 $0x0;
	[sflag:s19] =	ssyncadd.s32 $0xFFFFC000  }
0x42: {  	s24 =	sshra.s32 s25, $0x2;
	s25 =	sadd.s32 $0x200, s25  }
.LBB2_5:
0x43: {  	p0 =	sne.s32 s25, $0xFE00;
	[tilespmem:s24+$0x170] =	vst v1  }
0x44: {  	[tilespmem:s24+$0x100] =	vst v1  }
0x45: {  	[tilespmem:s24+$0x110] =	vst v1  }
.Ltmp2:
0x46: {  	[tilespmem:s24+$0x120] =	vst v1;
	(pc) =	sbr.rel @p0 .LBB2_5-.Ltmp2, $4  }
0x47: {  	[tilespmem:s24+$0x130] =	vst v1  }
0x48: {  	[tilespmem:s24+$0x140] =	vst v1  }
0x49: {  	[tilespmem:s24+$0x150] =	vst v1  }
0x4a: {  	[tilespmem:s24+$0x160] =	vst v1;
	s24 =	sshra.s32 s25, $0x2;
	s25 =	sadd.s32 $0x200, s25  }
0x4b: {  	[tilespmem:s24+$0x170] =	vst v1  }
0x4c: {  	[tilespmem:s24+$0x100] =	vst v1  }
0x4d: {  	[tilespmem:s24+$0x110] =	vst v1  }
0x4e: {  	[tilespmem:s24+$0x120] =	vst v1  }
0x4f: {  	[tilespmem:s24+$0x130] =	vst v1  }
0x50: {  	[tilespmem:s24+$0x140] =	vst v1  }
0x51: {  	[tilespmem:s24+$0x150] =	vst v1  }
0x52: {  	[tilespmem:s24+$0x160] =	vst v1  }
.LBB2_7:
0x53: {  	[bflag:$0x0] =	sbarrier.arrive $0xFFFF;
	s25 =	sadd.s32 $0x0, s17  }
0x54: {  	[tilespmem:s21], [sflag:$0x2] =	stream.linear.gather [hbm4b:s25+s4], $0x80, $0x38;
	[tilespmem:$0x18180] =	vst v63  }
0x55: {  	_ =	swait.ge [sflag:s19], $0x80  }
0x56: {  	p0 =	seq.s32 s23, $0x80000001;
	[sflag:s19] =	ssyncset.done $0x0  }
0x57: {  	s23 =	simm.s32 @!p0 $0x0;
	s24 =	simm.s32 @!p0 $0x2;
	[sflag:s19] =	ssyncadd.s32 $0xFFFFFF80  }
0x58: {  	[tilespmem:s23], [sflag:$0x2] =	stream.linear.gather @!p0 [hbm4b:s25+s23], $0x80, $0x38;
	[tilespmem:$0x18180] =	vst v63  }
0x59: {  	_ =	swait.ge @!p0 [sflag:s24], $0x80  }
0x5a: {  	s26 =	simm.s32 @!p0 $0x80;
	[sflag:s24] =	ssyncset.done @!p0 $0x0  }
0x5b: {  	s28 =	simm.s32 @!p0 $0x100;
	s25 =	simm.s32 @!p0 $0x1;
	[sflag:s24] =	ssyncadd.s32 @!p0 $0xFFFFFF80  }
0x5c: {  	[tilespmem:s28], [sflag:$0x1] =	stream.indirect.gather @!p0 [hbm4b:s5+s26], $0x80, s23, s26, $0xb8;
	[tilespmem:$0x18180] =	vst v63  }
0x5d: {  	_ =	swait.ge @!p0 [sflag:s25], $0x4000  }
0x5e: {  	[sflag:s25] =	ssyncset.done @!p0 $0x0  }
0x5f: {  	[sflag:s25] =	ssyncadd.s32 @!p0 $0xFFFFC000  }
0x60: {  	[spmem:s3] =	stream.indirect.scatter.add.f32 [tilespmem:s20], [sflag:$0x2], $0x80, s21, s21, $0xb8;
	[tilespmem:$0x18180] =	vst v63  }
0x61: {  	_ =	swait.ge [sflag:s19], $0x4000  }
0x62: {  	s29 =	simm.s32 $0x10;
	s30 =	simm.s32 $0x20;
	[sflag:s19] =	ssyncset.done $0x0  }
.LBB2_8:
0x63: {  	s31 =	sadd.s32 s29, s17  }
0x64: {  	[sflag:s19] =	ssyncadd.s32 $0xFFFFC000;
	s29 =	smov.u32 s30;
	s30 =	sadd.s32 $0x10, s30  }
0x65: {  	[tilespmem:s21], [sflag:$0x2] =	stream.linear.gather [hbm4b:s31+s4], $0x80, $0x38;
	[tilespmem:$0x18180] =	vst v63  }
0x66: {  	p1 =	sne.s32 s30, $0x500;
	_ =	swait.ge [sflag:s19], $0x80  }
0x67: {  	[sflag:s19] =	ssyncset.done $0x0  }
0x68: {  	[sflag:s19] =	ssyncadd.s32 $0xFFFFFF80  }
0x69: {  	[tilespmem:s23], [sflag:$0x2] =	stream.linear.gather @!p0 [hbm4b:s31+s23], $0x80, $0x38;
	[tilespmem:$0x18180] =	vst v63  }
0x6a: {  	_ =	swait.ge @!p0 [sflag:s24], $0x80  }
0x6b: {  	[sflag:s24] =	ssyncset.done @!p0 $0x0  }
0x6c: {  	[sflag:s24] =	ssyncadd.s32 @!p0 $0xFFFFFF80  }
0x6d: {  	[tilespmem:s28], [sflag:$0x1] =	stream.indirect.gather @!p0 [hbm4b:s5+s26], $0x80, s23, s26, $0xb8;
	[tilespmem:$0x18180] =	vst v63  }
0x6e: {  	_ =	swait.ge @!p0 [sflag:s25], $0x4000  }
.Ltmp3:
0x6f: {  	[sflag:s25] =	ssyncset.done @!p0 $0x0;
	(pc) =	sbr.rel @p1 .LBB2_8-.Ltmp3, $4  }
0x70: {  	[sflag:s25] =	ssyncadd.s32 @!p0 $0xFFFFC000  }
0x71: {  	[spmem:s3] =	stream.indirect.scatter.add.f32 [tilespmem:s20], [sflag:$0x2], $0x80, s21, s21, $0xb8;
	[tilespmem:$0x18180] =	vst v63  }
0x72: {  	_ =	swait.ge [sflag:s19], $0x4000  }
0x73: {  	[sflag:s19] =	ssyncset.done $0x0  }
0x74: {  	s23 =	sadd.s32 s29, s17;
	[sflag:s19] =	ssyncadd.s32 $0xFFFFC000  }
0x75: {  	[tilespmem:s21], [sflag:$0x2] =	stream.linear.gather [hbm4b:s23+s4], $0x80, $0x38;
	[tilespmem:$0x18180] =	vst v63  }
0x76: {  	_ =	swait.ge [sflag:s19], $0x80  }
0x77: {  	[sflag:s19] =	ssyncset.done $0x0  }
0x78: {  	s24 =	simm.s32 @!p0 $0x0;
	s25 =	simm.s32 @!p0 $0x2;
	[sflag:s19] =	ssyncadd.s32 $0xFFFFFF80  }
0x79: {  	[tilespmem:s24], [sflag:$0x2] =	stream.linear.gather @!p0 [hbm4b:s23+s24], $0x80, $0x38;
	[tilespmem:$0x18180] =	vst v63  }
0x7a: {  	_ =	swait.ge @!p0 [sflag:s25], $0x80  }
0x7b: {  	s26 =	simm.s32 @!p0 $0x100;
	[sflag:s25] =	ssyncset.done @!p0 $0x0  }
0x7c: {  	s23 =	simm.s32 @!p0 $0x1;
	[sflag:s25] =	ssyncadd.s32 @!p0 $0xFFFFFF80;
	s25 =	simm.s32 @!p0 $0x80  }
0x7d: {  	[tilespmem:s26], [sflag:$0x1] =	stream.indirect.gather @!p0 [hbm4b:s5+s25], $0x80, s24, s25, $0xb8;
	[tilespmem:$0x18180] =	vst v63  }
0x7e: {  	_ =	swait.ge @!p0 [sflag:s23], $0x4000  }
0x7f: {  	[sflag:s23] =	ssyncset.done @!p0 $0x0  }
0x80: {  	[sflag:s23] =	ssyncadd.s32 @!p0 $0xFFFFC000  }
0x81: {  	[spmem:s3] =	stream.indirect.scatter.add.f32 [tilespmem:s20], [sflag:$0x2], $0x80, s21, s21, $0xb8;
	[tilespmem:$0x18180] =	vst v63  }
0x82: {  	_ =	swait.ge [sflag:s19], $0x4000  }
0x83: {  	[sflag:s19] =	ssyncset.done $0x0  }
0x84: {  	[sflag:s19] =	ssyncadd.s32 $0xFFFFC000  }
0x85: {  	[bflag:$0x0] =	sbarrier.arrive $0xFFFF  }
0x86: {  	[tilespmem:s20], [sflag:$0x2] =	stream.linear.gather [spmem:s6], $0x4000, $0x38;
	[tilespmem:$0x18180] =	vst v63  }
0x87: {  	_ =	swait.ge [sflag:s19], $0x4000  }
0x88: {  	[sflag:s19] =	ssyncset.done $0x0  }
0x89: {  	[sflag:s19] =	ssyncadd.s32 $0xFFFFC000  }
0x8a: {  	[hbm4b:s12+s4] =	stream.linear.scatter [tilespmem:s20], [sflag:$0x2], $0x4000, $0x38;
	[tilespmem:$0x18180] =	vst v63  }
0x8b: {  	_ =	swait.ge [sflag:s19], $0x4000  }
0x8c: {  	[sflag:s19] =	ssyncset.done $0x0  }
0x8d: {  	[sflag:s19] =	ssyncadd.s32 $0xFFFFC000  }
0x8e: {  	[tilespmem:s20], [sflag:$0x2] =	stream.linear.gather [spmem:s8], $0x4000, $0x38;
	[tilespmem:$0x18180] =	vst v63  }
0x8f: {  	_ =	swait.ge [sflag:s19], $0x4000  }
0x90: {  	[sflag:s19] =	ssyncset.done $0x0  }
0x91: {  	[sflag:s19] =	ssyncadd.s32 $0xFFFFC000  }
0x92: {  	[hbm4b:s13+s4] =	stream.linear.scatter [tilespmem:s20], [sflag:$0x2], $0x4000, $0x38;
	[tilespmem:$0x18180] =	vst v63  }
0x93: {  	_ =	swait.ge [sflag:s19], $0x4000  }
0x94: {  	[sflag:s19] =	ssyncset.done $0x0  }
0x95: {  	[sflag:s19] =	ssyncadd.s32 $0xFFFFC000  }
0x96: {  	[tilespmem:s20], [sflag:$0x2] =	stream.linear.gather [spmem:s9], $0x4000, $0x38;
	[tilespmem:$0x18180] =	vst v63  }
0x97: {  	_ =	swait.ge [sflag:s19], $0x4000  }
0x98: {  	[sflag:s19] =	ssyncset.done $0x0  }
0x99: {  	[sflag:s19] =	ssyncadd.s32 $0xFFFFC000  }
0x9a: {  	[hbm4b:s14+s4] =	stream.linear.scatter [tilespmem:s20], [sflag:$0x2], $0x4000, $0x38;
	[tilespmem:$0x18180] =	vst v63  }
0x9b: {  	_ =	swait.ge [sflag:s19], $0x4000  }
0x9c: {  	[sflag:s19] =	ssyncset.done $0x0  }
0x9d: {  	[sflag:s19] =	ssyncadd.s32 $0xFFFFC000  }
0x9e: {  	[tilespmem:s20], [sflag:$0x2] =	stream.linear.gather [spmem:s10], $0x4000, $0x38;
	[tilespmem:$0x18180] =	vst v63  }
0x9f: {  	_ =	swait.ge [sflag:s19], $0x4000  }
0xa0: {  	[sflag:s19] =	ssyncset.done $0x0  }
0xa1: {  	[sflag:s19] =	ssyncadd.s32 $0xFFFFC000  }
0xa2: {  	[hbm4b:s15+s4] =	stream.linear.scatter [tilespmem:s20], [sflag:$0x2], $0x4000, $0x38;
	[tilespmem:$0x18180] =	vst v63  }
0xa3: {  	_ =	swait.ge [sflag:s19], $0x4000  }
0xa4: {  	[sflag:s19] =	ssyncset.done $0x0  }
0xa5: {  	[sflag:s19] =	ssyncadd.s32 $0xFFFFC000  }
0xa6: {  	[tilespmem:s20], [sflag:$0x2] =	stream.linear.gather [spmem:s11], $0x4000, $0x38;
	[tilespmem:$0x18180] =	vst v63  }
0xa7: {  	s22 =	sadd.s32 $0x1, s22;
	_ =	swait.ge [sflag:s19], $0x4000  }
0xa8: {  	p0 =	sne.s32 s22, s7;
	[sflag:s19] =	ssyncset.done $0x0  }
.Ltmp4:
0xa9: {  	[sflag:s19] =	ssyncadd.s32 $0xFFFFC000;
	(pc) =	sbr.rel @p0 .LBB2_1-.Ltmp4, $4  }
0xaa: {  	[hbm4b:s16+s4] =	stream.linear.scatter [tilespmem:s20], [sflag:$0x2], $0x4000, $0x38;
	[tilespmem:$0x18180] =	vst v63  }
0xab: {  	_ =	swait.ge [sflag:s19], $0x4000  }
0xac: {  	[sflag:s19] =	ssyncset.done $0x0  }
0xad: {  	[sflag:s19] =	ssyncadd.s32 $0xFFFFC000  }
0xae: {  	_ =	sfence.sel $0x180000  }
0xaf: {  	[bflag:$0x0] =	sbarrier.arrive $0xFFFF  }
0xb0: {  	p0 =	sne.s32 s1, $0x0;
	_ =	strace $0x90000047  }
0xb1: {  	s0 =	sadd.s32 @!p0 $0x100000, s0;
	[bflag:$0x2] =	sbarrier.arrive $0xFFFF  }
0xb2: {  	[sflag:s0] =	ssyncadd.tile.s32 @!p0 $0x1;
	_ =	shalt  }
.Lfunc_end2:
_tile_overlayer_lowered:
.L_overlay_start_2:
0xb3: {  	(tag) =	ssettag $0x2  }
0xb4: {  	s0 =	rddreg [dreg:$0x0];
	s2 =	stileid.u32  }
0xb5: {  	s1 =	rddreg [dreg:$0x1];
	p0 =	sne.s32 s2, $0x0  }
0xb6: {  	s3 =	rddreg [dreg:$0x2];
	[bflag:$0x3] =	sbarrier.arrive $0xFFFF;
	s2 =	simm.s32 @!p0 $0x1C02  }
0xb7: {  	[timem:s3], [sflag:s2] =	dma.local @!p0 [hbm:s0], s1  }
0xb8: {  	s0 =	simm.s32 @!p0 $0x2  }
0xb9: {  	_ =	swait.ge @!p0 [sflag:s0], s1  }
0xba: {  	s1 =	ssub.s32 @!p0 $0x0, s1;
	[sflag:s0] =	ssyncset.done @!p0 $0x0  }
0xbb: {  	[sflag:s0] =	ssyncadd.s32 @!p0 s1  }
0xbc: {  	[bflag:$0x3] =	sbarrier.arrive $0xFFFF  }
0xbd: {  	_ =	shalt  }

// kernel: kernel.20.cloned.1.call-start
scs
__scs_entry_jumppad:
0x0: {  	(pc) =	sbr.rel $0x88, $3  }
0x1: {  	(tag) =	ssettag $0x0;
	lr =	simm.s32 $0x1  }
0x2: {  	[smem:$0x3F91] =	sst lr;
	_ =	strace $0xD0000000  }
0x3: {  	_ = 	snop  }
0x4: {  	_ = 	snop  }
0x5: {  	_ = 	snop  }
0x6: {  	_ = 	snop  }
0x7: {  	_ = 	snop  }
__scs_overlays_trampoline_lowered:
0x8: {  	[smem:$0x3FA0] =	sst s0  }
0x9: {  	[smem:$0x3FA1] =	sst s1  }
0xa: {  	[smem:$0x3FA2] =	sst s2  }
0xb: {  	[smem:$0x3FA3] =	sst s3  }
0xc: {  	[smem:$0x3FA4] =	sst s4  }
0xd: {  	[smem:$0x3FA5] =	sst s5  }
0xe: {  	[smem:$0x3FA6] =	sst s6  }
0xf: {  	[smem:$0x3FA7] =	sst s7  }
0x10: {  	[smem:$0x3FA8] =	sst s8  }
0x11: {  	[smem:$0x3FA9] =	sst s9;
	s0 =	simm.s32 @!p0 $0x0  }
0x12: {  	s1 =	sld [smem:$0x3F8F];
	s0 =	simm.s32 @p0 $0x1  }
0x13: {  	[smem:$0x3FAA] =	sst s0;
	s0 =	simm.s32 @!p1 $0x0  }
0x14: {  	s2 =	sld [smem:$0x3F8E];
	s0 =	simm.s32 @p1 $0x1  }
0x15: {  	[smem:$0x3FAB] =	sst s0;
	s0 =	simm.s32 @!p2 $0x0  }
0x16: {  	s3 =	sld [smem:$0x3FDB];
	s0 =	simm.s32 @p2 $0x1  }
0x17: {  	s4 =	simm.s32 $0x1BF5;
	[smem:$0x3FAD] =	sst s0  }
0x18: {  	s0 =	sld [smem:$0x3F90];
	_ =	swait.ge [sflag:s4], $0x0  }
0x19: {  	s7 =	sld [smem:$0x3F91]  }
0x1a: {  	s8 =	sadd.s32 $0xFFFFE003, lr  }
0x1b: {  	s9 =	sadd.s32 $0xFFFFFEF7, lr;
	s5 =	simm.s32 $0xFFFFFFFF;
	p2 =	slt.u32 s8, $0xFFFFF086  }
0x1c: {  	p1 =	slt.u32 s9, $0xF7A;
	s5 =	simm.s32 @!p2 $0x0  }
0x1d: {  	s5 =	simm.s32 @p1 $0x1;
	p0 =	seq.s32 s7, s2  }
0x1e: {  	s7 =	smul.u32 @!p0 $0xF7A, s2;
	p2 =	seq.s32 @!p0 s5, $0x0  }
0x1f: {  	s9 =	smul.u32 $0xF7A, s1;
	s8 =	simm.s32 @!p0 $0x1BF5;
	p2 =	por !p2, p0  }
0x20: {  	[sflag:s8] =	ssyncset.s32 @!p0 $0xFFFFF086;
	s6 =	sadd.s32 @!p0 s3, s7;
	s7 =	simm.s32 @!p0 $0x108  }
0x21: {  	s3 =	sadd.s32 s3, s9;
	s6 =	sadd.s32 @!p0 $0x88, s6;
	s7 =	simm.s32 @p2 $0x1082  }
0x22: {  	[simem:s7], [sflag:s8] =	dma.local @!p0 [hbm:s6], $0xF7A  }
0x23: {  	s9 =	sor.u32 $0xD0000000, s2;
	s6 =	simm.s32 $0x108;
	_ =	swait.ge @!p0 [sflag:s8], $0x0  }
0x24: {  	s3 =	sadd.s32 $0x88, s3;
	s6 =	simm.s32 @!p1 $0x1082;
	[sflag:s4] =	ssyncset.s32 $0xFFFFF086  }
0x25: {  	[simem:s6], [sflag:s4] =	dma.local [hbm:s3], $0xF7A  }
0x26: {  	[smem:$0x3F91] =	sst s1;
	(tag) =	ssettag s2;
	_ =	strace s9  }
0x27: {  	s1 =	sld [smem:$0x3FA1]  }
0x28: {  	s2 =	sld [smem:$0x3FA2]  }
0x29: {  	s4 =	sld [smem:$0x3FA4]  }
0x2a: {  	p0 =	seq.s32 s5, $0x0;
	s5 =	sld [smem:$0x3FA5]  }
0x2b: {  	s6 =	sld [smem:$0x3FA6]  }
0x2c: {  	s7 =	sld [smem:$0x3FA7]  }
0x2d: {  	s3 =	simm.s32 $0x108;
	s8 =	sld [smem:$0x3FA8]  }
0x2e: {  	s3 =	simm.s32 @!p0 $0x1082;
	s9 =	sld [smem:$0x3FA9]  }
0x2f: {  	lr =	sadd.s32 s0, s3;
	s0 =	sld [smem:$0x3FA0]  }
0x30: {  	s3 =	sld [smem:$0x3FA3]  }
0x31: {  	[smem:$0x3FAC] =	sst s10  }
0x32: {  	s10 =	sld [smem:$0x3FAA];
	_ =	sdelay $0x3  }
0x33: {  	p0 =	seq.s32 s10, $0x1;
	s10 =	sld [smem:$0x3FAC];
	_ =	sdelay $0x3  }
0x34: {  	[smem:$0x3FAC] =	sst s10  }
0x35: {  	s10 =	sld [smem:$0x3FAB];
	_ =	sdelay $0x3  }
0x36: {  	p1 =	seq.s32 s10, $0x1;
	s10 =	sld [smem:$0x3FAC];
	_ =	sdelay $0x3  }
0x37: {  	[smem:$0x3FAC] =	sst s10  }
0x38: {  	s10 =	sld [smem:$0x3FAD]  }
0x39: {  	_ = 	snop;
	(pc) =	sbr.ind lr, $3  }
0x3a: {  	_ = 	snop  }
0x3b: {  	_ = 	snop  }
0x3c: {  	p2 =	seq.s32 s10, $0x1;
	s10 =	sld [smem:$0x3FAC]  }
0x3d: {  	_ =	shalt  }
0x3e: {  	_ =	shalt  }
0x3f: {  	_ =	shalt  }
0x40: {  	_ =	shalt  }
0x41: {  	_ =	shalt  }
0x42: {  	_ =	shalt  }
0x43: {  	_ =	shalt  }
0x44: {  	_ =	shalt  }
0x45: {  	_ =	shalt  }
0x46: {  	_ =	shalt  }
0x47: {  	_ =	shalt  }
0x48: {  	_ =	shalt  }
0x49: {  	_ =	shalt  }
0x4a: {  	_ =	shalt  }
0x4b: {  	_ =	shalt  }
0x4c: {  	_ =	shalt  }
0x4d: {  	_ =	shalt  }
0x4e: {  	_ =	shalt  }
0x4f: {  	_ =	shalt  }
0x50: {  	_ =	shalt  }
0x51: {  	_ =	shalt  }
0x52: {  	_ =	shalt  }
0x53: {  	_ =	shalt  }
0x54: {  	_ =	shalt  }
0x55: {  	_ =	shalt  }
0x56: {  	_ =	shalt  }
0x57: {  	_ =	shalt  }
0x58: {  	_ =	shalt  }
0x59: {  	_ =	shalt  }
0x5a: {  	_ =	shalt  }
0x5b: {  	_ =	shalt  }
0x5c: {  	_ =	shalt  }
0x5d: {  	_ =	shalt  }
0x5e: {  	_ =	shalt  }
0x5f: {  	_ =	shalt  }
0x60: {  	_ =	shalt  }
0x61: {  	_ =	shalt  }
0x62: {  	_ =	shalt  }
0x63: {  	_ =	shalt  }
0x64: {  	_ =	shalt  }
0x65: {  	_ =	shalt  }
0x66: {  	_ =	shalt  }
0x67: {  	_ =	shalt  }
0x68: {  	_ =	shalt  }
0x69: {  	_ =	shalt  }
0x6a: {  	_ =	shalt  }
0x6b: {  	_ =	shalt  }
0x6c: {  	_ =	shalt  }
0x6d: {  	_ =	shalt  }
0x6e: {  	_ =	shalt  }
0x6f: {  	_ =	shalt  }
0x70: {  	_ =	shalt  }
0x71: {  	_ =	shalt  }
0x72: {  	_ =	shalt  }
0x73: {  	_ =	shalt  }
0x74: {  	_ =	shalt  }
0x75: {  	_ =	shalt  }
0x76: {  	_ =	shalt  }
0x77: {  	_ =	shalt  }
0x78: {  	_ =	shalt  }
0x79: {  	_ =	shalt  }
0x7a: {  	_ =	shalt  }
0x7b: {  	_ =	shalt  }
0x7c: {  	_ =	shalt  }
0x7d: {  	_ =	shalt  }
0x7e: {  	_ =	shalt  }
0x7f: {  	_ =	shalt  }
0x80: {  	_ =	shalt  }
0x81: {  	_ =	shalt  }
0x82: {  	_ =	shalt  }
0x83: {  	_ =	shalt  }
0x84: {  	_ =	shalt  }
0x85: {  	_ =	shalt  }
0x86: {  	_ =	shalt  }
0x87: {  	_ =	shalt  }
.Lfunc_end0:
.L_simem_size_0:
called_computation.1_lowered:
.L_overlay_start_0:
0x88: {  	s2 =	sld [smem:$0x3FD9]  }
0x89: {  	s3 =	sld [smem:$0x3FFE];
	_ =	sdelay $0x1  }
0x8a: {  	s1 =	srdreg.scid  }
0x8b: {  	s0 =	sand.u32 $0x1, s1  }
0x8c: {  	s17 =	sshll.u32 s0, $0xA;
	s2 =	sadd.s32 s3, s2  }
0x8d: {  	s2 =	sadd.s32 s2, s17  }
0x8e: {  	[smem:$0x3FB8] =	sst s2  }
0x8f: {  	_ = 	snop  }
0x90: {  	s18 =	sld [smem:$0x3FD0];
	(tm) =	ssettm $0x1  }
0x91: {  	s19 =	sld [smem:$0x3FFB];
	_ =	sdelay $0x3  }
0x92: {  	_ =	strace s19  }
0x93: {  	s2 =	sld [smem:$0x3FFC];
	_ =	sdelay $0x3  }
0x94: {  	_ =	strace s2  }
0x95: {  	s2 =	sld [smem:$0x3FFD];
	_ =	sdelay $0x3  }
0x96: {  	_ =	strace s2  }
0x97: {  	_ =	strace $0x8FFFFFFF  }
0x98: {  	s20 =	sld [smem:$0x3FDB];
	_ =	sdelay $0x1  }
0x99: {  	s4 =	simm.s32 $_scs_section_size  }
0x9a: {  	s5 =	simm.s32 $_size__tile_overlayer_lowered;
	s6 =	simm.s32 $_tile_overlayer_lowered  }
0x9b: {  	s7 =	simm.s32 $0x1BFF;
	s21 =	sshll.u32 s6, $0x1;
	s4 =	sadd.s32 s4, s20  }
0x9c: {  	s22 =	simm.s32 $0x0;
	s5 =	sshll.u32 s5, $0x1;
	s6 =	sadd.s32 s21, s4  }
0x9d: {  	[timem:s22], [sflag:s7] =	dma.local [hbm:s6], s5  }
0x9e: {  	_ =	swait.ge [sflag:s7], s5  }
0x9f: {  	s5 =	ssub.s32 $0x0, s5;
	[sflag:s7] =	ssyncset.done $0x0  }
0xa0: {  	[sflag:s7] =	ssyncadd.s32 s5;
	_ =	sdelay $0x1  }
0xa1: {  	s23 =	simm.s32 $0x1B8B  }
0xa2: {  	_ =	swait.ge [sflag:s23], $0x1  }
0xa3: {  	[sflag:s23] =	ssyncset.done $0x0  }
0xa4: {  	[sflag:s23] =	ssyncadd.s32 $0xFFFFFFFF  }
0xa5: {  	s5 =	sld [smem:$0x0]  }
0xa6: {  	s6 =	sand.u32 $0xFFFFFFFE, s1  }
0xa7: {  	p0 =	sne.s32 s1, s6  }
0xa8: {  	s6 =	sshll.u32 @p0 s6, $0xE  }
0xa9: {  	s6 =	sadd.s32 @p0 $0x11B8D, s6;
	s7 =	sshll.u32 @p0 s5, $0x11  }
0xaa: {  	s6 =	sor.u32 @p0 s7, s6  }
0xab: {  	[sflag:s6] =	ssyncadd.remote.s32 @p0 $0x1;
	_ =	sdelay $0x1  }
0xac: {  	s6 =	simm.s32 @p0 $0x1B8D  }
0xad: {  	_ =	swait.eq @p0 [sflag:s6], $0x1  }
0xae: {  	[sflag:s6] =	ssyncadd.s32 @p0 $0xFFFFFFFF  }
0xaf: {  	s7 =	sshll.u32 @!p0 s1, $0xE  }
0xb0: {  	s7 =	sor.u32 @!p0 $0x4000, s7;
	s6 =	simm.s32 @!p0 $0x1B8D  }
0xb1: {  	s5 =	sshll.u32 @!p0 s5, $0x11;
	s7 =	sadd.s32 @!p0 $0x11B8D, s7;
	_ =	swait.eq @!p0 [sflag:s6], $0x1  }
0xb2: {  	s5 =	sor.u32 @!p0 s5, s7;
	[sflag:s6] =	ssyncadd.s32 @!p0 $0xFFFFFFFF  }
0xb3: {  	s25 =	simm.s32 $0x1B8E;
	s24 =	sld [smem:$0x3FFE];
	[sflag:s5] =	ssyncadd.remote.s32 @!p0 $0x1  }
0xb4: {  	s26 =	simm.s32 $execute0_lowered;
	[smem:$0x3FD2] =	sst s25  }
0xb5: {  	s6 =	sshll.u32 s26, $0x1;
	_ =	strace $0x80000049;
	[dreg:$0x1] =	wrdreg $0xFFFFFFFF  }
0xb6: {  	s28 =	simm.s32 $_size_execute0_lowered;
	s4 =	sadd.s32 s4, s6;
	[dreg:$0x0] =	wrdreg $0x0  }
0xb7: {  	s6 =	sshll.u32 s28, $0x1;
	[dreg:$0x2] =	wrdreg s4  }
0xb8: {  	[dreg:$0x3] =	wrdreg s6  }
0xb9: {  	[dreg:$0x4] =	wrdreg $0xC0  }
0xba: {  	_ =	task [dreg:s22], $0x5FFFF  }
0xbb: {  	[dreg:$0x1] =	wrdreg $0xFFFFFFFF  }
0xbc: {  	[dreg:$0x0] =	wrdreg $0x60  }
0xbd: {  	[dreg:$0x2] =	wrdreg s24  }
0xbe: {  	[dreg:$0x3] =	wrdreg s18  }
0xbf: {  	[dreg:$0x4] =	wrdreg $0x41000  }
0xc0: {  	[dreg:$0x5] =	wrdreg $0xA  }
0xc1: {  	_ =	task.clear_ibuf [dreg:s22], $0x6FFFF;
	_ =	strace $0x90000049  }
0xc2: {  	s29 =	simm.s32 $0xA;
	_ =	strace $0x8000004B  }
0xc3: {  	_ =	swait.ge [sflag:s29], $0x1  }
0xc4: {  	[sflag:s29] =	ssyncadd.s32 $0xFFFFFFFF  }
0xc5: {  	_ =	strace $0x9000004B  }
0xc6: {  	_ =	sfence  }
0xc7: {  	s30 =	sld [smem:$0x0];
	_ =	sdelay $0x2  }
0xc8: {  	s31 =	sshll.u32 s1, $0xD;
	s1 =	sshrl.u32 s1, $0x2  }
0xc9: {  	s4 =	sand.u32 $0x4000, s31;
	s1 =	sadd.s32 s1, s30  }
0xca: {  	s0 =	sor.u32 s4, s0;
	s1 =	sshll.u32 s1, $0x11  }
0xcb: {  	s0 =	sor.u32 s1, s0  }
0xcc: {  	s0 =	sadd.s32 $0x8F2B, s0  }
0xcd: {  	[sflag:s0] =	ssyncadd.remote.s32 $0x1  }
0xce: {  	_ =	sfence.sel $0xFFFF  }
0xcf: {  	[dreg:$0x0] =	wrdreg $0xFFFFFFFF;
	(pc) =	sbr.abs _section_cstart, $3  }
0xd0: {  	[dreg:$0x1] =	wrdreg $0xFFFFFFFF  }
0xd1: {  	_ =	task.clear_ibuf [dreg:s22], $0x2FFFF;
	_ =	strace $0x9FFFFFFF  }
0xd2: {  	(tm) =	ssettm $0x7FFFFFFF  }
0xd3: {  	_ =	shalt  }
tec
execute0_lowered:
.L_overlay_start_1:
0x0: {  	(tag) =	ssettag $0x1  }
0x1: {  	s6 =	rddreg [dreg:$0x0]  }
0x2: {  	s2 =	rddreg [dreg:$0x1]  }
0x3: {  	s3 =	rddreg [dreg:$0x2]  }
0x4: {  	s0 =	rddreg [dreg:$0x3]  }
0x5: {  	s1 =	stileid.u32;
	s5 =	srdreg.scid  }
0x6: {  	s4 =	simm.s32 $0x0;
	s19 =	simm.s32 $0x2;
	s7 =	smul.u32 $0xA00, s1  }
0x7: {  	s20 =	simm.s32 $0x100;
	s21 =	simm.s32 $0x80;
	s8 =	smul.u32 $0x280, s1  }
0x8: {  	s22 =	simm.s32 $0x0;
	s12 =	sand.u32 $0x1, s5;
	s10 =	smul.u32 $0x50000, s1  }
0x9: {  	[smem:$0x7FF] =	sst s4;
	s5 =	sadd.s32 $0x19400, s6;
	s9 =	smul.u32 $0x2800, s12  }
0xa: {  	_ =	strace $0x8000004A;
	s29 =	ssub.s32 $0x2, s12;
	s18 =	smul.u32 $0x500, s12  }
0xb: {  	s17 =	sadd.s32 s7, s6;
	s30 =	sshrl.u32 s29, $0x1;
	s10 =	sshrl.u32 s10, $0x2  }
0xc: {  	s28 =	sadd.s32 s8, s9;
	s31 =	ssub.s32 s29, s30;
	s17 =	sadd.s32 s18, s17  }
0xd: {  	s18 =	simm.s32 $0x18100;
	s7 =	sshll.u32 s28, $0x4;
	s17 =	sadd.s32 $0x5400, s17  }
0xe: {  	s16 =	sadd.s32 s7, s6;
	s6 =	sadd.s32 s10, s3;
	s7 =	smax.u32 s31, $0x1  }
0xf: {  	s8 =	sadd.s32 $0x4000, s6;
	s9 =	sadd.s32 $0x8000, s6;
	s10 =	sadd.s32 $0xC000, s6  }
0x10: {  	s11 =	sadd.s32 $0x10000, s6;
	s12 =	sadd.s32 $0x91400, s16;
	s13 =	sadd.s32 $0x91C00, s16  }
0x11: {  	v0 =	vimm.f32 $0.0e+00;
	v1 =	vimm.f32 $1.000000000e+00;
	s14 =	sadd.s32 $0x92400, s16;
	s15 =	sadd.s32 $0x92C00, s16;
	s16 =	sadd.s32 $0x93400, s16  }
.LBB2_1:
0x12: {  	[tilespmem:s18], [sflag:$0x2] =	stream.linear.gather [hbm4b:s2+s4], $0x80, $0x38;
	[tilespmem:$0x18180] =	vst v63  }
0x13: {  	_ =	swait.ge [sflag:s19], $0x80  }
0x14: {  	[sflag:s19] =	ssyncset.done $0x0  }
0x15: {  	[sflag:s19] =	ssyncadd.s32 $0xFFFFFF80  }
0x16: {  	s23 =	simm.s32 $0x0;
	s24 =	simm.s32 $0x200;
	v2 =	vld [tilespmem:$0x18100]  }
.LBB2_2:
0x17: {  	p0 =	sne.s32 s24, $0xFE00;
	[tilespmem:s23+$0x170] =	vst v0  }
0x18: {  	[tilespmem:s23+$0x100] =	vst v0  }
0x19: {  	[tilespmem:s23+$0x110] =	vst v0  }
.Ltmp0:
0x1a: {  	[tilespmem:s23+$0x120] =	vst v0;
	(pc) =	sbr.rel @p0 .LBB2_2-.Ltmp0, $4  }
0x1b: {  	[tilespmem:s23+$0x130] =	vst v0  }
0x1c: {  	[tilespmem:s23+$0x140] =	vst v0  }
0x1d: {  	[tilespmem:s23+$0x150] =	vst v0  }
0x1e: {  	[tilespmem:s23+$0x160] =	vst v0;
	s23 =	sshra.s32 s24, $0x2;
	s24 =	sadd.s32 $0x200, s24  }
0x1f: {  	[tilespmem:s23+$0x170] =	vst v0  }
0x20: {  	[tilespmem:s23+$0x100] =	vst v0  }
0x21: {  	[tilespmem:s23+$0x110] =	vst v0  }
0x22: {  	[tilespmem:s23+$0x120] =	vst v0  }
0x23: {  	[tilespmem:s23+$0x130] =	vst v0  }
0x24: {  	[tilespmem:s23+$0x140] =	vst v0  }
0x25: {  	[tilespmem:s23+$0x150] =	vst v0  }
0x26: {  	[tilespmem:s23+$0x160] =	vst v0  }
0x27: {  	[spmem:s6] =	stream.linear.scatter [tilespmem:s20], [sflag:$0x2], $0x4000, $0x38;
	[tilespmem:$0x18180] =	vst v63  }
0x28: {  	_ =	swait.ge [sflag:s19], $0x4000  }
0x29: {  	[sflag:s19] =	ssyncset.done $0x0  }
0x2a: {  	[sflag:s19] =	ssyncadd.s32 $0xFFFFC000  }
0x2b: {  	[spmem:s8] =	stream.linear.scatter [tilespmem:s20], [sflag:$0x2], $0x4000, $0x38;
	[tilespmem:$0x18180] =	vst v63  }
0x2c: {  	_ =	swait.ge [sflag:s19], $0x4000  }
0x2d: {  	[sflag:s19] =	ssyncset.done $0x0  }
0x2e: {  	[sflag:s19] =	ssyncadd.s32 $0xFFFFC000  }
0x2f: {  	[spmem:s9] =	stream.linear.scatter [tilespmem:s20], [sflag:$0x2], $0x4000, $0x38;
	[tilespmem:$0x18180] =	vst v63  }
0x30: {  	_ =	swait.ge [sflag:s19], $0x4000  }
0x31: {  	[sflag:s19] =	ssyncset.done $0x0  }
0x32: {  	[sflag:s19] =	ssyncadd.s32 $0xFFFFC000  }
0x33: {  	[spmem:s10] =	stream.linear.scatter [tilespmem:s20], [sflag:$0x2], $0x4000, $0x38;
	[tilespmem:$0x18180] =	vst v63  }
0x34: {  	_ =	swait.ge [sflag:s19], $0x4000  }
0x35: {  	[sflag:s19] =	ssyncset.done $0x0  }
0x36: {  	[sflag:s19] =	ssyncadd.s32 $0xFFFFC000  }
0x37: {  	[spmem:s11] =	stream.linear.scatter [tilespmem:s20], [sflag:$0x2], $0x4000, $0x38;
	[tilespmem:$0x18180] =	vst v63  }
0x38: {  	v2 =	vxor.u32 $0x80000000, v2;
	_ =	swait.ge [sflag:s19], $0x4000  }
0x39: {  	(xrf0) =	vmax.scan.msk.u32 $0xffff, v2;
	_ =	sdelay $0x5  }
0x3a: {  	v2, _, _ =	vpop (xrf0)  }
0x3b: {  	(v2sf) =	vpush v2, $0xF;
	_ =	sdelay $0xe  }
0x3c: {  	s23 =	spop (v2sf)  }
0x3d: {  	p0 =	sne.s32 s23, $0x80000001  }
.Ltmp1:
0x3e: {  	_ = 	snop;
	(pc) =	sbr.rel @p0 .LBB2_7-.Ltmp1, $3  }
0x3f: {  	_ =	sdelay $0x1  }
0x40: {  	[sflag:s19] =	ssyncset.done $0x0  }
0x41: {  	s25 =	simm.s32 $0x0;
	[sflag:s19] =	ssyncadd.s32 $0xFFFFC000  }
0x42: {  	s24 =	sshra.s32 s25, $0x2;
	s25 =	sadd.s32 $0x200, s25  }
.LBB2_5:
0x43: {  	p0 =	sne.s32 s25, $0xFE00;
	[tilespmem:s24+$0x170] =	vst v1  }
0x44: {  	[tilespmem:s24+$0x100] =	vst v1  }
0x45: {  	[tilespmem:s24+$0x110] =	vst v1  }
.Ltmp2:
0x46: {  	[tilespmem:s24+$0x120] =	vst v1;
	(pc) =	sbr.rel @p0 .LBB2_5-.Ltmp2, $4  }
0x47: {  	[tilespmem:s24+$0x130] =	vst v1  }
0x48: {  	[tilespmem:s24+$0x140] =	vst v1  }
0x49: {  	[tilespmem:s24+$0x150] =	vst v1  }
0x4a: {  	[tilespmem:s24+$0x160] =	vst v1;
	s24 =	sshra.s32 s25, $0x2;
	s25 =	sadd.s32 $0x200, s25  }
0x4b: {  	[tilespmem:s24+$0x170] =	vst v1  }
0x4c: {  	[tilespmem:s24+$0x100] =	vst v1  }
0x4d: {  	[tilespmem:s24+$0x110] =	vst v1  }
0x4e: {  	[tilespmem:s24+$0x120] =	vst v1  }
0x4f: {  	[tilespmem:s24+$0x130] =	vst v1  }
0x50: {  	[tilespmem:s24+$0x140] =	vst v1  }
0x51: {  	[tilespmem:s24+$0x150] =	vst v1  }
0x52: {  	[tilespmem:s24+$0x160] =	vst v1  }
.LBB2_7:
0x53: {  	[bflag:$0x0] =	sbarrier.arrive $0xFFFF;
	s25 =	sadd.s32 $0x0, s17  }
0x54: {  	[tilespmem:s21], [sflag:$0x2] =	stream.linear.gather [hbm4b:s25+s4], $0x80, $0x38;
	[tilespmem:$0x18180] =	vst v63  }
0x55: {  	_ =	swait.ge [sflag:s19], $0x80  }
0x56: {  	p0 =	seq.s32 s23, $0x80000001;
	[sflag:s19] =	ssyncset.done $0x0  }
0x57: {  	s23 =	simm.s32 @!p0 $0x0;
	s24 =	simm.s32 @!p0 $0x2;
	[sflag:s19] =	ssyncadd.s32 $0xFFFFFF80  }
0x58: {  	[tilespmem:s23], [sflag:$0x2] =	stream.linear.gather @!p0 [hbm4b:s25+s23], $0x80, $0x38;
	[tilespmem:$0x18180] =	vst v63  }
0x59: {  	_ =	swait.ge @!p0 [sflag:s24], $0x80  }
0x5a: {  	s26 =	simm.s32 @!p0 $0x80;
	[sflag:s24] =	ssyncset.done @!p0 $0x0  }
0x5b: {  	s28 =	simm.s32 @!p0 $0x100;
	s25 =	simm.s32 @!p0 $0x1;
	[sflag:s24] =	ssyncadd.s32 @!p0 $0xFFFFFF80  }
0x5c: {  	[tilespmem:s28], [sflag:$0x1] =	stream.indirect.gather @!p0 [hbm4b:s5+s26], $0x80, s23, s26, $0xb8;
	[tilespmem:$0x18180] =	vst v63  }
0x5d: {  	_ =	swait.ge @!p0 [sflag:s25], $0x4000  }
0x5e: {  	[sflag:s25] =	ssyncset.done @!p0 $0x0  }
0x5f: {  	[sflag:s25] =	ssyncadd.s32 @!p0 $0xFFFFC000  }
0x60: {  	[spmem:s3] =	stream.indirect.scatter.add.f32 [tilespmem:s20], [sflag:$0x2], $0x80, s21, s21, $0xb8;
	[tilespmem:$0x18180] =	vst v63  }
0x61: {  	_ =	swait.ge [sflag:s19], $0x4000  }
0x62: {  	s29 =	simm.s32 $0x10;
	s30 =	simm.s32 $0x20;
	[sflag:s19] =	ssyncset.done $0x0  }
.LBB2_8:
0x63: {  	s31 =	sadd.s32 s29, s17  }
0x64: {  	[sflag:s19] =	ssyncadd.s32 $0xFFFFC000;
	s29 =	smov.u32 s30;
	s30 =	sadd.s32 $0x10, s30  }
0x65: {  	[tilespmem:s21], [sflag:$0x2] =	stream.linear.gather [hbm4b:s31+s4], $0x80, $0x38;
	[tilespmem:$0x18180] =	vst v63  }
0x66: {  	p1 =	sne.s32 s30, $0x500;
	_ =	swait.ge [sflag:s19], $0x80  }
0x67: {  	[sflag:s19] =	ssyncset.done $0x0  }
0x68: {  	[sflag:s19] =	ssyncadd.s32 $0xFFFFFF80  }
0x69: {  	[tilespmem:s23], [sflag:$0x2] =	stream.linear.gather @!p0 [hbm4b:s31+s23], $0x80, $0x38;
	[tilespmem:$0x18180] =	vst v63  }
0x6a: {  	_ =	swait.ge @!p0 [sflag:s24], $0x80  }
0x6b: {  	[sflag:s24] =	ssyncset.done @!p0 $0x0  }
0x6c: {  	[sflag:s24] =	ssyncadd.s32 @!p0 $0xFFFFFF80  }
0x6d: {  	[tilespmem:s28], [sflag:$0x1] =	stream.indirect.gather @!p0 [hbm4b:s5+s26], $0x80, s23, s26, $0xb8;
	[tilespmem:$0x18180] =	vst v63  }
0x6e: {  	_ =	swait.ge @!p0 [sflag:s25], $0x4000  }
.Ltmp3:
0x6f: {  	[sflag:s25] =	ssyncset.done @!p0 $0x0;
	(pc) =	sbr.rel @p1 .LBB2_8-.Ltmp3, $4  }
0x70: {  	[sflag:s25] =	ssyncadd.s32 @!p0 $0xFFFFC000  }
0x71: {  	[spmem:s3] =	stream.indirect.scatter.add.f32 [tilespmem:s20], [sflag:$0x2], $0x80, s21, s21, $0xb8;
	[tilespmem:$0x18180] =	vst v63  }
0x72: {  	_ =	swait.ge [sflag:s19], $0x4000  }
0x73: {  	[sflag:s19] =	ssyncset.done $0x0  }
0x74: {  	s23 =	sadd.s32 s29, s17;
	[sflag:s19] =	ssyncadd.s32 $0xFFFFC000  }
0x75: {  	[tilespmem:s21], [sflag:$0x2] =	stream.linear.gather [hbm4b:s23+s4], $0x80, $0x38;
	[tilespmem:$0x18180] =	vst v63  }
0x76: {  	_ =	swait.ge [sflag:s19], $0x80  }
0x77: {  	[sflag:s19] =	ssyncset.done $0x0  }
0x78: {  	s24 =	simm.s32 @!p0 $0x0;
	s25 =	simm.s32 @!p0 $0x2;
	[sflag:s19] =	ssyncadd.s32 $0xFFFFFF80  }
0x79: {  	[tilespmem:s24], [sflag:$0x2] =	stream.linear.gather @!p0 [hbm4b:s23+s24], $0x80, $0x38;
	[tilespmem:$0x18180] =	vst v63  }
0x7a: {  	_ =	swait.ge @!p0 [sflag:s25], $0x80  }
0x7b: {  	s26 =	simm.s32 @!p0 $0x100;
	[sflag:s25] =	ssyncset.done @!p0 $0x0  }
0x7c: {  	s23 =	simm.s32 @!p0 $0x1;
	[sflag:s25] =	ssyncadd.s32 @!p0 $0xFFFFFF80;
	s25 =	simm.s32 @!p0 $0x80  }
0x7d: {  	[tilespmem:s26], [sflag:$0x1] =	stream.indirect.gather @!p0 [hbm4b:s5+s25], $0x80, s24, s25, $0xb8;
	[tilespmem:$0x18180] =	vst v63  }
0x7e: {  	_ =	swait.ge @!p0 [sflag:s23], $0x4000  }
0x7f: {  	[sflag:s23] =	ssyncset.done @!p0 $0x0  }
0x80: {  	[sflag:s23] =	ssyncadd.s32 @!p0 $0xFFFFC000  }
0x81: {  	[spmem:s3] =	stream.indirect.scatter.add.f32 [tilespmem:s20], [sflag:$0x2], $0x80, s21, s21, $0xb8;
	[tilespmem:$0x18180] =	vst v63  }
0x82: {  	_ =	swait.ge [sflag:s19], $0x4000  }
0x83: {  	[sflag:s19] =	ssyncset.done $0x0  }
0x84: {  	[sflag:s19] =	ssyncadd.s32 $0xFFFFC000  }
0x85: {  	[bflag:$0x0] =	sbarrier.arrive $0xFFFF  }
0x86: {  	[tilespmem:s20], [sflag:$0x2] =	stream.linear.gather [spmem:s6], $0x4000, $0x38;
	[tilespmem:$0x18180] =	vst v63  }
0x87: {  	_ =	swait.ge [sflag:s19], $0x4000  }
0x88: {  	[sflag:s19] =	ssyncset.done $0x0  }
0x89: {  	[sflag:s19] =	ssyncadd.s32 $0xFFFFC000  }
0x8a: {  	[hbm4b:s12+s4] =	stream.linear.scatter [tilespmem:s20], [sflag:$0x2], $0x4000, $0x38;
	[tilespmem:$0x18180] =	vst v63  }
0x8b: {  	_ =	swait.ge [sflag:s19], $0x4000  }
0x8c: {  	[sflag:s19] =	ssyncset.done $0x0  }
0x8d: {  	[sflag:s19] =	ssyncadd.s32 $0xFFFFC000  }
0x8e: {  	[tilespmem:s20], [sflag:$0x2] =	stream.linear.gather [spmem:s8], $0x4000, $0x38;
	[tilespmem:$0x18180] =	vst v63  }
0x8f: {  	_ =	swait.ge [sflag:s19], $0x4000  }
0x90: {  	[sflag:s19] =	ssyncset.done $0x0  }
0x91: {  	[sflag:s19] =	ssyncadd.s32 $0xFFFFC000  }
0x92: {  	[hbm4b:s13+s4] =	stream.linear.scatter [tilespmem:s20], [sflag:$0x2], $0x4000, $0x38;
	[tilespmem:$0x18180] =	vst v63  }
0x93: {  	_ =	swait.ge [sflag:s19], $0x4000  }
0x94: {  	[sflag:s19] =	ssyncset.done $0x0  }
0x95: {  	[sflag:s19] =	ssyncadd.s32 $0xFFFFC000  }
0x96: {  	[tilespmem:s20], [sflag:$0x2] =	stream.linear.gather [spmem:s9], $0x4000, $0x38;
	[tilespmem:$0x18180] =	vst v63  }
0x97: {  	_ =	swait.ge [sflag:s19], $0x4000  }
0x98: {  	[sflag:s19] =	ssyncset.done $0x0  }
0x99: {  	[sflag:s19] =	ssyncadd.s32 $0xFFFFC000  }
0x9a: {  	[hbm4b:s14+s4] =	stream.linear.scatter [tilespmem:s20], [sflag:$0x2], $0x4000, $0x38;
	[tilespmem:$0x18180] =	vst v63  }
0x9b: {  	_ =	swait.ge [sflag:s19], $0x4000  }
0x9c: {  	[sflag:s19] =	ssyncset.done $0x0  }
0x9d: {  	[sflag:s19] =	ssyncadd.s32 $0xFFFFC000  }
0x9e: {  	[tilespmem:s20], [sflag:$0x2] =	stream.linear.gather [spmem:s10], $0x4000, $0x38;
	[tilespmem:$0x18180] =	vst v63  }
0x9f: {  	_ =	swait.ge [sflag:s19], $0x4000  }
0xa0: {  	[sflag:s19] =	ssyncset.done $0x0  }
0xa1: {  	[sflag:s19] =	ssyncadd.s32 $0xFFFFC000  }
0xa2: {  	[hbm4b:s15+s4] =	stream.linear.scatter [tilespmem:s20], [sflag:$0x2], $0x4000, $0x38;
	[tilespmem:$0x18180] =	vst v63  }
0xa3: {  	_ =	swait.ge [sflag:s19], $0x4000  }
0xa4: {  	[sflag:s19] =	ssyncset.done $0x0  }
0xa5: {  	[sflag:s19] =	ssyncadd.s32 $0xFFFFC000  }
0xa6: {  	[tilespmem:s20], [sflag:$0x2] =	stream.linear.gather [spmem:s11], $0x4000, $0x38;
	[tilespmem:$0x18180] =	vst v63  }
0xa7: {  	s22 =	sadd.s32 $0x1, s22;
	_ =	swait.ge [sflag:s19], $0x4000  }
0xa8: {  	p0 =	sne.s32 s22, s7;
	[sflag:s19] =	ssyncset.done $0x0  }
.Ltmp4:
0xa9: {  	[sflag:s19] =	ssyncadd.s32 $0xFFFFC000;
	(pc) =	sbr.rel @p0 .LBB2_1-.Ltmp4, $4  }
0xaa: {  	[hbm4b:s16+s4] =	stream.linear.scatter [tilespmem:s20], [sflag:$0x2], $0x4000, $0x38;
	[tilespmem:$0x18180] =	vst v63  }
0xab: {  	_ =	swait.ge [sflag:s19], $0x4000  }
0xac: {  	[sflag:s19] =	ssyncset.done $0x0  }
0xad: {  	[sflag:s19] =	ssyncadd.s32 $0xFFFFC000  }
0xae: {  	_ =	sfence.sel $0x180000  }
0xaf: {  	[bflag:$0x0] =	sbarrier.arrive $0xFFFF  }
0xb0: {  	p0 =	sne.s32 s1, $0x0;
	_ =	strace $0x9000004A  }
0xb1: {  	s0 =	sadd.s32 @!p0 $0x100000, s0;
	[bflag:$0x2] =	sbarrier.arrive $0xFFFF  }
0xb2: {  	[sflag:s0] =	ssyncadd.tile.s32 @!p0 $0x1;
	_ =	shalt  }
.Lfunc_end2:
_tile_overlayer_lowered:
.L_overlay_start_2:
0xb3: {  	(tag) =	ssettag $0x2  }
0xb4: {  	s0 =	rddreg [dreg:$0x0];
	s2 =	stileid.u32  }
0xb5: {  	s1 =	rddreg [dreg:$0x1];
	p0 =	sne.s32 s2, $0x0  }
0xb6: {  	s3 =	rddreg [dreg:$0x2];
	[bflag:$0x3] =	sbarrier.arrive $0xFFFF;
	s2 =	simm.s32 @!p0 $0x1C02  }
0xb7: {  	[timem:s3], [sflag:s2] =	dma.local @!p0 [hbm:s0], s1  }
0xb8: {  	s0 =	simm.s32 @!p0 $0x2  }
0xb9: {  	_ =	swait.ge @!p0 [sflag:s0], s1  }
0xba: {  	s1 =	ssub.s32 @!p0 $0x0, s1;
	[sflag:s0] =	ssyncset.done @!p0 $0x0  }
0xbb: {  	[sflag:s0] =	ssyncadd.s32 @!p0 s1  }
0xbc: {  	[bflag:$0x3] =	sbarrier.arrive $0xFFFF  }
0xbd: {  	_ =	shalt  }

// kernel: kernel.23.cloned.1.call-start
scs
__scs_entry_jumppad:
0x0: {  	(pc) =	sbr.rel $0x88, $3  }
0x1: {  	(tag) =	ssettag $0x0;
	lr =	simm.s32 $0x1  }
0x2: {  	[smem:$0x3F91] =	sst lr;
	_ =	strace $0xD0000000  }
0x3: {  	_ = 	snop  }
0x4: {  	_ = 	snop  }
0x5: {  	_ = 	snop  }
0x6: {  	_ = 	snop  }
0x7: {  	_ = 	snop  }
__scs_overlays_trampoline_lowered:
0x8: {  	[smem:$0x3FA0] =	sst s0  }
0x9: {  	[smem:$0x3FA1] =	sst s1  }
0xa: {  	[smem:$0x3FA2] =	sst s2  }
0xb: {  	[smem:$0x3FA3] =	sst s3  }
0xc: {  	[smem:$0x3FA4] =	sst s4  }
0xd: {  	[smem:$0x3FA5] =	sst s5  }
0xe: {  	[smem:$0x3FA6] =	sst s6  }
0xf: {  	[smem:$0x3FA7] =	sst s7  }
0x10: {  	[smem:$0x3FA8] =	sst s8  }
0x11: {  	[smem:$0x3FA9] =	sst s9;
	s0 =	simm.s32 @!p0 $0x0  }
0x12: {  	s1 =	sld [smem:$0x3F8F];
	s0 =	simm.s32 @p0 $0x1  }
0x13: {  	[smem:$0x3FAA] =	sst s0;
	s0 =	simm.s32 @!p1 $0x0  }
0x14: {  	s2 =	sld [smem:$0x3F8E];
	s0 =	simm.s32 @p1 $0x1  }
0x15: {  	[smem:$0x3FAB] =	sst s0;
	s0 =	simm.s32 @!p2 $0x0  }
0x16: {  	s3 =	sld [smem:$0x3FDB];
	s0 =	simm.s32 @p2 $0x1  }
0x17: {  	s4 =	simm.s32 $0x1BF5;
	[smem:$0x3FAD] =	sst s0  }
0x18: {  	s0 =	sld [smem:$0x3F90];
	_ =	swait.ge [sflag:s4], $0x0  }
0x19: {  	s7 =	sld [smem:$0x3F91]  }
0x1a: {  	s8 =	sadd.s32 $0xFFFFE003, lr  }
0x1b: {  	s9 =	sadd.s32 $0xFFFFFEF7, lr;
	s5 =	simm.s32 $0xFFFFFFFF;
	p2 =	slt.u32 s8, $0xFFFFF086  }
0x1c: {  	p1 =	slt.u32 s9, $0xF7A;
	s5 =	simm.s32 @!p2 $0x0  }
0x1d: {  	s5 =	simm.s32 @p1 $0x1;
	p0 =	seq.s32 s7, s2  }
0x1e: {  	s7 =	smul.u32 @!p0 $0xF7A, s2;
	p2 =	seq.s32 @!p0 s5, $0x0  }
0x1f: {  	s9 =	smul.u32 $0xF7A, s1;
	s8 =	simm.s32 @!p0 $0x1BF5;
	p2 =	por !p2, p0  }
0x20: {  	[sflag:s8] =	ssyncset.s32 @!p0 $0xFFFFF086;
	s6 =	sadd.s32 @!p0 s3, s7;
	s7 =	simm.s32 @!p0 $0x108  }
0x21: {  	s3 =	sadd.s32 s3, s9;
	s6 =	sadd.s32 @!p0 $0x88, s6;
	s7 =	simm.s32 @p2 $0x1082  }
0x22: {  	[simem:s7], [sflag:s8] =	dma.local @!p0 [hbm:s6], $0xF7A  }
0x23: {  	s9 =	sor.u32 $0xD0000000, s2;
	s6 =	simm.s32 $0x108;
	_ =	swait.ge @!p0 [sflag:s8], $0x0  }
0x24: {  	s3 =	sadd.s32 $0x88, s3;
	s6 =	simm.s32 @!p1 $0x1082;
	[sflag:s4] =	ssyncset.s32 $0xFFFFF086  }
0x25: {  	[simem:s6], [sflag:s4] =	dma.local [hbm:s3], $0xF7A  }
0x26: {  	[smem:$0x3F91] =	sst s1;
	(tag) =	ssettag s2;
	_ =	strace s9  }
0x27: {  	s1 =	sld [smem:$0x3FA1]  }
0x28: {  	s2 =	sld [smem:$0x3FA2]  }
0x29: {  	s4 =	sld [smem:$0x3FA4]  }
0x2a: {  	p0 =	seq.s32 s5, $0x0;
	s5 =	sld [smem:$0x3FA5]  }
0x2b: {  	s6 =	sld [smem:$0x3FA6]  }
0x2c: {  	s7 =	sld [smem:$0x3FA7]  }
0x2d: {  	s3 =	simm.s32 $0x108;
	s8 =	sld [smem:$0x3FA8]  }
0x2e: {  	s3 =	simm.s32 @!p0 $0x1082;
	s9 =	sld [smem:$0x3FA9]  }
0x2f: {  	lr =	sadd.s32 s0, s3;
	s0 =	sld [smem:$0x3FA0]  }
0x30: {  	s3 =	sld [smem:$0x3FA3]  }
0x31: {  	[smem:$0x3FAC] =	sst s10  }
0x32: {  	s10 =	sld [smem:$0x3FAA];
	_ =	sdelay $0x3  }
0x33: {  	p0 =	seq.s32 s10, $0x1;
	s10 =	sld [smem:$0x3FAC];
	_ =	sdelay $0x3  }
0x34: {  	[smem:$0x3FAC] =	sst s10  }
0x35: {  	s10 =	sld [smem:$0x3FAB];
	_ =	sdelay $0x3  }
0x36: {  	p1 =	seq.s32 s10, $0x1;
	s10 =	sld [smem:$0x3FAC];
	_ =	sdelay $0x3  }
0x37: {  	[smem:$0x3FAC] =	sst s10  }
0x38: {  	s10 =	sld [smem:$0x3FAD]  }
0x39: {  	_ = 	snop;
	(pc) =	sbr.ind lr, $3  }
0x3a: {  	_ = 	snop  }
0x3b: {  	_ = 	snop  }
0x3c: {  	p2 =	seq.s32 s10, $0x1;
	s10 =	sld [smem:$0x3FAC]  }
0x3d: {  	_ =	shalt  }
0x3e: {  	_ =	shalt  }
0x3f: {  	_ =	shalt  }
0x40: {  	_ =	shalt  }
0x41: {  	_ =	shalt  }
0x42: {  	_ =	shalt  }
0x43: {  	_ =	shalt  }
0x44: {  	_ =	shalt  }
0x45: {  	_ =	shalt  }
0x46: {  	_ =	shalt  }
0x47: {  	_ =	shalt  }
0x48: {  	_ =	shalt  }
0x49: {  	_ =	shalt  }
0x4a: {  	_ =	shalt  }
0x4b: {  	_ =	shalt  }
0x4c: {  	_ =	shalt  }
0x4d: {  	_ =	shalt  }
0x4e: {  	_ =	shalt  }
0x4f: {  	_ =	shalt  }
0x50: {  	_ =	shalt  }
0x51: {  	_ =	shalt  }
0x52: {  	_ =	shalt  }
0x53: {  	_ =	shalt  }
0x54: {  	_ =	shalt  }
0x55: {  	_ =	shalt  }
0x56: {  	_ =	shalt  }
0x57: {  	_ =	shalt  }
0x58: {  	_ =	shalt  }
0x59: {  	_ =	shalt  }
0x5a: {  	_ =	shalt  }
0x5b: {  	_ =	shalt  }
0x5c: {  	_ =	shalt  }
0x5d: {  	_ =	shalt  }
0x5e: {  	_ =	shalt  }
0x5f: {  	_ =	shalt  }
0x60: {  	_ =	shalt  }
0x61: {  	_ =	shalt  }
0x62: {  	_ =	shalt  }
0x63: {  	_ =	shalt  }
0x64: {  	_ =	shalt  }
0x65: {  	_ =	shalt  }
0x66: {  	_ =	shalt  }
0x67: {  	_ =	shalt  }
0x68: {  	_ =	shalt  }
0x69: {  	_ =	shalt  }
0x6a: {  	_ =	shalt  }
0x6b: {  	_ =	shalt  }
0x6c: {  	_ =	shalt  }
0x6d: {  	_ =	shalt  }
0x6e: {  	_ =	shalt  }
0x6f: {  	_ =	shalt  }
0x70: {  	_ =	shalt  }
0x71: {  	_ =	shalt  }
0x72: {  	_ =	shalt  }
0x73: {  	_ =	shalt  }
0x74: {  	_ =	shalt  }
0x75: {  	_ =	shalt  }
0x76: {  	_ =	shalt  }
0x77: {  	_ =	shalt  }
0x78: {  	_ =	shalt  }
0x79: {  	_ =	shalt  }
0x7a: {  	_ =	shalt  }
0x7b: {  	_ =	shalt  }
0x7c: {  	_ =	shalt  }
0x7d: {  	_ =	shalt  }
0x7e: {  	_ =	shalt  }
0x7f: {  	_ =	shalt  }
0x80: {  	_ =	shalt  }
0x81: {  	_ =	shalt  }
0x82: {  	_ =	shalt  }
0x83: {  	_ =	shalt  }
0x84: {  	_ =	shalt  }
0x85: {  	_ =	shalt  }
0x86: {  	_ =	shalt  }
0x87: {  	_ =	shalt  }
.Lfunc_end0:
.L_simem_size_0:
called_computation.2_lowered:
.L_overlay_start_0:
0x88: {  	s2 =	sld [smem:$0x3FD9]  }
0x89: {  	s3 =	sld [smem:$0x3FFE];
	_ =	sdelay $0x1  }
0x8a: {  	s1 =	srdreg.scid  }
0x8b: {  	s0 =	sand.u32 $0x1, s1  }
0x8c: {  	s17 =	sshll.u32 s0, $0xA;
	s2 =	sadd.s32 s3, s2  }
0x8d: {  	s2 =	sadd.s32 s2, s17  }
0x8e: {  	[smem:$0x3FB8] =	sst s2  }
0x8f: {  	_ = 	snop  }
0x90: {  	s2 =	sld [smem:$0x3FD0];
	(tm) =	ssettm $0x1  }
0x91: {  	s18 =	sld [smem:$0x3FFB];
	_ =	sdelay $0x3  }
0x92: {  	_ =	strace s18  }
0x93: {  	s3 =	sld [smem:$0x3FFC];
	_ =	sdelay $0x3  }
0x94: {  	_ =	strace s3  }
0x95: {  	s3 =	sld [smem:$0x3FFD];
	_ =	sdelay $0x3  }
0x96: {  	_ =	strace s3  }
0x97: {  	_ =	strace $0x8FFFFFFF  }
0x98: {  	s19 =	sld [smem:$0x3FDB];
	_ =	sdelay $0x1  }
0x99: {  	s4 =	simm.s32 $_scs_section_size  }
0x9a: {  	s5 =	simm.s32 $_size__tile_overlayer_lowered;
	s6 =	simm.s32 $_tile_overlayer_lowered  }
0x9b: {  	s22 =	simm.s32 $0x1BFF;
	s21 =	sshll.u32 s6, $0x1;
	s3 =	sadd.s32 s4, s19  }
0x9c: {  	s7 =	simm.s32 $0x0;
	s20 =	sshll.u32 s5, $0x1;
	s5 =	sadd.s32 s21, s3  }
0x9d: {  	[timem:s7], [sflag:s22] =	dma.local [hbm:s5], s20  }
0x9e: {  	_ =	swait.ge [sflag:s22], s20  }
0x9f: {  	s4 =	ssub.s32 $0x0, s20;
	[sflag:s22] =	ssyncset.done $0x0  }
0xa0: {  	[sflag:s22] =	ssyncadd.s32 s4;
	_ =	sdelay $0x1  }
0xa1: {  	s23 =	simm.s32 $0x1B8B  }
0xa2: {  	_ =	swait.ge [sflag:s23], $0x1  }
0xa3: {  	[sflag:s23] =	ssyncset.done $0x0  }
0xa4: {  	s25 =	simm.s32 $0x1B8E;
	s24 =	sld [smem:$0x3FFE];
	[sflag:s23] =	ssyncadd.s32 $0xFFFFFFFF  }
0xa5: {  	s26 =	simm.s32 $execute0_lowered;
	[smem:$0x3FD2] =	sst s25  }
0xa6: {  	s5 =	sshll.u32 s26, $0x1;
	_ =	strace $0x8000004C;
	[dreg:$0x1] =	wrdreg $0xFFFFFFFF  }
0xa7: {  	s28 =	simm.s32 $_size_execute0_lowered;
	s3 =	sadd.s32 s3, s5;
	[dreg:$0x0] =	wrdreg $0x0  }
0xa8: {  	s5 =	sshll.u32 s28, $0x1;
	[dreg:$0x2] =	wrdreg s3  }
0xa9: {  	[dreg:$0x3] =	wrdreg s5  }
0xaa: {  	[dreg:$0x4] =	wrdreg $0xC0  }
0xab: {  	_ =	task [dreg:s7], $0x5FFFF  }
0xac: {  	[dreg:$0x1] =	wrdreg $0xFFFFFFFF  }
0xad: {  	[dreg:$0x0] =	wrdreg $0x60  }
0xae: {  	[dreg:$0x2] =	wrdreg s24  }
0xaf: {  	[dreg:$0x3] =	wrdreg s2  }
0xb0: {  	[dreg:$0x4] =	wrdreg $0x41000  }
0xb1: {  	[dreg:$0x5] =	wrdreg $0x9  }
0xb2: {  	_ =	task.clear_ibuf [dreg:s7], $0x6FFFF;
	_ =	strace $0x9000004C  }
0xb3: {  	s29 =	simm.s32 $0x9;
	_ =	strace $0x8000004E  }
0xb4: {  	_ =	swait.ge [sflag:s29], $0x1  }
0xb5: {  	[sflag:s29] =	ssyncadd.s32 $0xFFFFFFFF  }
0xb6: {  	_ =	strace $0x9000004E  }
0xb7: {  	_ =	sfence  }
0xb8: {  	s30 =	sld [smem:$0x0];
	_ =	sdelay $0x2  }
0xb9: {  	s31 =	sshll.u32 s1, $0xD;
	s1 =	sshrl.u32 s1, $0x2  }
0xba: {  	s3 =	sand.u32 $0x4000, s31;
	s1 =	sadd.s32 s1, s30  }
0xbb: {  	s0 =	sor.u32 s3, s0;
	s1 =	sshll.u32 s1, $0x11  }
0xbc: {  	s0 =	sor.u32 s1, s0  }
0xbd: {  	s0 =	sadd.s32 $0x8F2B, s0  }
0xbe: {  	[sflag:s0] =	ssyncadd.remote.s32 $0x1  }
0xbf: {  	_ =	sfence.sel $0xFFFF  }
0xc0: {  	[dreg:$0x0] =	wrdreg $0xFFFFFFFF;
	(pc) =	sbr.abs _section_cstart, $3  }
0xc1: {  	[dreg:$0x1] =	wrdreg $0xFFFFFFFF  }
0xc2: {  	_ =	task.clear_ibuf [dreg:s7], $0x2FFFF;
	_ =	strace $0x9FFFFFFF  }
0xc3: {  	(tm) =	ssettm $0x7FFFFFFF  }
tec
execute0_lowered:
.L_overlay_start_1:
0x0: {  	(tag) =	ssettag $0x1  }
0x1: {  	s6 =	rddreg [dreg:$0x0]  }
0x2: {  	s2 =	rddreg [dreg:$0x1]  }
0x3: {  	s3 =	rddreg [dreg:$0x2]  }
0x4: {  	s0 =	stileid.u32;
	s4 =	simm.s32 $0x0;
	s5 =	srdreg.scid  }
0x5: {  	s19 =	simm.s32 $0x18100;
	s20 =	simm.s32 $0x2;
	s7 =	smul.u32 $0xA00, s0  }
0x6: {  	s21 =	simm.s32 $0x100;
	s22 =	simm.s32 $0x80;
	s8 =	smul.u32 $0x280, s0  }
0x7: {  	s23 =	simm.s32 $0x0;
	s10 =	sand.u32 $0x1, s5;
	s12 =	smul.u32 $0x50000, s0  }
0x8: {  	[smem:$0x7FF] =	sst s4;
	s5 =	sadd.s32 $0x19400, s6;
	s9 =	smul.u32 $0x2800, s10  }
0x9: {  	_ =	strace $0x8000004D;
	s11 =	ssub.s32 $0x2, s10;
	s17 =	smul.u32 $0x500, s10  }
0xa: {  	s15 =	sadd.s32 s7, s6;
	s30 =	sshrl.u32 s11, $0x1;
	s31 =	sshrl.u32 s12, $0x2  }
0xb: {  	s29 =	sadd.s32 s8, s9;
	s8 =	ssub.s32 s11, s30;
	s18 =	sadd.s32 s17, s15  }
0xc: {  	s7 =	sshll.u32 s29, $0x4;
	s17 =	sadd.s32 $0xF400, s18;
	s18 =	sadd.s32 $0x5400, s18  }
0xd: {  	s16 =	sadd.s32 s7, s6;
	s6 =	sadd.s32 s31, s3;
	s7 =	smax.u32 s8, $0x1  }
0xe: {  	s8 =	sadd.s32 $0x4000, s6;
	s9 =	sadd.s32 $0x8000, s6;
	s10 =	sadd.s32 $0xC000, s6  }
0xf: {  	s11 =	sadd.s32 $0x10000, s6;
	s12 =	sadd.s32 $0x41400, s16;
	s13 =	sadd.s32 $0x41C00, s16  }
0x10: {  	v0 =	vimm.f32 $0.0e+00;
	v1 =	vimm.f32 $1.000000000e+00;
	s14 =	sadd.s32 $0x42400, s16;
	s15 =	sadd.s32 $0x42C00, s16;
	s16 =	sadd.s32 $0x43400, s16  }
.LBB2_1:
0x11: {  	[tilespmem:s19], [sflag:$0x2] =	stream.linear.gather [hbm4b:s2+s4], $0x80, $0x38;
	[tilespmem:$0x18180] =	vst v63  }
0x12: {  	_ =	swait.ge [sflag:s20], $0x80  }
0x13: {  	[sflag:s20] =	ssyncset.done $0x0  }
0x14: {  	[sflag:s20] =	ssyncadd.s32 $0xFFFFFF80  }
0x15: {  	s24 =	simm.s32 $0x0;
	s25 =	simm.s32 $0x200;
	v2 =	vld [tilespmem:$0x18100]  }
.LBB2_2:
0x16: {  	p0 =	sne.s32 s25, $0xFE00;
	[tilespmem:s24+$0x170] =	vst v0  }
0x17: {  	[tilespmem:s24+$0x100] =	vst v0  }
0x18: {  	[tilespmem:s24+$0x110] =	vst v0  }
.Ltmp0:
0x19: {  	[tilespmem:s24+$0x120] =	vst v0;
	(pc) =	sbr.rel @p0 .LBB2_2-.Ltmp0, $4  }
0x1a: {  	[tilespmem:s24+$0x130] =	vst v0  }
0x1b: {  	[tilespmem:s24+$0x140] =	vst v0  }
0x1c: {  	[tilespmem:s24+$0x150] =	vst v0  }
0x1d: {  	[tilespmem:s24+$0x160] =	vst v0;
	s24 =	sshra.s32 s25, $0x2;
	s25 =	sadd.s32 $0x200, s25  }
0x1e: {  	[tilespmem:s24+$0x170] =	vst v0  }
0x1f: {  	[tilespmem:s24+$0x100] =	vst v0  }
0x20: {  	[tilespmem:s24+$0x110] =	vst v0  }
0x21: {  	[tilespmem:s24+$0x120] =	vst v0  }
0x22: {  	[tilespmem:s24+$0x130] =	vst v0  }
0x23: {  	[tilespmem:s24+$0x140] =	vst v0  }
0x24: {  	[tilespmem:s24+$0x150] =	vst v0  }
0x25: {  	[tilespmem:s24+$0x160] =	vst v0  }
0x26: {  	[spmem:s6] =	stream.linear.scatter [tilespmem:s21], [sflag:$0x2], $0x4000, $0x38;
	[tilespmem:$0x18180] =	vst v63  }
0x27: {  	_ =	swait.ge [sflag:s20], $0x4000  }
0x28: {  	[sflag:s20] =	ssyncset.done $0x0  }
0x29: {  	[sflag:s20] =	ssyncadd.s32 $0xFFFFC000  }
0x2a: {  	[spmem:s8] =	stream.linear.scatter [tilespmem:s21], [sflag:$0x2], $0x4000, $0x38;
	[tilespmem:$0x18180] =	vst v63  }
0x2b: {  	_ =	swait.ge [sflag:s20], $0x4000  }
0x2c: {  	[sflag:s20] =	ssyncset.done $0x0  }
0x2d: {  	[sflag:s20] =	ssyncadd.s32 $0xFFFFC000  }
0x2e: {  	[spmem:s9] =	stream.linear.scatter [tilespmem:s21], [sflag:$0x2], $0x4000, $0x38;
	[tilespmem:$0x18180] =	vst v63  }
0x2f: {  	_ =	swait.ge [sflag:s20], $0x4000  }
0x30: {  	[sflag:s20] =	ssyncset.done $0x0  }
0x31: {  	[sflag:s20] =	ssyncadd.s32 $0xFFFFC000  }
0x32: {  	[spmem:s10] =	stream.linear.scatter [tilespmem:s21], [sflag:$0x2], $0x4000, $0x38;
	[tilespmem:$0x18180] =	vst v63  }
0x33: {  	_ =	swait.ge [sflag:s20], $0x4000  }
0x34: {  	[sflag:s20] =	ssyncset.done $0x0  }
0x35: {  	[sflag:s20] =	ssyncadd.s32 $0xFFFFC000  }
0x36: {  	[spmem:s11] =	stream.linear.scatter [tilespmem:s21], [sflag:$0x2], $0x4000, $0x38;
	[tilespmem:$0x18180] =	vst v63  }
0x37: {  	v2 =	vxor.u32 $0x80000000, v2;
	_ =	swait.ge [sflag:s20], $0x4000  }
0x38: {  	(xrf0) =	vmax.scan.msk.u32 $0xffff, v2;
	_ =	sdelay $0x5  }
0x39: {  	v2, _, _ =	vpop (xrf0)  }
0x3a: {  	(v2sf) =	vpush v2, $0xF;
	_ =	sdelay $0xe  }
0x3b: {  	s24 =	spop (v2sf)  }
0x3c: {  	p0 =	sne.s32 s24, $0x80000001  }
.Ltmp1:
0x3d: {  	_ = 	snop;
	(pc) =	sbr.rel @p0 .LBB2_7-.Ltmp1, $3  }
0x3e: {  	_ =	sdelay $0x1  }
0x3f: {  	[sflag:s20] =	ssyncset.done $0x0  }
0x40: {  	s26 =	simm.s32 $0x0;
	[sflag:s20] =	ssyncadd.s32 $0xFFFFC000  }
0x41: {  	s25 =	sshra.s32 s26, $0x2;
	s26 =	sadd.s32 $0x200, s26  }
.LBB2_5:
0x42: {  	p0 =	sne.s32 s26, $0xFE00;
	[tilespmem:s25+$0x170] =	vst v1  }
0x43: {  	[tilespmem:s25+$0x100] =	vst v1  }
0x44: {  	[tilespmem:s25+$0x110] =	vst v1  }
.Ltmp2:
0x45: {  	[tilespmem:s25+$0x120] =	vst v1;
	(pc) =	sbr.rel @p0 .LBB2_5-.Ltmp2, $4  }
0x46: {  	[tilespmem:s25+$0x130] =	vst v1  }
0x47: {  	[tilespmem:s25+$0x140] =	vst v1  }
0x48: {  	[tilespmem:s25+$0x150] =	vst v1  }
0x49: {  	[tilespmem:s25+$0x160] =	vst v1;
	s25 =	sshra.s32 s26, $0x2;
	s26 =	sadd.s32 $0x200, s26  }
0x4a: {  	[tilespmem:s25+$0x170] =	vst v1  }
0x4b: {  	[tilespmem:s25+$0x100] =	vst v1  }
0x4c: {  	[tilespmem:s25+$0x110] =	vst v1  }
0x4d: {  	[tilespmem:s25+$0x120] =	vst v1  }
0x4e: {  	[tilespmem:s25+$0x130] =	vst v1  }
0x4f: {  	[tilespmem:s25+$0x140] =	vst v1  }
0x50: {  	[tilespmem:s25+$0x150] =	vst v1  }
0x51: {  	[tilespmem:s25+$0x160] =	vst v1  }
.LBB2_7:
0x52: {  	[bflag:$0x0] =	sbarrier.arrive $0xFFFF;
	s25 =	sadd.s32 $0x0, s18  }
0x53: {  	[tilespmem:s22], [sflag:$0x2] =	stream.linear.gather [hbm4b:s25+s4], $0x80, $0x38;
	[tilespmem:$0x18180] =	vst v63  }
0x54: {  	p0 =	seq.s32 s24, $0x80000001;
	_ =	swait.ge [sflag:s20], $0x80  }
0x55: {  	s24 =	simm.s32 @!p0 $0x2;
	[sflag:s20] =	ssyncset.done $0x0  }
0x56: {  	s26 =	sadd.s32 @!p0 $0x0, s17;
	s25 =	simm.s32 @!p0 $0x0;
	[sflag:s20] =	ssyncadd.s32 $0xFFFFFF80  }
0x57: {  	[tilespmem:s25], [sflag:$0x2] =	stream.linear.gather @!p0 [hbm4b:s26+s25], $0x80, $0x38;
	[tilespmem:$0x18180] =	vst v63  }
0x58: {  	_ =	swait.ge @!p0 [sflag:s24], $0x80  }
0x59: {  	s28 =	simm.s32 @!p0 $0x80;
	[sflag:s24] =	ssyncset.done @!p0 $0x0  }
0x5a: {  	s29 =	simm.s32 @!p0 $0x100;
	s26 =	simm.s32 @!p0 $0x1;
	[sflag:s24] =	ssyncadd.s32 @!p0 $0xFFFFFF80  }
0x5b: {  	[tilespmem:s29], [sflag:$0x1] =	stream.indirect.gather @!p0 [hbm4b:s5+s28], $0x80, s25, s28, $0xb8;
	[tilespmem:$0x18180] =	vst v63  }
0x5c: {  	_ =	swait.ge @!p0 [sflag:s26], $0x4000  }
0x5d: {  	[sflag:s26] =	ssyncset.done @!p0 $0x0  }
0x5e: {  	[sflag:s26] =	ssyncadd.s32 @!p0 $0xFFFFC000  }
0x5f: {  	[spmem:s3] =	stream.indirect.scatter.add.f32 [tilespmem:s21], [sflag:$0x2], $0x80, s22, s22, $0xb8;
	[tilespmem:$0x18180] =	vst v63  }
0x60: {  	_ =	swait.ge [sflag:s20], $0x4000  }
0x61: {  	s30 =	simm.s32 $0x10;
	s31 =	simm.s32 $0x20;
	[sflag:s20] =	ssyncset.done $0x0  }
.LBB2_8:
0x62: {  	s0 =	sadd.s32 s30, s18  }
0x63: {  	[sflag:s20] =	ssyncadd.s32 $0xFFFFC000;
	s1 =	smov.u32 s31;
	s31 =	sadd.s32 $0x10, s31  }
0x64: {  	[tilespmem:s22], [sflag:$0x2] =	stream.linear.gather [hbm4b:s0+s4], $0x80, $0x38;
	[tilespmem:$0x18180] =	vst v63  }
0x65: {  	p1 =	sne.s32 s31, $0x500;
	_ =	swait.ge [sflag:s20], $0x80  }
0x66: {  	[sflag:s20] =	ssyncset.done $0x0  }
0x67: {  	s0 =	sadd.s32 @!p0 s30, s17;
	[sflag:s20] =	ssyncadd.s32 $0xFFFFFF80  }
0x68: {  	[tilespmem:s25], [sflag:$0x2] =	stream.linear.gather @!p0 [hbm4b:s0+s25], $0x80, $0x38;
	[tilespmem:$0x18180] =	vst v63  }
0x69: {  	s30 =	smov.u32 s1;
	_ =	swait.ge @!p0 [sflag:s24], $0x80  }
0x6a: {  	[sflag:s24] =	ssyncset.done @!p0 $0x0  }
0x6b: {  	[sflag:s24] =	ssyncadd.s32 @!p0 $0xFFFFFF80  }
0x6c: {  	[tilespmem:s29], [sflag:$0x1] =	stream.indirect.gather @!p0 [hbm4b:s5+s28], $0x80, s25, s28, $0xb8;
	[tilespmem:$0x18180] =	vst v63  }
0x6d: {  	_ =	swait.ge @!p0 [sflag:s26], $0x4000  }
.Ltmp3:
0x6e: {  	[sflag:s26] =	ssyncset.done @!p0 $0x0;
	(pc) =	sbr.rel @p1 .LBB2_8-.Ltmp3, $4  }
0x6f: {  	[sflag:s26] =	ssyncadd.s32 @!p0 $0xFFFFC000  }
0x70: {  	[spmem:s3] =	stream.indirect.scatter.add.f32 [tilespmem:s21], [sflag:$0x2], $0x80, s22, s22, $0xb8;
	[tilespmem:$0x18180] =	vst v63  }
0x71: {  	_ =	swait.ge [sflag:s20], $0x4000  }
0x72: {  	[sflag:s20] =	ssyncset.done $0x0  }
0x73: {  	s0 =	sadd.s32 s30, s18;
	[sflag:s20] =	ssyncadd.s32 $0xFFFFC000  }
0x74: {  	[tilespmem:s22], [sflag:$0x2] =	stream.linear.gather [hbm4b:s0+s4], $0x80, $0x38;
	[tilespmem:$0x18180] =	vst v63  }
0x75: {  	_ =	swait.ge [sflag:s20], $0x80  }
0x76: {  	s1 =	sadd.s32 @!p0 s30, s17;
	[sflag:s20] =	ssyncset.done $0x0  }
0x77: {  	s24 =	simm.s32 @!p0 $0x0;
	s0 =	simm.s32 @!p0 $0x2;
	[sflag:s20] =	ssyncadd.s32 $0xFFFFFF80  }
0x78: {  	[tilespmem:s24], [sflag:$0x2] =	stream.linear.gather @!p0 [hbm4b:s1+s24], $0x80, $0x38;
	[tilespmem:$0x18180] =	vst v63  }
0x79: {  	_ =	swait.ge @!p0 [sflag:s0], $0x80  }
0x7a: {  	s25 =	simm.s32 @!p0 $0x100;
	[sflag:s0] =	ssyncset.done @!p0 $0x0  }
0x7b: {  	s1 =	simm.s32 @!p0 $0x1;
	[sflag:s0] =	ssyncadd.s32 @!p0 $0xFFFFFF80;
	s0 =	simm.s32 @!p0 $0x80  }
0x7c: {  	[tilespmem:s25], [sflag:$0x1] =	stream.indirect.gather @!p0 [hbm4b:s5+s0], $0x80, s24, s0, $0xb8;
	[tilespmem:$0x18180] =	vst v63  }
0x7d: {  	_ =	swait.ge @!p0 [sflag:s1], $0x4000  }
0x7e: {  	[sflag:s1] =	ssyncset.done @!p0 $0x0  }
0x7f: {  	[sflag:s1] =	ssyncadd.s32 @!p0 $0xFFFFC000  }
0x80: {  	[spmem:s3] =	stream.indirect.scatter.add.f32 [tilespmem:s21], [sflag:$0x2], $0x80, s22, s22, $0xb8;
	[tilespmem:$0x18180] =	vst v63  }
0x81: {  	_ =	swait.ge [sflag:s20], $0x4000  }
0x82: {  	[sflag:s20] =	ssyncset.done $0x0  }
0x83: {  	[sflag:s20] =	ssyncadd.s32 $0xFFFFC000  }
0x84: {  	[bflag:$0x0] =	sbarrier.arrive $0xFFFF  }
0x85: {  	[tilespmem:s21], [sflag:$0x2] =	stream.linear.gather [spmem:s6], $0x4000, $0x38;
	[tilespmem:$0x18180] =	vst v63  }
0x86: {  	_ =	swait.ge [sflag:s20], $0x4000  }
0x87: {  	[sflag:s20] =	ssyncset.done $0x0  }
0x88: {  	[sflag:s20] =	ssyncadd.s32 $0xFFFFC000  }
0x89: {  	[hbm4b:s12+s4] =	stream.linear.scatter [tilespmem:s21], [sflag:$0x2], $0x4000, $0x38;
	[tilespmem:$0x18180] =	vst v63  }
0x8a: {  	_ =	swait.ge [sflag:s20], $0x4000  }
0x8b: {  	[sflag:s20] =	ssyncset.done $0x0  }
0x8c: {  	[sflag:s20] =	ssyncadd.s32 $0xFFFFC000  }
0x8d: {  	[tilespmem:s21], [sflag:$0x2] =	stream.linear.gather [spmem:s8], $0x4000, $0x38;
	[tilespmem:$0x18180] =	vst v63  }
0x8e: {  	_ =	swait.ge [sflag:s20], $0x4000  }
0x8f: {  	[sflag:s20] =	ssyncset.done $0x0  }
0x90: {  	[sflag:s20] =	ssyncadd.s32 $0xFFFFC000  }
0x91: {  	[hbm4b:s13+s4] =	stream.linear.scatter [tilespmem:s21], [sflag:$0x2], $0x4000, $0x38;
	[tilespmem:$0x18180] =	vst v63  }
0x92: {  	_ =	swait.ge [sflag:s20], $0x4000  }
0x93: {  	[sflag:s20] =	ssyncset.done $0x0  }
0x94: {  	[sflag:s20] =	ssyncadd.s32 $0xFFFFC000  }
0x95: {  	[tilespmem:s21], [sflag:$0x2] =	stream.linear.gather [spmem:s9], $0x4000, $0x38;
	[tilespmem:$0x18180] =	vst v63  }
0x96: {  	_ =	swait.ge [sflag:s20], $0x4000  }
0x97: {  	[sflag:s20] =	ssyncset.done $0x0  }
0x98: {  	[sflag:s20] =	ssyncadd.s32 $0xFFFFC000  }
0x99: {  	[hbm4b:s14+s4] =	stream.linear.scatter [tilespmem:s21], [sflag:$0x2], $0x4000, $0x38;
	[tilespmem:$0x18180] =	vst v63  }
0x9a: {  	_ =	swait.ge [sflag:s20], $0x4000  }
0x9b: {  	[sflag:s20] =	ssyncset.done $0x0  }
0x9c: {  	[sflag:s20] =	ssyncadd.s32 $0xFFFFC000  }
0x9d: {  	[tilespmem:s21], [sflag:$0x2] =	stream.linear.gather [spmem:s10], $0x4000, $0x38;
	[tilespmem:$0x18180] =	vst v63  }
0x9e: {  	_ =	swait.ge [sflag:s20], $0x4000  }
0x9f: {  	[sflag:s20] =	ssyncset.done $0x0  }
0xa0: {  	[sflag:s20] =	ssyncadd.s32 $0xFFFFC000  }
0xa1: {  	[hbm4b:s15+s4] =	stream.linear.scatter [tilespmem:s21], [sflag:$0x2], $0x4000, $0x38;
	[tilespmem:$0x18180] =	vst v63  }
0xa2: {  	_ =	swait.ge [sflag:s20], $0x4000  }
0xa3: {  	[sflag:s20] =	ssyncset.done $0x0  }
0xa4: {  	[sflag:s20] =	ssyncadd.s32 $0xFFFFC000  }
0xa5: {  	[tilespmem:s21], [sflag:$0x2] =	stream.linear.gather [spmem:s11], $0x4000, $0x38;
	[tilespmem:$0x18180] =	vst v63  }
0xa6: {  	s23 =	sadd.s32 $0x1, s23;
	_ =	swait.ge [sflag:s20], $0x4000  }
0xa7: {  	p0 =	sne.s32 s23, s7;
	[sflag:s20] =	ssyncset.done $0x0  }
.Ltmp4:
0xa8: {  	[sflag:s20] =	ssyncadd.s32 $0xFFFFC000;
	(pc) =	sbr.rel @p0 .LBB2_1-.Ltmp4, $4  }
0xa9: {  	[hbm4b:s16+s4] =	stream.linear.scatter [tilespmem:s21], [sflag:$0x2], $0x4000, $0x38;
	[tilespmem:$0x18180] =	vst v63  }
0xaa: {  	_ =	swait.ge [sflag:s20], $0x4000  }
0xab: {  	[sflag:s20] =	ssyncset.done $0x0  }
0xac: {  	[sflag:s20] =	ssyncadd.s32 $0xFFFFC000  }
0xad: {  	_ =	sfence.sel $0x180000  }
0xae: {  	[bflag:$0x0] =	sbarrier.arrive $0xFFFF  }
0xaf: {  	_ =	strace $0x9000004D  }
0xb0: {  	s0 =	stileid.u32;
	[bflag:$0x2] =	sbarrier.arrive $0xFFFF  }
0xb1: {  	p0 =	sne.s32 s0, $0x0;
	s0 =	rddreg [dreg:$0x3]  }
0xb2: {  	s0 =	sadd.s32 @!p0 $0x100000, s0  }
0xb3: {  	[sflag:s0] =	ssyncadd.tile.s32 @!p0 $0x1;
	_ =	shalt  }
.Lfunc_end2:
_tile_overlayer_lowered:
.L_overlay_start_2:
0xb4: {  	(tag) =	ssettag $0x2  }
0xb5: {  	s0 =	rddreg [dreg:$0x0];
	s2 =	stileid.u32  }
0xb6: {  	s1 =	rddreg [dreg:$0x1];
	p0 =	sne.s32 s2, $0x0  }
0xb7: {  	s3 =	rddreg [dreg:$0x2];
	[bflag:$0x3] =	sbarrier.arrive $0xFFFF;
	s2 =	simm.s32 @!p0 $0x1C02  }
0xb8: {  	[timem:s3], [sflag:s2] =	dma.local @!p0 [hbm:s0], s1  }
0xb9: {  	s0 =	simm.s32 @!p0 $0x2  }
0xba: {  	_ =	swait.ge @!p0 [sflag:s0], s1  }
0xbb: {  	s1 =	ssub.s32 @!p0 $0x0, s1;
	[sflag:s0] =	ssyncset.done @!p0 $0x0  }
0xbc: {  	[sflag:s0] =	ssyncadd.s32 @!p0 s1  }
0xbd: {  	[bflag:$0x3] =	sbarrier.arrive $0xFFFF  }
0xbe: {  	_ =	shalt  }

// kernel: kernel.26.cloned.1.call-start
scs
__scs_entry_jumppad:
0x0: {  	(pc) =	sbr.rel $0x88, $3  }
0x1: {  	(tag) =	ssettag $0x0;
	lr =	simm.s32 $0x1  }
0x2: {  	[smem:$0x3F91] =	sst lr;
	_ =	strace $0xD0000000  }
0x3: {  	_ = 	snop  }
0x4: {  	_ = 	snop  }
0x5: {  	_ = 	snop  }
0x6: {  	_ = 	snop  }
0x7: {  	_ = 	snop  }
__scs_overlays_trampoline_lowered:
0x8: {  	[smem:$0x3FA0] =	sst s0  }
0x9: {  	[smem:$0x3FA1] =	sst s1  }
0xa: {  	[smem:$0x3FA2] =	sst s2  }
0xb: {  	[smem:$0x3FA3] =	sst s3  }
0xc: {  	[smem:$0x3FA4] =	sst s4  }
0xd: {  	[smem:$0x3FA5] =	sst s5  }
0xe: {  	[smem:$0x3FA6] =	sst s6  }
0xf: {  	[smem:$0x3FA7] =	sst s7  }
0x10: {  	[smem:$0x3FA8] =	sst s8  }
0x11: {  	[smem:$0x3FA9] =	sst s9;
	s0 =	simm.s32 @!p0 $0x0  }
0x12: {  	s1 =	sld [smem:$0x3F8F];
	s0 =	simm.s32 @p0 $0x1  }
0x13: {  	[smem:$0x3FAA] =	sst s0;
	s0 =	simm.s32 @!p1 $0x0  }
0x14: {  	s2 =	sld [smem:$0x3F8E];
	s0 =	simm.s32 @p1 $0x1  }
0x15: {  	[smem:$0x3FAB] =	sst s0;
	s0 =	simm.s32 @!p2 $0x0  }
0x16: {  	s3 =	sld [smem:$0x3FDB];
	s0 =	simm.s32 @p2 $0x1  }
0x17: {  	s4 =	simm.s32 $0x1BF5;
	[smem:$0x3FAD] =	sst s0  }
0x18: {  	s0 =	sld [smem:$0x3F90];
	_ =	swait.ge [sflag:s4], $0x0  }
0x19: {  	s7 =	sld [smem:$0x3F91]  }
0x1a: {  	s8 =	sadd.s32 $0xFFFFE003, lr  }
0x1b: {  	s9 =	sadd.s32 $0xFFFFFEF7, lr;
	s5 =	simm.s32 $0xFFFFFFFF;
	p2 =	slt.u32 s8, $0xFFFFF086  }
0x1c: {  	p1 =	slt.u32 s9, $0xF7A;
	s5 =	simm.s32 @!p2 $0x0  }
0x1d: {  	s5 =	simm.s32 @p1 $0x1;
	p0 =	seq.s32 s7, s2  }
0x1e: {  	s7 =	smul.u32 @!p0 $0xF7A, s2;
	p2 =	seq.s32 @!p0 s5, $0x0  }
0x1f: {  	s9 =	smul.u32 $0xF7A, s1;
	s8 =	simm.s32 @!p0 $0x1BF5;
	p2 =	por !p2, p0  }
0x20: {  	[sflag:s8] =	ssyncset.s32 @!p0 $0xFFFFF086;
	s6 =	sadd.s32 @!p0 s3, s7;
	s7 =	simm.s32 @!p0 $0x108  }
0x21: {  	s3 =	sadd.s32 s3, s9;
	s6 =	sadd.s32 @!p0 $0x88, s6;
	s7 =	simm.s32 @p2 $0x1082  }
0x22: {  	[simem:s7], [sflag:s8] =	dma.local @!p0 [hbm:s6], $0xF7A  }
0x23: {  	s9 =	sor.u32 $0xD0000000, s2;
	s6 =	simm.s32 $0x108;
	_ =	swait.ge @!p0 [sflag:s8], $0x0  }
0x24: {  	s3 =	sadd.s32 $0x88, s3;
	s6 =	simm.s32 @!p1 $0x1082;
	[sflag:s4] =	ssyncset.s32 $0xFFFFF086  }
0x25: {  	[simem:s6], [sflag:s4] =	dma.local [hbm:s3], $0xF7A  }
0x26: {  	[smem:$0x3F91] =	sst s1;
	(tag) =	ssettag s2;
	_ =	strace s9  }
0x27: {  	s1 =	sld [smem:$0x3FA1]  }
0x28: {  	s2 =	sld [smem:$0x3FA2]  }
0x29: {  	s4 =	sld [smem:$0x3FA4]  }
0x2a: {  	p0 =	seq.s32 s5, $0x0;
	s5 =	sld [smem:$0x3FA5]  }
0x2b: {  	s6 =	sld [smem:$0x3FA6]  }
0x2c: {  	s7 =	sld [smem:$0x3FA7]  }
0x2d: {  	s3 =	simm.s32 $0x108;
	s8 =	sld [smem:$0x3FA8]  }
0x2e: {  	s3 =	simm.s32 @!p0 $0x1082;
	s9 =	sld [smem:$0x3FA9]  }
0x2f: {  	lr =	sadd.s32 s0, s3;
	s0 =	sld [smem:$0x3FA0]  }
0x30: {  	s3 =	sld [smem:$0x3FA3]  }
0x31: {  	[smem:$0x3FAC] =	sst s10  }
0x32: {  	s10 =	sld [smem:$0x3FAA];
	_ =	sdelay $0x3  }
0x33: {  	p0 =	seq.s32 s10, $0x1;
	s10 =	sld [smem:$0x3FAC];
	_ =	sdelay $0x3  }
0x34: {  	[smem:$0x3FAC] =	sst s10  }
0x35: {  	s10 =	sld [smem:$0x3FAB];
	_ =	sdelay $0x3  }
0x36: {  	p1 =	seq.s32 s10, $0x1;
	s10 =	sld [smem:$0x3FAC];
	_ =	sdelay $0x3  }
0x37: {  	[smem:$0x3FAC] =	sst s10  }
0x38: {  	s10 =	sld [smem:$0x3FAD]  }
0x39: {  	_ = 	snop;
	(pc) =	sbr.ind lr, $3  }
0x3a: {  	_ = 	snop  }
0x3b: {  	_ = 	snop  }
0x3c: {  	p2 =	seq.s32 s10, $0x1;
	s10 =	sld [smem:$0x3FAC]  }
0x3d: {  	_ =	shalt  }
0x3e: {  	_ =	shalt  }
0x3f: {  	_ =	shalt  }
0x40: {  	_ =	shalt  }
0x41: {  	_ =	shalt  }
0x42: {  	_ =	shalt  }
0x43: {  	_ =	shalt  }
0x44: {  	_ =	shalt  }
0x45: {  	_ =	shalt  }
0x46: {  	_ =	shalt  }
0x47: {  	_ =	shalt  }
0x48: {  	_ =	shalt  }
0x49: {  	_ =	shalt  }
0x4a: {  	_ =	shalt  }
0x4b: {  	_ =	shalt  }
0x4c: {  	_ =	shalt  }
0x4d: {  	_ =	shalt  }
0x4e: {  	_ =	shalt  }
0x4f: {  	_ =	shalt  }
0x50: {  	_ =	shalt  }
0x51: {  	_ =	shalt  }
0x52: {  	_ =	shalt  }
0x53: {  	_ =	shalt  }
0x54: {  	_ =	shalt  }
0x55: {  	_ =	shalt  }
0x56: {  	_ =	shalt  }
0x57: {  	_ =	shalt  }
0x58: {  	_ =	shalt  }
0x59: {  	_ =	shalt  }
0x5a: {  	_ =	shalt  }
0x5b: {  	_ =	shalt  }
0x5c: {  	_ =	shalt  }
0x5d: {  	_ =	shalt  }
0x5e: {  	_ =	shalt  }
0x5f: {  	_ =	shalt  }
0x60: {  	_ =	shalt  }
0x61: {  	_ =	shalt  }
0x62: {  	_ =	shalt  }
0x63: {  	_ =	shalt  }
0x64: {  	_ =	shalt  }
0x65: {  	_ =	shalt  }
0x66: {  	_ =	shalt  }
0x67: {  	_ =	shalt  }
0x68: {  	_ =	shalt  }
0x69: {  	_ =	shalt  }
0x6a: {  	_ =	shalt  }
0x6b: {  	_ =	shalt  }
0x6c: {  	_ =	shalt  }
0x6d: {  	_ =	shalt  }
0x6e: {  	_ =	shalt  }
0x6f: {  	_ =	shalt  }
0x70: {  	_ =	shalt  }
0x71: {  	_ =	shalt  }
0x72: {  	_ =	shalt  }
0x73: {  	_ =	shalt  }
0x74: {  	_ =	shalt  }
0x75: {  	_ =	shalt  }
0x76: {  	_ =	shalt  }
0x77: {  	_ =	shalt  }
0x78: {  	_ =	shalt  }
0x79: {  	_ =	shalt  }
0x7a: {  	_ =	shalt  }
0x7b: {  	_ =	shalt  }
0x7c: {  	_ =	shalt  }
0x7d: {  	_ =	shalt  }
0x7e: {  	_ =	shalt  }
0x7f: {  	_ =	shalt  }
0x80: {  	_ =	shalt  }
0x81: {  	_ =	shalt  }
0x82: {  	_ =	shalt  }
0x83: {  	_ =	shalt  }
0x84: {  	_ =	shalt  }
0x85: {  	_ =	shalt  }
0x86: {  	_ =	shalt  }
0x87: {  	_ =	shalt  }
.Lfunc_end0:
.L_simem_size_0:
called_computation.3_lowered:
.L_overlay_start_0:
0x88: {  	s2 =	sld [smem:$0x3FD9]  }
0x89: {  	s3 =	sld [smem:$0x3FFE];
	_ =	sdelay $0x1  }
0x8a: {  	s1 =	srdreg.scid  }
0x8b: {  	s0 =	sand.u32 $0x1, s1  }
0x8c: {  	s17 =	sshll.u32 s0, $0xA;
	s2 =	sadd.s32 s3, s2  }
0x8d: {  	s2 =	sadd.s32 s2, s17  }
0x8e: {  	[smem:$0x3FB8] =	sst s2  }
0x8f: {  	_ = 	snop  }
0x90: {  	s2 =	sld [smem:$0x3FD0];
	(tm) =	ssettm $0x1  }
0x91: {  	s18 =	sld [smem:$0x3FFB];
	_ =	sdelay $0x3  }
0x92: {  	_ =	strace s18  }
0x93: {  	s3 =	sld [smem:$0x3FFC];
	_ =	sdelay $0x3  }
0x94: {  	_ =	strace s3  }
0x95: {  	s3 =	sld [smem:$0x3FFD];
	_ =	sdelay $0x3  }
0x96: {  	_ =	strace s3  }
0x97: {  	_ =	strace $0x8FFFFFFF  }
0x98: {  	s19 =	sld [smem:$0x3FDB];
	_ =	sdelay $0x1  }
0x99: {  	s4 =	simm.s32 $_scs_section_size  }
0x9a: {  	s5 =	simm.s32 $_size__tile_overlayer_lowered;
	s6 =	simm.s32 $_tile_overlayer_lowered  }
0x9b: {  	s22 =	simm.s32 $0x1BFF;
	s21 =	sshll.u32 s6, $0x1;
	s3 =	sadd.s32 s4, s19  }
0x9c: {  	s7 =	simm.s32 $0x0;
	s20 =	sshll.u32 s5, $0x1;
	s5 =	sadd.s32 s21, s3  }
0x9d: {  	[timem:s7], [sflag:s22] =	dma.local [hbm:s5], s20  }
0x9e: {  	_ =	swait.ge [sflag:s22], s20  }
0x9f: {  	s4 =	ssub.s32 $0x0, s20;
	[sflag:s22] =	ssyncset.done $0x0  }
0xa0: {  	[sflag:s22] =	ssyncadd.s32 s4;
	_ =	sdelay $0x1  }
0xa1: {  	s23 =	simm.s32 $0x1B8B  }
0xa2: {  	_ =	swait.ge [sflag:s23], $0x1  }
0xa3: {  	[sflag:s23] =	ssyncset.done $0x0  }
0xa4: {  	s25 =	simm.s32 $0x1B8E;
	s24 =	sld [smem:$0x3FFE];
	[sflag:s23] =	ssyncadd.s32 $0xFFFFFFFF  }
0xa5: {  	s26 =	simm.s32 $execute0_lowered;
	[smem:$0x3FD2] =	sst s25  }
0xa6: {  	s5 =	sshll.u32 s26, $0x1;
	_ =	strace $0x8000004F;
	[dreg:$0x1] =	wrdreg $0xFFFFFFFF  }
0xa7: {  	s28 =	simm.s32 $_size_execute0_lowered;
	s3 =	sadd.s32 s3, s5;
	[dreg:$0x0] =	wrdreg $0x0  }
0xa8: {  	s5 =	sshll.u32 s28, $0x1;
	[dreg:$0x2] =	wrdreg s3  }
0xa9: {  	[dreg:$0x3] =	wrdreg s5  }
0xaa: {  	[dreg:$0x4] =	wrdreg $0xC0  }
0xab: {  	_ =	task [dreg:s7], $0x5FFFF  }
0xac: {  	[dreg:$0x1] =	wrdreg $0xFFFFFFFF  }
0xad: {  	[dreg:$0x0] =	wrdreg $0x60  }
0xae: {  	[dreg:$0x2] =	wrdreg s24  }
0xaf: {  	[dreg:$0x3] =	wrdreg s2  }
0xb0: {  	[dreg:$0x4] =	wrdreg $0x41000  }
0xb1: {  	[dreg:$0x5] =	wrdreg $0x9  }
0xb2: {  	_ =	task.clear_ibuf [dreg:s7], $0x6FFFF;
	_ =	strace $0x9000004F  }
0xb3: {  	s29 =	simm.s32 $0x9;
	_ =	strace $0x80000051  }
0xb4: {  	_ =	swait.ge [sflag:s29], $0x1  }
0xb5: {  	[sflag:s29] =	ssyncadd.s32 $0xFFFFFFFF  }
0xb6: {  	_ =	strace $0x90000051  }
0xb7: {  	_ =	sfence  }
0xb8: {  	s30 =	sld [smem:$0x0];
	_ =	sdelay $0x2  }
0xb9: {  	s31 =	sshll.u32 s1, $0xD;
	s1 =	sshrl.u32 s1, $0x2  }
0xba: {  	s3 =	sand.u32 $0x4000, s31;
	s1 =	sadd.s32 s1, s30  }
0xbb: {  	s0 =	sor.u32 s3, s0;
	s1 =	sshll.u32 s1, $0x11  }
0xbc: {  	s0 =	sor.u32 s1, s0  }
0xbd: {  	s0 =	sadd.s32 $0x8F2B, s0  }
0xbe: {  	[sflag:s0] =	ssyncadd.remote.s32 $0x1  }
0xbf: {  	_ =	sfence.sel $0xFFFF  }
0xc0: {  	[dreg:$0x0] =	wrdreg $0xFFFFFFFF;
	(pc) =	sbr.abs _section_cstart, $3  }
0xc1: {  	[dreg:$0x1] =	wrdreg $0xFFFFFFFF  }
0xc2: {  	_ =	task.clear_ibuf [dreg:s7], $0x2FFFF;
	_ =	strace $0x9FFFFFFF  }
0xc3: {  	(tm) =	ssettm $0x7FFFFFFF  }
tec
execute0_lowered:
.L_overlay_start_1:
0x0: {  	(tag) =	ssettag $0x1  }
0x1: {  	s6 =	rddreg [dreg:$0x0]  }
0x2: {  	s2 =	rddreg [dreg:$0x1]  }
0x3: {  	s3 =	rddreg [dreg:$0x2]  }
0x4: {  	s0 =	stileid.u32;
	s4 =	simm.s32 $0x0;
	s5 =	srdreg.scid  }
0x5: {  	s19 =	simm.s32 $0x18100;
	s20 =	simm.s32 $0x2;
	s7 =	smul.u32 $0xA00, s0  }
0x6: {  	s21 =	simm.s32 $0x100;
	s22 =	simm.s32 $0x80;
	s8 =	smul.u32 $0x280, s0  }
0x7: {  	s23 =	simm.s32 $0x0;
	s10 =	sand.u32 $0x1, s5;
	s12 =	smul.u32 $0x50000, s0  }
0x8: {  	[smem:$0x7FF] =	sst s4;
	s5 =	sadd.s32 $0x19400, s6;
	s9 =	smul.u32 $0x2800, s10  }
0x9: {  	_ =	strace $0x80000050;
	s11 =	ssub.s32 $0x2, s10;
	s17 =	smul.u32 $0x500, s10  }
0xa: {  	s15 =	sadd.s32 s7, s6;
	s30 =	sshrl.u32 s11, $0x1;
	s31 =	sshrl.u32 s12, $0x2  }
0xb: {  	s29 =	sadd.s32 s8, s9;
	s8 =	ssub.s32 s11, s30;
	s18 =	sadd.s32 s17, s15  }
0xc: {  	s7 =	sshll.u32 s29, $0x4;
	s17 =	sadd.s32 $0xF400, s18;
	s18 =	sadd.s32 $0x5400, s18  }
0xd: {  	s16 =	sadd.s32 s7, s6;
	s6 =	sadd.s32 s31, s3;
	s7 =	smax.u32 s8, $0x1  }
0xe: {  	s8 =	sadd.s32 $0x4000, s6;
	s9 =	sadd.s32 $0x8000, s6;
	s10 =	sadd.s32 $0xC000, s6  }
0xf: {  	s11 =	sadd.s32 $0x10000, s6;
	s12 =	sadd.s32 $0x41400, s16;
	s13 =	sadd.s32 $0x41C00, s16  }
0x10: {  	v0 =	vimm.f32 $0.0e+00;
	v1 =	vimm.f32 $1.000000000e+00;
	s14 =	sadd.s32 $0x42400, s16;
	s15 =	sadd.s32 $0x42C00, s16;
	s16 =	sadd.s32 $0x43400, s16  }
.LBB2_1:
0x11: {  	[tilespmem:s19], [sflag:$0x2] =	stream.linear.gather [hbm4b:s2+s4], $0x80, $0x38;
	[tilespmem:$0x18180] =	vst v63  }
0x12: {  	_ =	swait.ge [sflag:s20], $0x80  }
0x13: {  	[sflag:s20] =	ssyncset.done $0x0  }
0x14: {  	[sflag:s20] =	ssyncadd.s32 $0xFFFFFF80  }
0x15: {  	s24 =	simm.s32 $0x0;
	s25 =	simm.s32 $0x200;
	v2 =	vld [tilespmem:$0x18100]  }
.LBB2_2:
0x16: {  	p0 =	sne.s32 s25, $0xFE00;
	[tilespmem:s24+$0x170] =	vst v0  }
0x17: {  	[tilespmem:s24+$0x100] =	vst v0  }
0x18: {  	[tilespmem:s24+$0x110] =	vst v0  }
.Ltmp0:
0x19: {  	[tilespmem:s24+$0x120] =	vst v0;
	(pc) =	sbr.rel @p0 .LBB2_2-.Ltmp0, $4  }
0x1a: {  	[tilespmem:s24+$0x130] =	vst v0  }
0x1b: {  	[tilespmem:s24+$0x140] =	vst v0  }
0x1c: {  	[tilespmem:s24+$0x150] =	vst v0  }
0x1d: {  	[tilespmem:s24+$0x160] =	vst v0;
	s24 =	sshra.s32 s25, $0x2;
	s25 =	sadd.s32 $0x200, s25  }
0x1e: {  	[tilespmem:s24+$0x170] =	vst v0  }
0x1f: {  	[tilespmem:s24+$0x100] =	vst v0  }
0x20: {  	[tilespmem:s24+$0x110] =	vst v0  }
0x21: {  	[tilespmem:s24+$0x120] =	vst v0  }
0x22: {  	[tilespmem:s24+$0x130] =	vst v0  }
0x23: {  	[tilespmem:s24+$0x140] =	vst v0  }
0x24: {  	[tilespmem:s24+$0x150] =	vst v0  }
0x25: {  	[tilespmem:s24+$0x160] =	vst v0  }
0x26: {  	[spmem:s6] =	stream.linear.scatter [tilespmem:s21], [sflag:$0x2], $0x4000, $0x38;
	[tilespmem:$0x18180] =	vst v63  }
0x27: {  	_ =	swait.ge [sflag:s20], $0x4000  }
0x28: {  	[sflag:s20] =	ssyncset.done $0x0  }
0x29: {  	[sflag:s20] =	ssyncadd.s32 $0xFFFFC000  }
0x2a: {  	[spmem:s8] =	stream.linear.scatter [tilespmem:s21], [sflag:$0x2], $0x4000, $0x38;
	[tilespmem:$0x18180] =	vst v63  }
0x2b: {  	_ =	swait.ge [sflag:s20], $0x4000  }
0x2c: {  	[sflag:s20] =	ssyncset.done $0x0  }
0x2d: {  	[sflag:s20] =	ssyncadd.s32 $0xFFFFC000  }
0x2e: {  	[spmem:s9] =	stream.linear.scatter [tilespmem:s21], [sflag:$0x2], $0x4000, $0x38;
	[tilespmem:$0x18180] =	vst v63  }
0x2f: {  	_ =	swait.ge [sflag:s20], $0x4000  }
0x30: {  	[sflag:s20] =	ssyncset.done $0x0  }
0x31: {  	[sflag:s20] =	ssyncadd.s32 $0xFFFFC000  }
0x32: {  	[spmem:s10] =	stream.linear.scatter [tilespmem:s21], [sflag:$0x2], $0x4000, $0x38;
	[tilespmem:$0x18180] =	vst v63  }
0x33: {  	_ =	swait.ge [sflag:s20], $0x4000  }
0x34: {  	[sflag:s20] =	ssyncset.done $0x0  }
0x35: {  	[sflag:s20] =	ssyncadd.s32 $0xFFFFC000  }
0x36: {  	[spmem:s11] =	stream.linear.scatter [tilespmem:s21], [sflag:$0x2], $0x4000, $0x38;
	[tilespmem:$0x18180] =	vst v63  }
0x37: {  	v2 =	vxor.u32 $0x80000000, v2;
	_ =	swait.ge [sflag:s20], $0x4000  }
0x38: {  	(xrf0) =	vmax.scan.msk.u32 $0xffff, v2;
	_ =	sdelay $0x5  }
0x39: {  	v2, _, _ =	vpop (xrf0)  }
0x3a: {  	(v2sf) =	vpush v2, $0xF;
	_ =	sdelay $0xe  }
0x3b: {  	s24 =	spop (v2sf)  }
0x3c: {  	p0 =	sne.s32 s24, $0x80000001  }
.Ltmp1:
0x3d: {  	_ = 	snop;
	(pc) =	sbr.rel @p0 .LBB2_7-.Ltmp1, $3  }
0x3e: {  	_ =	sdelay $0x1  }
0x3f: {  	[sflag:s20] =	ssyncset.done $0x0  }
0x40: {  	s26 =	simm.s32 $0x0;
	[sflag:s20] =	ssyncadd.s32 $0xFFFFC000  }
0x41: {  	s25 =	sshra.s32 s26, $0x2;
	s26 =	sadd.s32 $0x200, s26  }
.LBB2_5:
0x42: {  	p0 =	sne.s32 s26, $0xFE00;
	[tilespmem:s25+$0x170] =	vst v1  }
0x43: {  	[tilespmem:s25+$0x100] =	vst v1  }
0x44: {  	[tilespmem:s25+$0x110] =	vst v1  }
.Ltmp2:
0x45: {  	[tilespmem:s25+$0x120] =	vst v1;
	(pc) =	sbr.rel @p0 .LBB2_5-.Ltmp2, $4  }
0x46: {  	[tilespmem:s25+$0x130] =	vst v1  }
0x47: {  	[tilespmem:s25+$0x140] =	vst v1  }
0x48: {  	[tilespmem:s25+$0x150] =	vst v1  }
0x49: {  	[tilespmem:s25+$0x160] =	vst v1;
	s25 =	sshra.s32 s26, $0x2;
	s26 =	sadd.s32 $0x200, s26  }
0x4a: {  	[tilespmem:s25+$0x170] =	vst v1  }
0x4b: {  	[tilespmem:s25+$0x100] =	vst v1  }
0x4c: {  	[tilespmem:s25+$0x110] =	vst v1  }
0x4d: {  	[tilespmem:s25+$0x120] =	vst v1  }
0x4e: {  	[tilespmem:s25+$0x130] =	vst v1  }
0x4f: {  	[tilespmem:s25+$0x140] =	vst v1  }
0x50: {  	[tilespmem:s25+$0x150] =	vst v1  }
0x51: {  	[tilespmem:s25+$0x160] =	vst v1  }
.LBB2_7:
0x52: {  	[bflag:$0x0] =	sbarrier.arrive $0xFFFF;
	s25 =	sadd.s32 $0x0, s18  }
0x53: {  	[tilespmem:s22], [sflag:$0x2] =	stream.linear.gather [hbm4b:s25+s4], $0x80, $0x38;
	[tilespmem:$0x18180] =	vst v63  }
0x54: {  	p0 =	seq.s32 s24, $0x80000001;
	_ =	swait.ge [sflag:s20], $0x80  }
0x55: {  	s24 =	simm.s32 @!p0 $0x2;
	[sflag:s20] =	ssyncset.done $0x0  }
0x56: {  	s26 =	sadd.s32 @!p0 $0x0, s17;
	s25 =	simm.s32 @!p0 $0x0;
	[sflag:s20] =	ssyncadd.s32 $0xFFFFFF80  }
0x57: {  	[tilespmem:s25], [sflag:$0x2] =	stream.linear.gather @!p0 [hbm4b:s26+s25], $0x80, $0x38;
	[tilespmem:$0x18180] =	vst v63  }
0x58: {  	_ =	swait.ge @!p0 [sflag:s24], $0x80  }
0x59: {  	s28 =	simm.s32 @!p0 $0x80;
	[sflag:s24] =	ssyncset.done @!p0 $0x0  }
0x5a: {  	s29 =	simm.s32 @!p0 $0x100;
	s26 =	simm.s32 @!p0 $0x1;
	[sflag:s24] =	ssyncadd.s32 @!p0 $0xFFFFFF80  }
0x5b: {  	[tilespmem:s29], [sflag:$0x1] =	stream.indirect.gather @!p0 [hbm4b:s5+s28], $0x80, s25, s28, $0xb8;
	[tilespmem:$0x18180] =	vst v63  }
0x5c: {  	_ =	swait.ge @!p0 [sflag:s26], $0x4000  }
0x5d: {  	[sflag:s26] =	ssyncset.done @!p0 $0x0  }
0x5e: {  	[sflag:s26] =	ssyncadd.s32 @!p0 $0xFFFFC000  }
0x5f: {  	[spmem:s3] =	stream.indirect.scatter.add.f32 [tilespmem:s21], [sflag:$0x2], $0x80, s22, s22, $0xb8;
	[tilespmem:$0x18180] =	vst v63  }
0x60: {  	_ =	swait.ge [sflag:s20], $0x4000  }
0x61: {  	s30 =	simm.s32 $0x10;
	s31 =	simm.s32 $0x20;
	[sflag:s20] =	ssyncset.done $0x0  }
.LBB2_8:
0x62: {  	s0 =	sadd.s32 s30, s18  }
0x63: {  	[sflag:s20] =	ssyncadd.s32 $0xFFFFC000;
	s1 =	smov.u32 s31;
	s31 =	sadd.s32 $0x10, s31  }
0x64: {  	[tilespmem:s22], [sflag:$0x2] =	stream.linear.gather [hbm4b:s0+s4], $0x80, $0x38;
	[tilespmem:$0x18180] =	vst v63  }
0x65: {  	p1 =	sne.s32 s31, $0x500;
	_ =	swait.ge [sflag:s20], $0x80  }
0x66: {  	[sflag:s20] =	ssyncset.done $0x0  }
0x67: {  	s0 =	sadd.s32 @!p0 s30, s17;
	[sflag:s20] =	ssyncadd.s32 $0xFFFFFF80  }
0x68: {  	[tilespmem:s25], [sflag:$0x2] =	stream.linear.gather @!p0 [hbm4b:s0+s25], $0x80, $0x38;
	[tilespmem:$0x18180] =	vst v63  }
0x69: {  	s30 =	smov.u32 s1;
	_ =	swait.ge @!p0 [sflag:s24], $0x80  }
0x6a: {  	[sflag:s24] =	ssyncset.done @!p0 $0x0  }
0x6b: {  	[sflag:s24] =	ssyncadd.s32 @!p0 $0xFFFFFF80  }
0x6c: {  	[tilespmem:s29], [sflag:$0x1] =	stream.indirect.gather @!p0 [hbm4b:s5+s28], $0x80, s25, s28, $0xb8;
	[tilespmem:$0x18180] =	vst v63  }
0x6d: {  	_ =	swait.ge @!p0 [sflag:s26], $0x4000  }
.Ltmp3:
0x6e: {  	[sflag:s26] =	ssyncset.done @!p0 $0x0;
	(pc) =	sbr.rel @p1 .LBB2_8-.Ltmp3, $4  }
0x6f: {  	[sflag:s26] =	ssyncadd.s32 @!p0 $0xFFFFC000  }
0x70: {  	[spmem:s3] =	stream.indirect.scatter.add.f32 [tilespmem:s21], [sflag:$0x2], $0x80, s22, s22, $0xb8;
	[tilespmem:$0x18180] =	vst v63  }
0x71: {  	_ =	swait.ge [sflag:s20], $0x4000  }
0x72: {  	[sflag:s20] =	ssyncset.done $0x0  }
0x73: {  	s0 =	sadd.s32 s30, s18;
	[sflag:s20] =	ssyncadd.s32 $0xFFFFC000  }
0x74: {  	[tilespmem:s22], [sflag:$0x2] =	stream.linear.gather [hbm4b:s0+s4], $0x80, $0x38;
	[tilespmem:$0x18180] =	vst v63  }
0x75: {  	_ =	swait.ge [sflag:s20], $0x80  }
0x76: {  	s1 =	sadd.s32 @!p0 s30, s17;
	[sflag:s20] =	ssyncset.done $0x0  }
0x77: {  	s24 =	simm.s32 @!p0 $0x0;
	s0 =	simm.s32 @!p0 $0x2;
	[sflag:s20] =	ssyncadd.s32 $0xFFFFFF80  }
0x78: {  	[tilespmem:s24], [sflag:$0x2] =	stream.linear.gather @!p0 [hbm4b:s1+s24], $0x80, $0x38;
	[tilespmem:$0x18180] =	vst v63  }
0x79: {  	_ =	swait.ge @!p0 [sflag:s0], $0x80  }
0x7a: {  	s25 =	simm.s32 @!p0 $0x100;
	[sflag:s0] =	ssyncset.done @!p0 $0x0  }
0x7b: {  	s1 =	simm.s32 @!p0 $0x1;
	[sflag:s0] =	ssyncadd.s32 @!p0 $0xFFFFFF80;
	s0 =	simm.s32 @!p0 $0x80  }
0x7c: {  	[tilespmem:s25], [sflag:$0x1] =	stream.indirect.gather @!p0 [hbm4b:s5+s0], $0x80, s24, s0, $0xb8;
	[tilespmem:$0x18180] =	vst v63  }
0x7d: {  	_ =	swait.ge @!p0 [sflag:s1], $0x4000  }
0x7e: {  	[sflag:s1] =	ssyncset.done @!p0 $0x0  }
0x7f: {  	[sflag:s1] =	ssyncadd.s32 @!p0 $0xFFFFC000  }
0x80: {  	[spmem:s3] =	stream.indirect.scatter.add.f32 [tilespmem:s21], [sflag:$0x2], $0x80, s22, s22, $0xb8;
	[tilespmem:$0x18180] =	vst v63  }
0x81: {  	_ =	swait.ge [sflag:s20], $0x4000  }
0x82: {  	[sflag:s20] =	ssyncset.done $0x0  }
0x83: {  	[sflag:s20] =	ssyncadd.s32 $0xFFFFC000  }
0x84: {  	[bflag:$0x0] =	sbarrier.arrive $0xFFFF  }
0x85: {  	[tilespmem:s21], [sflag:$0x2] =	stream.linear.gather [spmem:s6], $0x4000, $0x38;
	[tilespmem:$0x18180] =	vst v63  }
0x86: {  	_ =	swait.ge [sflag:s20], $0x4000  }
0x87: {  	[sflag:s20] =	ssyncset.done $0x0  }
0x88: {  	[sflag:s20] =	ssyncadd.s32 $0xFFFFC000  }
0x89: {  	[hbm4b:s12+s4] =	stream.linear.scatter [tilespmem:s21], [sflag:$0x2], $0x4000, $0x38;
	[tilespmem:$0x18180] =	vst v63  }
0x8a: {  	_ =	swait.ge [sflag:s20], $0x4000  }
0x8b: {  	[sflag:s20] =	ssyncset.done $0x0  }
0x8c: {  	[sflag:s20] =	ssyncadd.s32 $0xFFFFC000  }
0x8d: {  	[tilespmem:s21], [sflag:$0x2] =	stream.linear.gather [spmem:s8], $0x4000, $0x38;
	[tilespmem:$0x18180] =	vst v63  }
0x8e: {  	_ =	swait.ge [sflag:s20], $0x4000  }
0x8f: {  	[sflag:s20] =	ssyncset.done $0x0  }
0x90: {  	[sflag:s20] =	ssyncadd.s32 $0xFFFFC000  }
0x91: {  	[hbm4b:s13+s4] =	stream.linear.scatter [tilespmem:s21], [sflag:$0x2], $0x4000, $0x38;
	[tilespmem:$0x18180] =	vst v63  }
0x92: {  	_ =	swait.ge [sflag:s20], $0x4000  }
0x93: {  	[sflag:s20] =	ssyncset.done $0x0  }
0x94: {  	[sflag:s20] =	ssyncadd.s32 $0xFFFFC000  }
0x95: {  	[tilespmem:s21], [sflag:$0x2] =	stream.linear.gather [spmem:s9], $0x4000, $0x38;
	[tilespmem:$0x18180] =	vst v63  }
0x96: {  	_ =	swait.ge [sflag:s20], $0x4000  }
0x97: {  	[sflag:s20] =	ssyncset.done $0x0  }
0x98: {  	[sflag:s20] =	ssyncadd.s32 $0xFFFFC000  }
0x99: {  	[hbm4b:s14+s4] =	stream.linear.scatter [tilespmem:s21], [sflag:$0x2], $0x4000, $0x38;
	[tilespmem:$0x18180] =	vst v63  }
0x9a: {  	_ =	swait.ge [sflag:s20], $0x4000  }
0x9b: {  	[sflag:s20] =	ssyncset.done $0x0  }
0x9c: {  	[sflag:s20] =	ssyncadd.s32 $0xFFFFC000  }
0x9d: {  	[tilespmem:s21], [sflag:$0x2] =	stream.linear.gather [spmem:s10], $0x4000, $0x38;
	[tilespmem:$0x18180] =	vst v63  }
0x9e: {  	_ =	swait.ge [sflag:s20], $0x4000  }
0x9f: {  	[sflag:s20] =	ssyncset.done $0x0  }
0xa0: {  	[sflag:s20] =	ssyncadd.s32 $0xFFFFC000  }
0xa1: {  	[hbm4b:s15+s4] =	stream.linear.scatter [tilespmem:s21], [sflag:$0x2], $0x4000, $0x38;
	[tilespmem:$0x18180] =	vst v63  }
0xa2: {  	_ =	swait.ge [sflag:s20], $0x4000  }
0xa3: {  	[sflag:s20] =	ssyncset.done $0x0  }
0xa4: {  	[sflag:s20] =	ssyncadd.s32 $0xFFFFC000  }
0xa5: {  	[tilespmem:s21], [sflag:$0x2] =	stream.linear.gather [spmem:s11], $0x4000, $0x38;
	[tilespmem:$0x18180] =	vst v63  }
0xa6: {  	s23 =	sadd.s32 $0x1, s23;
	_ =	swait.ge [sflag:s20], $0x4000  }
0xa7: {  	p0 =	sne.s32 s23, s7;
	[sflag:s20] =	ssyncset.done $0x0  }
.Ltmp4:
0xa8: {  	[sflag:s20] =	ssyncadd.s32 $0xFFFFC000;
	(pc) =	sbr.rel @p0 .LBB2_1-.Ltmp4, $4  }
0xa9: {  	[hbm4b:s16+s4] =	stream.linear.scatter [tilespmem:s21], [sflag:$0x2], $0x4000, $0x38;
	[tilespmem:$0x18180] =	vst v63  }
0xaa: {  	_ =	swait.ge [sflag:s20], $0x4000  }
0xab: {  	[sflag:s20] =	ssyncset.done $0x0  }
0xac: {  	[sflag:s20] =	ssyncadd.s32 $0xFFFFC000  }
0xad: {  	_ =	sfence.sel $0x180000  }
0xae: {  	[bflag:$0x0] =	sbarrier.arrive $0xFFFF  }
0xaf: {  	_ =	strace $0x90000050  }
0xb0: {  	s0 =	stileid.u32;
	[bflag:$0x2] =	sbarrier.arrive $0xFFFF  }
0xb1: {  	p0 =	sne.s32 s0, $0x0;
	s0 =	rddreg [dreg:$0x3]  }
0xb2: {  	s0 =	sadd.s32 @!p0 $0x100000, s0  }
0xb3: {  	[sflag:s0] =	ssyncadd.tile.s32 @!p0 $0x1;
	_ =	shalt  }
.Lfunc_end2:
_tile_overlayer_lowered:
.L_overlay_start_2:
0xb4: {  	(tag) =	ssettag $0x2  }
0xb5: {  	s0 =	rddreg [dreg:$0x0];
	s2 =	stileid.u32  }
0xb6: {  	s1 =	rddreg [dreg:$0x1];
	p0 =	sne.s32 s2, $0x0  }
0xb7: {  	s3 =	rddreg [dreg:$0x2];
	[bflag:$0x3] =	sbarrier.arrive $0xFFFF;
	s2 =	simm.s32 @!p0 $0x1C02  }
0xb8: {  	[timem:s3], [sflag:s2] =	dma.local @!p0 [hbm:s0], s1  }
0xb9: {  	s0 =	simm.s32 @!p0 $0x2  }
0xba: {  	_ =	swait.ge @!p0 [sflag:s0], s1  }
0xbb: {  	s1 =	ssub.s32 @!p0 $0x0, s1;
	[sflag:s0] =	ssyncset.done @!p0 $0x0  }
0xbc: {  	[sflag:s0] =	ssyncadd.s32 @!p0 s1  }
0xbd: {  	[bflag:$0x3] =	sbarrier.arrive $0xFFFF  }
0xbe: {  	_ =	shalt  }

// kernel: kernel.29.cloned.1.call-start
scs
__scs_entry_jumppad:
0x0: {  	(pc) =	sbr.rel $0x88, $3  }
0x1: {  	(tag) =	ssettag $0x0;
	lr =	simm.s32 $0x1  }
0x2: {  	[smem:$0x3F91] =	sst lr;
	_ =	strace $0xD0000000  }
0x3: {  	_ = 	snop  }
0x4: {  	_ = 	snop  }
0x5: {  	_ = 	snop  }
0x6: {  	_ = 	snop  }
0x7: {  	_ = 	snop  }
__scs_overlays_trampoline_lowered:
0x8: {  	[smem:$0x3FA0] =	sst s0  }
0x9: {  	[smem:$0x3FA1] =	sst s1  }
0xa: {  	[smem:$0x3FA2] =	sst s2  }
0xb: {  	[smem:$0x3FA3] =	sst s3  }
0xc: {  	[smem:$0x3FA4] =	sst s4  }
0xd: {  	[smem:$0x3FA5] =	sst s5  }
0xe: {  	[smem:$0x3FA6] =	sst s6  }
0xf: {  	[smem:$0x3FA7] =	sst s7  }
0x10: {  	[smem:$0x3FA8] =	sst s8  }
0x11: {  	[smem:$0x3FA9] =	sst s9;
	s0 =	simm.s32 @!p0 $0x0  }
0x12: {  	s1 =	sld [smem:$0x3F8F];
	s0 =	simm.s32 @p0 $0x1  }
0x13: {  	[smem:$0x3FAA] =	sst s0;
	s0 =	simm.s32 @!p1 $0x0  }
0x14: {  	s2 =	sld [smem:$0x3F8E];
	s0 =	simm.s32 @p1 $0x1  }
0x15: {  	[smem:$0x3FAB] =	sst s0;
	s0 =	simm.s32 @!p2 $0x0  }
0x16: {  	s3 =	sld [smem:$0x3FDB];
	s0 =	simm.s32 @p2 $0x1  }
0x17: {  	s4 =	simm.s32 $0x1BF5;
	[smem:$0x3FAD] =	sst s0  }
0x18: {  	s0 =	sld [smem:$0x3F90];
	_ =	swait.ge [sflag:s4], $0x0  }
0x19: {  	s7 =	sld [smem:$0x3F91]  }
0x1a: {  	s8 =	sadd.s32 $0xFFFFE003, lr  }
0x1b: {  	s9 =	sadd.s32 $0xFFFFFEF7, lr;
	s5 =	simm.s32 $0xFFFFFFFF;
	p2 =	slt.u32 s8, $0xFFFFF086  }
0x1c: {  	p1 =	slt.u32 s9, $0xF7A;
	s5 =	simm.s32 @!p2 $0x0  }
0x1d: {  	s5 =	simm.s32 @p1 $0x1;
	p0 =	seq.s32 s7, s2  }
0x1e: {  	s7 =	smul.u32 @!p0 $0xF7A, s2;
	p2 =	seq.s32 @!p0 s5, $0x0  }
0x1f: {  	s9 =	smul.u32 $0xF7A, s1;
	s8 =	simm.s32 @!p0 $0x1BF5;
	p2 =	por !p2, p0  }
0x20: {  	[sflag:s8] =	ssyncset.s32 @!p0 $0xFFFFF086;
	s6 =	sadd.s32 @!p0 s3, s7;
	s7 =	simm.s32 @!p0 $0x108  }
0x21: {  	s3 =	sadd.s32 s3, s9;
	s6 =	sadd.s32 @!p0 $0x88, s6;
	s7 =	simm.s32 @p2 $0x1082  }
0x22: {  	[simem:s7], [sflag:s8] =	dma.local @!p0 [hbm:s6], $0xF7A  }
0x23: {  	s9 =	sor.u32 $0xD0000000, s2;
	s6 =	simm.s32 $0x108;
	_ =	swait.ge @!p0 [sflag:s8], $0x0  }
0x24: {  	s3 =	sadd.s32 $0x88, s3;
	s6 =	simm.s32 @!p1 $0x1082;
	[sflag:s4] =	ssyncset.s32 $0xFFFFF086  }
0x25: {  	[simem:s6], [sflag:s4] =	dma.local [hbm:s3], $0xF7A  }
0x26: {  	[smem:$0x3F91] =	sst s1;
	(tag) =	ssettag s2;
	_ =	strace s9  }
0x27: {  	s1 =	sld [smem:$0x3FA1]  }
0x28: {  	s2 =	sld [smem:$0x3FA2]  }
0x29: {  	s4 =	sld [smem:$0x3FA4]  }
0x2a: {  	p0 =	seq.s32 s5, $0x0;
	s5 =	sld [smem:$0x3FA5]  }
0x2b: {  	s6 =	sld [smem:$0x3FA6]  }
0x2c: {  	s7 =	sld [smem:$0x3FA7]  }
0x2d: {  	s3 =	simm.s32 $0x108;
	s8 =	sld [smem:$0x3FA8]  }
0x2e: {  	s3 =	simm.s32 @!p0 $0x1082;
	s9 =	sld [smem:$0x3FA9]  }
0x2f: {  	lr =	sadd.s32 s0, s3;
	s0 =	sld [smem:$0x3FA0]  }
0x30: {  	s3 =	sld [smem:$0x3FA3]  }
0x31: {  	[smem:$0x3FAC] =	sst s10  }
0x32: {  	s10 =	sld [smem:$0x3FAA];
	_ =	sdelay $0x3  }
0x33: {  	p0 =	seq.s32 s10, $0x1;
	s10 =	sld [smem:$0x3FAC];
	_ =	sdelay $0x3  }
0x34: {  	[smem:$0x3FAC] =	sst s10  }
0x35: {  	s10 =	sld [smem:$0x3FAB];
	_ =	sdelay $0x3  }
0x36: {  	p1 =	seq.s32 s10, $0x1;
	s10 =	sld [smem:$0x3FAC];
	_ =	sdelay $0x3  }
0x37: {  	[smem:$0x3FAC] =	sst s10  }
0x38: {  	s10 =	sld [smem:$0x3FAD]  }
0x39: {  	_ = 	snop;
	(pc) =	sbr.ind lr, $3  }
0x3a: {  	_ = 	snop  }
0x3b: {  	_ = 	snop  }
0x3c: {  	p2 =	seq.s32 s10, $0x1;
	s10 =	sld [smem:$0x3FAC]  }
0x3d: {  	_ =	shalt  }
0x3e: {  	_ =	shalt  }
0x3f: {  	_ =	shalt  }
0x40: {  	_ =	shalt  }
0x41: {  	_ =	shalt  }
0x42: {  	_ =	shalt  }
0x43: {  	_ =	shalt  }
0x44: {  	_ =	shalt  }
0x45: {  	_ =	shalt  }
0x46: {  	_ =	shalt  }
0x47: {  	_ =	shalt  }
0x48: {  	_ =	shalt  }
0x49: {  	_ =	shalt  }
0x4a: {  	_ =	shalt  }
0x4b: {  	_ =	shalt  }
0x4c: {  	_ =	shalt  }
0x4d: {  	_ =	shalt  }
0x4e: {  	_ =	shalt  }
0x4f: {  	_ =	shalt  }
0x50: {  	_ =	shalt  }
0x51: {  	_ =	shalt  }
0x52: {  	_ =	shalt  }
0x53: {  	_ =	shalt  }
0x54: {  	_ =	shalt  }
0x55: {  	_ =	shalt  }
0x56: {  	_ =	shalt  }
0x57: {  	_ =	shalt  }
0x58: {  	_ =	shalt  }
0x59: {  	_ =	shalt  }
0x5a: {  	_ =	shalt  }
0x5b: {  	_ =	shalt  }
0x5c: {  	_ =	shalt  }
0x5d: {  	_ =	shalt  }
0x5e: {  	_ =	shalt  }
0x5f: {  	_ =	shalt  }
0x60: {  	_ =	shalt  }
0x61: {  	_ =	shalt  }
0x62: {  	_ =	shalt  }
0x63: {  	_ =	shalt  }
0x64: {  	_ =	shalt  }
0x65: {  	_ =	shalt  }
0x66: {  	_ =	shalt  }
0x67: {  	_ =	shalt  }
0x68: {  	_ =	shalt  }
0x69: {  	_ =	shalt  }
0x6a: {  	_ =	shalt  }
0x6b: {  	_ =	shalt  }
0x6c: {  	_ =	shalt  }
0x6d: {  	_ =	shalt  }
0x6e: {  	_ =	shalt  }
0x6f: {  	_ =	shalt  }
0x70: {  	_ =	shalt  }
0x71: {  	_ =	shalt  }
0x72: {  	_ =	shalt  }
0x73: {  	_ =	shalt  }
0x74: {  	_ =	shalt  }
0x75: {  	_ =	shalt  }
0x76: {  	_ =	shalt  }
0x77: {  	_ =	shalt  }
0x78: {  	_ =	shalt  }
0x79: {  	_ =	shalt  }
0x7a: {  	_ =	shalt  }
0x7b: {  	_ =	shalt  }
0x7c: {  	_ =	shalt  }
0x7d: {  	_ =	shalt  }
0x7e: {  	_ =	shalt  }
0x7f: {  	_ =	shalt  }
0x80: {  	_ =	shalt  }
0x81: {  	_ =	shalt  }
0x82: {  	_ =	shalt  }
0x83: {  	_ =	shalt  }
0x84: {  	_ =	shalt  }
0x85: {  	_ =	shalt  }
0x86: {  	_ =	shalt  }
0x87: {  	_ =	shalt  }
.Lfunc_end0:
.L_simem_size_0:
called_computation.4_lowered:
.L_overlay_start_0:
0x88: {  	s2 =	sld [smem:$0x3FD9]  }
0x89: {  	s3 =	sld [smem:$0x3FFE];
	_ =	sdelay $0x1  }
0x8a: {  	s1 =	srdreg.scid  }
0x8b: {  	s0 =	sand.u32 $0x1, s1  }
0x8c: {  	s17 =	sshll.u32 s0, $0xA;
	s2 =	sadd.s32 s3, s2  }
0x8d: {  	s2 =	sadd.s32 s2, s17  }
0x8e: {  	[smem:$0x3FB8] =	sst s2  }
0x8f: {  	_ = 	snop  }
0x90: {  	s2 =	sld [smem:$0x3FD0];
	(tm) =	ssettm $0x1  }
0x91: {  	s18 =	sld [smem:$0x3FFB];
	_ =	sdelay $0x3  }
0x92: {  	_ =	strace s18  }
0x93: {  	s3 =	sld [smem:$0x3FFC];
	_ =	sdelay $0x3  }
0x94: {  	_ =	strace s3  }
0x95: {  	s3 =	sld [smem:$0x3FFD];
	_ =	sdelay $0x3  }
0x96: {  	_ =	strace s3  }
0x97: {  	_ =	strace $0x8FFFFFFF  }
0x98: {  	s19 =	sld [smem:$0x3FDB];
	_ =	sdelay $0x1  }
0x99: {  	s4 =	simm.s32 $_scs_section_size  }
0x9a: {  	s5 =	simm.s32 $_size__tile_overlayer_lowered;
	s6 =	simm.s32 $_tile_overlayer_lowered  }
0x9b: {  	s22 =	simm.s32 $0x1BFF;
	s21 =	sshll.u32 s6, $0x1;
	s3 =	sadd.s32 s4, s19  }
0x9c: {  	s7 =	simm.s32 $0x0;
	s20 =	sshll.u32 s5, $0x1;
	s5 =	sadd.s32 s21, s3  }
0x9d: {  	[timem:s7], [sflag:s22] =	dma.local [hbm:s5], s20  }
0x9e: {  	_ =	swait.ge [sflag:s22], s20  }
0x9f: {  	s4 =	ssub.s32 $0x0, s20;
	[sflag:s22] =	ssyncset.done $0x0  }
0xa0: {  	[sflag:s22] =	ssyncadd.s32 s4;
	_ =	sdelay $0x1  }
0xa1: {  	s23 =	simm.s32 $0x1B8B  }
0xa2: {  	_ =	swait.ge [sflag:s23], $0x1  }
0xa3: {  	[sflag:s23] =	ssyncset.done $0x0  }
0xa4: {  	s25 =	simm.s32 $0x1B8E;
	s24 =	sld [smem:$0x3FFE];
	[sflag:s23] =	ssyncadd.s32 $0xFFFFFFFF  }
0xa5: {  	s26 =	simm.s32 $execute0_lowered;
	[smem:$0x3FD2] =	sst s25  }
0xa6: {  	s5 =	sshll.u32 s26, $0x1;
	_ =	strace $0x80000052;
	[dreg:$0x1] =	wrdreg $0xFFFFFFFF  }
0xa7: {  	s28 =	simm.s32 $_size_execute0_lowered;
	s3 =	sadd.s32 s3, s5;
	[dreg:$0x0] =	wrdreg $0x0  }
0xa8: {  	s5 =	sshll.u32 s28, $0x1;
	[dreg:$0x2] =	wrdreg s3  }
0xa9: {  	[dreg:$0x3] =	wrdreg s5  }
0xaa: {  	[dreg:$0x4] =	wrdreg $0xC0  }
0xab: {  	_ =	task [dreg:s7], $0x5FFFF  }
0xac: {  	[dreg:$0x1] =	wrdreg $0xFFFFFFFF  }
0xad: {  	[dreg:$0x0] =	wrdreg $0x60  }
0xae: {  	[dreg:$0x2] =	wrdreg s24  }
0xaf: {  	[dreg:$0x3] =	wrdreg s2  }
0xb0: {  	[dreg:$0x4] =	wrdreg $0x41000  }
0xb1: {  	[dreg:$0x5] =	wrdreg $0x9  }
0xb2: {  	_ =	task.clear_ibuf [dreg:s7], $0x6FFFF;
	_ =	strace $0x90000052  }
0xb3: {  	s29 =	simm.s32 $0x9;
	_ =	strace $0x80000054  }
0xb4: {  	_ =	swait.ge [sflag:s29], $0x1  }
0xb5: {  	[sflag:s29] =	ssyncadd.s32 $0xFFFFFFFF  }
0xb6: {  	_ =	strace $0x90000054  }
0xb7: {  	_ =	sfence  }
0xb8: {  	s30 =	sld [smem:$0x0];
	_ =	sdelay $0x2  }
0xb9: {  	s31 =	sshll.u32 s1, $0xD;
	s1 =	sshrl.u32 s1, $0x2  }
0xba: {  	s3 =	sand.u32 $0x4000, s31;
	s1 =	sadd.s32 s1, s30  }
0xbb: {  	s0 =	sor.u32 s3, s0;
	s1 =	sshll.u32 s1, $0x11  }
0xbc: {  	s0 =	sor.u32 s1, s0  }
0xbd: {  	s0 =	sadd.s32 $0x8F2B, s0  }
0xbe: {  	[sflag:s0] =	ssyncadd.remote.s32 $0x1  }
0xbf: {  	_ =	sfence.sel $0xFFFF  }
0xc0: {  	[dreg:$0x0] =	wrdreg $0xFFFFFFFF;
	(pc) =	sbr.abs _section_cstart, $3  }
0xc1: {  	[dreg:$0x1] =	wrdreg $0xFFFFFFFF  }
0xc2: {  	_ =	task.clear_ibuf [dreg:s7], $0x2FFFF;
	_ =	strace $0x9FFFFFFF  }
0xc3: {  	(tm) =	ssettm $0x7FFFFFFF  }
tec
execute0_lowered:
.L_overlay_start_1:
0x0: {  	(tag) =	ssettag $0x1  }
0x1: {  	s6 =	rddreg [dreg:$0x0]  }
0x2: {  	s2 =	rddreg [dreg:$0x1]  }
0x3: {  	s3 =	rddreg [dreg:$0x2]  }
0x4: {  	s0 =	stileid.u32;
	s4 =	simm.s32 $0x0;
	s5 =	srdreg.scid  }
0x5: {  	s19 =	simm.s32 $0x18100;
	s20 =	simm.s32 $0x2;
	s7 =	smul.u32 $0xA00, s0  }
0x6: {  	s21 =	simm.s32 $0x100;
	s22 =	simm.s32 $0x80;
	s8 =	smul.u32 $0x280, s0  }
0x7: {  	s23 =	simm.s32 $0x0;
	s10 =	sand.u32 $0x1, s5;
	s12 =	smul.u32 $0x50000, s0  }
0x8: {  	[smem:$0x7FF] =	sst s4;
	s5 =	sadd.s32 $0x19400, s6;
	s9 =	smul.u32 $0x2800, s10  }
0x9: {  	_ =	strace $0x80000053;
	s11 =	ssub.s32 $0x2, s10;
	s17 =	smul.u32 $0x500, s10  }
0xa: {  	s15 =	sadd.s32 s7, s6;
	s30 =	sshrl.u32 s11, $0x1;
	s31 =	sshrl.u32 s12, $0x2  }
0xb: {  	s29 =	sadd.s32 s8, s9;
	s8 =	ssub.s32 s11, s30;
	s18 =	sadd.s32 s17, s15  }
0xc: {  	s7 =	sshll.u32 s29, $0x4;
	s17 =	sadd.s32 $0xF400, s18;
	s18 =	sadd.s32 $0x5400, s18  }
0xd: {  	s16 =	sadd.s32 s7, s6;
	s6 =	sadd.s32 s31, s3;
	s7 =	smax.u32 s8, $0x1  }
0xe: {  	s8 =	sadd.s32 $0x4000, s6;
	s9 =	sadd.s32 $0x8000, s6;
	s10 =	sadd.s32 $0xC000, s6  }
0xf: {  	s11 =	sadd.s32 $0x10000, s6;
	s12 =	sadd.s32 $0x41400, s16;
	s13 =	sadd.s32 $0x41C00, s16  }
0x10: {  	v0 =	vimm.f32 $0.0e+00;
	v1 =	vimm.f32 $1.000000000e+00;
	s14 =	sadd.s32 $0x42400, s16;
	s15 =	sadd.s32 $0x42C00, s16;
	s16 =	sadd.s32 $0x43400, s16  }
.LBB2_1:
0x11: {  	[tilespmem:s19], [sflag:$0x2] =	stream.linear.gather [hbm4b:s2+s4], $0x80, $0x38;
	[tilespmem:$0x18180] =	vst v63  }
0x12: {  	_ =	swait.ge [sflag:s20], $0x80  }
0x13: {  	[sflag:s20] =	ssyncset.done $0x0  }
0x14: {  	[sflag:s20] =	ssyncadd.s32 $0xFFFFFF80  }
0x15: {  	s24 =	simm.s32 $0x0;
	s25 =	simm.s32 $0x200;
	v2 =	vld [tilespmem:$0x18100]  }
.LBB2_2:
0x16: {  	p0 =	sne.s32 s25, $0xFE00;
	[tilespmem:s24+$0x170] =	vst v0  }
0x17: {  	[tilespmem:s24+$0x100] =	vst v0  }
0x18: {  	[tilespmem:s24+$0x110] =	vst v0  }
.Ltmp0:
0x19: {  	[tilespmem:s24+$0x120] =	vst v0;
	(pc) =	sbr.rel @p0 .LBB2_2-.Ltmp0, $4  }
0x1a: {  	[tilespmem:s24+$0x130] =	vst v0  }
0x1b: {  	[tilespmem:s24+$0x140] =	vst v0  }
0x1c: {  	[tilespmem:s24+$0x150] =	vst v0  }
0x1d: {  	[tilespmem:s24+$0x160] =	vst v0;
	s24 =	sshra.s32 s25, $0x2;
	s25 =	sadd.s32 $0x200, s25  }
0x1e: {  	[tilespmem:s24+$0x170] =	vst v0  }
0x1f: {  	[tilespmem:s24+$0x100] =	vst v0  }
0x20: {  	[tilespmem:s24+$0x110] =	vst v0  }
0x21: {  	[tilespmem:s24+$0x120] =	vst v0  }
0x22: {  	[tilespmem:s24+$0x130] =	vst v0  }
0x23: {  	[tilespmem:s24+$0x140] =	vst v0  }
0x24: {  	[tilespmem:s24+$0x150] =	vst v0  }
0x25: {  	[tilespmem:s24+$0x160] =	vst v0  }
0x26: {  	[spmem:s6] =	stream.linear.scatter [tilespmem:s21], [sflag:$0x2], $0x4000, $0x38;
	[tilespmem:$0x18180] =	vst v63  }
0x27: {  	_ =	swait.ge [sflag:s20], $0x4000  }
0x28: {  	[sflag:s20] =	ssyncset.done $0x0  }
0x29: {  	[sflag:s20] =	ssyncadd.s32 $0xFFFFC000  }
0x2a: {  	[spmem:s8] =	stream.linear.scatter [tilespmem:s21], [sflag:$0x2], $0x4000, $0x38;
	[tilespmem:$0x18180] =	vst v63  }
0x2b: {  	_ =	swait.ge [sflag:s20], $0x4000  }
0x2c: {  	[sflag:s20] =	ssyncset.done $0x0  }
0x2d: {  	[sflag:s20] =	ssyncadd.s32 $0xFFFFC000  }
0x2e: {  	[spmem:s9] =	stream.linear.scatter [tilespmem:s21], [sflag:$0x2], $0x4000, $0x38;
	[tilespmem:$0x18180] =	vst v63  }
0x2f: {  	_ =	swait.ge [sflag:s20], $0x4000  }
0x30: {  	[sflag:s20] =	ssyncset.done $0x0  }
0x31: {  	[sflag:s20] =	ssyncadd.s32 $0xFFFFC000  }
0x32: {  	[spmem:s10] =	stream.linear.scatter [tilespmem:s21], [sflag:$0x2], $0x4000, $0x38;
	[tilespmem:$0x18180] =	vst v63  }
0x33: {  	_ =	swait.ge [sflag:s20], $0x4000  }
0x34: {  	[sflag:s20] =	ssyncset.done $0x0  }
0x35: {  	[sflag:s20] =	ssyncadd.s32 $0xFFFFC000  }
0x36: {  	[spmem:s11] =	stream.linear.scatter [tilespmem:s21], [sflag:$0x2], $0x4000, $0x38;
	[tilespmem:$0x18180] =	vst v63  }
0x37: {  	v2 =	vxor.u32 $0x80000000, v2;
	_ =	swait.ge [sflag:s20], $0x4000  }
0x38: {  	(xrf0) =	vmax.scan.msk.u32 $0xffff, v2;
	_ =	sdelay $0x5  }
0x39: {  	v2, _, _ =	vpop (xrf0)  }
0x3a: {  	(v2sf) =	vpush v2, $0xF;
	_ =	sdelay $0xe  }
0x3b: {  	s24 =	spop (v2sf)  }
0x3c: {  	p0 =	sne.s32 s24, $0x80000001  }
.Ltmp1:
0x3d: {  	_ = 	snop;
	(pc) =	sbr.rel @p0 .LBB2_7-.Ltmp1, $3  }
0x3e: {  	_ =	sdelay $0x1  }
0x3f: {  	[sflag:s20] =	ssyncset.done $0x0  }
0x40: {  	s26 =	simm.s32 $0x0;
	[sflag:s20] =	ssyncadd.s32 $0xFFFFC000  }
0x41: {  	s25 =	sshra.s32 s26, $0x2;
	s26 =	sadd.s32 $0x200, s26  }
.LBB2_5:
0x42: {  	p0 =	sne.s32 s26, $0xFE00;
	[tilespmem:s25+$0x170] =	vst v1  }
0x43: {  	[tilespmem:s25+$0x100] =	vst v1  }
0x44: {  	[tilespmem:s25+$0x110] =	vst v1  }
.Ltmp2:
0x45: {  	[tilespmem:s25+$0x120] =	vst v1;
	(pc) =	sbr.rel @p0 .LBB2_5-.Ltmp2, $4  }
0x46: {  	[tilespmem:s25+$0x130] =	vst v1  }
0x47: {  	[tilespmem:s25+$0x140] =	vst v1  }
0x48: {  	[tilespmem:s25+$0x150] =	vst v1  }
0x49: {  	[tilespmem:s25+$0x160] =	vst v1;
	s25 =	sshra.s32 s26, $0x2;
	s26 =	sadd.s32 $0x200, s26  }
0x4a: {  	[tilespmem:s25+$0x170] =	vst v1  }
0x4b: {  	[tilespmem:s25+$0x100] =	vst v1  }
0x4c: {  	[tilespmem:s25+$0x110] =	vst v1  }
0x4d: {  	[tilespmem:s25+$0x120] =	vst v1  }
0x4e: {  	[tilespmem:s25+$0x130] =	vst v1  }
0x4f: {  	[tilespmem:s25+$0x140] =	vst v1  }
0x50: {  	[tilespmem:s25+$0x150] =	vst v1  }
0x51: {  	[tilespmem:s25+$0x160] =	vst v1  }
.LBB2_7:
0x52: {  	[bflag:$0x0] =	sbarrier.arrive $0xFFFF;
	s25 =	sadd.s32 $0x0, s18  }
0x53: {  	[tilespmem:s22], [sflag:$0x2] =	stream.linear.gather [hbm4b:s25+s4], $0x80, $0x38;
	[tilespmem:$0x18180] =	vst v63  }
0x54: {  	p0 =	seq.s32 s24, $0x80000001;
	_ =	swait.ge [sflag:s20], $0x80  }
0x55: {  	s24 =	simm.s32 @!p0 $0x2;
	[sflag:s20] =	ssyncset.done $0x0  }
0x56: {  	s26 =	sadd.s32 @!p0 $0x0, s17;
	s25 =	simm.s32 @!p0 $0x0;
	[sflag:s20] =	ssyncadd.s32 $0xFFFFFF80  }
0x57: {  	[tilespmem:s25], [sflag:$0x2] =	stream.linear.gather @!p0 [hbm4b:s26+s25], $0x80, $0x38;
	[tilespmem:$0x18180] =	vst v63  }
0x58: {  	_ =	swait.ge @!p0 [sflag:s24], $0x80  }
0x59: {  	s28 =	simm.s32 @!p0 $0x80;
	[sflag:s24] =	ssyncset.done @!p0 $0x0  }
0x5a: {  	s29 =	simm.s32 @!p0 $0x100;
	s26 =	simm.s32 @!p0 $0x1;
	[sflag:s24] =	ssyncadd.s32 @!p0 $0xFFFFFF80  }
0x5b: {  	[tilespmem:s29], [sflag:$0x1] =	stream.indirect.gather @!p0 [hbm4b:s5+s28], $0x80, s25, s28, $0xb8;
	[tilespmem:$0x18180] =	vst v63  }
0x5c: {  	_ =	swait.ge @!p0 [sflag:s26], $0x4000  }
0x5d: {  	[sflag:s26] =	ssyncset.done @!p0 $0x0  }
0x5e: {  	[sflag:s26] =	ssyncadd.s32 @!p0 $0xFFFFC000  }
0x5f: {  	[spmem:s3] =	stream.indirect.scatter.add.f32 [tilespmem:s21], [sflag:$0x2], $0x80, s22, s22, $0xb8;
	[tilespmem:$0x18180] =	vst v63  }
0x60: {  	_ =	swait.ge [sflag:s20], $0x4000  }
0x61: {  	s30 =	simm.s32 $0x10;
	s31 =	simm.s32 $0x20;
	[sflag:s20] =	ssyncset.done $0x0  }
.LBB2_8:
0x62: {  	s0 =	sadd.s32 s30, s18  }
0x63: {  	[sflag:s20] =	ssyncadd.s32 $0xFFFFC000;
	s1 =	smov.u32 s31;
	s31 =	sadd.s32 $0x10, s31  }
0x64: {  	[tilespmem:s22], [sflag:$0x2] =	stream.linear.gather [hbm4b:s0+s4], $0x80, $0x38;
	[tilespmem:$0x18180] =	vst v63  }
0x65: {  	p1 =	sne.s32 s31, $0x500;
	_ =	swait.ge [sflag:s20], $0x80  }
0x66: {  	[sflag:s20] =	ssyncset.done $0x0  }
0x67: {  	s0 =	sadd.s32 @!p0 s30, s17;
	[sflag:s20] =	ssyncadd.s32 $0xFFFFFF80  }
0x68: {  	[tilespmem:s25], [sflag:$0x2] =	stream.linear.gather @!p0 [hbm4b:s0+s25], $0x80, $0x38;
	[tilespmem:$0x18180] =	vst v63  }
0x69: {  	s30 =	smov.u32 s1;
	_ =	swait.ge @!p0 [sflag:s24], $0x80  }
0x6a: {  	[sflag:s24] =	ssyncset.done @!p0 $0x0  }
0x6b: {  	[sflag:s24] =	ssyncadd.s32 @!p0 $0xFFFFFF80  }
0x6c: {  	[tilespmem:s29], [sflag:$0x1] =	stream.indirect.gather @!p0 [hbm4b:s5+s28], $0x80, s25, s28, $0xb8;
	[tilespmem:$0x18180] =	vst v63  }
0x6d: {  	_ =	swait.ge @!p0 [sflag:s26], $0x4000  }
.Ltmp3:
0x6e: {  	[sflag:s26] =	ssyncset.done @!p0 $0x0;
	(pc) =	sbr.rel @p1 .LBB2_8-.Ltmp3, $4  }
0x6f: {  	[sflag:s26] =	ssyncadd.s32 @!p0 $0xFFFFC000  }
0x70: {  	[spmem:s3] =	stream.indirect.scatter.add.f32 [tilespmem:s21], [sflag:$0x2], $0x80, s22, s22, $0xb8;
	[tilespmem:$0x18180] =	vst v63  }
0x71: {  	_ =	swait.ge [sflag:s20], $0x4000  }
0x72: {  	[sflag:s20] =	ssyncset.done $0x0  }
0x73: {  	s0 =	sadd.s32 s30, s18;
	[sflag:s20] =	ssyncadd.s32 $0xFFFFC000  }
0x74: {  	[tilespmem:s22], [sflag:$0x2] =	stream.linear.gather [hbm4b:s0+s4], $0x80, $0x38;
	[tilespmem:$0x18180] =	vst v63  }
0x75: {  	_ =	swait.ge [sflag:s20], $0x80  }
0x76: {  	s1 =	sadd.s32 @!p0 s30, s17;
	[sflag:s20] =	ssyncset.done $0x0  }
0x77: {  	s24 =	simm.s32 @!p0 $0x0;
	s0 =	simm.s32 @!p0 $0x2;
	[sflag:s20] =	ssyncadd.s32 $0xFFFFFF80  }
0x78: {  	[tilespmem:s24], [sflag:$0x2] =	stream.linear.gather @!p0 [hbm4b:s1+s24], $0x80, $0x38;
	[tilespmem:$0x18180] =	vst v63  }
0x79: {  	_ =	swait.ge @!p0 [sflag:s0], $0x80  }
0x7a: {  	s25 =	simm.s32 @!p0 $0x100;
	[sflag:s0] =	ssyncset.done @!p0 $0x0  }
0x7b: {  	s1 =	simm.s32 @!p0 $0x1;
	[sflag:s0] =	ssyncadd.s32 @!p0 $0xFFFFFF80;
	s0 =	simm.s32 @!p0 $0x80  }
0x7c: {  	[tilespmem:s25], [sflag:$0x1] =	stream.indirect.gather @!p0 [hbm4b:s5+s0], $0x80, s24, s0, $0xb8;
	[tilespmem:$0x18180] =	vst v63  }
0x7d: {  	_ =	swait.ge @!p0 [sflag:s1], $0x4000  }
0x7e: {  	[sflag:s1] =	ssyncset.done @!p0 $0x0  }
0x7f: {  	[sflag:s1] =	ssyncadd.s32 @!p0 $0xFFFFC000  }
0x80: {  	[spmem:s3] =	stream.indirect.scatter.add.f32 [tilespmem:s21], [sflag:$0x2], $0x80, s22, s22, $0xb8;
	[tilespmem:$0x18180] =	vst v63  }
0x81: {  	_ =	swait.ge [sflag:s20], $0x4000  }
0x82: {  	[sflag:s20] =	ssyncset.done $0x0  }
0x83: {  	[sflag:s20] =	ssyncadd.s32 $0xFFFFC000  }
0x84: {  	[bflag:$0x0] =	sbarrier.arrive $0xFFFF  }
0x85: {  	[tilespmem:s21], [sflag:$0x2] =	stream.linear.gather [spmem:s6], $0x4000, $0x38;
	[tilespmem:$0x18180] =	vst v63  }
0x86: {  	_ =	swait.ge [sflag:s20], $0x4000  }
0x87: {  	[sflag:s20] =	ssyncset.done $0x0  }
0x88: {  	[sflag:s20] =	ssyncadd.s32 $0xFFFFC000  }
0x89: {  	[hbm4b:s12+s4] =	stream.linear.scatter [tilespmem:s21], [sflag:$0x2], $0x4000, $0x38;
	[tilespmem:$0x18180] =	vst v63  }
0x8a: {  	_ =	swait.ge [sflag:s20], $0x4000  }
0x8b: {  	[sflag:s20] =	ssyncset.done $0x0  }
0x8c: {  	[sflag:s20] =	ssyncadd.s32 $0xFFFFC000  }
0x8d: {  	[tilespmem:s21], [sflag:$0x2] =	stream.linear.gather [spmem:s8], $0x4000, $0x38;
	[tilespmem:$0x18180] =	vst v63  }
0x8e: {  	_ =	swait.ge [sflag:s20], $0x4000  }
0x8f: {  	[sflag:s20] =	ssyncset.done $0x0  }
0x90: {  	[sflag:s20] =	ssyncadd.s32 $0xFFFFC000  }
0x91: {  	[hbm4b:s13+s4] =	stream.linear.scatter [tilespmem:s21], [sflag:$0x2], $0x4000, $0x38;
	[tilespmem:$0x18180] =	vst v63  }
0x92: {  	_ =	swait.ge [sflag:s20], $0x4000  }
0x93: {  	[sflag:s20] =	ssyncset.done $0x0  }
0x94: {  	[sflag:s20] =	ssyncadd.s32 $0xFFFFC000  }
0x95: {  	[tilespmem:s21], [sflag:$0x2] =	stream.linear.gather [spmem:s9], $0x4000, $0x38;
	[tilespmem:$0x18180] =	vst v63  }
0x96: {  	_ =	swait.ge [sflag:s20], $0x4000  }
0x97: {  	[sflag:s20] =	ssyncset.done $0x0  }
0x98: {  	[sflag:s20] =	ssyncadd.s32 $0xFFFFC000  }
0x99: {  	[hbm4b:s14+s4] =	stream.linear.scatter [tilespmem:s21], [sflag:$0x2], $0x4000, $0x38;
	[tilespmem:$0x18180] =	vst v63  }
0x9a: {  	_ =	swait.ge [sflag:s20], $0x4000  }
0x9b: {  	[sflag:s20] =	ssyncset.done $0x0  }
0x9c: {  	[sflag:s20] =	ssyncadd.s32 $0xFFFFC000  }
0x9d: {  	[tilespmem:s21], [sflag:$0x2] =	stream.linear.gather [spmem:s10], $0x4000, $0x38;
	[tilespmem:$0x18180] =	vst v63  }
0x9e: {  	_ =	swait.ge [sflag:s20], $0x4000  }
0x9f: {  	[sflag:s20] =	ssyncset.done $0x0  }
0xa0: {  	[sflag:s20] =	ssyncadd.s32 $0xFFFFC000  }
0xa1: {  	[hbm4b:s15+s4] =	stream.linear.scatter [tilespmem:s21], [sflag:$0x2], $0x4000, $0x38;
	[tilespmem:$0x18180] =	vst v63  }
0xa2: {  	_ =	swait.ge [sflag:s20], $0x4000  }
0xa3: {  	[sflag:s20] =	ssyncset.done $0x0  }
0xa4: {  	[sflag:s20] =	ssyncadd.s32 $0xFFFFC000  }
0xa5: {  	[tilespmem:s21], [sflag:$0x2] =	stream.linear.gather [spmem:s11], $0x4000, $0x38;
	[tilespmem:$0x18180] =	vst v63  }
0xa6: {  	s23 =	sadd.s32 $0x1, s23;
	_ =	swait.ge [sflag:s20], $0x4000  }
0xa7: {  	p0 =	sne.s32 s23, s7;
	[sflag:s20] =	ssyncset.done $0x0  }
.Ltmp4:
0xa8: {  	[sflag:s20] =	ssyncadd.s32 $0xFFFFC000;
	(pc) =	sbr.rel @p0 .LBB2_1-.Ltmp4, $4  }
0xa9: {  	[hbm4b:s16+s4] =	stream.linear.scatter [tilespmem:s21], [sflag:$0x2], $0x4000, $0x38;
	[tilespmem:$0x18180] =	vst v63  }
0xaa: {  	_ =	swait.ge [sflag:s20], $0x4000  }
0xab: {  	[sflag:s20] =	ssyncset.done $0x0  }
0xac: {  	[sflag:s20] =	ssyncadd.s32 $0xFFFFC000  }
0xad: {  	_ =	sfence.sel $0x180000  }
0xae: {  	[bflag:$0x0] =	sbarrier.arrive $0xFFFF  }
0xaf: {  	_ =	strace $0x90000053  }
0xb0: {  	s0 =	stileid.u32;
	[bflag:$0x2] =	sbarrier.arrive $0xFFFF  }
0xb1: {  	p0 =	sne.s32 s0, $0x0;
	s0 =	rddreg [dreg:$0x3]  }
0xb2: {  	s0 =	sadd.s32 @!p0 $0x100000, s0  }
0xb3: {  	[sflag:s0] =	ssyncadd.tile.s32 @!p0 $0x1;
	_ =	shalt  }
.Lfunc_end2:
_tile_overlayer_lowered:
.L_overlay_start_2:
0xb4: {  	(tag) =	ssettag $0x2  }
0xb5: {  	s0 =	rddreg [dreg:$0x0];
	s2 =	stileid.u32  }
0xb6: {  	s1 =	rddreg [dreg:$0x1];
	p0 =	sne.s32 s2, $0x0  }
0xb7: {  	s3 =	rddreg [dreg:$0x2];
	[bflag:$0x3] =	sbarrier.arrive $0xFFFF;
	s2 =	simm.s32 @!p0 $0x1C02  }
0xb8: {  	[timem:s3], [sflag:s2] =	dma.local @!p0 [hbm:s0], s1  }
0xb9: {  	s0 =	simm.s32 @!p0 $0x2  }
0xba: {  	_ =	swait.ge @!p0 [sflag:s0], s1  }
0xbb: {  	s1 =	ssub.s32 @!p0 $0x0, s1;
	[sflag:s0] =	ssyncset.done @!p0 $0x0  }
0xbc: {  	[sflag:s0] =	ssyncadd.s32 @!p0 s1  }
0xbd: {  	[bflag:$0x3] =	sbarrier.arrive $0xFFFF  }
0xbe: {  	_ =	shalt  }

// kernel: kernel.32.cloned.1.call-start
scs
__scs_entry_jumppad:
0x0: {  	(pc) =	sbr.rel $0x88, $3  }
0x1: {  	(tag) =	ssettag $0x0;
	lr =	simm.s32 $0x1  }
0x2: {  	[smem:$0x3F91] =	sst lr;
	_ =	strace $0xD0000000  }
0x3: {  	_ = 	snop  }
0x4: {  	_ = 	snop  }
0x5: {  	_ = 	snop  }
0x6: {  	_ = 	snop  }
0x7: {  	_ = 	snop  }
__scs_overlays_trampoline_lowered:
0x8: {  	[smem:$0x3FA0] =	sst s0  }
0x9: {  	[smem:$0x3FA1] =	sst s1  }
0xa: {  	[smem:$0x3FA2] =	sst s2  }
0xb: {  	[smem:$0x3FA3] =	sst s3  }
0xc: {  	[smem:$0x3FA4] =	sst s4  }
0xd: {  	[smem:$0x3FA5] =	sst s5  }
0xe: {  	[smem:$0x3FA6] =	sst s6  }
0xf: {  	[smem:$0x3FA7] =	sst s7  }
0x10: {  	[smem:$0x3FA8] =	sst s8  }
0x11: {  	[smem:$0x3FA9] =	sst s9;
	s0 =	simm.s32 @!p0 $0x0  }
0x12: {  	s1 =	sld [smem:$0x3F8F];
	s0 =	simm.s32 @p0 $0x1  }
0x13: {  	[smem:$0x3FAA] =	sst s0;
	s0 =	simm.s32 @!p1 $0x0  }
0x14: {  	s2 =	sld [smem:$0x3F8E];
	s0 =	simm.s32 @p1 $0x1  }
0x15: {  	[smem:$0x3FAB] =	sst s0;
	s0 =	simm.s32 @!p2 $0x0  }
0x16: {  	s3 =	sld [smem:$0x3FDB];
	s0 =	simm.s32 @p2 $0x1  }
0x17: {  	s4 =	simm.s32 $0x1BF5;
	[smem:$0x3FAD] =	sst s0  }
0x18: {  	s0 =	sld [smem:$0x3F90];
	_ =	swait.ge [sflag:s4], $0x0  }
0x19: {  	s7 =	sld [smem:$0x3F91]  }
0x1a: {  	s8 =	sadd.s32 $0xFFFFE003, lr  }
0x1b: {  	s9 =	sadd.s32 $0xFFFFFEF7, lr;
	s5 =	simm.s32 $0xFFFFFFFF;
	p2 =	slt.u32 s8, $0xFFFFF086  }
0x1c: {  	p1 =	slt.u32 s9, $0xF7A;
	s5 =	simm.s32 @!p2 $0x0  }
0x1d: {  	s5 =	simm.s32 @p1 $0x1;
	p0 =	seq.s32 s7, s2  }
0x1e: {  	s7 =	smul.u32 @!p0 $0xF7A, s2;
	p2 =	seq.s32 @!p0 s5, $0x0  }
0x1f: {  	s9 =	smul.u32 $0xF7A, s1;
	s8 =	simm.s32 @!p0 $0x1BF5;
	p2 =	por !p2, p0  }
0x20: {  	[sflag:s8] =	ssyncset.s32 @!p0 $0xFFFFF086;
	s6 =	sadd.s32 @!p0 s3, s7;
	s7 =	simm.s32 @!p0 $0x108  }
0x21: {  	s3 =	sadd.s32 s3, s9;
	s6 =	sadd.s32 @!p0 $0x88, s6;
	s7 =	simm.s32 @p2 $0x1082  }
0x22: {  	[simem:s7], [sflag:s8] =	dma.local @!p0 [hbm:s6], $0xF7A  }
0x23: {  	s9 =	sor.u32 $0xD0000000, s2;
	s6 =	simm.s32 $0x108;
	_ =	swait.ge @!p0 [sflag:s8], $0x0  }
0x24: {  	s3 =	sadd.s32 $0x88, s3;
	s6 =	simm.s32 @!p1 $0x1082;
	[sflag:s4] =	ssyncset.s32 $0xFFFFF086  }
0x25: {  	[simem:s6], [sflag:s4] =	dma.local [hbm:s3], $0xF7A  }
0x26: {  	[smem:$0x3F91] =	sst s1;
	(tag) =	ssettag s2;
	_ =	strace s9  }
0x27: {  	s1 =	sld [smem:$0x3FA1]  }
0x28: {  	s2 =	sld [smem:$0x3FA2]  }
0x29: {  	s4 =	sld [smem:$0x3FA4]  }
0x2a: {  	p0 =	seq.s32 s5, $0x0;
	s5 =	sld [smem:$0x3FA5]  }
0x2b: {  	s6 =	sld [smem:$0x3FA6]  }
0x2c: {  	s7 =	sld [smem:$0x3FA7]  }
0x2d: {  	s3 =	simm.s32 $0x108;
	s8 =	sld [smem:$0x3FA8]  }
0x2e: {  	s3 =	simm.s32 @!p0 $0x1082;
	s9 =	sld [smem:$0x3FA9]  }
0x2f: {  	lr =	sadd.s32 s0, s3;
	s0 =	sld [smem:$0x3FA0]  }
0x30: {  	s3 =	sld [smem:$0x3FA3]  }
0x31: {  	[smem:$0x3FAC] =	sst s10  }
0x32: {  	s10 =	sld [smem:$0x3FAA];
	_ =	sdelay $0x3  }
0x33: {  	p0 =	seq.s32 s10, $0x1;
	s10 =	sld [smem:$0x3FAC];
	_ =	sdelay $0x3  }
0x34: {  	[smem:$0x3FAC] =	sst s10  }
0x35: {  	s10 =	sld [smem:$0x3FAB];
	_ =	sdelay $0x3  }
0x36: {  	p1 =	seq.s32 s10, $0x1;
	s10 =	sld [smem:$0x3FAC];
	_ =	sdelay $0x3  }
0x37: {  	[smem:$0x3FAC] =	sst s10  }
0x38: {  	s10 =	sld [smem:$0x3FAD]  }
0x39: {  	_ = 	snop;
	(pc) =	sbr.ind lr, $3  }
0x3a: {  	_ = 	snop  }
0x3b: {  	_ = 	snop  }
0x3c: {  	p2 =	seq.s32 s10, $0x1;
	s10 =	sld [smem:$0x3FAC]  }
0x3d: {  	_ =	shalt  }
0x3e: {  	_ =	shalt  }
0x3f: {  	_ =	shalt  }
0x40: {  	_ =	shalt  }
0x41: {  	_ =	shalt  }
0x42: {  	_ =	shalt  }
0x43: {  	_ =	shalt  }
0x44: {  	_ =	shalt  }
0x45: {  	_ =	shalt  }
0x46: {  	_ =	shalt  }
0x47: {  	_ =	shalt  }
0x48: {  	_ =	shalt  }
0x49: {  	_ =	shalt  }
0x4a: {  	_ =	shalt  }
0x4b: {  	_ =	shalt  }
0x4c: {  	_ =	shalt  }
0x4d: {  	_ =	shalt  }
0x4e: {  	_ =	shalt  }
0x4f: {  	_ =	shalt  }
0x50: {  	_ =	shalt  }
0x51: {  	_ =	shalt  }
0x52: {  	_ =	shalt  }
0x53: {  	_ =	shalt  }
0x54: {  	_ =	shalt  }
0x55: {  	_ =	shalt  }
0x56: {  	_ =	shalt  }
0x57: {  	_ =	shalt  }
0x58: {  	_ =	shalt  }
0x59: {  	_ =	shalt  }
0x5a: {  	_ =	shalt  }
0x5b: {  	_ =	shalt  }
0x5c: {  	_ =	shalt  }
0x5d: {  	_ =	shalt  }
0x5e: {  	_ =	shalt  }
0x5f: {  	_ =	shalt  }
0x60: {  	_ =	shalt  }
0x61: {  	_ =	shalt  }
0x62: {  	_ =	shalt  }
0x63: {  	_ =	shalt  }
0x64: {  	_ =	shalt  }
0x65: {  	_ =	shalt  }
0x66: {  	_ =	shalt  }
0x67: {  	_ =	shalt  }
0x68: {  	_ =	shalt  }
0x69: {  	_ =	shalt  }
0x6a: {  	_ =	shalt  }
0x6b: {  	_ =	shalt  }
0x6c: {  	_ =	shalt  }
0x6d: {  	_ =	shalt  }
0x6e: {  	_ =	shalt  }
0x6f: {  	_ =	shalt  }
0x70: {  	_ =	shalt  }
0x71: {  	_ =	shalt  }
0x72: {  	_ =	shalt  }
0x73: {  	_ =	shalt  }
0x74: {  	_ =	shalt  }
0x75: {  	_ =	shalt  }
0x76: {  	_ =	shalt  }
0x77: {  	_ =	shalt  }
0x78: {  	_ =	shalt  }
0x79: {  	_ =	shalt  }
0x7a: {  	_ =	shalt  }
0x7b: {  	_ =	shalt  }
0x7c: {  	_ =	shalt  }
0x7d: {  	_ =	shalt  }
0x7e: {  	_ =	shalt  }
0x7f: {  	_ =	shalt  }
0x80: {  	_ =	shalt  }
0x81: {  	_ =	shalt  }
0x82: {  	_ =	shalt  }
0x83: {  	_ =	shalt  }
0x84: {  	_ =	shalt  }
0x85: {  	_ =	shalt  }
0x86: {  	_ =	shalt  }
0x87: {  	_ =	shalt  }
.Lfunc_end0:
.L_simem_size_0:
called_computation.5_lowered:
.L_overlay_start_0:
0x88: {  	s2 =	sld [smem:$0x3FD9]  }
0x89: {  	s3 =	sld [smem:$0x3FFE];
	_ =	sdelay $0x1  }
0x8a: {  	s1 =	srdreg.scid  }
0x8b: {  	s0 =	sand.u32 $0x1, s1  }
0x8c: {  	s17 =	sshll.u32 s0, $0xA;
	s2 =	sadd.s32 s3, s2  }
0x8d: {  	s2 =	sadd.s32 s2, s17  }
0x8e: {  	[smem:$0x3FB8] =	sst s2  }
0x8f: {  	_ = 	snop  }
0x90: {  	s2 =	sld [smem:$0x3FD0];
	(tm) =	ssettm $0x1  }
0x91: {  	s18 =	sld [smem:$0x3FFB];
	_ =	sdelay $0x3  }
0x92: {  	_ =	strace s18  }
0x93: {  	s3 =	sld [smem:$0x3FFC];
	_ =	sdelay $0x3  }
0x94: {  	_ =	strace s3  }
0x95: {  	s3 =	sld [smem:$0x3FFD];
	_ =	sdelay $0x3  }
0x96: {  	_ =	strace s3  }
0x97: {  	_ =	strace $0x8FFFFFFF  }
0x98: {  	s19 =	sld [smem:$0x3FDB];
	_ =	sdelay $0x1  }
0x99: {  	s4 =	simm.s32 $_scs_section_size  }
0x9a: {  	s5 =	simm.s32 $_size__tile_overlayer_lowered;
	s6 =	simm.s32 $_tile_overlayer_lowered  }
0x9b: {  	s22 =	simm.s32 $0x1BFF;
	s21 =	sshll.u32 s6, $0x1;
	s3 =	sadd.s32 s4, s19  }
0x9c: {  	s7 =	simm.s32 $0x0;
	s20 =	sshll.u32 s5, $0x1;
	s5 =	sadd.s32 s21, s3  }
0x9d: {  	[timem:s7], [sflag:s22] =	dma.local [hbm:s5], s20  }
0x9e: {  	_ =	swait.ge [sflag:s22], s20  }
0x9f: {  	s4 =	ssub.s32 $0x0, s20;
	[sflag:s22] =	ssyncset.done $0x0  }
0xa0: {  	[sflag:s22] =	ssyncadd.s32 s4;
	_ =	sdelay $0x1  }
0xa1: {  	s23 =	simm.s32 $0x1B8B  }
0xa2: {  	_ =	swait.ge [sflag:s23], $0x1  }
0xa3: {  	[sflag:s23] =	ssyncset.done $0x0  }
0xa4: {  	s25 =	simm.s32 $0x1B8E;
	s24 =	sld [smem:$0x3FFE];
	[sflag:s23] =	ssyncadd.s32 $0xFFFFFFFF  }
0xa5: {  	s26 =	simm.s32 $execute0_lowered;
	[smem:$0x3FD2] =	sst s25  }
0xa6: {  	s5 =	sshll.u32 s26, $0x1;
	_ =	strace $0x80000055;
	[dreg:$0x1] =	wrdreg $0xFFFFFFFF  }
0xa7: {  	s28 =	simm.s32 $_size_execute0_lowered;
	s3 =	sadd.s32 s3, s5;
	[dreg:$0x0] =	wrdreg $0x0  }
0xa8: {  	s5 =	sshll.u32 s28, $0x1;
	[dreg:$0x2] =	wrdreg s3  }
0xa9: {  	[dreg:$0x3] =	wrdreg s5  }
0xaa: {  	[dreg:$0x4] =	wrdreg $0xC0  }
0xab: {  	_ =	task [dreg:s7], $0x5FFFF  }
0xac: {  	[dreg:$0x1] =	wrdreg $0xFFFFFFFF  }
0xad: {  	[dreg:$0x0] =	wrdreg $0x60  }
0xae: {  	[dreg:$0x2] =	wrdreg s24  }
0xaf: {  	[dreg:$0x3] =	wrdreg s2  }
0xb0: {  	[dreg:$0x4] =	wrdreg $0x41000  }
0xb1: {  	[dreg:$0x5] =	wrdreg $0x9  }
0xb2: {  	_ =	task.clear_ibuf [dreg:s7], $0x6FFFF;
	_ =	strace $0x90000055  }
0xb3: {  	s29 =	simm.s32 $0x9;
	_ =	strace $0x80000057  }
0xb4: {  	_ =	swait.ge [sflag:s29], $0x1  }
0xb5: {  	[sflag:s29] =	ssyncadd.s32 $0xFFFFFFFF  }
0xb6: {  	_ =	strace $0x90000057  }
0xb7: {  	_ =	sfence  }
0xb8: {  	s30 =	sld [smem:$0x0];
	_ =	sdelay $0x2  }
0xb9: {  	s31 =	sshll.u32 s1, $0xD;
	s1 =	sshrl.u32 s1, $0x2  }
0xba: {  	s3 =	sand.u32 $0x4000, s31;
	s1 =	sadd.s32 s1, s30  }
0xbb: {  	s0 =	sor.u32 s3, s0;
	s1 =	sshll.u32 s1, $0x11  }
0xbc: {  	s0 =	sor.u32 s1, s0  }
0xbd: {  	s0 =	sadd.s32 $0x8F2B, s0  }
0xbe: {  	[sflag:s0] =	ssyncadd.remote.s32 $0x1  }
0xbf: {  	_ =	sfence.sel $0xFFFF  }
0xc0: {  	[dreg:$0x0] =	wrdreg $0xFFFFFFFF;
	(pc) =	sbr.abs _section_cstart, $3  }
0xc1: {  	[dreg:$0x1] =	wrdreg $0xFFFFFFFF  }
0xc2: {  	_ =	task.clear_ibuf [dreg:s7], $0x2FFFF;
	_ =	strace $0x9FFFFFFF  }
0xc3: {  	(tm) =	ssettm $0x7FFFFFFF  }
tec
execute0_lowered:
.L_overlay_start_1:
0x0: {  	(tag) =	ssettag $0x1  }
0x1: {  	s6 =	rddreg [dreg:$0x0]  }
0x2: {  	s2 =	rddreg [dreg:$0x1]  }
0x3: {  	s3 =	rddreg [dreg:$0x2]  }
0x4: {  	s0 =	stileid.u32;
	s4 =	simm.s32 $0x0;
	s5 =	srdreg.scid  }
0x5: {  	s19 =	simm.s32 $0x18100;
	s20 =	simm.s32 $0x2;
	s7 =	smul.u32 $0xA00, s0  }
0x6: {  	s21 =	simm.s32 $0x100;
	s22 =	simm.s32 $0x80;
	s8 =	smul.u32 $0x280, s0  }
0x7: {  	s23 =	simm.s32 $0x0;
	s10 =	sand.u32 $0x1, s5;
	s12 =	smul.u32 $0x50000, s0  }
0x8: {  	[smem:$0x7FF] =	sst s4;
	s5 =	sadd.s32 $0x19400, s6;
	s9 =	smul.u32 $0x2800, s10  }
0x9: {  	_ =	strace $0x80000056;
	s11 =	ssub.s32 $0x2, s10;
	s17 =	smul.u32 $0x500, s10  }
0xa: {  	s15 =	sadd.s32 s7, s6;
	s30 =	sshrl.u32 s11, $0x1;
	s31 =	sshrl.u32 s12, $0x2  }
0xb: {  	s29 =	sadd.s32 s8, s9;
	s8 =	ssub.s32 s11, s30;
	s18 =	sadd.s32 s17, s15  }
0xc: {  	s7 =	sshll.u32 s29, $0x4;
	s17 =	sadd.s32 $0xF400, s18;
	s18 =	sadd.s32 $0x5400, s18  }
0xd: {  	s16 =	sadd.s32 s7, s6;
	s6 =	sadd.s32 s31, s3;
	s7 =	smax.u32 s8, $0x1  }
0xe: {  	s8 =	sadd.s32 $0x4000, s6;
	s9 =	sadd.s32 $0x8000, s6;
	s10 =	sadd.s32 $0xC000, s6  }
0xf: {  	s11 =	sadd.s32 $0x10000, s6;
	s12 =	sadd.s32 $0x41400, s16;
	s13 =	sadd.s32 $0x41C00, s16  }
0x10: {  	v0 =	vimm.f32 $0.0e+00;
	v1 =	vimm.f32 $1.000000000e+00;
	s14 =	sadd.s32 $0x42400, s16;
	s15 =	sadd.s32 $0x42C00, s16;
	s16 =	sadd.s32 $0x43400, s16  }
.LBB2_1:
0x11: {  	[tilespmem:s19], [sflag:$0x2] =	stream.linear.gather [hbm4b:s2+s4], $0x80, $0x38;
	[tilespmem:$0x18180] =	vst v63  }
0x12: {  	_ =	swait.ge [sflag:s20], $0x80  }
0x13: {  	[sflag:s20] =	ssyncset.done $0x0  }
0x14: {  	[sflag:s20] =	ssyncadd.s32 $0xFFFFFF80  }
0x15: {  	s24 =	simm.s32 $0x0;
	s25 =	simm.s32 $0x200;
	v2 =	vld [tilespmem:$0x18100]  }
.LBB2_2:
0x16: {  	p0 =	sne.s32 s25, $0xFE00;
	[tilespmem:s24+$0x170] =	vst v0  }
0x17: {  	[tilespmem:s24+$0x100] =	vst v0  }
0x18: {  	[tilespmem:s24+$0x110] =	vst v0  }
.Ltmp0:
0x19: {  	[tilespmem:s24+$0x120] =	vst v0;
	(pc) =	sbr.rel @p0 .LBB2_2-.Ltmp0, $4  }
0x1a: {  	[tilespmem:s24+$0x130] =	vst v0  }
0x1b: {  	[tilespmem:s24+$0x140] =	vst v0  }
0x1c: {  	[tilespmem:s24+$0x150] =	vst v0  }
0x1d: {  	[tilespmem:s24+$0x160] =	vst v0;
	s24 =	sshra.s32 s25, $0x2;
	s25 =	sadd.s32 $0x200, s25  }
0x1e: {  	[tilespmem:s24+$0x170] =	vst v0  }
0x1f: {  	[tilespmem:s24+$0x100] =	vst v0  }
0x20: {  	[tilespmem:s24+$0x110] =	vst v0  }
0x21: {  	[tilespmem:s24+$0x120] =	vst v0  }
0x22: {  	[tilespmem:s24+$0x130] =	vst v0  }
0x23: {  	[tilespmem:s24+$0x140] =	vst v0  }
0x24: {  	[tilespmem:s24+$0x150] =	vst v0  }
0x25: {  	[tilespmem:s24+$0x160] =	vst v0  }
0x26: {  	[spmem:s6] =	stream.linear.scatter [tilespmem:s21], [sflag:$0x2], $0x4000, $0x38;
	[tilespmem:$0x18180] =	vst v63  }
0x27: {  	_ =	swait.ge [sflag:s20], $0x4000  }
0x28: {  	[sflag:s20] =	ssyncset.done $0x0  }
0x29: {  	[sflag:s20] =	ssyncadd.s32 $0xFFFFC000  }
0x2a: {  	[spmem:s8] =	stream.linear.scatter [tilespmem:s21], [sflag:$0x2], $0x4000, $0x38;
	[tilespmem:$0x18180] =	vst v63  }
0x2b: {  	_ =	swait.ge [sflag:s20], $0x4000  }
0x2c: {  	[sflag:s20] =	ssyncset.done $0x0  }
0x2d: {  	[sflag:s20] =	ssyncadd.s32 $0xFFFFC000  }
0x2e: {  	[spmem:s9] =	stream.linear.scatter [tilespmem:s21], [sflag:$0x2], $0x4000, $0x38;
	[tilespmem:$0x18180] =	vst v63  }
0x2f: {  	_ =	swait.ge [sflag:s20], $0x4000  }
0x30: {  	[sflag:s20] =	ssyncset.done $0x0  }
0x31: {  	[sflag:s20] =	ssyncadd.s32 $0xFFFFC000  }
0x32: {  	[spmem:s10] =	stream.linear.scatter [tilespmem:s21], [sflag:$0x2], $0x4000, $0x38;
	[tilespmem:$0x18180] =	vst v63  }
0x33: {  	_ =	swait.ge [sflag:s20], $0x4000  }
0x34: {  	[sflag:s20] =	ssyncset.done $0x0  }
0x35: {  	[sflag:s20] =	ssyncadd.s32 $0xFFFFC000  }
0x36: {  	[spmem:s11] =	stream.linear.scatter [tilespmem:s21], [sflag:$0x2], $0x4000, $0x38;
	[tilespmem:$0x18180] =	vst v63  }
0x37: {  	v2 =	vxor.u32 $0x80000000, v2;
	_ =	swait.ge [sflag:s20], $0x4000  }
0x38: {  	(xrf0) =	vmax.scan.msk.u32 $0xffff, v2;
	_ =	sdelay $0x5  }
0x39: {  	v2, _, _ =	vpop (xrf0)  }
0x3a: {  	(v2sf) =	vpush v2, $0xF;
	_ =	sdelay $0xe  }
0x3b: {  	s24 =	spop (v2sf)  }
0x3c: {  	p0 =	sne.s32 s24, $0x80000001  }
.Ltmp1:
0x3d: {  	_ = 	snop;
	(pc) =	sbr.rel @p0 .LBB2_7-.Ltmp1, $3  }
0x3e: {  	_ =	sdelay $0x1  }
0x3f: {  	[sflag:s20] =	ssyncset.done $0x0  }
0x40: {  	s26 =	simm.s32 $0x0;
	[sflag:s20] =	ssyncadd.s32 $0xFFFFC000  }
0x41: {  	s25 =	sshra.s32 s26, $0x2;
	s26 =	sadd.s32 $0x200, s26  }
.LBB2_5:
0x42: {  	p0 =	sne.s32 s26, $0xFE00;
	[tilespmem:s25+$0x170] =	vst v1  }
0x43: {  	[tilespmem:s25+$0x100] =	vst v1  }
0x44: {  	[tilespmem:s25+$0x110] =	vst v1  }
.Ltmp2:
0x45: {  	[tilespmem:s25+$0x120] =	vst v1;
	(pc) =	sbr.rel @p0 .LBB2_5-.Ltmp2, $4  }
0x46: {  	[tilespmem:s25+$0x130] =	vst v1  }
0x47: {  	[tilespmem:s25+$0x140] =	vst v1  }
0x48: {  	[tilespmem:s25+$0x150] =	vst v1  }
0x49: {  	[tilespmem:s25+$0x160] =	vst v1;
	s25 =	sshra.s32 s26, $0x2;
	s26 =	sadd.s32 $0x200, s26  }
0x4a: {  	[tilespmem:s25+$0x170] =	vst v1  }
0x4b: {  	[tilespmem:s25+$0x100] =	vst v1  }
0x4c: {  	[tilespmem:s25+$0x110] =	vst v1  }
0x4d: {  	[tilespmem:s25+$0x120] =	vst v1  }
0x4e: {  	[tilespmem:s25+$0x130] =	vst v1  }
0x4f: {  	[tilespmem:s25+$0x140] =	vst v1  }
0x50: {  	[tilespmem:s25+$0x150] =	vst v1  }
0x51: {  	[tilespmem:s25+$0x160] =	vst v1  }
.LBB2_7:
0x52: {  	[bflag:$0x0] =	sbarrier.arrive $0xFFFF;
	s25 =	sadd.s32 $0x0, s18  }
0x53: {  	[tilespmem:s22], [sflag:$0x2] =	stream.linear.gather [hbm4b:s25+s4], $0x80, $0x38;
	[tilespmem:$0x18180] =	vst v63  }
0x54: {  	p0 =	seq.s32 s24, $0x80000001;
	_ =	swait.ge [sflag:s20], $0x80  }
0x55: {  	s24 =	simm.s32 @!p0 $0x2;
	[sflag:s20] =	ssyncset.done $0x0  }
0x56: {  	s26 =	sadd.s32 @!p0 $0x0, s17;
	s25 =	simm.s32 @!p0 $0x0;
	[sflag:s20] =	ssyncadd.s32 $0xFFFFFF80  }
0x57: {  	[tilespmem:s25], [sflag:$0x2] =	stream.linear.gather @!p0 [hbm4b:s26+s25], $0x80, $0x38;
	[tilespmem:$0x18180] =	vst v63  }
0x58: {  	_ =	swait.ge @!p0 [sflag:s24], $0x80  }
0x59: {  	s28 =	simm.s32 @!p0 $0x80;
	[sflag:s24] =	ssyncset.done @!p0 $0x0  }
0x5a: {  	s29 =	simm.s32 @!p0 $0x100;
	s26 =	simm.s32 @!p0 $0x1;
	[sflag:s24] =	ssyncadd.s32 @!p0 $0xFFFFFF80  }
0x5b: {  	[tilespmem:s29], [sflag:$0x1] =	stream.indirect.gather @!p0 [hbm4b:s5+s28], $0x80, s25, s28, $0xb8;
	[tilespmem:$0x18180] =	vst v63  }
0x5c: {  	_ =	swait.ge @!p0 [sflag:s26], $0x4000  }
0x5d: {  	[sflag:s26] =	ssyncset.done @!p0 $0x0  }
0x5e: {  	[sflag:s26] =	ssyncadd.s32 @!p0 $0xFFFFC000  }
0x5f: {  	[spmem:s3] =	stream.indirect.scatter.add.f32 [tilespmem:s21], [sflag:$0x2], $0x80, s22, s22, $0xb8;
	[tilespmem:$0x18180] =	vst v63  }
0x60: {  	_ =	swait.ge [sflag:s20], $0x4000  }
0x61: {  	s30 =	simm.s32 $0x10;
	s31 =	simm.s32 $0x20;
	[sflag:s20] =	ssyncset.done $0x0  }
.LBB2_8:
0x62: {  	s0 =	sadd.s32 s30, s18  }
0x63: {  	[sflag:s20] =	ssyncadd.s32 $0xFFFFC000;
	s1 =	smov.u32 s31;
	s31 =	sadd.s32 $0x10, s31  }
0x64: {  	[tilespmem:s22], [sflag:$0x2] =	stream.linear.gather [hbm4b:s0+s4], $0x80, $0x38;
	[tilespmem:$0x18180] =	vst v63  }
0x65: {  	p1 =	sne.s32 s31, $0x500;
	_ =	swait.ge [sflag:s20], $0x80  }
0x66: {  	[sflag:s20] =	ssyncset.done $0x0  }
0x67: {  	s0 =	sadd.s32 @!p0 s30, s17;
	[sflag:s20] =	ssyncadd.s32 $0xFFFFFF80  }
0x68: {  	[tilespmem:s25], [sflag:$0x2] =	stream.linear.gather @!p0 [hbm4b:s0+s25], $0x80, $0x38;
	[tilespmem:$0x18180] =	vst v63  }
0x69: {  	s30 =	smov.u32 s1;
	_ =	swait.ge @!p0 [sflag:s24], $0x80  }
0x6a: {  	[sflag:s24] =	ssyncset.done @!p0 $0x0  }
0x6b: {  	[sflag:s24] =	ssyncadd.s32 @!p0 $0xFFFFFF80  }
0x6c: {  	[tilespmem:s29], [sflag:$0x1] =	stream.indirect.gather @!p0 [hbm4b:s5+s28], $0x80, s25, s28, $0xb8;
	[tilespmem:$0x18180] =	vst v63  }
0x6d: {  	_ =	swait.ge @!p0 [sflag:s26], $0x4000  }
.Ltmp3:
0x6e: {  	[sflag:s26] =	ssyncset.done @!p0 $0x0;
	(pc) =	sbr.rel @p1 .LBB2_8-.Ltmp3, $4  }
0x6f: {  	[sflag:s26] =	ssyncadd.s32 @!p0 $0xFFFFC000  }
0x70: {  	[spmem:s3] =	stream.indirect.scatter.add.f32 [tilespmem:s21], [sflag:$0x2], $0x80, s22, s22, $0xb8;
	[tilespmem:$0x18180] =	vst v63  }
0x71: {  	_ =	swait.ge [sflag:s20], $0x4000  }
0x72: {  	[sflag:s20] =	ssyncset.done $0x0  }
0x73: {  	s0 =	sadd.s32 s30, s18;
	[sflag:s20] =	ssyncadd.s32 $0xFFFFC000  }
0x74: {  	[tilespmem:s22], [sflag:$0x2] =	stream.linear.gather [hbm4b:s0+s4], $0x80, $0x38;
	[tilespmem:$0x18180] =	vst v63  }
0x75: {  	_ =	swait.ge [sflag:s20], $0x80  }
0x76: {  	s1 =	sadd.s32 @!p0 s30, s17;
	[sflag:s20] =	ssyncset.done $0x0  }
0x77: {  	s24 =	simm.s32 @!p0 $0x0;
	s0 =	simm.s32 @!p0 $0x2;
	[sflag:s20] =	ssyncadd.s32 $0xFFFFFF80  }
0x78: {  	[tilespmem:s24], [sflag:$0x2] =	stream.linear.gather @!p0 [hbm4b:s1+s24], $0x80, $0x38;
	[tilespmem:$0x18180] =	vst v63  }
0x79: {  	_ =	swait.ge @!p0 [sflag:s0], $0x80  }
0x7a: {  	s25 =	simm.s32 @!p0 $0x100;
	[sflag:s0] =	ssyncset.done @!p0 $0x0  }
0x7b: {  	s1 =	simm.s32 @!p0 $0x1;
	[sflag:s0] =	ssyncadd.s32 @!p0 $0xFFFFFF80;
	s0 =	simm.s32 @!p0 $0x80  }
0x7c: {  	[tilespmem:s25], [sflag:$0x1] =	stream.indirect.gather @!p0 [hbm4b:s5+s0], $0x80, s24, s0, $0xb8;
	[tilespmem:$0x18180] =	vst v63  }
0x7d: {  	_ =	swait.ge @!p0 [sflag:s1], $0x4000  }
0x7e: {  	[sflag:s1] =	ssyncset.done @!p0 $0x0  }
0x7f: {  	[sflag:s1] =	ssyncadd.s32 @!p0 $0xFFFFC000  }
0x80: {  	[spmem:s3] =	stream.indirect.scatter.add.f32 [tilespmem:s21], [sflag:$0x2], $0x80, s22, s22, $0xb8;
	[tilespmem:$0x18180] =	vst v63  }
0x81: {  	_ =	swait.ge [sflag:s20], $0x4000  }
0x82: {  	[sflag:s20] =	ssyncset.done $0x0  }
0x83: {  	[sflag:s20] =	ssyncadd.s32 $0xFFFFC000  }
0x84: {  	[bflag:$0x0] =	sbarrier.arrive $0xFFFF  }
0x85: {  	[tilespmem:s21], [sflag:$0x2] =	stream.linear.gather [spmem:s6], $0x4000, $0x38;
	[tilespmem:$0x18180] =	vst v63  }
0x86: {  	_ =	swait.ge [sflag:s20], $0x4000  }
0x87: {  	[sflag:s20] =	ssyncset.done $0x0  }
0x88: {  	[sflag:s20] =	ssyncadd.s32 $0xFFFFC000  }
0x89: {  	[hbm4b:s12+s4] =	stream.linear.scatter [tilespmem:s21], [sflag:$0x2], $0x4000, $0x38;
	[tilespmem:$0x18180] =	vst v63  }
0x8a: {  	_ =	swait.ge [sflag:s20], $0x4000  }
0x8b: {  	[sflag:s20] =	ssyncset.done $0x0  }
0x8c: {  	[sflag:s20] =	ssyncadd.s32 $0xFFFFC000  }
0x8d: {  	[tilespmem:s21], [sflag:$0x2] =	stream.linear.gather [spmem:s8], $0x4000, $0x38;
	[tilespmem:$0x18180] =	vst v63  }
0x8e: {  	_ =	swait.ge [sflag:s20], $0x4000  }
0x8f: {  	[sflag:s20] =	ssyncset.done $0x0  }
0x90: {  	[sflag:s20] =	ssyncadd.s32 $0xFFFFC000  }
0x91: {  	[hbm4b:s13+s4] =	stream.linear.scatter [tilespmem:s21], [sflag:$0x2], $0x4000, $0x38;
	[tilespmem:$0x18180] =	vst v63  }
0x92: {  	_ =	swait.ge [sflag:s20], $0x4000  }
0x93: {  	[sflag:s20] =	ssyncset.done $0x0  }
0x94: {  	[sflag:s20] =	ssyncadd.s32 $0xFFFFC000  }
0x95: {  	[tilespmem:s21], [sflag:$0x2] =	stream.linear.gather [spmem:s9], $0x4000, $0x38;
	[tilespmem:$0x18180] =	vst v63  }
0x96: {  	_ =	swait.ge [sflag:s20], $0x4000  }
0x97: {  	[sflag:s20] =	ssyncset.done $0x0  }
0x98: {  	[sflag:s20] =	ssyncadd.s32 $0xFFFFC000  }
0x99: {  	[hbm4b:s14+s4] =	stream.linear.scatter [tilespmem:s21], [sflag:$0x2], $0x4000, $0x38;
	[tilespmem:$0x18180] =	vst v63  }
0x9a: {  	_ =	swait.ge [sflag:s20], $0x4000  }
0x9b: {  	[sflag:s20] =	ssyncset.done $0x0  }
0x9c: {  	[sflag:s20] =	ssyncadd.s32 $0xFFFFC000  }
0x9d: {  	[tilespmem:s21], [sflag:$0x2] =	stream.linear.gather [spmem:s10], $0x4000, $0x38;
	[tilespmem:$0x18180] =	vst v63  }
0x9e: {  	_ =	swait.ge [sflag:s20], $0x4000  }
0x9f: {  	[sflag:s20] =	ssyncset.done $0x0  }
0xa0: {  	[sflag:s20] =	ssyncadd.s32 $0xFFFFC000  }
0xa1: {  	[hbm4b:s15+s4] =	stream.linear.scatter [tilespmem:s21], [sflag:$0x2], $0x4000, $0x38;
	[tilespmem:$0x18180] =	vst v63  }
0xa2: {  	_ =	swait.ge [sflag:s20], $0x4000  }
0xa3: {  	[sflag:s20] =	ssyncset.done $0x0  }
0xa4: {  	[sflag:s20] =	ssyncadd.s32 $0xFFFFC000  }
0xa5: {  	[tilespmem:s21], [sflag:$0x2] =	stream.linear.gather [spmem:s11], $0x4000, $0x38;
	[tilespmem:$0x18180] =	vst v63  }
0xa6: {  	s23 =	sadd.s32 $0x1, s23;
	_ =	swait.ge [sflag:s20], $0x4000  }
0xa7: {  	p0 =	sne.s32 s23, s7;
	[sflag:s20] =	ssyncset.done $0x0  }
.Ltmp4:
0xa8: {  	[sflag:s20] =	ssyncadd.s32 $0xFFFFC000;
	(pc) =	sbr.rel @p0 .LBB2_1-.Ltmp4, $4  }
0xa9: {  	[hbm4b:s16+s4] =	stream.linear.scatter [tilespmem:s21], [sflag:$0x2], $0x4000, $0x38;
	[tilespmem:$0x18180] =	vst v63  }
0xaa: {  	_ =	swait.ge [sflag:s20], $0x4000  }
0xab: {  	[sflag:s20] =	ssyncset.done $0x0  }
0xac: {  	[sflag:s20] =	ssyncadd.s32 $0xFFFFC000  }
0xad: {  	_ =	sfence.sel $0x180000  }
0xae: {  	[bflag:$0x0] =	sbarrier.arrive $0xFFFF  }
0xaf: {  	_ =	strace $0x90000056  }
0xb0: {  	s0 =	stileid.u32;
	[bflag:$0x2] =	sbarrier.arrive $0xFFFF  }
0xb1: {  	p0 =	sne.s32 s0, $0x0;
	s0 =	rddreg [dreg:$0x3]  }
0xb2: {  	s0 =	sadd.s32 @!p0 $0x100000, s0  }
0xb3: {  	[sflag:s0] =	ssyncadd.tile.s32 @!p0 $0x1;
	_ =	shalt  }
.Lfunc_end2:
_tile_overlayer_lowered:
.L_overlay_start_2:
0xb4: {  	(tag) =	ssettag $0x2  }
0xb5: {  	s0 =	rddreg [dreg:$0x0];
	s2 =	stileid.u32  }
0xb6: {  	s1 =	rddreg [dreg:$0x1];
	p0 =	sne.s32 s2, $0x0  }
0xb7: {  	s3 =	rddreg [dreg:$0x2];
	[bflag:$0x3] =	sbarrier.arrive $0xFFFF;
	s2 =	simm.s32 @!p0 $0x1C02  }
0xb8: {  	[timem:s3], [sflag:s2] =	dma.local @!p0 [hbm:s0], s1  }
0xb9: {  	s0 =	simm.s32 @!p0 $0x2  }
0xba: {  	_ =	swait.ge @!p0 [sflag:s0], s1  }
0xbb: {  	s1 =	ssub.s32 @!p0 $0x0, s1;
	[sflag:s0] =	ssyncset.done @!p0 $0x0  }
0xbc: {  	[sflag:s0] =	ssyncadd.s32 @!p0 s1  }
0xbd: {  	[bflag:$0x3] =	sbarrier.arrive $0xFFFF  }
0xbe: {  	_ =	shalt  }

// kernel: kernel.35.cloned.1.call-start
scs
__scs_entry_jumppad:
0x0: {  	(pc) =	sbr.rel $0x88, $3  }
0x1: {  	(tag) =	ssettag $0x0;
	lr =	simm.s32 $0x1  }
0x2: {  	[smem:$0x3F91] =	sst lr;
	_ =	strace $0xD0000000  }
0x3: {  	_ = 	snop  }
0x4: {  	_ = 	snop  }
0x5: {  	_ = 	snop  }
0x6: {  	_ = 	snop  }
0x7: {  	_ = 	snop  }
__scs_overlays_trampoline_lowered:
0x8: {  	[smem:$0x3FA0] =	sst s0  }
0x9: {  	[smem:$0x3FA1] =	sst s1  }
0xa: {  	[smem:$0x3FA2] =	sst s2  }
0xb: {  	[smem:$0x3FA3] =	sst s3  }
0xc: {  	[smem:$0x3FA4] =	sst s4  }
0xd: {  	[smem:$0x3FA5] =	sst s5  }
0xe: {  	[smem:$0x3FA6] =	sst s6  }
0xf: {  	[smem:$0x3FA7] =	sst s7  }
0x10: {  	[smem:$0x3FA8] =	sst s8  }
0x11: {  	[smem:$0x3FA9] =	sst s9;
	s0 =	simm.s32 @!p0 $0x0  }
0x12: {  	s1 =	sld [smem:$0x3F8F];
	s0 =	simm.s32 @p0 $0x1  }
0x13: {  	[smem:$0x3FAA] =	sst s0;
	s0 =	simm.s32 @!p1 $0x0  }
0x14: {  	s2 =	sld [smem:$0x3F8E];
	s0 =	simm.s32 @p1 $0x1  }
0x15: {  	[smem:$0x3FAB] =	sst s0;
	s0 =	simm.s32 @!p2 $0x0  }
0x16: {  	s3 =	sld [smem:$0x3FDB];
	s0 =	simm.s32 @p2 $0x1  }
0x17: {  	s4 =	simm.s32 $0x1BF5;
	[smem:$0x3FAD] =	sst s0  }
0x18: {  	s0 =	sld [smem:$0x3F90];
	_ =	swait.ge [sflag:s4], $0x0  }
0x19: {  	s7 =	sld [smem:$0x3F91]  }
0x1a: {  	s8 =	sadd.s32 $0xFFFFE003, lr  }
0x1b: {  	s9 =	sadd.s32 $0xFFFFFEF7, lr;
	s5 =	simm.s32 $0xFFFFFFFF;
	p2 =	slt.u32 s8, $0xFFFFF086  }
0x1c: {  	p1 =	slt.u32 s9, $0xF7A;
	s5 =	simm.s32 @!p2 $0x0  }
0x1d: {  	s5 =	simm.s32 @p1 $0x1;
	p0 =	seq.s32 s7, s2  }
0x1e: {  	s7 =	smul.u32 @!p0 $0xF7A, s2;
	p2 =	seq.s32 @!p0 s5, $0x0  }
0x1f: {  	s9 =	smul.u32 $0xF7A, s1;
	s8 =	simm.s32 @!p0 $0x1BF5;
	p2 =	por !p2, p0  }
0x20: {  	[sflag:s8] =	ssyncset.s32 @!p0 $0xFFFFF086;
	s6 =	sadd.s32 @!p0 s3, s7;
	s7 =	simm.s32 @!p0 $0x108  }
0x21: {  	s3 =	sadd.s32 s3, s9;
	s6 =	sadd.s32 @!p0 $0x88, s6;
	s7 =	simm.s32 @p2 $0x1082  }
0x22: {  	[simem:s7], [sflag:s8] =	dma.local @!p0 [hbm:s6], $0xF7A  }
0x23: {  	s9 =	sor.u32 $0xD0000000, s2;
	s6 =	simm.s32 $0x108;
	_ =	swait.ge @!p0 [sflag:s8], $0x0  }
0x24: {  	s3 =	sadd.s32 $0x88, s3;
	s6 =	simm.s32 @!p1 $0x1082;
	[sflag:s4] =	ssyncset.s32 $0xFFFFF086  }
0x25: {  	[simem:s6], [sflag:s4] =	dma.local [hbm:s3], $0xF7A  }
0x26: {  	[smem:$0x3F91] =	sst s1;
	(tag) =	ssettag s2;
	_ =	strace s9  }
0x27: {  	s1 =	sld [smem:$0x3FA1]  }
0x28: {  	s2 =	sld [smem:$0x3FA2]  }
0x29: {  	s4 =	sld [smem:$0x3FA4]  }
0x2a: {  	p0 =	seq.s32 s5, $0x0;
	s5 =	sld [smem:$0x3FA5]  }
0x2b: {  	s6 =	sld [smem:$0x3FA6]  }
0x2c: {  	s7 =	sld [smem:$0x3FA7]  }
0x2d: {  	s3 =	simm.s32 $0x108;
	s8 =	sld [smem:$0x3FA8]  }
0x2e: {  	s3 =	simm.s32 @!p0 $0x1082;
	s9 =	sld [smem:$0x3FA9]  }
0x2f: {  	lr =	sadd.s32 s0, s3;
	s0 =	sld [smem:$0x3FA0]  }
0x30: {  	s3 =	sld [smem:$0x3FA3]  }
0x31: {  	[smem:$0x3FAC] =	sst s10  }
0x32: {  	s10 =	sld [smem:$0x3FAA];
	_ =	sdelay $0x3  }
0x33: {  	p0 =	seq.s32 s10, $0x1;
	s10 =	sld [smem:$0x3FAC];
	_ =	sdelay $0x3  }
0x34: {  	[smem:$0x3FAC] =	sst s10  }
0x35: {  	s10 =	sld [smem:$0x3FAB];
	_ =	sdelay $0x3  }
0x36: {  	p1 =	seq.s32 s10, $0x1;
	s10 =	sld [smem:$0x3FAC];
	_ =	sdelay $0x3  }
0x37: {  	[smem:$0x3FAC] =	sst s10  }
0x38: {  	s10 =	sld [smem:$0x3FAD]  }
0x39: {  	_ = 	snop;
	(pc) =	sbr.ind lr, $3  }
0x3a: {  	_ = 	snop  }
0x3b: {  	_ = 	snop  }
0x3c: {  	p2 =	seq.s32 s10, $0x1;
	s10 =	sld [smem:$0x3FAC]  }
0x3d: {  	_ =	shalt  }
0x3e: {  	_ =	shalt  }
0x3f: {  	_ =	shalt  }
0x40: {  	_ =	shalt  }
0x41: {  	_ =	shalt  }
0x42: {  	_ =	shalt  }
0x43: {  	_ =	shalt  }
0x44: {  	_ =	shalt  }
0x45: {  	_ =	shalt  }
0x46: {  	_ =	shalt  }
0x47: {  	_ =	shalt  }
0x48: {  	_ =	shalt  }
0x49: {  	_ =	shalt  }
0x4a: {  	_ =	shalt  }
0x4b: {  	_ =	shalt  }
0x4c: {  	_ =	shalt  }
0x4d: {  	_ =	shalt  }
0x4e: {  	_ =	shalt  }
0x4f: {  	_ =	shalt  }
0x50: {  	_ =	shalt  }
0x51: {  	_ =	shalt  }
0x52: {  	_ =	shalt  }
0x53: {  	_ =	shalt  }
0x54: {  	_ =	shalt  }
0x55: {  	_ =	shalt  }
0x56: {  	_ =	shalt  }
0x57: {  	_ =	shalt  }
0x58: {  	_ =	shalt  }
0x59: {  	_ =	shalt  }
0x5a: {  	_ =	shalt  }
0x5b: {  	_ =	shalt  }
0x5c: {  	_ =	shalt  }
0x5d: {  	_ =	shalt  }
0x5e: {  	_ =	shalt  }
0x5f: {  	_ =	shalt  }
0x60: {  	_ =	shalt  }
0x61: {  	_ =	shalt  }
0x62: {  	_ =	shalt  }
0x63: {  	_ =	shalt  }
0x64: {  	_ =	shalt  }
0x65: {  	_ =	shalt  }
0x66: {  	_ =	shalt  }
0x67: {  	_ =	shalt  }
0x68: {  	_ =	shalt  }
0x69: {  	_ =	shalt  }
0x6a: {  	_ =	shalt  }
0x6b: {  	_ =	shalt  }
0x6c: {  	_ =	shalt  }
0x6d: {  	_ =	shalt  }
0x6e: {  	_ =	shalt  }
0x6f: {  	_ =	shalt  }
0x70: {  	_ =	shalt  }
0x71: {  	_ =	shalt  }
0x72: {  	_ =	shalt  }
0x73: {  	_ =	shalt  }
0x74: {  	_ =	shalt  }
0x75: {  	_ =	shalt  }
0x76: {  	_ =	shalt  }
0x77: {  	_ =	shalt  }
0x78: {  	_ =	shalt  }
0x79: {  	_ =	shalt  }
0x7a: {  	_ =	shalt  }
0x7b: {  	_ =	shalt  }
0x7c: {  	_ =	shalt  }
0x7d: {  	_ =	shalt  }
0x7e: {  	_ =	shalt  }
0x7f: {  	_ =	shalt  }
0x80: {  	_ =	shalt  }
0x81: {  	_ =	shalt  }
0x82: {  	_ =	shalt  }
0x83: {  	_ =	shalt  }
0x84: {  	_ =	shalt  }
0x85: {  	_ =	shalt  }
0x86: {  	_ =	shalt  }
0x87: {  	_ =	shalt  }
.Lfunc_end0:
.L_simem_size_0:
called_computation.6_lowered:
.L_overlay_start_0:
0x88: {  	s2 =	sld [smem:$0x3FD9]  }
0x89: {  	s3 =	sld [smem:$0x3FFE];
	_ =	sdelay $0x1  }
0x8a: {  	s1 =	srdreg.scid  }
0x8b: {  	s0 =	sand.u32 $0x1, s1  }
0x8c: {  	s17 =	sshll.u32 s0, $0xA;
	s2 =	sadd.s32 s3, s2  }
0x8d: {  	s2 =	sadd.s32 s2, s17  }
0x8e: {  	[smem:$0x3FB8] =	sst s2  }
0x8f: {  	_ = 	snop  }
0x90: {  	s2 =	sld [smem:$0x3FD0];
	(tm) =	ssettm $0x1  }
0x91: {  	s18 =	sld [smem:$0x3FFB];
	_ =	sdelay $0x3  }
0x92: {  	_ =	strace s18  }
0x93: {  	s3 =	sld [smem:$0x3FFC];
	_ =	sdelay $0x3  }
0x94: {  	_ =	strace s3  }
0x95: {  	s3 =	sld [smem:$0x3FFD];
	_ =	sdelay $0x3  }
0x96: {  	_ =	strace s3  }
0x97: {  	_ =	strace $0x8FFFFFFF  }
0x98: {  	s19 =	sld [smem:$0x3FDB];
	_ =	sdelay $0x1  }
0x99: {  	s4 =	simm.s32 $_scs_section_size  }
0x9a: {  	s5 =	simm.s32 $_size__tile_overlayer_lowered;
	s6 =	simm.s32 $_tile_overlayer_lowered  }
0x9b: {  	s22 =	simm.s32 $0x1BFF;
	s21 =	sshll.u32 s6, $0x1;
	s3 =	sadd.s32 s4, s19  }
0x9c: {  	s7 =	simm.s32 $0x0;
	s20 =	sshll.u32 s5, $0x1;
	s5 =	sadd.s32 s21, s3  }
0x9d: {  	[timem:s7], [sflag:s22] =	dma.local [hbm:s5], s20  }
0x9e: {  	_ =	swait.ge [sflag:s22], s20  }
0x9f: {  	s4 =	ssub.s32 $0x0, s20;
	[sflag:s22] =	ssyncset.done $0x0  }
0xa0: {  	[sflag:s22] =	ssyncadd.s32 s4;
	_ =	sdelay $0x1  }
0xa1: {  	s23 =	simm.s32 $0x1B8B  }
0xa2: {  	_ =	swait.ge [sflag:s23], $0x1  }
0xa3: {  	[sflag:s23] =	ssyncset.done $0x0  }
0xa4: {  	s25 =	simm.s32 $0x1B8E;
	s24 =	sld [smem:$0x3FFE];
	[sflag:s23] =	ssyncadd.s32 $0xFFFFFFFF  }
0xa5: {  	s26 =	simm.s32 $execute0_lowered;
	[smem:$0x3FD2] =	sst s25  }
0xa6: {  	s5 =	sshll.u32 s26, $0x1;
	_ =	strace $0x80000058;
	[dreg:$0x1] =	wrdreg $0xFFFFFFFF  }
0xa7: {  	s28 =	simm.s32 $_size_execute0_lowered;
	s3 =	sadd.s32 s3, s5;
	[dreg:$0x0] =	wrdreg $0x0  }
0xa8: {  	s5 =	sshll.u32 s28, $0x1;
	[dreg:$0x2] =	wrdreg s3  }
0xa9: {  	[dreg:$0x3] =	wrdreg s5  }
0xaa: {  	[dreg:$0x4] =	wrdreg $0xC0  }
0xab: {  	_ =	task [dreg:s7], $0x5FFFF  }
0xac: {  	[dreg:$0x1] =	wrdreg $0xFFFFFFFF  }
0xad: {  	[dreg:$0x0] =	wrdreg $0x60  }
0xae: {  	[dreg:$0x2] =	wrdreg s24  }
0xaf: {  	[dreg:$0x3] =	wrdreg s2  }
0xb0: {  	[dreg:$0x4] =	wrdreg $0x41000  }
0xb1: {  	[dreg:$0x5] =	wrdreg $0x9  }
0xb2: {  	_ =	task.clear_ibuf [dreg:s7], $0x6FFFF;
	_ =	strace $0x90000058  }
0xb3: {  	s29 =	simm.s32 $0x9;
	_ =	strace $0x8000005A  }
0xb4: {  	_ =	swait.ge [sflag:s29], $0x1  }
0xb5: {  	[sflag:s29] =	ssyncadd.s32 $0xFFFFFFFF  }
0xb6: {  	_ =	strace $0x9000005A  }
0xb7: {  	_ =	sfence  }
0xb8: {  	s30 =	sld [smem:$0x0];
	_ =	sdelay $0x2  }
0xb9: {  	s31 =	sshll.u32 s1, $0xD;
	s1 =	sshrl.u32 s1, $0x2  }
0xba: {  	s3 =	sand.u32 $0x4000, s31;
	s1 =	sadd.s32 s1, s30  }
0xbb: {  	s0 =	sor.u32 s3, s0;
	s1 =	sshll.u32 s1, $0x11  }
0xbc: {  	s0 =	sor.u32 s1, s0  }
0xbd: {  	s0 =	sadd.s32 $0x8F2B, s0  }
0xbe: {  	[sflag:s0] =	ssyncadd.remote.s32 $0x1  }
0xbf: {  	_ =	sfence.sel $0xFFFF  }
0xc0: {  	[dreg:$0x0] =	wrdreg $0xFFFFFFFF;
	(pc) =	sbr.abs _section_cstart, $3  }
0xc1: {  	[dreg:$0x1] =	wrdreg $0xFFFFFFFF  }
0xc2: {  	_ =	task.clear_ibuf [dreg:s7], $0x2FFFF;
	_ =	strace $0x9FFFFFFF  }
0xc3: {  	(tm) =	ssettm $0x7FFFFFFF  }
tec
execute0_lowered:
.L_overlay_start_1:
0x0: {  	(tag) =	ssettag $0x1  }
0x1: {  	s6 =	rddreg [dreg:$0x0]  }
0x2: {  	s2 =	rddreg [dreg:$0x1]  }
0x3: {  	s3 =	rddreg [dreg:$0x2]  }
0x4: {  	s0 =	stileid.u32;
	s4 =	simm.s32 $0x0;
	s5 =	srdreg.scid  }
0x5: {  	s19 =	simm.s32 $0x18100;
	s20 =	simm.s32 $0x2;
	s7 =	smul.u32 $0xA00, s0  }
0x6: {  	s21 =	simm.s32 $0x100;
	s22 =	simm.s32 $0x80;
	s8 =	smul.u32 $0x280, s0  }
0x7: {  	s23 =	simm.s32 $0x0;
	s10 =	sand.u32 $0x1, s5;
	s12 =	smul.u32 $0x50000, s0  }
0x8: {  	[smem:$0x7FF] =	sst s4;
	s5 =	sadd.s32 $0x19400, s6;
	s9 =	smul.u32 $0x2800, s10  }
0x9: {  	_ =	strace $0x80000059;
	s11 =	ssub.s32 $0x2, s10;
	s17 =	smul.u32 $0x500, s10  }
0xa: {  	s15 =	sadd.s32 s7, s6;
	s30 =	sshrl.u32 s11, $0x1;
	s31 =	sshrl.u32 s12, $0x2  }
0xb: {  	s29 =	sadd.s32 s8, s9;
	s8 =	ssub.s32 s11, s30;
	s18 =	sadd.s32 s17, s15  }
0xc: {  	s7 =	sshll.u32 s29, $0x4;
	s17 =	sadd.s32 $0xF400, s18;
	s18 =	sadd.s32 $0x5400, s18  }
0xd: {  	s16 =	sadd.s32 s7, s6;
	s6 =	sadd.s32 s31, s3;
	s7 =	smax.u32 s8, $0x1  }
0xe: {  	s8 =	sadd.s32 $0x4000, s6;
	s9 =	sadd.s32 $0x8000, s6;
	s10 =	sadd.s32 $0xC000, s6  }
0xf: {  	s11 =	sadd.s32 $0x10000, s6;
	s12 =	sadd.s32 $0x41400, s16;
	s13 =	sadd.s32 $0x41C00, s16  }
0x10: {  	v0 =	vimm.f32 $0.0e+00;
	v1 =	vimm.f32 $1.000000000e+00;
	s14 =	sadd.s32 $0x42400, s16;
	s15 =	sadd.s32 $0x42C00, s16;
	s16 =	sadd.s32 $0x43400, s16  }
.LBB2_1:
0x11: {  	[tilespmem:s19], [sflag:$0x2] =	stream.linear.gather [hbm4b:s2+s4], $0x80, $0x38;
	[tilespmem:$0x18180] =	vst v63  }
0x12: {  	_ =	swait.ge [sflag:s20], $0x80  }
0x13: {  	[sflag:s20] =	ssyncset.done $0x0  }
0x14: {  	[sflag:s20] =	ssyncadd.s32 $0xFFFFFF80  }
0x15: {  	s24 =	simm.s32 $0x0;
	s25 =	simm.s32 $0x200;
	v2 =	vld [tilespmem:$0x18100]  }
.LBB2_2:
0x16: {  	p0 =	sne.s32 s25, $0xFE00;
	[tilespmem:s24+$0x170] =	vst v0  }
0x17: {  	[tilespmem:s24+$0x100] =	vst v0  }
0x18: {  	[tilespmem:s24+$0x110] =	vst v0  }
.Ltmp0:
0x19: {  	[tilespmem:s24+$0x120] =	vst v0;
	(pc) =	sbr.rel @p0 .LBB2_2-.Ltmp0, $4  }
0x1a: {  	[tilespmem:s24+$0x130] =	vst v0  }
0x1b: {  	[tilespmem:s24+$0x140] =	vst v0  }
0x1c: {  	[tilespmem:s24+$0x150] =	vst v0  }
0x1d: {  	[tilespmem:s24+$0x160] =	vst v0;
	s24 =	sshra.s32 s25, $0x2;
	s25 =	sadd.s32 $0x200, s25  }
0x1e: {  	[tilespmem:s24+$0x170] =	vst v0  }
0x1f: {  	[tilespmem:s24+$0x100] =	vst v0  }
0x20: {  	[tilespmem:s24+$0x110] =	vst v0  }
0x21: {  	[tilespmem:s24+$0x120] =	vst v0  }
0x22: {  	[tilespmem:s24+$0x130] =	vst v0  }
0x23: {  	[tilespmem:s24+$0x140] =	vst v0  }
0x24: {  	[tilespmem:s24+$0x150] =	vst v0  }
0x25: {  	[tilespmem:s24+$0x160] =	vst v0  }
0x26: {  	[spmem:s6] =	stream.linear.scatter [tilespmem:s21], [sflag:$0x2], $0x4000, $0x38;
	[tilespmem:$0x18180] =	vst v63  }
0x27: {  	_ =	swait.ge [sflag:s20], $0x4000  }
0x28: {  	[sflag:s20] =	ssyncset.done $0x0  }
0x29: {  	[sflag:s20] =	ssyncadd.s32 $0xFFFFC000  }
0x2a: {  	[spmem:s8] =	stream.linear.scatter [tilespmem:s21], [sflag:$0x2], $0x4000, $0x38;
	[tilespmem:$0x18180] =	vst v63  }
0x2b: {  	_ =	swait.ge [sflag:s20], $0x4000  }
0x2c: {  	[sflag:s20] =	ssyncset.done $0x0  }
0x2d: {  	[sflag:s20] =	ssyncadd.s32 $0xFFFFC000  }
0x2e: {  	[spmem:s9] =	stream.linear.scatter [tilespmem:s21], [sflag:$0x2], $0x4000, $0x38;
	[tilespmem:$0x18180] =	vst v63  }
0x2f: {  	_ =	swait.ge [sflag:s20], $0x4000  }
0x30: {  	[sflag:s20] =	ssyncset.done $0x0  }
0x31: {  	[sflag:s20] =	ssyncadd.s32 $0xFFFFC000  }
0x32: {  	[spmem:s10] =	stream.linear.scatter [tilespmem:s21], [sflag:$0x2], $0x4000, $0x38;
	[tilespmem:$0x18180] =	vst v63  }
0x33: {  	_ =	swait.ge [sflag:s20], $0x4000  }
0x34: {  	[sflag:s20] =	ssyncset.done $0x0  }
0x35: {  	[sflag:s20] =	ssyncadd.s32 $0xFFFFC000  }
0x36: {  	[spmem:s11] =	stream.linear.scatter [tilespmem:s21], [sflag:$0x2], $0x4000, $0x38;
	[tilespmem:$0x18180] =	vst v63  }
0x37: {  	v2 =	vxor.u32 $0x80000000, v2;
	_ =	swait.ge [sflag:s20], $0x4000  }
0x38: {  	(xrf0) =	vmax.scan.msk.u32 $0xffff, v2;
	_ =	sdelay $0x5  }
0x39: {  	v2, _, _ =	vpop (xrf0)  }
0x3a: {  	(v2sf) =	vpush v2, $0xF;
	_ =	sdelay $0xe  }
0x3b: {  	s24 =	spop (v2sf)  }
0x3c: {  	p0 =	sne.s32 s24, $0x80000001  }
.Ltmp1:
0x3d: {  	_ = 	snop;
	(pc) =	sbr.rel @p0 .LBB2_7-.Ltmp1, $3  }
0x3e: {  	_ =	sdelay $0x1  }
0x3f: {  	[sflag:s20] =	ssyncset.done $0x0  }
0x40: {  	s26 =	simm.s32 $0x0;
	[sflag:s20] =	ssyncadd.s32 $0xFFFFC000  }
0x41: {  	s25 =	sshra.s32 s26, $0x2;
	s26 =	sadd.s32 $0x200, s26  }
.LBB2_5:
0x42: {  	p0 =	sne.s32 s26, $0xFE00;
	[tilespmem:s25+$0x170] =	vst v1  }
0x43: {  	[tilespmem:s25+$0x100] =	vst v1  }
0x44: {  	[tilespmem:s25+$0x110] =	vst v1  }
.Ltmp2:
0x45: {  	[tilespmem:s25+$0x120] =	vst v1;
	(pc) =	sbr.rel @p0 .LBB2_5-.Ltmp2, $4  }
0x46: {  	[tilespmem:s25+$0x130] =	vst v1  }
0x47: {  	[tilespmem:s25+$0x140] =	vst v1  }
0x48: {  	[tilespmem:s25+$0x150] =	vst v1  }
0x49: {  	[tilespmem:s25+$0x160] =	vst v1;
	s25 =	sshra.s32 s26, $0x2;
	s26 =	sadd.s32 $0x200, s26  }
0x4a: {  	[tilespmem:s25+$0x170] =	vst v1  }
0x4b: {  	[tilespmem:s25+$0x100] =	vst v1  }
0x4c: {  	[tilespmem:s25+$0x110] =	vst v1  }
0x4d: {  	[tilespmem:s25+$0x120] =	vst v1  }
0x4e: {  	[tilespmem:s25+$0x130] =	vst v1  }
0x4f: {  	[tilespmem:s25+$0x140] =	vst v1  }
0x50: {  	[tilespmem:s25+$0x150] =	vst v1  }
0x51: {  	[tilespmem:s25+$0x160] =	vst v1  }
.LBB2_7:
0x52: {  	[bflag:$0x0] =	sbarrier.arrive $0xFFFF;
	s25 =	sadd.s32 $0x0, s18  }
0x53: {  	[tilespmem:s22], [sflag:$0x2] =	stream.linear.gather [hbm4b:s25+s4], $0x80, $0x38;
	[tilespmem:$0x18180] =	vst v63  }
0x54: {  	p0 =	seq.s32 s24, $0x80000001;
	_ =	swait.ge [sflag:s20], $0x80  }
0x55: {  	s24 =	simm.s32 @!p0 $0x2;
	[sflag:s20] =	ssyncset.done $0x0  }
0x56: {  	s26 =	sadd.s32 @!p0 $0x0, s17;
	s25 =	simm.s32 @!p0 $0x0;
	[sflag:s20] =	ssyncadd.s32 $0xFFFFFF80  }
0x57: {  	[tilespmem:s25], [sflag:$0x2] =	stream.linear.gather @!p0 [hbm4b:s26+s25], $0x80, $0x38;
	[tilespmem:$0x18180] =	vst v63  }
0x58: {  	_ =	swait.ge @!p0 [sflag:s24], $0x80  }
0x59: {  	s28 =	simm.s32 @!p0 $0x80;
	[sflag:s24] =	ssyncset.done @!p0 $0x0  }
0x5a: {  	s29 =	simm.s32 @!p0 $0x100;
	s26 =	simm.s32 @!p0 $0x1;
	[sflag:s24] =	ssyncadd.s32 @!p0 $0xFFFFFF80  }
0x5b: {  	[tilespmem:s29], [sflag:$0x1] =	stream.indirect.gather @!p0 [hbm4b:s5+s28], $0x80, s25, s28, $0xb8;
	[tilespmem:$0x18180] =	vst v63  }
0x5c: {  	_ =	swait.ge @!p0 [sflag:s26], $0x4000  }
0x5d: {  	[sflag:s26] =	ssyncset.done @!p0 $0x0  }
0x5e: {  	[sflag:s26] =	ssyncadd.s32 @!p0 $0xFFFFC000  }
0x5f: {  	[spmem:s3] =	stream.indirect.scatter.add.f32 [tilespmem:s21], [sflag:$0x2], $0x80, s22, s22, $0xb8;
	[tilespmem:$0x18180] =	vst v63  }
0x60: {  	_ =	swait.ge [sflag:s20], $0x4000  }
0x61: {  	s30 =	simm.s32 $0x10;
	s31 =	simm.s32 $0x20;
	[sflag:s20] =	ssyncset.done $0x0  }
.LBB2_8:
0x62: {  	s0 =	sadd.s32 s30, s18  }
0x63: {  	[sflag:s20] =	ssyncadd.s32 $0xFFFFC000;
	s1 =	smov.u32 s31;
	s31 =	sadd.s32 $0x10, s31  }
0x64: {  	[tilespmem:s22], [sflag:$0x2] =	stream.linear.gather [hbm4b:s0+s4], $0x80, $0x38;
	[tilespmem:$0x18180] =	vst v63  }
0x65: {  	p1 =	sne.s32 s31, $0x500;
	_ =	swait.ge [sflag:s20], $0x80  }
0x66: {  	[sflag:s20] =	ssyncset.done $0x0  }
0x67: {  	s0 =	sadd.s32 @!p0 s30, s17;
	[sflag:s20] =	ssyncadd.s32 $0xFFFFFF80  }
0x68: {  	[tilespmem:s25], [sflag:$0x2] =	stream.linear.gather @!p0 [hbm4b:s0+s25], $0x80, $0x38;
	[tilespmem:$0x18180] =	vst v63  }
0x69: {  	s30 =	smov.u32 s1;
	_ =	swait.ge @!p0 [sflag:s24], $0x80  }
0x6a: {  	[sflag:s24] =	ssyncset.done @!p0 $0x0  }
0x6b: {  	[sflag:s24] =	ssyncadd.s32 @!p0 $0xFFFFFF80  }
0x6c: {  	[tilespmem:s29], [sflag:$0x1] =	stream.indirect.gather @!p0 [hbm4b:s5+s28], $0x80, s25, s28, $0xb8;
	[tilespmem:$0x18180] =	vst v63  }
0x6d: {  	_ =	swait.ge @!p0 [sflag:s26], $0x4000  }
.Ltmp3:
0x6e: {  	[sflag:s26] =	ssyncset.done @!p0 $0x0;
	(pc) =	sbr.rel @p1 .LBB2_8-.Ltmp3, $4  }
0x6f: {  	[sflag:s26] =	ssyncadd.s32 @!p0 $0xFFFFC000  }
0x70: {  	[spmem:s3] =	stream.indirect.scatter.add.f32 [tilespmem:s21], [sflag:$0x2], $0x80, s22, s22, $0xb8;
	[tilespmem:$0x18180] =	vst v63  }
0x71: {  	_ =	swait.ge [sflag:s20], $0x4000  }
0x72: {  	[sflag:s20] =	ssyncset.done $0x0  }
0x73: {  	s0 =	sadd.s32 s30, s18;
	[sflag:s20] =	ssyncadd.s32 $0xFFFFC000  }
0x74: {  	[tilespmem:s22], [sflag:$0x2] =	stream.linear.gather [hbm4b:s0+s4], $0x80, $0x38;
	[tilespmem:$0x18180] =	vst v63  }
0x75: {  	_ =	swait.ge [sflag:s20], $0x80  }
0x76: {  	s1 =	sadd.s32 @!p0 s30, s17;
	[sflag:s20] =	ssyncset.done $0x0  }
0x77: {  	s24 =	simm.s32 @!p0 $0x0;
	s0 =	simm.s32 @!p0 $0x2;
	[sflag:s20] =	ssyncadd.s32 $0xFFFFFF80  }
0x78: {  	[tilespmem:s24], [sflag:$0x2] =	stream.linear.gather @!p0 [hbm4b:s1+s24], $0x80, $0x38;
	[tilespmem:$0x18180] =	vst v63  }
0x79: {  	_ =	swait.ge @!p0 [sflag:s0], $0x80  }
0x7a: {  	s25 =	simm.s32 @!p0 $0x100;
	[sflag:s0] =	ssyncset.done @!p0 $0x0  }
0x7b: {  	s1 =	simm.s32 @!p0 $0x1;
	[sflag:s0] =	ssyncadd.s32 @!p0 $0xFFFFFF80;
	s0 =	simm.s32 @!p0 $0x80  }
0x7c: {  	[tilespmem:s25], [sflag:$0x1] =	stream.indirect.gather @!p0 [hbm4b:s5+s0], $0x80, s24, s0, $0xb8;
	[tilespmem:$0x18180] =	vst v63  }
0x7d: {  	_ =	swait.ge @!p0 [sflag:s1], $0x4000  }
0x7e: {  	[sflag:s1] =	ssyncset.done @!p0 $0x0  }
0x7f: {  	[sflag:s1] =	ssyncadd.s32 @!p0 $0xFFFFC000  }
0x80: {  	[spmem:s3] =	stream.indirect.scatter.add.f32 [tilespmem:s21], [sflag:$0x2], $0x80, s22, s22, $0xb8;
	[tilespmem:$0x18180] =	vst v63  }
0x81: {  	_ =	swait.ge [sflag:s20], $0x4000  }
0x82: {  	[sflag:s20] =	ssyncset.done $0x0  }
0x83: {  	[sflag:s20] =	ssyncadd.s32 $0xFFFFC000  }
0x84: {  	[bflag:$0x0] =	sbarrier.arrive $0xFFFF  }
0x85: {  	[tilespmem:s21], [sflag:$0x2] =	stream.linear.gather [spmem:s6], $0x4000, $0x38;
	[tilespmem:$0x18180] =	vst v63  }
0x86: {  	_ =	swait.ge [sflag:s20], $0x4000  }
0x87: {  	[sflag:s20] =	ssyncset.done $0x0  }
0x88: {  	[sflag:s20] =	ssyncadd.s32 $0xFFFFC000  }
0x89: {  	[hbm4b:s12+s4] =	stream.linear.scatter [tilespmem:s21], [sflag:$0x2], $0x4000, $0x38;
	[tilespmem:$0x18180] =	vst v63  }
0x8a: {  	_ =	swait.ge [sflag:s20], $0x4000  }
0x8b: {  	[sflag:s20] =	ssyncset.done $0x0  }
0x8c: {  	[sflag:s20] =	ssyncadd.s32 $0xFFFFC000  }
0x8d: {  	[tilespmem:s21], [sflag:$0x2] =	stream.linear.gather [spmem:s8], $0x4000, $0x38;
	[tilespmem:$0x18180] =	vst v63  }
0x8e: {  	_ =	swait.ge [sflag:s20], $0x4000  }
0x8f: {  	[sflag:s20] =	ssyncset.done $0x0  }
0x90: {  	[sflag:s20] =	ssyncadd.s32 $0xFFFFC000  }
0x91: {  	[hbm4b:s13+s4] =	stream.linear.scatter [tilespmem:s21], [sflag:$0x2], $0x4000, $0x38;
	[tilespmem:$0x18180] =	vst v63  }
0x92: {  	_ =	swait.ge [sflag:s20], $0x4000  }
0x93: {  	[sflag:s20] =	ssyncset.done $0x0  }
0x94: {  	[sflag:s20] =	ssyncadd.s32 $0xFFFFC000  }
0x95: {  	[tilespmem:s21], [sflag:$0x2] =	stream.linear.gather [spmem:s9], $0x4000, $0x38;
	[tilespmem:$0x18180] =	vst v63  }
0x96: {  	_ =	swait.ge [sflag:s20], $0x4000  }
0x97: {  	[sflag:s20] =	ssyncset.done $0x0  }
0x98: {  	[sflag:s20] =	ssyncadd.s32 $0xFFFFC000  }
0x99: {  	[hbm4b:s14+s4] =	stream.linear.scatter [tilespmem:s21], [sflag:$0x2], $0x4000, $0x38;
	[tilespmem:$0x18180] =	vst v63  }
0x9a: {  	_ =	swait.ge [sflag:s20], $0x4000  }
0x9b: {  	[sflag:s20] =	ssyncset.done $0x0  }
0x9c: {  	[sflag:s20] =	ssyncadd.s32 $0xFFFFC000  }
0x9d: {  	[tilespmem:s21], [sflag:$0x2] =	stream.linear.gather [spmem:s10], $0x4000, $0x38;
	[tilespmem:$0x18180] =	vst v63  }
0x9e: {  	_ =	swait.ge [sflag:s20], $0x4000  }
0x9f: {  	[sflag:s20] =	ssyncset.done $0x0  }
0xa0: {  	[sflag:s20] =	ssyncadd.s32 $0xFFFFC000  }
0xa1: {  	[hbm4b:s15+s4] =	stream.linear.scatter [tilespmem:s21], [sflag:$0x2], $0x4000, $0x38;
	[tilespmem:$0x18180] =	vst v63  }
0xa2: {  	_ =	swait.ge [sflag:s20], $0x4000  }
0xa3: {  	[sflag:s20] =	ssyncset.done $0x0  }
0xa4: {  	[sflag:s20] =	ssyncadd.s32 $0xFFFFC000  }
0xa5: {  	[tilespmem:s21], [sflag:$0x2] =	stream.linear.gather [spmem:s11], $0x4000, $0x38;
	[tilespmem:$0x18180] =	vst v63  }
0xa6: {  	s23 =	sadd.s32 $0x1, s23;
	_ =	swait.ge [sflag:s20], $0x4000  }
0xa7: {  	p0 =	sne.s32 s23, s7;
	[sflag:s20] =	ssyncset.done $0x0  }
.Ltmp4:
0xa8: {  	[sflag:s20] =	ssyncadd.s32 $0xFFFFC000;
	(pc) =	sbr.rel @p0 .LBB2_1-.Ltmp4, $4  }
0xa9: {  	[hbm4b:s16+s4] =	stream.linear.scatter [tilespmem:s21], [sflag:$0x2], $0x4000, $0x38;
	[tilespmem:$0x18180] =	vst v63  }
0xaa: {  	_ =	swait.ge [sflag:s20], $0x4000  }
0xab: {  	[sflag:s20] =	ssyncset.done $0x0  }
0xac: {  	[sflag:s20] =	ssyncadd.s32 $0xFFFFC000  }
0xad: {  	_ =	sfence.sel $0x180000  }
0xae: {  	[bflag:$0x0] =	sbarrier.arrive $0xFFFF  }
0xaf: {  	_ =	strace $0x90000059  }
0xb0: {  	s0 =	stileid.u32;
	[bflag:$0x2] =	sbarrier.arrive $0xFFFF  }
0xb1: {  	p0 =	sne.s32 s0, $0x0;
	s0 =	rddreg [dreg:$0x3]  }
0xb2: {  	s0 =	sadd.s32 @!p0 $0x100000, s0  }
0xb3: {  	[sflag:s0] =	ssyncadd.tile.s32 @!p0 $0x1;
	_ =	shalt  }
.Lfunc_end2:
_tile_overlayer_lowered:
.L_overlay_start_2:
0xb4: {  	(tag) =	ssettag $0x2  }
0xb5: {  	s0 =	rddreg [dreg:$0x0];
	s2 =	stileid.u32  }
0xb6: {  	s1 =	rddreg [dreg:$0x1];
	p0 =	sne.s32 s2, $0x0  }
0xb7: {  	s3 =	rddreg [dreg:$0x2];
	[bflag:$0x3] =	sbarrier.arrive $0xFFFF;
	s2 =	simm.s32 @!p0 $0x1C02  }
0xb8: {  	[timem:s3], [sflag:s2] =	dma.local @!p0 [hbm:s0], s1  }
0xb9: {  	s0 =	simm.s32 @!p0 $0x2  }
0xba: {  	_ =	swait.ge @!p0 [sflag:s0], s1  }
0xbb: {  	s1 =	ssub.s32 @!p0 $0x0, s1;
	[sflag:s0] =	ssyncset.done @!p0 $0x0  }
0xbc: {  	[sflag:s0] =	ssyncadd.s32 @!p0 s1  }
0xbd: {  	[bflag:$0x3] =	sbarrier.arrive $0xFFFF  }
0xbe: {  	_ =	shalt  }

// kernel: kernel.38.cloned.1.call-start
scs
__scs_entry_jumppad:
0x0: {  	(pc) =	sbr.rel $0x88, $3  }
0x1: {  	(tag) =	ssettag $0x0;
	lr =	simm.s32 $0x1  }
0x2: {  	[smem:$0x3F91] =	sst lr;
	_ =	strace $0xD0000000  }
0x3: {  	_ = 	snop  }
0x4: {  	_ = 	snop  }
0x5: {  	_ = 	snop  }
0x6: {  	_ = 	snop  }
0x7: {  	_ = 	snop  }
__scs_overlays_trampoline_lowered:
0x8: {  	[smem:$0x3FA0] =	sst s0  }
0x9: {  	[smem:$0x3FA1] =	sst s1  }
0xa: {  	[smem:$0x3FA2] =	sst s2  }
0xb: {  	[smem:$0x3FA3] =	sst s3  }
0xc: {  	[smem:$0x3FA4] =	sst s4  }
0xd: {  	[smem:$0x3FA5] =	sst s5  }
0xe: {  	[smem:$0x3FA6] =	sst s6  }
0xf: {  	[smem:$0x3FA7] =	sst s7  }
0x10: {  	[smem:$0x3FA8] =	sst s8  }
0x11: {  	[smem:$0x3FA9] =	sst s9;
	s0 =	simm.s32 @!p0 $0x0  }
0x12: {  	s1 =	sld [smem:$0x3F8F];
	s0 =	simm.s32 @p0 $0x1  }
0x13: {  	[smem:$0x3FAA] =	sst s0;
	s0 =	simm.s32 @!p1 $0x0  }
0x14: {  	s2 =	sld [smem:$0x3F8E];
	s0 =	simm.s32 @p1 $0x1  }
0x15: {  	[smem:$0x3FAB] =	sst s0;
	s0 =	simm.s32 @!p2 $0x0  }
0x16: {  	s3 =	sld [smem:$0x3FDB];
	s0 =	simm.s32 @p2 $0x1  }
0x17: {  	s4 =	simm.s32 $0x1BF5;
	[smem:$0x3FAD] =	sst s0  }
0x18: {  	s0 =	sld [smem:$0x3F90];
	_ =	swait.ge [sflag:s4], $0x0  }
0x19: {  	s7 =	sld [smem:$0x3F91]  }
0x1a: {  	s8 =	sadd.s32 $0xFFFFE003, lr  }
0x1b: {  	s9 =	sadd.s32 $0xFFFFFEF7, lr;
	s5 =	simm.s32 $0xFFFFFFFF;
	p2 =	slt.u32 s8, $0xFFFFF086  }
0x1c: {  	p1 =	slt.u32 s9, $0xF7A;
	s5 =	simm.s32 @!p2 $0x0  }
0x1d: {  	s5 =	simm.s32 @p1 $0x1;
	p0 =	seq.s32 s7, s2  }
0x1e: {  	s7 =	smul.u32 @!p0 $0xF7A, s2;
	p2 =	seq.s32 @!p0 s5, $0x0  }
0x1f: {  	s9 =	smul.u32 $0xF7A, s1;
	s8 =	simm.s32 @!p0 $0x1BF5;
	p2 =	por !p2, p0  }
0x20: {  	[sflag:s8] =	ssyncset.s32 @!p0 $0xFFFFF086;
	s6 =	sadd.s32 @!p0 s3, s7;
	s7 =	simm.s32 @!p0 $0x108  }
0x21: {  	s3 =	sadd.s32 s3, s9;
	s6 =	sadd.s32 @!p0 $0x88, s6;
	s7 =	simm.s32 @p2 $0x1082  }
0x22: {  	[simem:s7], [sflag:s8] =	dma.local @!p0 [hbm:s6], $0xF7A  }
0x23: {  	s9 =	sor.u32 $0xD0000000, s2;
	s6 =	simm.s32 $0x108;
	_ =	swait.ge @!p0 [sflag:s8], $0x0  }
0x24: {  	s3 =	sadd.s32 $0x88, s3;
	s6 =	simm.s32 @!p1 $0x1082;
	[sflag:s4] =	ssyncset.s32 $0xFFFFF086  }
0x25: {  	[simem:s6], [sflag:s4] =	dma.local [hbm:s3], $0xF7A  }
0x26: {  	[smem:$0x3F91] =	sst s1;
	(tag) =	ssettag s2;
	_ =	strace s9  }
0x27: {  	s1 =	sld [smem:$0x3FA1]  }
0x28: {  	s2 =	sld [smem:$0x3FA2]  }
0x29: {  	s4 =	sld [smem:$0x3FA4]  }
0x2a: {  	p0 =	seq.s32 s5, $0x0;
	s5 =	sld [smem:$0x3FA5]  }
0x2b: {  	s6 =	sld [smem:$0x3FA6]  }
0x2c: {  	s7 =	sld [smem:$0x3FA7]  }
0x2d: {  	s3 =	simm.s32 $0x108;
	s8 =	sld [smem:$0x3FA8]  }
0x2e: {  	s3 =	simm.s32 @!p0 $0x1082;
	s9 =	sld [smem:$0x3FA9]  }
0x2f: {  	lr =	sadd.s32 s0, s3;
	s0 =	sld [smem:$0x3FA0]  }
0x30: {  	s3 =	sld [smem:$0x3FA3]  }
0x31: {  	[smem:$0x3FAC] =	sst s10  }
0x32: {  	s10 =	sld [smem:$0x3FAA];
	_ =	sdelay $0x3  }
0x33: {  	p0 =	seq.s32 s10, $0x1;
	s10 =	sld [smem:$0x3FAC];
	_ =	sdelay $0x3  }
0x34: {  	[smem:$0x3FAC] =	sst s10  }
0x35: {  	s10 =	sld [smem:$0x3FAB];
	_ =	sdelay $0x3  }
0x36: {  	p1 =	seq.s32 s10, $0x1;
	s10 =	sld [smem:$0x3FAC];
	_ =	sdelay $0x3  }
0x37: {  	[smem:$0x3FAC] =	sst s10  }
0x38: {  	s10 =	sld [smem:$0x3FAD]  }
0x39: {  	_ = 	snop;
	(pc) =	sbr.ind lr, $3  }
0x3a: {  	_ = 	snop  }
0x3b: {  	_ = 	snop  }
0x3c: {  	p2 =	seq.s32 s10, $0x1;
	s10 =	sld [smem:$0x3FAC]  }
0x3d: {  	_ =	shalt  }
0x3e: {  	_ =	shalt  }
0x3f: {  	_ =	shalt  }
0x40: {  	_ =	shalt  }
0x41: {  	_ =	shalt  }
0x42: {  	_ =	shalt  }
0x43: {  	_ =	shalt  }
0x44: {  	_ =	shalt  }
0x45: {  	_ =	shalt  }
0x46: {  	_ =	shalt  }
0x47: {  	_ =	shalt  }
0x48: {  	_ =	shalt  }
0x49: {  	_ =	shalt  }
0x4a: {  	_ =	shalt  }
0x4b: {  	_ =	shalt  }
0x4c: {  	_ =	shalt  }
0x4d: {  	_ =	shalt  }
0x4e: {  	_ =	shalt  }
0x4f: {  	_ =	shalt  }
0x50: {  	_ =	shalt  }
0x51: {  	_ =	shalt  }
0x52: {  	_ =	shalt  }
0x53: {  	_ =	shalt  }
0x54: {  	_ =	shalt  }
0x55: {  	_ =	shalt  }
0x56: {  	_ =	shalt  }
0x57: {  	_ =	shalt  }
0x58: {  	_ =	shalt  }
0x59: {  	_ =	shalt  }
0x5a: {  	_ =	shalt  }
0x5b: {  	_ =	shalt  }
0x5c: {  	_ =	shalt  }
0x5d: {  	_ =	shalt  }
0x5e: {  	_ =	shalt  }
0x5f: {  	_ =	shalt  }
0x60: {  	_ =	shalt  }
0x61: {  	_ =	shalt  }
0x62: {  	_ =	shalt  }
0x63: {  	_ =	shalt  }
0x64: {  	_ =	shalt  }
0x65: {  	_ =	shalt  }
0x66: {  	_ =	shalt  }
0x67: {  	_ =	shalt  }
0x68: {  	_ =	shalt  }
0x69: {  	_ =	shalt  }
0x6a: {  	_ =	shalt  }
0x6b: {  	_ =	shalt  }
0x6c: {  	_ =	shalt  }
0x6d: {  	_ =	shalt  }
0x6e: {  	_ =	shalt  }
0x6f: {  	_ =	shalt  }
0x70: {  	_ =	shalt  }
0x71: {  	_ =	shalt  }
0x72: {  	_ =	shalt  }
0x73: {  	_ =	shalt  }
0x74: {  	_ =	shalt  }
0x75: {  	_ =	shalt  }
0x76: {  	_ =	shalt  }
0x77: {  	_ =	shalt  }
0x78: {  	_ =	shalt  }
0x79: {  	_ =	shalt  }
0x7a: {  	_ =	shalt  }
0x7b: {  	_ =	shalt  }
0x7c: {  	_ =	shalt  }
0x7d: {  	_ =	shalt  }
0x7e: {  	_ =	shalt  }
0x7f: {  	_ =	shalt  }
0x80: {  	_ =	shalt  }
0x81: {  	_ =	shalt  }
0x82: {  	_ =	shalt  }
0x83: {  	_ =	shalt  }
0x84: {  	_ =	shalt  }
0x85: {  	_ =	shalt  }
0x86: {  	_ =	shalt  }
0x87: {  	_ =	shalt  }
.Lfunc_end0:
.L_simem_size_0:
called_computation.7_lowered:
.L_overlay_start_0:
0x88: {  	s2 =	sld [smem:$0x3FD9]  }
0x89: {  	s3 =	sld [smem:$0x3FFE];
	_ =	sdelay $0x1  }
0x8a: {  	s1 =	srdreg.scid  }
0x8b: {  	s0 =	sand.u32 $0x1, s1  }
0x8c: {  	s17 =	sshll.u32 s0, $0xA;
	s2 =	sadd.s32 s3, s2  }
0x8d: {  	s2 =	sadd.s32 s2, s17  }
0x8e: {  	[smem:$0x3FB8] =	sst s2  }
0x8f: {  	_ = 	snop  }
0x90: {  	s2 =	sld [smem:$0x3FD0];
	(tm) =	ssettm $0x1  }
0x91: {  	s18 =	sld [smem:$0x3FFB];
	_ =	sdelay $0x3  }
0x92: {  	_ =	strace s18  }
0x93: {  	s3 =	sld [smem:$0x3FFC];
	_ =	sdelay $0x3  }
0x94: {  	_ =	strace s3  }
0x95: {  	s3 =	sld [smem:$0x3FFD];
	_ =	sdelay $0x3  }
0x96: {  	_ =	strace s3  }
0x97: {  	_ =	strace $0x8FFFFFFF  }
0x98: {  	s19 =	sld [smem:$0x3FDB];
	_ =	sdelay $0x1  }
0x99: {  	s4 =	simm.s32 $_scs_section_size  }
0x9a: {  	s5 =	simm.s32 $_size__tile_overlayer_lowered;
	s6 =	simm.s32 $_tile_overlayer_lowered  }
0x9b: {  	s22 =	simm.s32 $0x1BFF;
	s21 =	sshll.u32 s6, $0x1;
	s3 =	sadd.s32 s4, s19  }
0x9c: {  	s7 =	simm.s32 $0x0;
	s20 =	sshll.u32 s5, $0x1;
	s5 =	sadd.s32 s21, s3  }
0x9d: {  	[timem:s7], [sflag:s22] =	dma.local [hbm:s5], s20  }
0x9e: {  	_ =	swait.ge [sflag:s22], s20  }
0x9f: {  	s4 =	ssub.s32 $0x0, s20;
	[sflag:s22] =	ssyncset.done $0x0  }
0xa0: {  	[sflag:s22] =	ssyncadd.s32 s4;
	_ =	sdelay $0x1  }
0xa1: {  	s23 =	simm.s32 $0x1B8B  }
0xa2: {  	_ =	swait.ge [sflag:s23], $0x1  }
0xa3: {  	[sflag:s23] =	ssyncset.done $0x0  }
0xa4: {  	s25 =	simm.s32 $0x1B8E;
	s24 =	sld [smem:$0x3FFE];
	[sflag:s23] =	ssyncadd.s32 $0xFFFFFFFF  }
0xa5: {  	s26 =	simm.s32 $execute0_lowered;
	[smem:$0x3FD2] =	sst s25  }
0xa6: {  	s5 =	sshll.u32 s26, $0x1;
	_ =	strace $0x8000005B;
	[dreg:$0x1] =	wrdreg $0xFFFFFFFF  }
0xa7: {  	s28 =	simm.s32 $_size_execute0_lowered;
	s3 =	sadd.s32 s3, s5;
	[dreg:$0x0] =	wrdreg $0x0  }
0xa8: {  	s5 =	sshll.u32 s28, $0x1;
	[dreg:$0x2] =	wrdreg s3  }
0xa9: {  	[dreg:$0x3] =	wrdreg s5  }
0xaa: {  	[dreg:$0x4] =	wrdreg $0xC0  }
0xab: {  	_ =	task [dreg:s7], $0x5FFFF  }
0xac: {  	[dreg:$0x1] =	wrdreg $0xFFFFFFFF  }
0xad: {  	[dreg:$0x0] =	wrdreg $0x60  }
0xae: {  	[dreg:$0x2] =	wrdreg s24  }
0xaf: {  	[dreg:$0x3] =	wrdreg s2  }
0xb0: {  	[dreg:$0x4] =	wrdreg $0x41000  }
0xb1: {  	[dreg:$0x5] =	wrdreg $0x9  }
0xb2: {  	_ =	task.clear_ibuf [dreg:s7], $0x6FFFF;
	_ =	strace $0x9000005B  }
0xb3: {  	s29 =	simm.s32 $0x9;
	_ =	strace $0x8000005D  }
0xb4: {  	_ =	swait.ge [sflag:s29], $0x1  }
0xb5: {  	[sflag:s29] =	ssyncadd.s32 $0xFFFFFFFF  }
0xb6: {  	_ =	strace $0x9000005D  }
0xb7: {  	_ =	sfence  }
0xb8: {  	s30 =	sld [smem:$0x0];
	_ =	sdelay $0x2  }
0xb9: {  	s31 =	sshll.u32 s1, $0xD;
	s1 =	sshrl.u32 s1, $0x2  }
0xba: {  	s3 =	sand.u32 $0x4000, s31;
	s1 =	sadd.s32 s1, s30  }
0xbb: {  	s0 =	sor.u32 s3, s0;
	s1 =	sshll.u32 s1, $0x11  }
0xbc: {  	s0 =	sor.u32 s1, s0  }
0xbd: {  	s0 =	sadd.s32 $0x8F2B, s0  }
0xbe: {  	[sflag:s0] =	ssyncadd.remote.s32 $0x1  }
0xbf: {  	_ =	sfence.sel $0xFFFF  }
0xc0: {  	[dreg:$0x0] =	wrdreg $0xFFFFFFFF;
	(pc) =	sbr.abs _section_cstart, $3  }
0xc1: {  	[dreg:$0x1] =	wrdreg $0xFFFFFFFF  }
0xc2: {  	_ =	task.clear_ibuf [dreg:s7], $0x2FFFF;
	_ =	strace $0x9FFFFFFF  }
0xc3: {  	(tm) =	ssettm $0x7FFFFFFF  }
tec
execute0_lowered:
.L_overlay_start_1:
0x0: {  	(tag) =	ssettag $0x1  }
0x1: {  	s6 =	rddreg [dreg:$0x0]  }
0x2: {  	s2 =	rddreg [dreg:$0x1]  }
0x3: {  	s3 =	rddreg [dreg:$0x2]  }
0x4: {  	s0 =	stileid.u32;
	s4 =	simm.s32 $0x0;
	s5 =	srdreg.scid  }
0x5: {  	s19 =	simm.s32 $0x18100;
	s20 =	simm.s32 $0x2;
	s7 =	smul.u32 $0xA00, s0  }
0x6: {  	s21 =	simm.s32 $0x100;
	s22 =	simm.s32 $0x80;
	s8 =	smul.u32 $0x280, s0  }
0x7: {  	s23 =	simm.s32 $0x0;
	s10 =	sand.u32 $0x1, s5;
	s12 =	smul.u32 $0x50000, s0  }
0x8: {  	[smem:$0x7FF] =	sst s4;
	s5 =	sadd.s32 $0x19400, s6;
	s9 =	smul.u32 $0x2800, s10  }
0x9: {  	_ =	strace $0x8000005C;
	s11 =	ssub.s32 $0x2, s10;
	s17 =	smul.u32 $0x500, s10  }
0xa: {  	s15 =	sadd.s32 s7, s6;
	s30 =	sshrl.u32 s11, $0x1;
	s31 =	sshrl.u32 s12, $0x2  }
0xb: {  	s29 =	sadd.s32 s8, s9;
	s8 =	ssub.s32 s11, s30;
	s18 =	sadd.s32 s17, s15  }
0xc: {  	s7 =	sshll.u32 s29, $0x4;
	s17 =	sadd.s32 $0xF400, s18;
	s18 =	sadd.s32 $0x5400, s18  }
0xd: {  	s16 =	sadd.s32 s7, s6;
	s6 =	sadd.s32 s31, s3;
	s7 =	smax.u32 s8, $0x1  }
0xe: {  	s8 =	sadd.s32 $0x4000, s6;
	s9 =	sadd.s32 $0x8000, s6;
	s10 =	sadd.s32 $0xC000, s6  }
0xf: {  	s11 =	sadd.s32 $0x10000, s6;
	s12 =	sadd.s32 $0x41400, s16;
	s13 =	sadd.s32 $0x41C00, s16  }
0x10: {  	v0 =	vimm.f32 $0.0e+00;
	v1 =	vimm.f32 $1.000000000e+00;
	s14 =	sadd.s32 $0x42400, s16;
	s15 =	sadd.s32 $0x42C00, s16;
	s16 =	sadd.s32 $0x43400, s16  }
.LBB2_1:
0x11: {  	[tilespmem:s19], [sflag:$0x2] =	stream.linear.gather [hbm4b:s2+s4], $0x80, $0x38;
	[tilespmem:$0x18180] =	vst v63  }
0x12: {  	_ =	swait.ge [sflag:s20], $0x80  }
0x13: {  	[sflag:s20] =	ssyncset.done $0x0  }
0x14: {  	[sflag:s20] =	ssyncadd.s32 $0xFFFFFF80  }
0x15: {  	s24 =	simm.s32 $0x0;
	s25 =	simm.s32 $0x200;
	v2 =	vld [tilespmem:$0x18100]  }
.LBB2_2:
0x16: {  	p0 =	sne.s32 s25, $0xFE00;
	[tilespmem:s24+$0x170] =	vst v0  }
0x17: {  	[tilespmem:s24+$0x100] =	vst v0  }
0x18: {  	[tilespmem:s24+$0x110] =	vst v0  }
.Ltmp0:
0x19: {  	[tilespmem:s24+$0x120] =	vst v0;
	(pc) =	sbr.rel @p0 .LBB2_2-.Ltmp0, $4  }
0x1a: {  	[tilespmem:s24+$0x130] =	vst v0  }
0x1b: {  	[tilespmem:s24+$0x140] =	vst v0  }
0x1c: {  	[tilespmem:s24+$0x150] =	vst v0  }
0x1d: {  	[tilespmem:s24+$0x160] =	vst v0;
	s24 =	sshra.s32 s25, $0x2;
	s25 =	sadd.s32 $0x200, s25  }
0x1e: {  	[tilespmem:s24+$0x170] =	vst v0  }
0x1f: {  	[tilespmem:s24+$0x100] =	vst v0  }
0x20: {  	[tilespmem:s24+$0x110] =	vst v0  }
0x21: {  	[tilespmem:s24+$0x120] =	vst v0  }
0x22: {  	[tilespmem:s24+$0x130] =	vst v0  }
0x23: {  	[tilespmem:s24+$0x140] =	vst v0  }
0x24: {  	[tilespmem:s24+$0x150] =	vst v0  }
0x25: {  	[tilespmem:s24+$0x160] =	vst v0  }
0x26: {  	[spmem:s6] =	stream.linear.scatter [tilespmem:s21], [sflag:$0x2], $0x4000, $0x38;
	[tilespmem:$0x18180] =	vst v63  }
0x27: {  	_ =	swait.ge [sflag:s20], $0x4000  }
0x28: {  	[sflag:s20] =	ssyncset.done $0x0  }
0x29: {  	[sflag:s20] =	ssyncadd.s32 $0xFFFFC000  }
0x2a: {  	[spmem:s8] =	stream.linear.scatter [tilespmem:s21], [sflag:$0x2], $0x4000, $0x38;
	[tilespmem:$0x18180] =	vst v63  }
0x2b: {  	_ =	swait.ge [sflag:s20], $0x4000  }
0x2c: {  	[sflag:s20] =	ssyncset.done $0x0  }
0x2d: {  	[sflag:s20] =	ssyncadd.s32 $0xFFFFC000  }
0x2e: {  	[spmem:s9] =	stream.linear.scatter [tilespmem:s21], [sflag:$0x2], $0x4000, $0x38;
	[tilespmem:$0x18180] =	vst v63  }
0x2f: {  	_ =	swait.ge [sflag:s20], $0x4000  }
0x30: {  	[sflag:s20] =	ssyncset.done $0x0  }
0x31: {  	[sflag:s20] =	ssyncadd.s32 $0xFFFFC000  }
0x32: {  	[spmem:s10] =	stream.linear.scatter [tilespmem:s21], [sflag:$0x2], $0x4000, $0x38;
	[tilespmem:$0x18180] =	vst v63  }
0x33: {  	_ =	swait.ge [sflag:s20], $0x4000  }
0x34: {  	[sflag:s20] =	ssyncset.done $0x0  }
0x35: {  	[sflag:s20] =	ssyncadd.s32 $0xFFFFC000  }
0x36: {  	[spmem:s11] =	stream.linear.scatter [tilespmem:s21], [sflag:$0x2], $0x4000, $0x38;
	[tilespmem:$0x18180] =	vst v63  }
0x37: {  	v2 =	vxor.u32 $0x80000000, v2;
	_ =	swait.ge [sflag:s20], $0x4000  }
0x38: {  	(xrf0) =	vmax.scan.msk.u32 $0xffff, v2;
	_ =	sdelay $0x5  }
0x39: {  	v2, _, _ =	vpop (xrf0)  }
0x3a: {  	(v2sf) =	vpush v2, $0xF;
	_ =	sdelay $0xe  }
0x3b: {  	s24 =	spop (v2sf)  }
0x3c: {  	p0 =	sne.s32 s24, $0x80000001  }
.Ltmp1:
0x3d: {  	_ = 	snop;
	(pc) =	sbr.rel @p0 .LBB2_7-.Ltmp1, $3  }
0x3e: {  	_ =	sdelay $0x1  }
0x3f: {  	[sflag:s20] =	ssyncset.done $0x0  }
0x40: {  	s26 =	simm.s32 $0x0;
	[sflag:s20] =	ssyncadd.s32 $0xFFFFC000  }
0x41: {  	s25 =	sshra.s32 s26, $0x2;
	s26 =	sadd.s32 $0x200, s26  }
.LBB2_5:
0x42: {  	p0 =	sne.s32 s26, $0xFE00;
	[tilespmem:s25+$0x170] =	vst v1  }
0x43: {  	[tilespmem:s25+$0x100] =	vst v1  }
0x44: {  	[tilespmem:s25+$0x110] =	vst v1  }
.Ltmp2:
0x45: {  	[tilespmem:s25+$0x120] =	vst v1;
	(pc) =	sbr.rel @p0 .LBB2_5-.Ltmp2, $4  }
0x46: {  	[tilespmem:s25+$0x130] =	vst v1  }
0x47: {  	[tilespmem:s25+$0x140] =	vst v1  }
0x48: {  	[tilespmem:s25+$0x150] =	vst v1  }
0x49: {  	[tilespmem:s25+$0x160] =	vst v1;
	s25 =	sshra.s32 s26, $0x2;
	s26 =	sadd.s32 $0x200, s26  }
0x4a: {  	[tilespmem:s25+$0x170] =	vst v1  }
0x4b: {  	[tilespmem:s25+$0x100] =	vst v1  }
0x4c: {  	[tilespmem:s25+$0x110] =	vst v1  }
0x4d: {  	[tilespmem:s25+$0x120] =	vst v1  }
0x4e: {  	[tilespmem:s25+$0x130] =	vst v1  }
0x4f: {  	[tilespmem:s25+$0x140] =	vst v1  }
0x50: {  	[tilespmem:s25+$0x150] =	vst v1  }
0x51: {  	[tilespmem:s25+$0x160] =	vst v1  }
.LBB2_7:
0x52: {  	[bflag:$0x0] =	sbarrier.arrive $0xFFFF;
	s25 =	sadd.s32 $0x0, s18  }
0x53: {  	[tilespmem:s22], [sflag:$0x2] =	stream.linear.gather [hbm4b:s25+s4], $0x80, $0x38;
	[tilespmem:$0x18180] =	vst v63  }
0x54: {  	p0 =	seq.s32 s24, $0x80000001;
	_ =	swait.ge [sflag:s20], $0x80  }
0x55: {  	s24 =	simm.s32 @!p0 $0x2;
	[sflag:s20] =	ssyncset.done $0x0  }
0x56: {  	s26 =	sadd.s32 @!p0 $0x0, s17;
	s25 =	simm.s32 @!p0 $0x0;
	[sflag:s20] =	ssyncadd.s32 $0xFFFFFF80  }
0x57: {  	[tilespmem:s25], [sflag:$0x2] =	stream.linear.gather @!p0 [hbm4b:s26+s25], $0x80, $0x38;
	[tilespmem:$0x18180] =	vst v63  }
0x58: {  	_ =	swait.ge @!p0 [sflag:s24], $0x80  }
0x59: {  	s28 =	simm.s32 @!p0 $0x80;
	[sflag:s24] =	ssyncset.done @!p0 $0x0  }
0x5a: {  	s29 =	simm.s32 @!p0 $0x100;
	s26 =	simm.s32 @!p0 $0x1;
	[sflag:s24] =	ssyncadd.s32 @!p0 $0xFFFFFF80  }
0x5b: {  	[tilespmem:s29], [sflag:$0x1] =	stream.indirect.gather @!p0 [hbm4b:s5+s28], $0x80, s25, s28, $0xb8;
	[tilespmem:$0x18180] =	vst v63  }
0x5c: {  	_ =	swait.ge @!p0 [sflag:s26], $0x4000  }
0x5d: {  	[sflag:s26] =	ssyncset.done @!p0 $0x0  }
0x5e: {  	[sflag:s26] =	ssyncadd.s32 @!p0 $0xFFFFC000  }
0x5f: {  	[spmem:s3] =	stream.indirect.scatter.add.f32 [tilespmem:s21], [sflag:$0x2], $0x80, s22, s22, $0xb8;
	[tilespmem:$0x18180] =	vst v63  }
0x60: {  	_ =	swait.ge [sflag:s20], $0x4000  }
0x61: {  	s30 =	simm.s32 $0x10;
	s31 =	simm.s32 $0x20;
	[sflag:s20] =	ssyncset.done $0x0  }
.LBB2_8:
0x62: {  	s0 =	sadd.s32 s30, s18  }
0x63: {  	[sflag:s20] =	ssyncadd.s32 $0xFFFFC000;
	s1 =	smov.u32 s31;
	s31 =	sadd.s32 $0x10, s31  }
0x64: {  	[tilespmem:s22], [sflag:$0x2] =	stream.linear.gather [hbm4b:s0+s4], $0x80, $0x38;
	[tilespmem:$0x18180] =	vst v63  }
0x65: {  	p1 =	sne.s32 s31, $0x500;
	_ =	swait.ge [sflag:s20], $0x80  }
0x66: {  	[sflag:s20] =	ssyncset.done $0x0  }
0x67: {  	s0 =	sadd.s32 @!p0 s30, s17;
	[sflag:s20] =	ssyncadd.s32 $0xFFFFFF80  }
0x68: {  	[tilespmem:s25], [sflag:$0x2] =	stream.linear.gather @!p0 [hbm4b:s0+s25], $0x80, $0x38;
	[tilespmem:$0x18180] =	vst v63  }
0x69: {  	s30 =	smov.u32 s1;
	_ =	swait.ge @!p0 [sflag:s24], $0x80  }
0x6a: {  	[sflag:s24] =	ssyncset.done @!p0 $0x0  }
0x6b: {  	[sflag:s24] =	ssyncadd.s32 @!p0 $0xFFFFFF80  }
0x6c: {  	[tilespmem:s29], [sflag:$0x1] =	stream.indirect.gather @!p0 [hbm4b:s5+s28], $0x80, s25, s28, $0xb8;
	[tilespmem:$0x18180] =	vst v63  }
0x6d: {  	_ =	swait.ge @!p0 [sflag:s26], $0x4000  }
.Ltmp3:
0x6e: {  	[sflag:s26] =	ssyncset.done @!p0 $0x0;
	(pc) =	sbr.rel @p1 .LBB2_8-.Ltmp3, $4  }
0x6f: {  	[sflag:s26] =	ssyncadd.s32 @!p0 $0xFFFFC000  }
0x70: {  	[spmem:s3] =	stream.indirect.scatter.add.f32 [tilespmem:s21], [sflag:$0x2], $0x80, s22, s22, $0xb8;
	[tilespmem:$0x18180] =	vst v63  }
0x71: {  	_ =	swait.ge [sflag:s20], $0x4000  }
0x72: {  	[sflag:s20] =	ssyncset.done $0x0  }
0x73: {  	s0 =	sadd.s32 s30, s18;
	[sflag:s20] =	ssyncadd.s32 $0xFFFFC000  }
0x74: {  	[tilespmem:s22], [sflag:$0x2] =	stream.linear.gather [hbm4b:s0+s4], $0x80, $0x38;
	[tilespmem:$0x18180] =	vst v63  }
0x75: {  	_ =	swait.ge [sflag:s20], $0x80  }
0x76: {  	s1 =	sadd.s32 @!p0 s30, s17;
	[sflag:s20] =	ssyncset.done $0x0  }
0x77: {  	s24 =	simm.s32 @!p0 $0x0;
	s0 =	simm.s32 @!p0 $0x2;
	[sflag:s20] =	ssyncadd.s32 $0xFFFFFF80  }
0x78: {  	[tilespmem:s24], [sflag:$0x2] =	stream.linear.gather @!p0 [hbm4b:s1+s24], $0x80, $0x38;
	[tilespmem:$0x18180] =	vst v63  }
0x79: {  	_ =	swait.ge @!p0 [sflag:s0], $0x80  }
0x7a: {  	s25 =	simm.s32 @!p0 $0x100;
	[sflag:s0] =	ssyncset.done @!p0 $0x0  }
0x7b: {  	s1 =	simm.s32 @!p0 $0x1;
	[sflag:s0] =	ssyncadd.s32 @!p0 $0xFFFFFF80;
	s0 =	simm.s32 @!p0 $0x80  }
0x7c: {  	[tilespmem:s25], [sflag:$0x1] =	stream.indirect.gather @!p0 [hbm4b:s5+s0], $0x80, s24, s0, $0xb8;
	[tilespmem:$0x18180] =	vst v63  }
0x7d: {  	_ =	swait.ge @!p0 [sflag:s1], $0x4000  }
0x7e: {  	[sflag:s1] =	ssyncset.done @!p0 $0x0  }
0x7f: {  	[sflag:s1] =	ssyncadd.s32 @!p0 $0xFFFFC000  }
0x80: {  	[spmem:s3] =	stream.indirect.scatter.add.f32 [tilespmem:s21], [sflag:$0x2], $0x80, s22, s22, $0xb8;
	[tilespmem:$0x18180] =	vst v63  }
0x81: {  	_ =	swait.ge [sflag:s20], $0x4000  }
0x82: {  	[sflag:s20] =	ssyncset.done $0x0  }
0x83: {  	[sflag:s20] =	ssyncadd.s32 $0xFFFFC000  }
0x84: {  	[bflag:$0x0] =	sbarrier.arrive $0xFFFF  }
0x85: {  	[tilespmem:s21], [sflag:$0x2] =	stream.linear.gather [spmem:s6], $0x4000, $0x38;
	[tilespmem:$0x18180] =	vst v63  }
0x86: {  	_ =	swait.ge [sflag:s20], $0x4000  }
0x87: {  	[sflag:s20] =	ssyncset.done $0x0  }
0x88: {  	[sflag:s20] =	ssyncadd.s32 $0xFFFFC000  }
0x89: {  	[hbm4b:s12+s4] =	stream.linear.scatter [tilespmem:s21], [sflag:$0x2], $0x4000, $0x38;
	[tilespmem:$0x18180] =	vst v63  }
0x8a: {  	_ =	swait.ge [sflag:s20], $0x4000  }
0x8b: {  	[sflag:s20] =	ssyncset.done $0x0  }
0x8c: {  	[sflag:s20] =	ssyncadd.s32 $0xFFFFC000  }
0x8d: {  	[tilespmem:s21], [sflag:$0x2] =	stream.linear.gather [spmem:s8], $0x4000, $0x38;
	[tilespmem:$0x18180] =	vst v63  }
0x8e: {  	_ =	swait.ge [sflag:s20], $0x4000  }
0x8f: {  	[sflag:s20] =	ssyncset.done $0x0  }
0x90: {  	[sflag:s20] =	ssyncadd.s32 $0xFFFFC000  }
0x91: {  	[hbm4b:s13+s4] =	stream.linear.scatter [tilespmem:s21], [sflag:$0x2], $0x4000, $0x38;
	[tilespmem:$0x18180] =	vst v63  }
0x92: {  	_ =	swait.ge [sflag:s20], $0x4000  }
0x93: {  	[sflag:s20] =	ssyncset.done $0x0  }
0x94: {  	[sflag:s20] =	ssyncadd.s32 $0xFFFFC000  }
0x95: {  	[tilespmem:s21], [sflag:$0x2] =	stream.linear.gather [spmem:s9], $0x4000, $0x38;
	[tilespmem:$0x18180] =	vst v63  }
0x96: {  	_ =	swait.ge [sflag:s20], $0x4000  }
0x97: {  	[sflag:s20] =	ssyncset.done $0x0  }
0x98: {  	[sflag:s20] =	ssyncadd.s32 $0xFFFFC000  }
0x99: {  	[hbm4b:s14+s4] =	stream.linear.scatter [tilespmem:s21], [sflag:$0x2], $0x4000, $0x38;
	[tilespmem:$0x18180] =	vst v63  }
0x9a: {  	_ =	swait.ge [sflag:s20], $0x4000  }
0x9b: {  	[sflag:s20] =	ssyncset.done $0x0  }
0x9c: {  	[sflag:s20] =	ssyncadd.s32 $0xFFFFC000  }
0x9d: {  	[tilespmem:s21], [sflag:$0x2] =	stream.linear.gather [spmem:s10], $0x4000, $0x38;
	[tilespmem:$0x18180] =	vst v63  }
0x9e: {  	_ =	swait.ge [sflag:s20], $0x4000  }
0x9f: {  	[sflag:s20] =	ssyncset.done $0x0  }
0xa0: {  	[sflag:s20] =	ssyncadd.s32 $0xFFFFC000  }
0xa1: {  	[hbm4b:s15+s4] =	stream.linear.scatter [tilespmem:s21], [sflag:$0x2], $0x4000, $0x38;
	[tilespmem:$0x18180] =	vst v63  }
0xa2: {  	_ =	swait.ge [sflag:s20], $0x4000  }
0xa3: {  	[sflag:s20] =	ssyncset.done $0x0  }
0xa4: {  	[sflag:s20] =	ssyncadd.s32 $0xFFFFC000  }
0xa5: {  	[tilespmem:s21], [sflag:$0x2] =	stream.linear.gather [spmem:s11], $0x4000, $0x38;
	[tilespmem:$0x18180] =	vst v63  }
0xa6: {  	s23 =	sadd.s32 $0x1, s23;
	_ =	swait.ge [sflag:s20], $0x4000  }
0xa7: {  	p0 =	sne.s32 s23, s7;
	[sflag:s20] =	ssyncset.done $0x0  }
.Ltmp4:
0xa8: {  	[sflag:s20] =	ssyncadd.s32 $0xFFFFC000;
	(pc) =	sbr.rel @p0 .LBB2_1-.Ltmp4, $4  }
0xa9: {  	[hbm4b:s16+s4] =	stream.linear.scatter [tilespmem:s21], [sflag:$0x2], $0x4000, $0x38;
	[tilespmem:$0x18180] =	vst v63  }
0xaa: {  	_ =	swait.ge [sflag:s20], $0x4000  }
0xab: {  	[sflag:s20] =	ssyncset.done $0x0  }
0xac: {  	[sflag:s20] =	ssyncadd.s32 $0xFFFFC000  }
0xad: {  	_ =	sfence.sel $0x180000  }
0xae: {  	[bflag:$0x0] =	sbarrier.arrive $0xFFFF  }
0xaf: {  	_ =	strace $0x9000005C  }
0xb0: {  	s0 =	stileid.u32;
	[bflag:$0x2] =	sbarrier.arrive $0xFFFF  }
0xb1: {  	p0 =	sne.s32 s0, $0x0;
	s0 =	rddreg [dreg:$0x3]  }
0xb2: {  	s0 =	sadd.s32 @!p0 $0x100000, s0  }
0xb3: {  	[sflag:s0] =	ssyncadd.tile.s32 @!p0 $0x1;
	_ =	shalt  }
.Lfunc_end2:
_tile_overlayer_lowered:
.L_overlay_start_2:
0xb4: {  	(tag) =	ssettag $0x2  }
0xb5: {  	s0 =	rddreg [dreg:$0x0];
	s2 =	stileid.u32  }
0xb6: {  	s1 =	rddreg [dreg:$0x1];
	p0 =	sne.s32 s2, $0x0  }
0xb7: {  	s3 =	rddreg [dreg:$0x2];
	[bflag:$0x3] =	sbarrier.arrive $0xFFFF;
	s2 =	simm.s32 @!p0 $0x1C02  }
0xb8: {  	[timem:s3], [sflag:s2] =	dma.local @!p0 [hbm:s0], s1  }
0xb9: {  	s0 =	simm.s32 @!p0 $0x2  }
0xba: {  	_ =	swait.ge @!p0 [sflag:s0], s1  }
0xbb: {  	s1 =	ssub.s32 @!p0 $0x0, s1;
	[sflag:s0] =	ssyncset.done @!p0 $0x0  }
0xbc: {  	[sflag:s0] =	ssyncadd.s32 @!p0 s1  }
0xbd: {  	[bflag:$0x3] =	sbarrier.arrive $0xFFFF  }
0xbe: {  	_ =	shalt  }

</sc_bundles>
